<compile_context>
chip_gen: v7x
topology: tpu7x:2x2x1
jax: 0.10.2.dev20260603
libtpu: 0.0.44.dev20260713+nightly
codegen_flags: <defaults>
</compile_context>

<pallas_src>
import functools

import jax
import jax.numpy as jnp
from jax import lax
from jax.experimental import pallas as pl
from jax.experimental.pallas import tpu as pltpu
from jax.experimental.pallas import tpu_sc as plsc

MEMC = 1024
CHUNK = 4096
CB = 16
TOK_PER_W = 1024


def _idx_body(x_ref, mn_ref, o_ref):
    xc = x_ref[0]
    n = jnp.sqrt(jnp.sum(xc * xc, axis=0, keepdims=True))
    xn = xc / jnp.maximum(n, 1e-12)
    sim = jax.lax.dot_general(xn, mn_ref[...], (((0,), (1,)), ((), ())))
    o_ref[0, 0] = jnp.argmax(sim, axis=1).astype(jnp.int32)


def _make_sc_gather(B, C, HW):
    mesh = plsc.VectorSubcoreMesh(core_axis_name="c", subcore_axis_name="s")
    n_cblk = C // CB

    @functools.partial(
        pl.kernel,
        mesh=mesh,
        out_type=jax.ShapeDtypeStruct((B, C, HW), jnp.float32),
        scratch_types=[
            pltpu.VMEM((TOK_PER_W,), jnp.int32),
            pltpu.VMEM((CB * MEMC,), jnp.float32),
            pltpu.VMEM((CB * MEMC,), jnp.float32),
            pltpu.VMEM((CB, TOK_PER_W), jnp.float32),
            pltpu.VMEM((CB, TOK_PER_W), jnp.float32),
            pltpu.SemaphoreType.DMA,
            pltpu.SemaphoreType.DMA,
            pltpu.SemaphoreType.DMA,
            pltpu.SemaphoreType.DMA,
        ],
        compiler_params=pltpu.CompilerParams(needs_layout_passes=False),
    )
    def sc_gather(memT_hbm, idx_hbm, out_hbm, idx_v, mt0, mt1, ob0, ob1, s0, s1, t0, t1):
        w = lax.axis_index("s") * 2 + lax.axis_index("c")
        b = w // 4
        q = w % 4
        base = b * HW + q * TOK_PER_W
        mt_bufs = (mt0, mt1)
        ob_bufs = (ob0, ob1)
        mt_sems = (s0, s1)
        ob_sems = (t0, t1)
        pltpu.sync_copy(idx_hbm.at[pl.ds(base, TOK_PER_W)], idx_v)
        loads = [None, None]
        stores = [None, None]
        loads[0] = pltpu.async_copy(
            memT_hbm.at[pl.ds(0, CB * MEMC)], mt_bufs[0], mt_sems[0]
        )
        for cb in range(n_cblk):
            cur = cb % 2
            if cb + 1 < n_cblk:
                loads[1 - cur] = pltpu.async_copy(
                    memT_hbm.at[pl.ds((cb + 1) * CB * MEMC, CB * MEMC)],
                    mt_bufs[1 - cur],
                    mt_sems[1 - cur],
                )
            loads[cur].wait()
            if stores[cur] is not None:
                stores[cur].wait()
            mt = mt_bufs[cur]
            ob = ob_bufs[cur]

            def body(tg, carry):
                iv = idx_v[pl.ds(tg * 16, 16)]
                for c in range(CB):
                    val = plsc.load_gather(mt, [iv + (c * MEMC)])
                    ob[c, pl.ds(tg * 16, 16)] = val
                return carry

            lax.fori_loop(0, TOK_PER_W // 16, body, 0)
            stores[cur] = pltpu.async_copy(
                ob,
                out_hbm.at[b, pl.ds(cb * CB, CB), pl.ds(q * TOK_PER_W, TOK_PER_W)],
                ob_sems[cur],
            )
        for st in stores:
            if st is not None:
                st.wait()

    return sc_gather


@jax.jit
def kernel(x, memory):
    B, C, H, W = x.shape
    HW = H * W
    x3 = x.reshape(B, C, HW)

    mn = jnp.linalg.norm(memory, axis=1, keepdims=True)
    mem_norm = memory / jnp.maximum(mn, 1e-12)

    NT = HW // CHUNK
    idx = pl.pallas_call(
        _idx_body,
        grid=(B, NT),
        in_specs=[
            pl.BlockSpec((1, C, CHUNK), lambda b, t: (b, 0, t)),
            pl.BlockSpec((MEMC, C), lambda b, t: (0, 0)),
        ],
        out_specs=pl.BlockSpec((1, 1, CHUNK), lambda b, t: (b * NT + t, 0, 0)),
        out_shape=jax.ShapeDtypeStruct((B * NT, 1, CHUNK), jnp.int32),
    )(x3, mem_norm)

    memT = memory.T.reshape(C * MEMC)
    out = _make_sc_gather(B, C, HW)(memT, idx.reshape(B * HW))
    return out.reshape(B, C, H, W)

# --- scband reference (transcript-rebuilt; emitter-appended) ---
"""Pipeline reference for scband-hard-memory-39204461478033 (READ-ONLY COPY).

The authoritative reference and input builder live on the scoring server;
editing this copy changes nothing except your own understanding.
"""

import jax, jax.numpy as jnp
import numpy as np

MEM_SIZE = 1024
MEM_DIM = 256

def setup_inputs(seed: int = 0) -> dict:
    key = jax.random.key(seed)
    k1, k2 = jax.random.split(key)
    x = jax.random.normal(k1, (8, 256, 64, 64), dtype=jnp.float32)
    memory = jax.random.normal(k2, (MEM_SIZE, MEM_DIM), dtype=jnp.float32)
    return {"x": x, "memory": memory}

def _normalize(v, axis):
    n = jnp.linalg.norm(v, axis=axis, keepdims=True)
    return v / jnp.maximum(n, 1e-12)

def reference(x, memory):
    # 4D path of HardMemory.forward
    B, C, H, W = x.shape
    x_flat = x.reshape(B, C, H * W).transpose(0, 2, 1)  # [B, HW, C]
    x_norm = _normalize(x_flat, axis=-1)
    mem_norm = _normalize(memory, axis=1)
    sim = jnp.matmul(x_norm, mem_norm.T)  # [B, HW, K]
    max_idx = jnp.argmax(sim, axis=-1)    # [B, HW]
    mem_selected = memory[max_idx]        # gather -> [B, HW, C]
    return mem_selected.transpose(0, 2, 1).reshape(B, C, H, W)

if __name__ == "__main__":
    import jax
    _d = setup_inputs()
    print(jax.jit(kernel)(*tuple(_d.values())))

</pallas_src>

<mosaic_0001>
#map = affine_map<(d0, d1) -> (0)>
#map1 = affine_map<(d0, d1) -> (0, 0, 0)>
module attributes {stable_mosaic.version = 14 : i64} {
  func.func @sc_gather(%arg0: i32, %arg1: i32, %arg2: memref<262144xf32, #tpu.memory_space<hbm>>, %arg3: memref<32768xi32, #tpu.memory_space<hbm>>, %arg4: memref<8x256x4096xf32, #tpu.memory_space<hbm>>, %arg5: memref<1024xi32, #tpu.memory_space<vmem>>, %arg6: memref<16384xf32, #tpu.memory_space<vmem>>, %arg7: memref<16384xf32, #tpu.memory_space<vmem>>, %arg8: memref<16x1024xf32, #tpu.memory_space<vmem>>, %arg9: memref<16x1024xf32, #tpu.memory_space<vmem>>, %arg10: memref<!tpu.dma_semaphore, #tpu.memory_space<semaphore_mem>>, %arg11: memref<!tpu.dma_semaphore, #tpu.memory_space<semaphore_mem>>, %arg12: memref<!tpu.dma_semaphore, #tpu.memory_space<semaphore_mem>>, %arg13: memref<!tpu.dma_semaphore, #tpu.memory_space<semaphore_mem>>) attributes {dimension_semantics = [#tpu.dimension_semantics<core_parallel>, #tpu.dimension_semantics<subcore_parallel>], iteration_bounds = array<i64: 2, 16>, scalar_prefetch = 0 : i64, scratch_operands = 9 : i64, tpu.core_type = #tpu.core_type<sc_vector_subcore>, window_params = [{transform_indices = #map}, {transform_indices = #map}, {transform_indices = #map1}]} {
    %mul3A = arith.constant 2 : i32
    %mul3A_0 = arith.muli %arg1, %mul3A : i32
    %add3A = arith.addi %mul3A_0, %arg0 : i32
    %jit3A = arith.constant 4 : i32
    %div3A = arith.divsi %add3A, %jit3A : i32
    %sign3A = arith.constant 0 : i32
    %sign3A_1 = arith.cmpi sgt, %add3A, %sign3A : i32
    %sign3A_2 = arith.extui %sign3A_1 : i1 to i32
    %sign3A_3 = arith.constant 0 : i32
    %sign3A_4 = arith.cmpi slt, %add3A, %sign3A_3 : i32
    %sign3A_5 = arith.extui %sign3A_4 : i1 to i32
    %sign3A_6 = arith.subi %sign3A_2, %sign3A_5 : i32
    %sign3A_7 = arith.constant 0 : i32
    %sign3A_8 = arith.cmpi sgt, %jit3A, %sign3A_7 : i32
    %sign3A_9 = arith.extui %sign3A_8 : i1 to i32
    %sign3A_10 = arith.constant 0 : i32
    %sign3A_11 = arith.cmpi slt, %jit3A, %sign3A_10 : i32
    %sign3A_12 = arith.extui %sign3A_11 : i1 to i32
    %sign3A_13 = arith.subi %sign3A_9, %sign3A_12 : i32
    %ne3A = arith.cmpi ne, %sign3A_6, %sign3A_13 : i32
    %rem3A = arith.remsi %add3A, %jit3A : i32
    %ne3A_14 = arith.constant 0 : i32
    %ne3A_15 = arith.cmpi ne, %rem3A, %ne3A_14 : i32
    %and3A = arith.andi %ne3A, %ne3A_15 : i1
    %sub3A = arith.constant 1 : i32
    %sub3A_16 = arith.subi %div3A, %sub3A : i32
    %select_n3A = arith.select %and3A, %sub3A_16, %div3A : i32
    %jit3A_17 = arith.constant 4 : i32
    %eq3A = arith.constant 0 : i32
    %eq3A_18 = arith.cmpi eq, %jit3A_17, %eq3A : i32
    %jit3A_19 = arith.constant 1 : i32
    %select_n3A_20 = arith.select %eq3A_18, %jit3A_19, %jit3A_17 : i32
    %rem3A_21 = arith.remsi %add3A, %select_n3A_20 : i32
    %ne3A_22 = arith.constant 0 : i32
    %ne3A_23 = arith.cmpi ne, %rem3A_21, %ne3A_22 : i32
    %lt3A = arith.constant 0 : i32
    %lt3A_24 = arith.cmpi slt, %rem3A_21, %lt3A : i32
    %lt3A_25 = arith.constant 0 : i32
    %lt3A_26 = arith.cmpi slt, %select_n3A_20, %lt3A_25 : i32
    %ne3A_27 = arith.xori %lt3A_24, %lt3A_26 : i1
    %and3A_28 = arith.andi %ne3A_27, %ne3A_23 : i1
    %add3A_29 = arith.addi %rem3A_21, %select_n3A_20 : i32
    %select_n3A_30 = arith.select %and3A_28, %add3A_29, %rem3A_21 : i32
    %mul3A_31 = arith.constant 4096 : i32
    %mul3A_32 = arith.muli %select_n3A, %mul3A_31 : i32
    %mul3A_33 = arith.constant 1024 : i32
    %mul3A_34 = arith.muli %select_n3A_30, %mul3A_33 : i32
    %add3A_35 = arith.addi %mul3A_32, %mul3A_34 : i32
    "tpu.region"() ({
      %run_scoped3A = tpu.sem_alloc : memref<!tpu.dma_semaphore, #tpu.memory_space<semaphore_mem>>
      %dma_start3A_481 = tpu.memref_slice %arg3[%add3A_35] : memref<32768xi32, #tpu.memory_space<hbm>> -> memref<1024xi32, #tpu.memory_space<hbm>>
      %dma_start3A_482 = tpu.memref_slice %arg3[%add3A_35] : memref<32768xi32, #tpu.memory_space<hbm>> -> memref<1024xi32, #tpu.memory_space<hbm>>
      tpu.enqueue_dma source(%dma_start3A_482 : memref<1024xi32, #tpu.memory_space<hbm>>) target(%arg5 : memref<1024xi32, #tpu.memory_space<vmem>>) target_semaphore(%run_scoped3A : memref<!tpu.dma_semaphore, #tpu.memory_space<semaphore_mem>>)
      %dma_wait3A_483 = tpu.memref_slice %arg3[%add3A_35] : memref<32768xi32, #tpu.memory_space<hbm>> -> memref<1024xi32, #tpu.memory_space<hbm>>
      %dma_wait3A_484 = tpu.memref_slice %arg3[%add3A_35] : memref<32768xi32, #tpu.memory_space<hbm>> -> memref<1024xi32, #tpu.memory_space<hbm>>
      tpu.wait_dma2 semaphore(%run_scoped3A : memref<!tpu.dma_semaphore, #tpu.memory_space<semaphore_mem>>) src(%dma_wait3A_484 : memref<1024xi32, #tpu.memory_space<hbm>>) dst(%arg5 : memref<1024xi32, #tpu.memory_space<vmem>>)
      tpu.yield
    }) : () -> ()
    %dma_start3A = arith.constant 0 : i32
    %dma_start3A_36 = tpu.memref_slice %arg2[%dma_start3A] : memref<262144xf32, #tpu.memory_space<hbm>> -> memref<16384xf32, #tpu.memory_space<hbm>>
    %dma_start3A_37 = arith.constant 0 : i32
    %dma_start3A_38 = tpu.memref_slice %arg2[%dma_start3A_37] : memref<262144xf32, #tpu.memory_space<hbm>> -> memref<16384xf32, #tpu.memory_space<hbm>>
    tpu.enqueue_dma source(%dma_start3A_38 : memref<16384xf32, #tpu.memory_space<hbm>>) target(%arg6 : memref<16384xf32, #tpu.memory_space<vmem>>) target_semaphore(%arg10 : memref<!tpu.dma_semaphore, #tpu.memory_space<semaphore_mem>>)
    %dma_start3A_39 = arith.constant 16384 : i32
    %dma_start3A_40 = tpu.memref_slice %arg2[%dma_start3A_39] : memref<262144xf32, #tpu.memory_space<hbm>> -> memref<16384xf32, #tpu.memory_space<hbm>>
    %dma_start3A_41 = arith.constant 16384 : i32
    %dma_start3A_42 = tpu.memref_slice %arg2[%dma_start3A_41] : memref<262144xf32, #tpu.memory_space<hbm>> -> memref<16384xf32, #tpu.memory_space<hbm>>
    tpu.enqueue_dma source(%dma_start3A_42 : memref<16384xf32, #tpu.memory_space<hbm>>) target(%arg7 : memref<16384xf32, #tpu.memory_space<vmem>>) target_semaphore(%arg11 : memref<!tpu.dma_semaphore, #tpu.memory_space<semaphore_mem>>)
    %dma_wait3A = arith.constant 0 : i32
    %dma_wait3A_43 = tpu.memref_slice %arg2[%dma_wait3A] : memref<262144xf32, #tpu.memory_space<hbm>> -> memref<16384xf32, #tpu.memory_space<hbm>>
    %dma_wait3A_44 = arith.constant 0 : i32
    %dma_wait3A_45 = tpu.memref_slice %arg2[%dma_wait3A_44] : memref<262144xf32, #tpu.memory_space<hbm>> -> memref<16384xf32, #tpu.memory_space<hbm>>
    tpu.wait_dma2 semaphore(%arg10 : memref<!tpu.dma_semaphore, #tpu.memory_space<semaphore_mem>>) src(%dma_wait3A_45 : memref<16384xf32, #tpu.memory_space<hbm>>) dst(%arg6 : memref<16384xf32, #tpu.memory_space<vmem>>)
    %scan3A = arith.constant 0 : i32
    %scan3A_46 = arith.constant 0 : i32
    %scan3A_47 = arith.constant 64 : i32
    %scan3A_48 = arith.addi %scan3A_46, %scan3A_47 : i32
    %scan3A_49 = arith.constant 1 : i32
    scf.for %scan3A_481 = %scan3A_46 to %scan3A_48 step %scan3A_49  : i32 {
      %mul3A_482 = arith.constant 16 : i32
      %mul3A_483 = arith.muli %scan3A_481, %mul3A_482 : i32
      %get3A = arith.index_cast %mul3A_483 : i32 to index
      %get3A_484 = tpu.vector_load %arg5[%get3A] {strides = array<i32>} : memref<1024xi32, #tpu.memory_space<vmem>>, vector<16xi32>,
      %add3A_485 = arith.constant 0 : i32
      %add3A_486 = vector.broadcast %add3A_485 : i32 to vector<16xi32>
      %add3A_487 = arith.addi %get3A_484, %add3A_486 : vector<16xi32>
      %gather3A = tpu.vector_load_idx %arg6[%add3A_487] : memref<16384xf32, #tpu.memory_space<vmem>>[vector<16xi32>], vector<16xf32>,
      %mul3A_488 = arith.constant 16 : i32
      %mul3A_489 = arith.muli %scan3A_481, %mul3A_488 : i32
      %swap3A = arith.constant 0 : i32
      %swap3A_490 = arith.index_cast %swap3A : i32 to index
      %swap3A_491 = arith.index_cast %mul3A_489 : i32 to index
      %swap3A_492 = tpu.vector_load %arg8[%swap3A_490, %swap3A_491] {strides = array<i32>} : memref<16x1024xf32, #tpu.memory_space<vmem>>, vector<16xf32>,
      tpu.vector_store %arg8[%swap3A_490, %swap3A_491], %gather3A {strides = array<i32>} : memref<16x1024xf32, #tpu.memory_space<vmem>>, vector<16xf32>,
      %add3A_493 = arith.constant 1024 : i32
      %add3A_494 = vector.broadcast %add3A_493 : i32 to vector<16xi32>
      %add3A_495 = arith.addi %get3A_484, %add3A_494 : vector<16xi32>
      %gather3A_496 = tpu.vector_load_idx %arg6[%add3A_495] : memref<16384xf32, #tpu.memory_space<vmem>>[vector<16xi32>], vector<16xf32>,
      %mul3A_497 = arith.constant 16 : i32
      %mul3A_498 = arith.muli %scan3A_481, %mul3A_497 : i32
      %swap3A_499 = arith.constant 1 : i32
      %swap3A_500 = arith.index_cast %swap3A_499 : i32 to index
      %swap3A_501 = arith.index_cast %mul3A_498 : i32 to index
      %swap3A_502 = tpu.vector_load %arg8[%swap3A_500, %swap3A_501] {strides = array<i32>} : memref<16x1024xf32, #tpu.memory_space<vmem>>, vector<16xf32>,
      tpu.vector_store %arg8[%swap3A_500, %swap3A_501], %gather3A_496 {strides = array<i32>} : memref<16x1024xf32, #tpu.memory_space<vmem>>, vector<16xf32>,
      %add3A_503 = arith.constant 2048 : i32
      %add3A_504 = vector.broadcast %add3A_503 : i32 to vector<16xi32>
      %add3A_505 = arith.addi %get3A_484, %add3A_504 : vector<16xi32>
      %gather3A_506 = tpu.vector_load_idx %arg6[%add3A_505] : memref<16384xf32, #tpu.memory_space<vmem>>[vector<16xi32>], vector<16xf32>,
      %mul3A_507 = arith.constant 16 : i32
      %mul3A_508 = arith.muli %scan3A_481, %mul3A_507 : i32
      %swap3A_509 = arith.constant 2 : i32
      %swap3A_510 = arith.index_cast %swap3A_509 : i32 to index
      %swap3A_511 = arith.index_cast %mul3A_508 : i32 to index
      %swap3A_512 = tpu.vector_load %arg8[%swap3A_510, %swap3A_511] {strides = array<i32>} : memref<16x1024xf32, #tpu.memory_space<vmem>>, vector<16xf32>,
      tpu.vector_store %arg8[%swap3A_510, %swap3A_511], %gather3A_506 {strides = array<i32>} : memref<16x1024xf32, #tpu.memory_space<vmem>>, vector<16xf32>,
      %add3A_513 = arith.constant 3072 : i32
      %add3A_514 = vector.broadcast %add3A_513 : i32 to vector<16xi32>
      %add3A_515 = arith.addi %get3A_484, %add3A_514 : vector<16xi32>
      %gather3A_516 = tpu.vector_load_idx %arg6[%add3A_515] : memref<16384xf32, #tpu.memory_space<vmem>>[vector<16xi32>], vector<16xf32>,
      %mul3A_517 = arith.constant 16 : i32
      %mul3A_518 = arith.muli %scan3A_481, %mul3A_517 : i32
      %swap3A_519 = arith.constant 3 : i32
      %swap3A_520 = arith.index_cast %swap3A_519 : i32 to index
      %swap3A_521 = arith.index_cast %mul3A_518 : i32 to index
      %swap3A_522 = tpu.vector_load %arg8[%swap3A_520, %swap3A_521] {strides = array<i32>} : memref<16x1024xf32, #tpu.memory_space<vmem>>, vector<16xf32>,
      tpu.vector_store %arg8[%swap3A_520, %swap3A_521], %gather3A_516 {strides = array<i32>} : memref<16x1024xf32, #tpu.memory_space<vmem>>, vector<16xf32>,
      %add3A_523 = arith.constant 4096 : i32
      %add3A_524 = vector.broadcast %add3A_523 : i32 to vector<16xi32>
      %add3A_525 = arith.addi %get3A_484, %add3A_524 : vector<16xi32>
      %gather3A_526 = tpu.vector_load_idx %arg6[%add3A_525] : memref<16384xf32, #tpu.memory_space<vmem>>[vector<16xi32>], vector<16xf32>,
      %mul3A_527 = arith.constant 16 : i32
      %mul3A_528 = arith.muli %scan3A_481, %mul3A_527 : i32
      %swap3A_529 = arith.constant 4 : i32
      %swap3A_530 = arith.index_cast %swap3A_529 : i32 to index
      %swap3A_531 = arith.index_cast %mul3A_528 : i32 to index
      %swap3A_532 = tpu.vector_load %arg8[%swap3A_530, %swap3A_531] {strides = array<i32>} : memref<16x1024xf32, #tpu.memory_space<vmem>>, vector<16xf32>,
      tpu.vector_store %arg8[%swap3A_530, %swap3A_531], %gather3A_526 {strides = array<i32>} : memref<16x1024xf32, #tpu.memory_space<vmem>>, vector<16xf32>,
      %add3A_533 = arith.constant 5120 : i32
      %add3A_534 = vector.broadcast %add3A_533 : i32 to vector<16xi32>
      %add3A_535 = arith.addi %get3A_484, %add3A_534 : vector<16xi32>
      %gather3A_536 = tpu.vector_load_idx %arg6[%add3A_535] : memref<16384xf32, #tpu.memory_space<vmem>>[vector<16xi32>], vector<16xf32>,
      %mul3A_537 = arith.constant 16 : i32
      %mul3A_538 = arith.muli %scan3A_481, %mul3A_537 : i32
      %swap3A_539 = arith.constant 5 : i32
      %swap3A_540 = arith.index_cast %swap3A_539 : i32 to index
      %swap3A_541 = arith.index_cast %mul3A_538 : i32 to index
      %swap3A_542 = tpu.vector_load %arg8[%swap3A_540, %swap3A_541] {strides = array<i32>} : memref<16x1024xf32, #tpu.memory_space<vmem>>, vector<16xf32>,
      tpu.vector_store %arg8[%swap3A_540, %swap3A_541], %gather3A_536 {strides = array<i32>} : memref<16x1024xf32, #tpu.memory_space<vmem>>, vector<16xf32>,
      %add3A_543 = arith.constant 6144 : i32
      %add3A_544 = vector.broadcast %add3A_543 : i32 to vector<16xi32>
      %add3A_545 = arith.addi %get3A_484, %add3A_544 : vector<16xi32>
      %gather3A_546 = tpu.vector_load_idx %arg6[%add3A_545] : memref<16384xf32, #tpu.memory_space<vmem>>[vector<16xi32>], vector<16xf32>,
      %mul3A_547 = arith.constant 16 : i32
      %mul3A_548 = arith.muli %scan3A_481, %mul3A_547 : i32
      %swap3A_549 = arith.constant 6 : i32
      %swap3A_550 = arith.index_cast %swap3A_549 : i32 to index
      %swap3A_551 = arith.index_cast %mul3A_548 : i32 to index
      %swap3A_552 = tpu.vector_load %arg8[%swap3A_550, %swap3A_551] {strides = array<i32>} : memref<16x1024xf32, #tpu.memory_space<vmem>>, vector<16xf32>,
      tpu.vector_store %arg8[%swap3A_550, %swap3A_551], %gather3A_546 {strides = array<i32>} : memref<16x1024xf32, #tpu.memory_space<vmem>>, vector<16xf32>,
      %add3A_553 = arith.constant 7168 : i32
      %add3A_554 = vector.broadcast %add3A_553 : i32 to vector<16xi32>
      %add3A_555 = arith.addi %get3A_484, %add3A_554 : vector<16xi32>
      %gather3A_556 = tpu.vector_load_idx %arg6[%add3A_555] : memref<16384xf32, #tpu.memory_space<vmem>>[vector<16xi32>], vector<16xf32>,
      %mul3A_557 = arith.constant 16 : i32
      %mul3A_558 = arith.muli %scan3A_481, %mul3A_557 : i32
      %swap3A_559 = arith.constant 7 : i32
      %swap3A_560 = arith.index_cast %swap3A_559 : i32 to index
      %swap3A_561 = arith.index_cast %mul3A_558 : i32 to index
      %swap3A_562 = tpu.vector_load %arg8[%swap3A_560, %swap3A_561] {strides = array<i32>} : memref<16x1024xf32, #tpu.memory_space<vmem>>, vector<16xf32>,
      tpu.vector_store %arg8[%swap3A_560, %swap3A_561], %gather3A_556 {strides = array<i32>} : memref<16x1024xf32, #tpu.memory_space<vmem>>, vector<16xf32>,
      %add3A_563 = arith.constant 8192 : i32
      %add3A_564 = vector.broadcast %add3A_563 : i32 to vector<16xi32>
      %add3A_565 = arith.addi %get3A_484, %add3A_564 : vector<16xi32>
      %gather3A_566 = tpu.vector_load_idx %arg6[%add3A_565] : memref<16384xf32, #tpu.memory_space<vmem>>[vector<16xi32>], vector<16xf32>,
      %mul3A_567 = arith.constant 16 : i32
      %mul3A_568 = arith.muli %scan3A_481, %mul3A_567 : i32
      %swap3A_569 = arith.constant 8 : i32
      %swap3A_570 = arith.index_cast %swap3A_569 : i32 to index
      %swap3A_571 = arith.index_cast %mul3A_568 : i32 to index
      %swap3A_572 = tpu.vector_load %arg8[%swap3A_570, %swap3A_571] {strides = array<i32>} : memref<16x1024xf32, #tpu.memory_space<vmem>>, vector<16xf32>,
      tpu.vector_store %arg8[%swap3A_570, %swap3A_571], %gather3A_566 {strides = array<i32>} : memref<16x1024xf32, #tpu.memory_space<vmem>>, vector<16xf32>,
      %add3A_573 = arith.constant 9216 : i32
      %add3A_574 = vector.broadcast %add3A_573 : i32 to vector<16xi32>
      %add3A_575 = arith.addi %get3A_484, %add3A_574 : vector<16xi32>
      %gather3A_576 = tpu.vector_load_idx %arg6[%add3A_575] : memref<16384xf32, #tpu.memory_space<vmem>>[vector<16xi32>], vector<16xf32>,
      %mul3A_577 = arith.constant 16 : i32
      %mul3A_578 = arith.muli %scan3A_481, %mul3A_577 : i32
      %swap3A_579 = arith.constant 9 : i32
      %swap3A_580 = arith.index_cast %swap3A_579 : i32 to index
      %swap3A_581 = arith.index_cast %mul3A_578 : i32 to index
      %swap3A_582 = tpu.vector_load %arg8[%swap3A_580, %swap3A_581] {strides = array<i32>} : memref<16x1024xf32, #tpu.memory_space<vmem>>, vector<16xf32>,
      tpu.vector_store %arg8[%swap3A_580, %swap3A_581], %gather3A_576 {strides = array<i32>} : memref<16x1024xf32, #tpu.memory_space<vmem>>, vector<16xf32>,
      %add3A_583 = arith.constant 10240 : i32
      %add3A_584 = vector.broadcast %add3A_583 : i32 to vector<16xi32>
      %add3A_585 = arith.addi %get3A_484, %add3A_584 : vector<16xi32>
      %gather3A_586 = tpu.vector_load_idx %arg6[%add3A_585] : memref<16384xf32, #tpu.memory_space<vmem>>[vector<16xi32>], vector<16xf32>,
      %mul3A_587 = arith.constant 16 : i32
      %mul3A_588 = arith.muli %scan3A_481, %mul3A_587 : i32
      %swap3A_589 = arith.constant 10 : i32
      %swap3A_590 = arith.index_cast %swap3A_589 : i32 to index
      %swap3A_591 = arith.index_cast %mul3A_588 : i32 to index
      %swap3A_592 = tpu.vector_load %arg8[%swap3A_590, %swap3A_591] {strides = array<i32>} : memref<16x1024xf32, #tpu.memory_space<vmem>>, vector<16xf32>,
      tpu.vector_store %arg8[%swap3A_590, %swap3A_591], %gather3A_586 {strides = array<i32>} : memref<16x1024xf32, #tpu.memory_space<vmem>>, vector<16xf32>,
      %add3A_593 = arith.constant 11264 : i32
      %add3A_594 = vector.broadcast %add3A_593 : i32 to vector<16xi32>
      %add3A_595 = arith.addi %get3A_484, %add3A_594 : vector<16xi32>
      %gather3A_596 = tpu.vector_load_idx %arg6[%add3A_595] : memref<16384xf32, #tpu.memory_space<vmem>>[vector<16xi32>], vector<16xf32>,
      %mul3A_597 = arith.constant 16 : i32
      %mul3A_598 = arith.muli %scan3A_481, %mul3A_597 : i32
      %swap3A_599 = arith.constant 11 : i32
      %swap3A_600 = arith.index_cast %swap3A_599 : i32 to index
      %swap3A_601 = arith.index_cast %mul3A_598 : i32 to index
      %swap3A_602 = tpu.vector_load %arg8[%swap3A_600, %swap3A_601] {strides = array<i32>} : memref<16x1024xf32, #tpu.memory_space<vmem>>, vector<16xf32>,
      tpu.vector_store %arg8[%swap3A_600, %swap3A_601], %gather3A_596 {strides = array<i32>} : memref<16x1024xf32, #tpu.memory_space<vmem>>, vector<16xf32>,
      %add3A_603 = arith.constant 12288 : i32
      %add3A_604 = vector.broadcast %add3A_603 : i32 to vector<16xi32>
      %add3A_605 = arith.addi %get3A_484, %add3A_604 : vector<16xi32>
      %gather3A_606 = tpu.vector_load_idx %arg6[%add3A_605] : memref<16384xf32, #tpu.memory_space<vmem>>[vector<16xi32>], vector<16xf32>,
      %mul3A_607 = arith.constant 16 : i32
      %mul3A_608 = arith.muli %scan3A_481, %mul3A_607 : i32
      %swap3A_609 = arith.constant 12 : i32
      %swap3A_610 = arith.index_cast %swap3A_609 : i32 to index
      %swap3A_611 = arith.index_cast %mul3A_608 : i32 to index
      %swap3A_612 = tpu.vector_load %arg8[%swap3A_610, %swap3A_611] {strides = array<i32>} : memref<16x1024xf32, #tpu.memory_space<vmem>>, vector<16xf32>,
      tpu.vector_store %arg8[%swap3A_610, %swap3A_611], %gather3A_606 {strides = array<i32>} : memref<16x1024xf32, #tpu.memory_space<vmem>>, vector<16xf32>,
      %add3A_613 = arith.constant 13312 : i32
      %add3A_614 = vector.broadcast %add3A_613 : i32 to vector<16xi32>
      %add3A_615 = arith.addi %get3A_484, %add3A_614 : vector<16xi32>
      %gather3A_616 = tpu.vector_load_idx %arg6[%add3A_615] : memref<16384xf32, #tpu.memory_space<vmem>>[vector<16xi32>], vector<16xf32>,
      %mul3A_617 = arith.constant 16 : i32
      %mul3A_618 = arith.muli %scan3A_481, %mul3A_617 : i32
      %swap3A_619 = arith.constant 13 : i32
      %swap3A_620 = arith.index_cast %swap3A_619 : i32 to index
      %swap3A_621 = arith.index_cast %mul3A_618 : i32 to index
      %swap3A_622 = tpu.vector_load %arg8[%swap3A_620, %swap3A_621] {strides = array<i32>} : memref<16x1024xf32, #tpu.memory_space<vmem>>, vector<16xf32>,
      tpu.vector_store %arg8[%swap3A_620, %swap3A_621], %gather3A_616 {strides = array<i32>} : memref<16x1024xf32, #tpu.memory_space<vmem>>, vector<16xf32>,
      %add3A_623 = arith.constant 14336 : i32
      %add3A_624 = vector.broadcast %add3A_623 : i32 to vector<16xi32>
      %add3A_625 = arith.addi %get3A_484, %add3A_624 : vector<16xi32>
      %gather3A_626 = tpu.vector_load_idx %arg6[%add3A_625] : memref<16384xf32, #tpu.memory_space<vmem>>[vector<16xi32>], vector<16xf32>,
      %mul3A_627 = arith.constant 16 : i32
      %mul3A_628 = arith.muli %scan3A_481, %mul3A_627 : i32
      %swap3A_629 = arith.constant 14 : i32
      %swap3A_630 = arith.index_cast %swap3A_629 : i32 to index
      %swap3A_631 = arith.index_cast %mul3A_628 : i32 to index
      %swap3A_632 = tpu.vector_load %arg8[%swap3A_630, %swap3A_631] {strides = array<i32>} : memref<16x1024xf32, #tpu.memory_space<vmem>>, vector<16xf32>,
      tpu.vector_store %arg8[%swap3A_630, %swap3A_631], %gather3A_626 {strides = array<i32>} : memref<16x1024xf32, #tpu.memory_space<vmem>>, vector<16xf32>,
      %add3A_633 = arith.constant 15360 : i32
      %add3A_634 = vector.broadcast %add3A_633 : i32 to vector<16xi32>
      %add3A_635 = arith.addi %get3A_484, %add3A_634 : vector<16xi32>
      %gather3A_636 = tpu.vector_load_idx %arg6[%add3A_635] : memref<16384xf32, #tpu.memory_space<vmem>>[vector<16xi32>], vector<16xf32>,
      %mul3A_637 = arith.constant 16 : i32
      %mul3A_638 = arith.muli %scan3A_481, %mul3A_637 : i32
      %swap3A_639 = arith.constant 15 : i32
      %swap3A_640 = arith.index_cast %swap3A_639 : i32 to index
      %swap3A_641 = arith.index_cast %mul3A_638 : i32 to index
      %swap3A_642 = tpu.vector_load %arg8[%swap3A_640, %swap3A_641] {strides = array<i32>} : memref<16x1024xf32, #tpu.memory_space<vmem>>, vector<16xf32>,
      tpu.vector_store %arg8[%swap3A_640, %swap3A_641], %gather3A_636 {strides = array<i32>} : memref<16x1024xf32, #tpu.memory_space<vmem>>, vector<16xf32>,
    }
    %scan3A_50 = arith.constant 64 : i32
    %mul3A_51 = arith.constant 1024 : i32
    %mul3A_52 = arith.muli %select_n3A_30, %mul3A_51 : i32
    %dma_start3A_53 = arith.constant 0 : i32
    %dma_start3A_54 = tpu.memref_slice %arg4[%select_n3A, %dma_start3A_53, %mul3A_52] : memref<8x256x4096xf32, #tpu.memory_space<hbm>> -> memref<1x16x1024xf32, #tpu.memory_space<hbm>>
    %dma_start3A_55 = tpu.memref_squeeze %dma_start3A_54 : memref<1x16x1024xf32, #tpu.memory_space<hbm>> -> memref<16x1024xf32, #tpu.memory_space<hbm>>
    %dma_start3A_56 = arith.constant 0 : i32
    %dma_start3A_57 = tpu.memref_slice %arg4[%select_n3A, %dma_start3A_56, %mul3A_52] : memref<8x256x4096xf32, #tpu.memory_space<hbm>> -> memref<1x16x1024xf32, #tpu.memory_space<hbm>>
    %dma_start3A_58 = tpu.memref_squeeze %dma_start3A_57 : memref<1x16x1024xf32, #tpu.memory_space<hbm>> -> memref<16x1024xf32, #tpu.memory_space<hbm>>
    tpu.enqueue_dma source(%arg8 : memref<16x1024xf32, #tpu.memory_space<vmem>>) target(%dma_start3A_58 : memref<16x1024xf32, #tpu.memory_space<hbm>>) target_semaphore(%arg12 : memref<!tpu.dma_semaphore, #tpu.memory_space<semaphore_mem>>)
    %dma_start3A_59 = arith.constant 32768 : i32
    %dma_start3A_60 = tpu.memref_slice %arg2[%dma_start3A_59] : memref<262144xf32, #tpu.memory_space<hbm>> -> memref<16384xf32, #tpu.memory_space<hbm>>
    %dma_start3A_61 = arith.constant 32768 : i32
    %dma_start3A_62 = tpu.memref_slice %arg2[%dma_start3A_61] : memref<262144xf32, #tpu.memory_space<hbm>> -> memref<16384xf32, #tpu.memory_space<hbm>>
    tpu.enqueue_dma source(%dma_start3A_62 : memref<16384xf32, #tpu.memory_space<hbm>>) target(%arg6 : memref<16384xf32, #tpu.memory_space<vmem>>) target_semaphore(%arg10 : memref<!tpu.dma_semaphore, #tpu.memory_space<semaphore_mem>>)
    %dma_wait3A_63 = arith.constant 16384 : i32
    %dma_wait3A_64 = tpu.memref_slice %arg2[%dma_wait3A_63] : memref<262144xf32, #tpu.memory_space<hbm>> -> memref<16384xf32, #tpu.memory_space<hbm>>
    %dma_wait3A_65 = arith.constant 16384 : i32
    %dma_wait3A_66 = tpu.memref_slice %arg2[%dma_wait3A_65] : memref<262144xf32, #tpu.memory_space<hbm>> -> memref<16384xf32, #tpu.memory_space<hbm>>
    tpu.wait_dma2 semaphore(%arg11 : memref<!tpu.dma_semaphore, #tpu.memory_space<semaphore_mem>>) src(%dma_wait3A_66 : memref<16384xf32, #tpu.memory_space<hbm>>) dst(%arg7 : memref<16384xf32, #tpu.memory_space<vmem>>)
    %scan3A_67 = arith.constant 0 : i32
    %scan3A_68 = arith.constant 0 : i32
    %scan3A_69 = arith.constant 64 : i32
    %scan3A_70 = arith.addi %scan3A_68, %scan3A_69 : i32
    %scan3A_71 = arith.constant 1 : i32
    scf.for %scan3A_481 = %scan3A_68 to %scan3A_70 step %scan3A_71  : i32 {
      %mul3A_482 = arith.constant 16 : i32
      %mul3A_483 = arith.muli %scan3A_481, %mul3A_482 : i32
      %get3A = arith.index_cast %mul3A_483 : i32 to index
      %get3A_484 = tpu.vector_load %arg5[%get3A] {strides = array<i32>} : memref<1024xi32, #tpu.memory_space<vmem>>, vector<16xi32>,
      %add3A_485 = arith.constant 0 : i32
      %add3A_486 = vector.broadcast %add3A_485 : i32 to vector<16xi32>
      %add3A_487 = arith.addi %get3A_484, %add3A_486 : vector<16xi32>
      %gather3A = tpu.vector_load_idx %arg7[%add3A_487] : memref<16384xf32, #tpu.memory_space<vmem>>[vector<16xi32>], vector<16xf32>,
      %mul3A_488 = arith.constant 16 : i32
      %mul3A_489 = arith.muli %scan3A_481, %mul3A_488 : i32
      %swap3A = arith.constant 0 : i32
      %swap3A_490 = arith.index_cast %swap3A : i32 to index
      %swap3A_491 = arith.index_cast %mul3A_489 : i32 to index
      %swap3A_492 = tpu.vector_load %arg9[%swap3A_490, %swap3A_491] {strides = array<i32>} : memref<16x1024xf32, #tpu.memory_space<vmem>>, vector<16xf32>,
      tpu.vector_store %arg9[%swap3A_490, %swap3A_491], %gather3A {strides = array<i32>} : memref<16x1024xf32, #tpu.memory_space<vmem>>, vector<16xf32>,
      %add3A_493 = arith.constant 1024 : i32
      %add3A_494 = vector.broadcast %add3A_493 : i32 to vector<16xi32>
      %add3A_495 = arith.addi %get3A_484, %add3A_494 : vector<16xi32>
      %gather3A_496 = tpu.vector_load_idx %arg7[%add3A_495] : memref<16384xf32, #tpu.memory_space<vmem>>[vector<16xi32>], vector<16xf32>,
      %mul3A_497 = arith.constant 16 : i32
      %mul3A_498 = arith.muli %scan3A_481, %mul3A_497 : i32
      %swap3A_499 = arith.constant 1 : i32
      %swap3A_500 = arith.index_cast %swap3A_499 : i32 to index
      %swap3A_501 = arith.index_cast %mul3A_498 : i32 to index
      %swap3A_502 = tpu.vector_load %arg9[%swap3A_500, %swap3A_501] {strides = array<i32>} : memref<16x1024xf32, #tpu.memory_space<vmem>>, vector<16xf32>,
      tpu.vector_store %arg9[%swap3A_500, %swap3A_501], %gather3A_496 {strides = array<i32>} : memref<16x1024xf32, #tpu.memory_space<vmem>>, vector<16xf32>,
      %add3A_503 = arith.constant 2048 : i32
      %add3A_504 = vector.broadcast %add3A_503 : i32 to vector<16xi32>
      %add3A_505 = arith.addi %get3A_484, %add3A_504 : vector<16xi32>
      %gather3A_506 = tpu.vector_load_idx %arg7[%add3A_505] : memref<16384xf32, #tpu.memory_space<vmem>>[vector<16xi32>], vector<16xf32>,
      %mul3A_507 = arith.constant 16 : i32
      %mul3A_508 = arith.muli %scan3A_481, %mul3A_507 : i32
      %swap3A_509 = arith.constant 2 : i32
      %swap3A_510 = arith.index_cast %swap3A_509 : i32 to index
      %swap3A_511 = arith.index_cast %mul3A_508 : i32 to index
      %swap3A_512 = tpu.vector_load %arg9[%swap3A_510, %swap3A_511] {strides = array<i32>} : memref<16x1024xf32, #tpu.memory_space<vmem>>, vector<16xf32>,
      tpu.vector_store %arg9[%swap3A_510, %swap3A_511], %gather3A_506 {strides = array<i32>} : memref<16x1024xf32, #tpu.memory_space<vmem>>, vector<16xf32>,
      %add3A_513 = arith.constant 3072 : i32
      %add3A_514 = vector.broadcast %add3A_513 : i32 to vector<16xi32>
      %add3A_515 = arith.addi %get3A_484, %add3A_514 : vector<16xi32>
      %gather3A_516 = tpu.vector_load_idx %arg7[%add3A_515] : memref<16384xf32, #tpu.memory_space<vmem>>[vector<16xi32>], vector<16xf32>,
      %mul3A_517 = arith.constant 16 : i32
      %mul3A_518 = arith.muli %scan3A_481, %mul3A_517 : i32
      %swap3A_519 = arith.constant 3 : i32
      %swap3A_520 = arith.index_cast %swap3A_519 : i32 to index
      %swap3A_521 = arith.index_cast %mul3A_518 : i32 to index
      %swap3A_522 = tpu.vector_load %arg9[%swap3A_520, %swap3A_521] {strides = array<i32>} : memref<16x1024xf32, #tpu.memory_space<vmem>>, vector<16xf32>,
      tpu.vector_store %arg9[%swap3A_520, %swap3A_521], %gather3A_516 {strides = array<i32>} : memref<16x1024xf32, #tpu.memory_space<vmem>>, vector<16xf32>,
      %add3A_523 = arith.constant 4096 : i32
      %add3A_524 = vector.broadcast %add3A_523 : i32 to vector<16xi32>
      %add3A_525 = arith.addi %get3A_484, %add3A_524 : vector<16xi32>
      %gather3A_526 = tpu.vector_load_idx %arg7[%add3A_525] : memref<16384xf32, #tpu.memory_space<vmem>>[vector<16xi32>], vector<16xf32>,
      %mul3A_527 = arith.constant 16 : i32
      %mul3A_528 = arith.muli %scan3A_481, %mul3A_527 : i32
      %swap3A_529 = arith.constant 4 : i32
      %swap3A_530 = arith.index_cast %swap3A_529 : i32 to index
      %swap3A_531 = arith.index_cast %mul3A_528 : i32 to index
      %swap3A_532 = tpu.vector_load %arg9[%swap3A_530, %swap3A_531] {strides = array<i32>} : memref<16x1024xf32, #tpu.memory_space<vmem>>, vector<16xf32>,
      tpu.vector_store %arg9[%swap3A_530, %swap3A_531], %gather3A_526 {strides = array<i32>} : memref<16x1024xf32, #tpu.memory_space<vmem>>, vector<16xf32>,
      %add3A_533 = arith.constant 5120 : i32
      %add3A_534 = vector.broadcast %add3A_533 : i32 to vector<16xi32>
      %add3A_535 = arith.addi %get3A_484, %add3A_534 : vector<16xi32>
      %gather3A_536 = tpu.vector_load_idx %arg7[%add3A_535] : memref<16384xf32, #tpu.memory_space<vmem>>[vector<16xi32>], vector<16xf32>,
      %mul3A_537 = arith.constant 16 : i32
      %mul3A_538 = arith.muli %scan3A_481, %mul3A_537 : i32
      %swap3A_539 = arith.constant 5 : i32
      %swap3A_540 = arith.index_cast %swap3A_539 : i32 to index
      %swap3A_541 = arith.index_cast %mul3A_538 : i32 to index
      %swap3A_542 = tpu.vector_load %arg9[%swap3A_540, %swap3A_541] {strides = array<i32>} : memref<16x1024xf32, #tpu.memory_space<vmem>>, vector<16xf32>,
      tpu.vector_store %arg9[%swap3A_540, %swap3A_541], %gather3A_536 {strides = array<i32>} : memref<16x1024xf32, #tpu.memory_space<vmem>>, vector<16xf32>,
      %add3A_543 = arith.constant 6144 : i32
      %add3A_544 = vector.broadcast %add3A_543 : i32 to vector<16xi32>
      %add3A_545 = arith.addi %get3A_484, %add3A_544 : vector<16xi32>
      %gather3A_546 = tpu.vector_load_idx %arg7[%add3A_545] : memref<16384xf32, #tpu.memory_space<vmem>>[vector<16xi32>], vector<16xf32>,
      %mul3A_547 = arith.constant 16 : i32
      %mul3A_548 = arith.muli %scan3A_481, %mul3A_547 : i32
      %swap3A_549 = arith.constant 6 : i32
      %swap3A_550 = arith.index_cast %swap3A_549 : i32 to index
      %swap3A_551 = arith.index_cast %mul3A_548 : i32 to index
      %swap3A_552 = tpu.vector_load %arg9[%swap3A_550, %swap3A_551] {strides = array<i32>} : memref<16x1024xf32, #tpu.memory_space<vmem>>, vector<16xf32>,
      tpu.vector_store %arg9[%swap3A_550, %swap3A_551], %gather3A_546 {strides = array<i32>} : memref<16x1024xf32, #tpu.memory_space<vmem>>, vector<16xf32>,
      %add3A_553 = arith.constant 7168 : i32
      %add3A_554 = vector.broadcast %add3A_553 : i32 to vector<16xi32>
      %add3A_555 = arith.addi %get3A_484, %add3A_554 : vector<16xi32>
      %gather3A_556 = tpu.vector_load_idx %arg7[%add3A_555] : memref<16384xf32, #tpu.memory_space<vmem>>[vector<16xi32>], vector<16xf32>,
      %mul3A_557 = arith.constant 16 : i32
      %mul3A_558 = arith.muli %scan3A_481, %mul3A_557 : i32
      %swap3A_559 = arith.constant 7 : i32
      %swap3A_560 = arith.index_cast %swap3A_559 : i32 to index
      %swap3A_561 = arith.index_cast %mul3A_558 : i32 to index
      %swap3A_562 = tpu.vector_load %arg9[%swap3A_560, %swap3A_561] {strides = array<i32>} : memref<16x1024xf32, #tpu.memory_space<vmem>>, vector<16xf32>,
      tpu.vector_store %arg9[%swap3A_560, %swap3A_561], %gather3A_556 {strides = array<i32>} : memref<16x1024xf32, #tpu.memory_space<vmem>>, vector<16xf32>,
      %add3A_563 = arith.constant 8192 : i32
      %add3A_564 = vector.broadcast %add3A_563 : i32 to vector<16xi32>
      %add3A_565 = arith.addi %get3A_484, %add3A_564 : vector<16xi32>
      %gather3A_566 = tpu.vector_load_idx %arg7[%add3A_565] : memref<16384xf32, #tpu.memory_space<vmem>>[vector<16xi32>], vector<16xf32>,
      %mul3A_567 = arith.constant 16 : i32
      %mul3A_568 = arith.muli %scan3A_481, %mul3A_567 : i32
      %swap3A_569 = arith.constant 8 : i32
      %swap3A_570 = arith.index_cast %swap3A_569 : i32 to index
      %swap3A_571 = arith.index_cast %mul3A_568 : i32 to index
      %swap3A_572 = tpu.vector_load %arg9[%swap3A_570, %swap3A_571] {strides = array<i32>} : memref<16x1024xf32, #tpu.memory_space<vmem>>, vector<16xf32>,
      tpu.vector_store %arg9[%swap3A_570, %swap3A_571], %gather3A_566 {strides = array<i32>} : memref<16x1024xf32, #tpu.memory_space<vmem>>, vector<16xf32>,
      %add3A_573 = arith.constant 9216 : i32
      %add3A_574 = vector.broadcast %add3A_573 : i32 to vector<16xi32>
      %add3A_575 = arith.addi %get3A_484, %add3A_574 : vector<16xi32>
      %gather3A_576 = tpu.vector_load_idx %arg7[%add3A_575] : memref<16384xf32, #tpu.memory_space<vmem>>[vector<16xi32>], vector<16xf32>,
      %mul3A_577 = arith.constant 16 : i32
      %mul3A_578 = arith.muli %scan3A_481, %mul3A_577 : i32
      %swap3A_579 = arith.constant 9 : i32
      %swap3A_580 = arith.index_cast %swap3A_579 : i32 to index
      %swap3A_581 = arith.index_cast %mul3A_578 : i32 to index
      %swap3A_582 = tpu.vector_load %arg9[%swap3A_580, %swap3A_581] {strides = array<i32>} : memref<16x1024xf32, #tpu.memory_space<vmem>>, vector<16xf32>,
      tpu.vector_store %arg9[%swap3A_580, %swap3A_581], %gather3A_576 {strides = array<i32>} : memref<16x1024xf32, #tpu.memory_space<vmem>>, vector<16xf32>,
      %add3A_583 = arith.constant 10240 : i32
      %add3A_584 = vector.broadcast %add3A_583 : i32 to vector<16xi32>
      %add3A_585 = arith.addi %get3A_484, %add3A_584 : vector<16xi32>
      %gather3A_586 = tpu.vector_load_idx %arg7[%add3A_585] : memref<16384xf32, #tpu.memory_space<vmem>>[vector<16xi32>], vector<16xf32>,
      %mul3A_587 = arith.constant 16 : i32
      %mul3A_588 = arith.muli %scan3A_481, %mul3A_587 : i32
      %swap3A_589 = arith.constant 10 : i32
      %swap3A_590 = arith.index_cast %swap3A_589 : i32 to index
      %swap3A_591 = arith.index_cast %mul3A_588 : i32 to index
      %swap3A_592 = tpu.vector_load %arg9[%swap3A_590, %swap3A_591] {strides = array<i32>} : memref<16x1024xf32, #tpu.memory_space<vmem>>, vector<16xf32>,
      tpu.vector_store %arg9[%swap3A_590, %swap3A_591], %gather3A_586 {strides = array<i32>} : memref<16x1024xf32, #tpu.memory_space<vmem>>, vector<16xf32>,
      %add3A_593 = arith.constant 11264 : i32
      %add3A_594 = vector.broadcast %add3A_593 : i32 to vector<16xi32>
      %add3A_595 = arith.addi %get3A_484, %add3A_594 : vector<16xi32>
      %gather3A_596 = tpu.vector_load_idx %arg7[%add3A_595] : memref<16384xf32, #tpu.memory_space<vmem>>[vector<16xi32>], vector<16xf32>,
      %mul3A_597 = arith.constant 16 : i32
      %mul3A_598 = arith.muli %scan3A_481, %mul3A_597 : i32
      %swap3A_599 = arith.constant 11 : i32
      %swap3A_600 = arith.index_cast %swap3A_599 : i32 to index
      %swap3A_601 = arith.index_cast %mul3A_598 : i32 to index
      %swap3A_602 = tpu.vector_load %arg9[%swap3A_600, %swap3A_601] {strides = array<i32>} : memref<16x1024xf32, #tpu.memory_space<vmem>>, vector<16xf32>,
      tpu.vector_store %arg9[%swap3A_600, %swap3A_601], %gather3A_596 {strides = array<i32>} : memref<16x1024xf32, #tpu.memory_space<vmem>>, vector<16xf32>,
      %add3A_603 = arith.constant 12288 : i32
      %add3A_604 = vector.broadcast %add3A_603 : i32 to vector<16xi32>
      %add3A_605 = arith.addi %get3A_484, %add3A_604 : vector<16xi32>
      %gather3A_606 = tpu.vector_load_idx %arg7[%add3A_605] : memref<16384xf32, #tpu.memory_space<vmem>>[vector<16xi32>], vector<16xf32>,
      %mul3A_607 = arith.constant 16 : i32
      %mul3A_608 = arith.muli %scan3A_481, %mul3A_607 : i32
      %swap3A_609 = arith.constant 12 : i32
      %swap3A_610 = arith.index_cast %swap3A_609 : i32 to index
      %swap3A_611 = arith.index_cast %mul3A_608 : i32 to index
      %swap3A_612 = tpu.vector_load %arg9[%swap3A_610, %swap3A_611] {strides = array<i32>} : memref<16x1024xf32, #tpu.memory_space<vmem>>, vector<16xf32>,
      tpu.vector_store %arg9[%swap3A_610, %swap3A_611], %gather3A_606 {strides = array<i32>} : memref<16x1024xf32, #tpu.memory_space<vmem>>, vector<16xf32>,
      %add3A_613 = arith.constant 13312 : i32
      %add3A_614 = vector.broadcast %add3A_613 : i32 to vector<16xi32>
      %add3A_615 = arith.addi %get3A_484, %add3A_614 : vector<16xi32>
      %gather3A_616 = tpu.vector_load_idx %arg7[%add3A_615] : memref<16384xf32, #tpu.memory_space<vmem>>[vector<16xi32>], vector<16xf32>,
      %mul3A_617 = arith.constant 16 : i32
      %mul3A_618 = arith.muli %scan3A_481, %mul3A_617 : i32
      %swap3A_619 = arith.constant 13 : i32
      %swap3A_620 = arith.index_cast %swap3A_619 : i32 to index
      %swap3A_621 = arith.index_cast %mul3A_618 : i32 to index
      %swap3A_622 = tpu.vector_load %arg9[%swap3A_620, %swap3A_621] {strides = array<i32>} : memref<16x1024xf32, #tpu.memory_space<vmem>>, vector<16xf32>,
      tpu.vector_store %arg9[%swap3A_620, %swap3A_621], %gather3A_616 {strides = array<i32>} : memref<16x1024xf32, #tpu.memory_space<vmem>>, vector<16xf32>,
      %add3A_623 = arith.constant 14336 : i32
      %add3A_624 = vector.broadcast %add3A_623 : i32 to vector<16xi32>
      %add3A_625 = arith.addi %get3A_484, %add3A_624 : vector<16xi32>
      %gather3A_626 = tpu.vector_load_idx %arg7[%add3A_625] : memref<16384xf32, #tpu.memory_space<vmem>>[vector<16xi32>], vector<16xf32>,
      %mul3A_627 = arith.constant 16 : i32
      %mul3A_628 = arith.muli %scan3A_481, %mul3A_627 : i32
      %swap3A_629 = arith.constant 14 : i32
      %swap3A_630 = arith.index_cast %swap3A_629 : i32 to index
      %swap3A_631 = arith.index_cast %mul3A_628 : i32 to index
      %swap3A_632 = tpu.vector_load %arg9[%swap3A_630, %swap3A_631] {strides = array<i32>} : memref<16x1024xf32, #tpu.memory_space<vmem>>, vector<16xf32>,
      tpu.vector_store %arg9[%swap3A_630, %swap3A_631], %gather3A_626 {strides = array<i32>} : memref<16x1024xf32, #tpu.memory_space<vmem>>, vector<16xf32>,
      %add3A_633 = arith.constant 15360 : i32
      %add3A_634 = vector.broadcast %add3A_633 : i32 to vector<16xi32>
      %add3A_635 = arith.addi %get3A_484, %add3A_634 : vector<16xi32>
      %gather3A_636 = tpu.vector_load_idx %arg7[%add3A_635] : memref<16384xf32, #tpu.memory_space<vmem>>[vector<16xi32>], vector<16xf32>,
      %mul3A_637 = arith.constant 16 : i32
      %mul3A_638 = arith.muli %scan3A_481, %mul3A_637 : i32
      %swap3A_639 = arith.constant 15 : i32
      %swap3A_640 = arith.index_cast %swap3A_639 : i32 to index
      %swap3A_641 = arith.index_cast %mul3A_638 : i32 to index
      %swap3A_642 = tpu.vector_load %arg9[%swap3A_640, %swap3A_641] {strides = array<i32>} : memref<16x1024xf32, #tpu.memory_space<vmem>>, vector<16xf32>,
      tpu.vector_store %arg9[%swap3A_640, %swap3A_641], %gather3A_636 {strides = array<i32>} : memref<16x1024xf32, #tpu.memory_space<vmem>>, vector<16xf32>,
    }
    %scan3A_72 = arith.constant 64 : i32
    %mul3A_73 = arith.constant 1024 : i32
    %mul3A_74 = arith.muli %select_n3A_30, %mul3A_73 : i32
    %dma_start3A_75 = arith.constant 16 : i32
    %dma_start3A_76 = tpu.memref_slice %arg4[%select_n3A, %dma_start3A_75, %mul3A_74] : memref<8x256x4096xf32, #tpu.memory_space<hbm>> -> memref<1x16x1024xf32, #tpu.memory_space<hbm>>
    %dma_start3A_77 = tpu.memref_squeeze %dma_start3A_76 : memref<1x16x1024xf32, #tpu.memory_space<hbm>> -> memref<16x1024xf32, #tpu.memory_space<hbm>>
    %dma_start3A_78 = arith.constant 16 : i32
    %dma_start3A_79 = tpu.memref_slice %arg4[%select_n3A, %dma_start3A_78, %mul3A_74] : memref<8x256x4096xf32, #tpu.memory_space<hbm>> -> memref<1x16x1024xf32, #tpu.memory_space<hbm>>
    %dma_start3A_80 = tpu.memref_squeeze %dma_start3A_79 : memref<1x16x1024xf32, #tpu.memory_space<hbm>> -> memref<16x1024xf32, #tpu.memory_space<hbm>>
    tpu.enqueue_dma source(%arg9 : memref<16x1024xf32, #tpu.memory_space<vmem>>) target(%dma_start3A_80 : memref<16x1024xf32, #tpu.memory_space<hbm>>) target_semaphore(%arg13 : memref<!tpu.dma_semaphore, #tpu.memory_space<semaphore_mem>>)
    %dma_start3A_81 = arith.constant 49152 : i32
    %dma_start3A_82 = tpu.memref_slice %arg2[%dma_start3A_81] : memref<262144xf32, #tpu.memory_space<hbm>> -> memref<16384xf32, #tpu.memory_space<hbm>>
    %dma_start3A_83 = arith.constant 49152 : i32
    %dma_start3A_84 = tpu.memref_slice %arg2[%dma_start3A_83] : memref<262144xf32, #tpu.memory_space<hbm>> -> memref<16384xf32, #tpu.memory_space<hbm>>
    tpu.enqueue_dma source(%dma_start3A_84 : memref<16384xf32, #tpu.memory_space<hbm>>) target(%arg7 : memref<16384xf32, #tpu.memory_space<vmem>>) target_semaphore(%arg11 : memref<!tpu.dma_semaphore, #tpu.memory_space<semaphore_mem>>)
    %dma_wait3A_85 = arith.constant 32768 : i32
    %dma_wait3A_86 = tpu.memref_slice %arg2[%dma_wait3A_85] : memref<262144xf32, #tpu.memory_space<hbm>> -> memref<16384xf32, #tpu.memory_space<hbm>>
    %dma_wait3A_87 = arith.constant 32768 : i32
    %dma_wait3A_88 = tpu.memref_slice %arg2[%dma_wait3A_87] : memref<262144xf32, #tpu.memory_space<hbm>> -> memref<16384xf32, #tpu.memory_space<hbm>>
    tpu.wait_dma2 semaphore(%arg10 : memref<!tpu.dma_semaphore, #tpu.memory_space<semaphore_mem>>) src(%dma_wait3A_88 : memref<16384xf32, #tpu.memory_space<hbm>>) dst(%arg6 : memref<16384xf32, #tpu.memory_space<vmem>>)
    %dma_wait3A_89 = arith.constant 0 : i32
    %dma_wait3A_90 = tpu.memref_slice %arg4[%select_n3A, %dma_wait3A_89, %mul3A_52] : memref<8x256x4096xf32, #tpu.memory_space<hbm>> -> memref<1x16x1024xf32, #tpu.memory_space<hbm>>
    %dma_wait3A_91 = tpu.memref_squeeze %dma_wait3A_90 : memref<1x16x1024xf32, #tpu.memory_space<hbm>> -> memref<16x1024xf32, #tpu.memory_space<hbm>>
    %dma_wait3A_92 = arith.constant 0 : i32
    %dma_wait3A_93 = tpu.memref_slice %arg4[%select_n3A, %dma_wait3A_92, %mul3A_52] : memref<8x256x4096xf32, #tpu.memory_space<hbm>> -> memref<1x16x1024xf32, #tpu.memory_space<hbm>>
    %dma_wait3A_94 = tpu.memref_squeeze %dma_wait3A_93 : memref<1x16x1024xf32, #tpu.memory_space<hbm>> -> memref<16x1024xf32, #tpu.memory_space<hbm>>
    tpu.wait_dma2 semaphore(%arg12 : memref<!tpu.dma_semaphore, #tpu.memory_space<semaphore_mem>>) src(%arg8 : memref<16x1024xf32, #tpu.memory_space<vmem>>) dst(%dma_wait3A_94 : memref<16x1024xf32, #tpu.memory_space<hbm>>)
    %scan3A_95 = arith.constant 0 : i32
    %scan3A_96 = arith.constant 0 : i32
    %scan3A_97 = arith.constant 64 : i32
    %scan3A_98 = arith.addi %scan3A_96, %scan3A_97 : i32
    %scan3A_99 = arith.constant 1 : i32
    scf.for %scan3A_481 = %scan3A_96 to %scan3A_98 step %scan3A_99  : i32 {
      %mul3A_482 = arith.constant 16 : i32
      %mul3A_483 = arith.muli %scan3A_481, %mul3A_482 : i32
      %get3A = arith.index_cast %mul3A_483 : i32 to index
      %get3A_484 = tpu.vector_load %arg5[%get3A] {strides = array<i32>} : memref<1024xi32, #tpu.memory_space<vmem>>, vector<16xi32>,
      %add3A_485 = arith.constant 0 : i32
      %add3A_486 = vector.broadcast %add3A_485 : i32 to vector<16xi32>
      %add3A_487 = arith.addi %get3A_484, %add3A_486 : vector<16xi32>
      %gather3A = tpu.vector_load_idx %arg6[%add3A_487] : memref<16384xf32, #tpu.memory_space<vmem>>[vector<16xi32>], vector<16xf32>,
      %mul3A_488 = arith.constant 16 : i32
      %mul3A_489 = arith.muli %scan3A_481, %mul3A_488 : i32
      %swap3A = arith.constant 0 : i32
      %swap3A_490 = arith.index_cast %swap3A : i32 to index
      %swap3A_491 = arith.index_cast %mul3A_489 : i32 to index
      %swap3A_492 = tpu.vector_load %arg8[%swap3A_490, %swap3A_491] {strides = array<i32>} : memref<16x1024xf32, #tpu.memory_space<vmem>>, vector<16xf32>,
      tpu.vector_store %arg8[%swap3A_490, %swap3A_491], %gather3A {strides = array<i32>} : memref<16x1024xf32, #tpu.memory_space<vmem>>, vector<16xf32>,
      %add3A_493 = arith.constant 1024 : i32
      %add3A_494 = vector.broadcast %add3A_493 : i32 to vector<16xi32>
      %add3A_495 = arith.addi %get3A_484, %add3A_494 : vector<16xi32>
      %gather3A_496 = tpu.vector_load_idx %arg6[%add3A_495] : memref<16384xf32, #tpu.memory_space<vmem>>[vector<16xi32>], vector<16xf32>,
      %mul3A_497 = arith.constant 16 : i32
      %mul3A_498 = arith.muli %scan3A_481, %mul3A_497 : i32
      %swap3A_499 = arith.constant 1 : i32
      %swap3A_500 = arith.index_cast %swap3A_499 : i32 to index
      %swap3A_501 = arith.index_cast %mul3A_498 : i32 to index
      %swap3A_502 = tpu.vector_load %arg8[%swap3A_500, %swap3A_501] {strides = array<i32>} : memref<16x1024xf32, #tpu.memory_space<vmem>>, vector<16xf32>,
      tpu.vector_store %arg8[%swap3A_500, %swap3A_501], %gather3A_496 {strides = array<i32>} : memref<16x1024xf32, #tpu.memory_space<vmem>>, vector<16xf32>,
      %add3A_503 = arith.constant 2048 : i32
      %add3A_504 = vector.broadcast %add3A_503 : i32 to vector<16xi32>
      %add3A_505 = arith.addi %get3A_484, %add3A_504 : vector<16xi32>
      %gather3A_506 = tpu.vector_load_idx %arg6[%add3A_505] : memref<16384xf32, #tpu.memory_space<vmem>>[vector<16xi32>], vector<16xf32>,
      %mul3A_507 = arith.constant 16 : i32
      %mul3A_508 = arith.muli %scan3A_481, %mul3A_507 : i32
      %swap3A_509 = arith.constant 2 : i32
      %swap3A_510 = arith.index_cast %swap3A_509 : i32 to index
      %swap3A_511 = arith.index_cast %mul3A_508 : i32 to index
      %swap3A_512 = tpu.vector_load %arg8[%swap3A_510, %swap3A_511] {strides = array<i32>} : memref<16x1024xf32, #tpu.memory_space<vmem>>, vector<16xf32>,
      tpu.vector_store %arg8[%swap3A_510, %swap3A_511], %gather3A_506 {strides = array<i32>} : memref<16x1024xf32, #tpu.memory_space<vmem>>, vector<16xf32>,
      %add3A_513 = arith.constant 3072 : i32
      %add3A_514 = vector.broadcast %add3A_513 : i32 to vector<16xi32>
      %add3A_515 = arith.addi %get3A_484, %add3A_514 : vector<16xi32>
      %gather3A_516 = tpu.vector_load_idx %arg6[%add3A_515] : memref<16384xf32, #tpu.memory_space<vmem>>[vector<16xi32>], vector<16xf32>,
      %mul3A_517 = arith.constant 16 : i32
      %mul3A_518 = arith.muli %scan3A_481, %mul3A_517 : i32
      %swap3A_519 = arith.constant 3 : i32
      %swap3A_520 = arith.index_cast %swap3A_519 : i32 to index
      %swap3A_521 = arith.index_cast %mul3A_518 : i32 to index
      %swap3A_522 = tpu.vector_load %arg8[%swap3A_520, %swap3A_521] {strides = array<i32>} : memref<16x1024xf32, #tpu.memory_space<vmem>>, vector<16xf32>,
      tpu.vector_store %arg8[%swap3A_520, %swap3A_521], %gather3A_516 {strides = array<i32>} : memref<16x1024xf32, #tpu.memory_space<vmem>>, vector<16xf32>,
      %add3A_523 = arith.constant 4096 : i32
      %add3A_524 = vector.broadcast %add3A_523 : i32 to vector<16xi32>
      %add3A_525 = arith.addi %get3A_484, %add3A_524 : vector<16xi32>
      %gather3A_526 = tpu.vector_load_idx %arg6[%add3A_525] : memref<16384xf32, #tpu.memory_space<vmem>>[vector<16xi32>], vector<16xf32>,
      %mul3A_527 = arith.constant 16 : i32
      %mul3A_528 = arith.muli %scan3A_481, %mul3A_527 : i32
      %swap3A_529 = arith.constant 4 : i32
      %swap3A_530 = arith.index_cast %swap3A_529 : i32 to index
      %swap3A_531 = arith.index_cast %mul3A_528 : i32 to index
      %swap3A_532 = tpu.vector_load %arg8[%swap3A_530, %swap3A_531] {strides = array<i32>} : memref<16x1024xf32, #tpu.memory_space<vmem>>, vector<16xf32>,
      tpu.vector_store %arg8[%swap3A_530, %swap3A_531], %gather3A_526 {strides = array<i32>} : memref<16x1024xf32, #tpu.memory_space<vmem>>, vector<16xf32>,
      %add3A_533 = arith.constant 5120 : i32
      %add3A_534 = vector.broadcast %add3A_533 : i32 to vector<16xi32>
      %add3A_535 = arith.addi %get3A_484, %add3A_534 : vector<16xi32>
      %gather3A_536 = tpu.vector_load_idx %arg6[%add3A_535] : memref<16384xf32, #tpu.memory_space<vmem>>[vector<16xi32>], vector<16xf32>,
      %mul3A_537 = arith.constant 16 : i32
      %mul3A_538 = arith.muli %scan3A_481, %mul3A_537 : i32
      %swap3A_539 = arith.constant 5 : i32
      %swap3A_540 = arith.index_cast %swap3A_539 : i32 to index
      %swap3A_541 = arith.index_cast %mul3A_538 : i32 to index
      %swap3A_542 = tpu.vector_load %arg8[%swap3A_540, %swap3A_541] {strides = array<i32>} : memref<16x1024xf32, #tpu.memory_space<vmem>>, vector<16xf32>,
      tpu.vector_store %arg8[%swap3A_540, %swap3A_541], %gather3A_536 {strides = array<i32>} : memref<16x1024xf32, #tpu.memory_space<vmem>>, vector<16xf32>,
      %add3A_543 = arith.constant 6144 : i32
      %add3A_544 = vector.broadcast %add3A_543 : i32 to vector<16xi32>
      %add3A_545 = arith.addi %get3A_484, %add3A_544 : vector<16xi32>
      %gather3A_546 = tpu.vector_load_idx %arg6[%add3A_545] : memref<16384xf32, #tpu.memory_space<vmem>>[vector<16xi32>], vector<16xf32>,
      %mul3A_547 = arith.constant 16 : i32
      %mul3A_548 = arith.muli %scan3A_481, %mul3A_547 : i32
      %swap3A_549 = arith.constant 6 : i32
      %swap3A_550 = arith.index_cast %swap3A_549 : i32 to index
      %swap3A_551 = arith.index_cast %mul3A_548 : i32 to index
      %swap3A_552 = tpu.vector_load %arg8[%swap3A_550, %swap3A_551] {strides = array<i32>} : memref<16x1024xf32, #tpu.memory_space<vmem>>, vector<16xf32>,
      tpu.vector_store %arg8[%swap3A_550, %swap3A_551], %gather3A_546 {strides = array<i32>} : memref<16x1024xf32, #tpu.memory_space<vmem>>, vector<16xf32>,
      %add3A_553 = arith.constant 7168 : i32
      %add3A_554 = vector.broadcast %add3A_553 : i32 to vector<16xi32>
      %add3A_555 = arith.addi %get3A_484, %add3A_554 : vector<16xi32>
      %gather3A_556 = tpu.vector_load_idx %arg6[%add3A_555] : memref<16384xf32, #tpu.memory_space<vmem>>[vector<16xi32>], vector<16xf32>,
      %mul3A_557 = arith.constant 16 : i32
      %mul3A_558 = arith.muli %scan3A_481, %mul3A_557 : i32
      %swap3A_559 = arith.constant 7 : i32
      %swap3A_560 = arith.index_cast %swap3A_559 : i32 to index
      %swap3A_561 = arith.index_cast %mul3A_558 : i32 to index
      %swap3A_562 = tpu.vector_load %arg8[%swap3A_560, %swap3A_561] {strides = array<i32>} : memref<16x1024xf32, #tpu.memory_space<vmem>>, vector<16xf32>,
      tpu.vector_store %arg8[%swap3A_560, %swap3A_561], %gather3A_556 {strides = array<i32>} : memref<16x1024xf32, #tpu.memory_space<vmem>>, vector<16xf32>,
      %add3A_563 = arith.constant 8192 : i32
      %add3A_564 = vector.broadcast %add3A_563 : i32 to vector<16xi32>
      %add3A_565 = arith.addi %get3A_484, %add3A_564 : vector<16xi32>
      %gather3A_566 = tpu.vector_load_idx %arg6[%add3A_565] : memref<16384xf32, #tpu.memory_space<vmem>>[vector<16xi32>], vector<16xf32>,
      %mul3A_567 = arith.constant 16 : i32
      %mul3A_568 = arith.muli %scan3A_481, %mul3A_567 : i32
      %swap3A_569 = arith.constant 8 : i32
      %swap3A_570 = arith.index_cast %swap3A_569 : i32 to index
      %swap3A_571 = arith.index_cast %mul3A_568 : i32 to index
      %swap3A_572 = tpu.vector_load %arg8[%swap3A_570, %swap3A_571] {strides = array<i32>} : memref<16x1024xf32, #tpu.memory_space<vmem>>, vector<16xf32>,
      tpu.vector_store %arg8[%swap3A_570, %swap3A_571], %gather3A_566 {strides = array<i32>} : memref<16x1024xf32, #tpu.memory_space<vmem>>, vector<16xf32>,
      %add3A_573 = arith.constant 9216 : i32
      %add3A_574 = vector.broadcast %add3A_573 : i32 to vector<16xi32>
      %add3A_575 = arith.addi %get3A_484, %add3A_574 : vector<16xi32>
      %gather3A_576 = tpu.vector_load_idx %arg6[%add3A_575] : memref<16384xf32, #tpu.memory_space<vmem>>[vector<16xi32>], vector<16xf32>,
      %mul3A_577 = arith.constant 16 : i32
      %mul3A_578 = arith.muli %scan3A_481, %mul3A_577 : i32
      %swap3A_579 = arith.constant 9 : i32
      %swap3A_580 = arith.index_cast %swap3A_579 : i32 to index
      %swap3A_581 = arith.index_cast %mul3A_578 : i32 to index
      %swap3A_582 = tpu.vector_load %arg8[%swap3A_580, %swap3A_581] {strides = array<i32>} : memref<16x1024xf32, #tpu.memory_space<vmem>>, vector<16xf32>,
      tpu.vector_store %arg8[%swap3A_580, %swap3A_581], %gather3A_576 {strides = array<i32>} : memref<16x1024xf32, #tpu.memory_space<vmem>>, vector<16xf32>,
      %add3A_583 = arith.constant 10240 : i32
      %add3A_584 = vector.broadcast %add3A_583 : i32 to vector<16xi32>
      %add3A_585 = arith.addi %get3A_484, %add3A_584 : vector<16xi32>
      %gather3A_586 = tpu.vector_load_idx %arg6[%add3A_585] : memref<16384xf32, #tpu.memory_space<vmem>>[vector<16xi32>], vector<16xf32>,
      %mul3A_587 = arith.constant 16 : i32
      %mul3A_588 = arith.muli %scan3A_481, %mul3A_587 : i32
      %swap3A_589 = arith.constant 10 : i32
      %swap3A_590 = arith.index_cast %swap3A_589 : i32 to index
      %swap3A_591 = arith.index_cast %mul3A_588 : i32 to index
      %swap3A_592 = tpu.vector_load %arg8[%swap3A_590, %swap3A_591] {strides = array<i32>} : memref<16x1024xf32, #tpu.memory_space<vmem>>, vector<16xf32>,
      tpu.vector_store %arg8[%swap3A_590, %swap3A_591], %gather3A_586 {strides = array<i32>} : memref<16x1024xf32, #tpu.memory_space<vmem>>, vector<16xf32>,
      %add3A_593 = arith.constant 11264 : i32
      %add3A_594 = vector.broadcast %add3A_593 : i32 to vector<16xi32>
      %add3A_595 = arith.addi %get3A_484, %add3A_594 : vector<16xi32>
      %gather3A_596 = tpu.vector_load_idx %arg6[%add3A_595] : memref<16384xf32, #tpu.memory_space<vmem>>[vector<16xi32>], vector<16xf32>,
      %mul3A_597 = arith.constant 16 : i32
      %mul3A_598 = arith.muli %scan3A_481, %mul3A_597 : i32
      %swap3A_599 = arith.constant 11 : i32
      %swap3A_600 = arith.index_cast %swap3A_599 : i32 to index
      %swap3A_601 = arith.index_cast %mul3A_598 : i32 to index
      %swap3A_602 = tpu.vector_load %arg8[%swap3A_600, %swap3A_601] {strides = array<i32>} : memref<16x1024xf32, #tpu.memory_space<vmem>>, vector<16xf32>,
      tpu.vector_store %arg8[%swap3A_600, %swap3A_601], %gather3A_596 {strides = array<i32>} : memref<16x1024xf32, #tpu.memory_space<vmem>>, vector<16xf32>,
      %add3A_603 = arith.constant 12288 : i32
      %add3A_604 = vector.broadcast %add3A_603 : i32 to vector<16xi32>
      %add3A_605 = arith.addi %get3A_484, %add3A_604 : vector<16xi32>
      %gather3A_606 = tpu.vector_load_idx %arg6[%add3A_605] : memref<16384xf32, #tpu.memory_space<vmem>>[vector<16xi32>], vector<16xf32>,
      %mul3A_607 = arith.constant 16 : i32
      %mul3A_608 = arith.muli %scan3A_481, %mul3A_607 : i32
      %swap3A_609 = arith.constant 12 : i32
      %swap3A_610 = arith.index_cast %swap3A_609 : i32 to index
      %swap3A_611 = arith.index_cast %mul3A_608 : i32 to index
      %swap3A_612 = tpu.vector_load %arg8[%swap3A_610, %swap3A_611] {strides = array<i32>} : memref<16x1024xf32, #tpu.memory_space<vmem>>, vector<16xf32>,
      tpu.vector_store %arg8[%swap3A_610, %swap3A_611], %gather3A_606 {strides = array<i32>} : memref<16x1024xf32, #tpu.memory_space<vmem>>, vector<16xf32>,
      %add3A_613 = arith.constant 13312 : i32
      %add3A_614 = vector.broadcast %add3A_613 : i32 to vector<16xi32>
      %add3A_615 = arith.addi %get3A_484, %add3A_614 : vector<16xi32>
      %gather3A_616 = tpu.vector_load_idx %arg6[%add3A_615] : memref<16384xf32, #tpu.memory_space<vmem>>[vector<16xi32>], vector<16xf32>,
      %mul3A_617 = arith.constant 16 : i32
      %mul3A_618 = arith.muli %scan3A_481, %mul3A_617 : i32
      %swap3A_619 = arith.constant 13 : i32
      %swap3A_620 = arith.index_cast %swap3A_619 : i32 to index
      %swap3A_621 = arith.index_cast %mul3A_618 : i32 to index
      %swap3A_622 = tpu.vector_load %arg8[%swap3A_620, %swap3A_621] {strides = array<i32>} : memref<16x1024xf32, #tpu.memory_space<vmem>>, vector<16xf32>,
      tpu.vector_store %arg8[%swap3A_620, %swap3A_621], %gather3A_616 {strides = array<i32>} : memref<16x1024xf32, #tpu.memory_space<vmem>>, vector<16xf32>,
      %add3A_623 = arith.constant 14336 : i32
      %add3A_624 = vector.broadcast %add3A_623 : i32 to vector<16xi32>
      %add3A_625 = arith.addi %get3A_484, %add3A_624 : vector<16xi32>
      %gather3A_626 = tpu.vector_load_idx %arg6[%add3A_625] : memref<16384xf32, #tpu.memory_space<vmem>>[vector<16xi32>], vector<16xf32>,
      %mul3A_627 = arith.constant 16 : i32
      %mul3A_628 = arith.muli %scan3A_481, %mul3A_627 : i32
      %swap3A_629 = arith.constant 14 : i32
      %swap3A_630 = arith.index_cast %swap3A_629 : i32 to index
      %swap3A_631 = arith.index_cast %mul3A_628 : i32 to index
      %swap3A_632 = tpu.vector_load %arg8[%swap3A_630, %swap3A_631] {strides = array<i32>} : memref<16x1024xf32, #tpu.memory_space<vmem>>, vector<16xf32>,
      tpu.vector_store %arg8[%swap3A_630, %swap3A_631], %gather3A_626 {strides = array<i32>} : memref<16x1024xf32, #tpu.memory_space<vmem>>, vector<16xf32>,
      %add3A_633 = arith.constant 15360 : i32
      %add3A_634 = vector.broadcast %add3A_633 : i32 to vector<16xi32>
      %add3A_635 = arith.addi %get3A_484, %add3A_634 : vector<16xi32>
      %gather3A_636 = tpu.vector_load_idx %arg6[%add3A_635] : memref<16384xf32, #tpu.memory_space<vmem>>[vector<16xi32>], vector<16xf32>,
      %mul3A_637 = arith.constant 16 : i32
      %mul3A_638 = arith.muli %scan3A_481, %mul3A_637 : i32
      %swap3A_639 = arith.constant 15 : i32
      %swap3A_640 = arith.index_cast %swap3A_639 : i32 to index
      %swap3A_641 = arith.index_cast %mul3A_638 : i32 to index
      %swap3A_642 = tpu.vector_load %arg8[%swap3A_640, %swap3A_641] {strides = array<i32>} : memref<16x1024xf32, #tpu.memory_space<vmem>>, vector<16xf32>,
      tpu.vector_store %arg8[%swap3A_640, %swap3A_641], %gather3A_636 {strides = array<i32>} : memref<16x1024xf32, #tpu.memory_space<vmem>>, vector<16xf32>,
    }
    %scan3A_100 = arith.constant 64 : i32
    %mul3A_101 = arith.constant 1024 : i32
    %mul3A_102 = arith.muli %select_n3A_30, %mul3A_101 : i32
    %dma_start3A_103 = arith.constant 32 : i32
    %dma_start3A_104 = tpu.memref_slice %arg4[%select_n3A, %dma_start3A_103, %mul3A_102] : memref<8x256x4096xf32, #tpu.memory_space<hbm>> -> memref<1x16x1024xf32, #tpu.memory_space<hbm>>
    %dma_start3A_105 = tpu.memref_squeeze %dma_start3A_104 : memref<1x16x1024xf32, #tpu.memory_space<hbm>> -> memref<16x1024xf32, #tpu.memory_space<hbm>>
    %dma_start3A_106 = arith.constant 32 : i32
    %dma_start3A_107 = tpu.memref_slice %arg4[%select_n3A, %dma_start3A_106, %mul3A_102] : memref<8x256x4096xf32, #tpu.memory_space<hbm>> -> memref<1x16x1024xf32, #tpu.memory_space<hbm>>
    %dma_start3A_108 = tpu.memref_squeeze %dma_start3A_107 : memref<1x16x1024xf32, #tpu.memory_space<hbm>> -> memref<16x1024xf32, #tpu.memory_space<hbm>>
    tpu.enqueue_dma source(%arg8 : memref<16x1024xf32, #tpu.memory_space<vmem>>) target(%dma_start3A_108 : memref<16x1024xf32, #tpu.memory_space<hbm>>) target_semaphore(%arg12 : memref<!tpu.dma_semaphore, #tpu.memory_space<semaphore_mem>>)
    %dma_start3A_109 = arith.constant 65536 : i32
    %dma_start3A_110 = tpu.memref_slice %arg2[%dma_start3A_109] : memref<262144xf32, #tpu.memory_space<hbm>> -> memref<16384xf32, #tpu.memory_space<hbm>>
    %dma_start3A_111 = arith.constant 65536 : i32
    %dma_start3A_112 = tpu.memref_slice %arg2[%dma_start3A_111] : memref<262144xf32, #tpu.memory_space<hbm>> -> memref<16384xf32, #tpu.memory_space<hbm>>
    tpu.enqueue_dma source(%dma_start3A_112 : memref<16384xf32, #tpu.memory_space<hbm>>) target(%arg6 : memref<16384xf32, #tpu.memory_space<vmem>>) target_semaphore(%arg10 : memref<!tpu.dma_semaphore, #tpu.memory_space<semaphore_mem>>)
    %dma_wait3A_113 = arith.constant 49152 : i32
    %dma_wait3A_114 = tpu.memref_slice %arg2[%dma_wait3A_113] : memref<262144xf32, #tpu.memory_space<hbm>> -> memref<16384xf32, #tpu.memory_space<hbm>>
    %dma_wait3A_115 = arith.constant 49152 : i32
    %dma_wait3A_116 = tpu.memref_slice %arg2[%dma_wait3A_115] : memref<262144xf32, #tpu.memory_space<hbm>> -> memref<16384xf32, #tpu.memory_space<hbm>>
    tpu.wait_dma2 semaphore(%arg11 : memref<!tpu.dma_semaphore, #tpu.memory_space<semaphore_mem>>) src(%dma_wait3A_116 : memref<16384xf32, #tpu.memory_space<hbm>>) dst(%arg7 : memref<16384xf32, #tpu.memory_space<vmem>>)
    %dma_wait3A_117 = arith.constant 16 : i32
    %dma_wait3A_118 = tpu.memref_slice %arg4[%select_n3A, %dma_wait3A_117, %mul3A_74] : memref<8x256x4096xf32, #tpu.memory_space<hbm>> -> memref<1x16x1024xf32, #tpu.memory_space<hbm>>
    %dma_wait3A_119 = tpu.memref_squeeze %dma_wait3A_118 : memref<1x16x1024xf32, #tpu.memory_space<hbm>> -> memref<16x1024xf32, #tpu.memory_space<hbm>>
    %dma_wait3A_120 = arith.constant 16 : i32
    %dma_wait3A_121 = tpu.memref_slice %arg4[%select_n3A, %dma_wait3A_120, %mul3A_74] : memref<8x256x4096xf32, #tpu.memory_space<hbm>> -> memref<1x16x1024xf32, #tpu.memory_space<hbm>>
    %dma_wait3A_122 = tpu.memref_squeeze %dma_wait3A_121 : memref<1x16x1024xf32, #tpu.memory_space<hbm>> -> memref<16x1024xf32, #tpu.memory_space<hbm>>
    tpu.wait_dma2 semaphore(%arg13 : memref<!tpu.dma_semaphore, #tpu.memory_space<semaphore_mem>>) src(%arg9 : memref<16x1024xf32, #tpu.memory_space<vmem>>) dst(%dma_wait3A_122 : memref<16x1024xf32, #tpu.memory_space<hbm>>)
    %scan3A_123 = arith.constant 0 : i32
    %scan3A_124 = arith.constant 0 : i32
    %scan3A_125 = arith.constant 64 : i32
    %scan3A_126 = arith.addi %scan3A_124, %scan3A_125 : i32
    %scan3A_127 = arith.constant 1 : i32
    scf.for %scan3A_481 = %scan3A_124 to %scan3A_126 step %scan3A_127  : i32 {
      %mul3A_482 = arith.constant 16 : i32
      %mul3A_483 = arith.muli %scan3A_481, %mul3A_482 : i32
      %get3A = arith.index_cast %mul3A_483 : i32 to index
      %get3A_484 = tpu.vector_load %arg5[%get3A] {strides = array<i32>} : memref<1024xi32, #tpu.memory_space<vmem>>, vector<16xi32>,
      %add3A_485 = arith.constant 0 : i32
      %add3A_486 = vector.broadcast %add3A_485 : i32 to vector<16xi32>
      %add3A_487 = arith.addi %get3A_484, %add3A_486 : vector<16xi32>
      %gather3A = tpu.vector_load_idx %arg7[%add3A_487] : memref<16384xf32, #tpu.memory_space<vmem>>[vector<16xi32>], vector<16xf32>,
      %mul3A_488 = arith.constant 16 : i32
      %mul3A_489 = arith.muli %scan3A_481, %mul3A_488 : i32
      %swap3A = arith.constant 0 : i32
      %swap3A_490 = arith.index_cast %swap3A : i32 to index
      %swap3A_491 = arith.index_cast %mul3A_489 : i32 to index
      %swap3A_492 = tpu.vector_load %arg9[%swap3A_490, %swap3A_491] {strides = array<i32>} : memref<16x1024xf32, #tpu.memory_space<vmem>>, vector<16xf32>,
      tpu.vector_store %arg9[%swap3A_490, %swap3A_491], %gather3A {strides = array<i32>} : memref<16x1024xf32, #tpu.memory_space<vmem>>, vector<16xf32>,
      %add3A_493 = arith.constant 1024 : i32
      %add3A_494 = vector.broadcast %add3A_493 : i32 to vector<16xi32>
      %add3A_495 = arith.addi %get3A_484, %add3A_494 : vector<16xi32>
      %gather3A_496 = tpu.vector_load_idx %arg7[%add3A_495] : memref<16384xf32, #tpu.memory_space<vmem>>[vector<16xi32>], vector<16xf32>,
      %mul3A_497 = arith.constant 16 : i32
      %mul3A_498 = arith.muli %scan3A_481, %mul3A_497 : i32
      %swap3A_499 = arith.constant 1 : i32
      %swap3A_500 = arith.index_cast %swap3A_499 : i32 to index
      %swap3A_501 = arith.index_cast %mul3A_498 : i32 to index
      %swap3A_502 = tpu.vector_load %arg9[%swap3A_500, %swap3A_501] {strides = array<i32>} : memref<16x1024xf32, #tpu.memory_space<vmem>>, vector<16xf32>,
      tpu.vector_store %arg9[%swap3A_500, %swap3A_501], %gather3A_496 {strides = array<i32>} : memref<16x1024xf32, #tpu.memory_space<vmem>>, vector<16xf32>,
      %add3A_503 = arith.constant 2048 : i32
      %add3A_504 = vector.broadcast %add3A_503 : i32 to vector<16xi32>
      %add3A_505 = arith.addi %get3A_484, %add3A_504 : vector<16xi32>
      %gather3A_506 = tpu.vector_load_idx %arg7[%add3A_505] : memref<16384xf32, #tpu.memory_space<vmem>>[vector<16xi32>], vector<16xf32>,
      %mul3A_507 = arith.constant 16 : i32
      %mul3A_508 = arith.muli %scan3A_481, %mul3A_507 : i32
      %swap3A_509 = arith.constant 2 : i32
      %swap3A_510 = arith.index_cast %swap3A_509 : i32 to index
      %swap3A_511 = arith.index_cast %mul3A_508 : i32 to index
      %swap3A_512 = tpu.vector_load %arg9[%swap3A_510, %swap3A_511] {strides = array<i32>} : memref<16x1024xf32, #tpu.memory_space<vmem>>, vector<16xf32>,
      tpu.vector_store %arg9[%swap3A_510, %swap3A_511], %gather3A_506 {strides = array<i32>} : memref<16x1024xf32, #tpu.memory_space<vmem>>, vector<16xf32>,
      %add3A_513 = arith.constant 3072 : i32
      %add3A_514 = vector.broadcast %add3A_513 : i32 to vector<16xi32>
      %add3A_515 = arith.addi %get3A_484, %add3A_514 : vector<16xi32>
      %gather3A_516 = tpu.vector_load_idx %arg7[%add3A_515] : memref<16384xf32, #tpu.memory_space<vmem>>[vector<16xi32>], vector<16xf32>,
      %mul3A_517 = arith.constant 16 : i32
      %mul3A_518 = arith.muli %scan3A_481, %mul3A_517 : i32
      %swap3A_519 = arith.constant 3 : i32
      %swap3A_520 = arith.index_cast %swap3A_519 : i32 to index
      %swap3A_521 = arith.index_cast %mul3A_518 : i32 to index
      %swap3A_522 = tpu.vector_load %arg9[%swap3A_520, %swap3A_521] {strides = array<i32>} : memref<16x1024xf32, #tpu.memory_space<vmem>>, vector<16xf32>,
      tpu.vector_store %arg9[%swap3A_520, %swap3A_521], %gather3A_516 {strides = array<i32>} : memref<16x1024xf32, #tpu.memory_space<vmem>>, vector<16xf32>,
      %add3A_523 = arith.constant 4096 : i32
      %add3A_524 = vector.broadcast %add3A_523 : i32 to vector<16xi32>
      %add3A_525 = arith.addi %get3A_484, %add3A_524 : vector<16xi32>
      %gather3A_526 = tpu.vector_load_idx %arg7[%add3A_525] : memref<16384xf32, #tpu.memory_space<vmem>>[vector<16xi32>], vector<16xf32>,
      %mul3A_527 = arith.constant 16 : i32
      %mul3A_528 = arith.muli %scan3A_481, %mul3A_527 : i32
      %swap3A_529 = arith.constant 4 : i32
      %swap3A_530 = arith.index_cast %swap3A_529 : i32 to index
      %swap3A_531 = arith.index_cast %mul3A_528 : i32 to index
      %swap3A_532 = tpu.vector_load %arg9[%swap3A_530, %swap3A_531] {strides = array<i32>} : memref<16x1024xf32, #tpu.memory_space<vmem>>, vector<16xf32>,
      tpu.vector_store %arg9[%swap3A_530, %swap3A_531], %gather3A_526 {strides = array<i32>} : memref<16x1024xf32, #tpu.memory_space<vmem>>, vector<16xf32>,
      %add3A_533 = arith.constant 5120 : i32
      %add3A_534 = vector.broadcast %add3A_533 : i32 to vector<16xi32>
      %add3A_535 = arith.addi %get3A_484, %add3A_534 : vector<16xi32>
      %gather3A_536 = tpu.vector_load_idx %arg7[%add3A_535] : memref<16384xf32, #tpu.memory_space<vmem>>[vector<16xi32>], vector<16xf32>,
      %mul3A_537 = arith.constant 16 : i32
      %mul3A_538 = arith.muli %scan3A_481, %mul3A_537 : i32
      %swap3A_539 = arith.constant 5 : i32
      %swap3A_540 = arith.index_cast %swap3A_539 : i32 to index
      %swap3A_541 = arith.index_cast %mul3A_538 : i32 to index
      %swap3A_542 = tpu.vector_load %arg9[%swap3A_540, %swap3A_541] {strides = array<i32>} : memref<16x1024xf32, #tpu.memory_space<vmem>>, vector<16xf32>,
      tpu.vector_store %arg9[%swap3A_540, %swap3A_541], %gather3A_536 {strides = array<i32>} : memref<16x1024xf32, #tpu.memory_space<vmem>>, vector<16xf32>,
      %add3A_543 = arith.constant 6144 : i32
      %add3A_544 = vector.broadcast %add3A_543 : i32 to vector<16xi32>
      %add3A_545 = arith.addi %get3A_484, %add3A_544 : vector<16xi32>
      %gather3A_546 = tpu.vector_load_idx %arg7[%add3A_545] : memref<16384xf32, #tpu.memory_space<vmem>>[vector<16xi32>], vector<16xf32>,
      %mul3A_547 = arith.constant 16 : i32
      %mul3A_548 = arith.muli %scan3A_481, %mul3A_547 : i32
      %swap3A_549 = arith.constant 6 : i32
      %swap3A_550 = arith.index_cast %swap3A_549 : i32 to index
      %swap3A_551 = arith.index_cast %mul3A_548 : i32 to index
      %swap3A_552 = tpu.vector_load %arg9[%swap3A_550, %swap3A_551] {strides = array<i32>} : memref<16x1024xf32, #tpu.memory_space<vmem>>, vector<16xf32>,
      tpu.vector_store %arg9[%swap3A_550, %swap3A_551], %gather3A_546 {strides = array<i32>} : memref<16x1024xf32, #tpu.memory_space<vmem>>, vector<16xf32>,
      %add3A_553 = arith.constant 7168 : i32
      %add3A_554 = vector.broadcast %add3A_553 : i32 to vector<16xi32>
      %add3A_555 = arith.addi %get3A_484, %add3A_554 : vector<16xi32>
      %gather3A_556 = tpu.vector_load_idx %arg7[%add3A_555] : memref<16384xf32, #tpu.memory_space<vmem>>[vector<16xi32>], vector<16xf32>,
      %mul3A_557 = arith.constant 16 : i32
      %mul3A_558 = arith.muli %scan3A_481, %mul3A_557 : i32
      %swap3A_559 = arith.constant 7 : i32
      %swap3A_560 = arith.index_cast %swap3A_559 : i32 to index
      %swap3A_561 = arith.index_cast %mul3A_558 : i32 to index
      %swap3A_562 = tpu.vector_load %arg9[%swap3A_560, %swap3A_561] {strides = array<i32>} : memref<16x1024xf32, #tpu.memory_space<vmem>>, vector<16xf32>,
      tpu.vector_store %arg9[%swap3A_560, %swap3A_561], %gather3A_556 {strides = array<i32>} : memref<16x1024xf32, #tpu.memory_space<vmem>>, vector<16xf32>,
      %add3A_563 = arith.constant 8192 : i32
      %add3A_564 = vector.broadcast %add3A_563 : i32 to vector<16xi32>
      %add3A_565 = arith.addi %get3A_484, %add3A_564 : vector<16xi32>
      %gather3A_566 = tpu.vector_load_idx %arg7[%add3A_565] : memref<16384xf32, #tpu.memory_space<vmem>>[vector<16xi32>], vector<16xf32>,
      %mul3A_567 = arith.constant 16 : i32
      %mul3A_568 = arith.muli %scan3A_481, %mul3A_567 : i32
      %swap3A_569 = arith.constant 8 : i32
      %swap3A_570 = arith.index_cast %swap3A_569 : i32 to index
      %swap3A_571 = arith.index_cast %mul3A_568 : i32 to index
      %swap3A_572 = tpu.vector_load %arg9[%swap3A_570, %swap3A_571] {strides = array<i32>} : memref<16x1024xf32, #tpu.memory_space<vmem>>, vector<16xf32>,
      tpu.vector_store %arg9[%swap3A_570, %swap3A_571], %gather3A_566 {strides = array<i32>} : memref<16x1024xf32, #tpu.memory_space<vmem>>, vector<16xf32>,
      %add3A_573 = arith.constant 9216 : i32
      %add3A_574 = vector.broadcast %add3A_573 : i32 to vector<16xi32>
      %add3A_575 = arith.addi %get3A_484, %add3A_574 : vector<16xi32>
      %gather3A_576 = tpu.vector_load_idx %arg7[%add3A_575] : memref<16384xf32, #tpu.memory_space<vmem>>[vector<16xi32>], vector<16xf32>,
      %mul3A_577 = arith.constant 16 : i32
      %mul3A_578 = arith.muli %scan3A_481, %mul3A_577 : i32
      %swap3A_579 = arith.constant 9 : i32
      %swap3A_580 = arith.index_cast %swap3A_579 : i32 to index
      %swap3A_581 = arith.index_cast %mul3A_578 : i32 to index
      %swap3A_582 = tpu.vector_load %arg9[%swap3A_580, %swap3A_581] {strides = array<i32>} : memref<16x1024xf32, #tpu.memory_space<vmem>>, vector<16xf32>,
      tpu.vector_store %arg9[%swap3A_580, %swap3A_581], %gather3A_576 {strides = array<i32>} : memref<16x1024xf32, #tpu.memory_space<vmem>>, vector<16xf32>,
      %add3A_583 = arith.constant 10240 : i32
      %add3A_584 = vector.broadcast %add3A_583 : i32 to vector<16xi32>
      %add3A_585 = arith.addi %get3A_484, %add3A_584 : vector<16xi32>
      %gather3A_586 = tpu.vector_load_idx %arg7[%add3A_585] : memref<16384xf32, #tpu.memory_space<vmem>>[vector<16xi32>], vector<16xf32>,
      %mul3A_587 = arith.constant 16 : i32
      %mul3A_588 = arith.muli %scan3A_481, %mul3A_587 : i32
      %swap3A_589 = arith.constant 10 : i32
      %swap3A_590 = arith.index_cast %swap3A_589 : i32 to index
      %swap3A_591 = arith.index_cast %mul3A_588 : i32 to index
      %swap3A_592 = tpu.vector_load %arg9[%swap3A_590, %swap3A_591] {strides = array<i32>} : memref<16x1024xf32, #tpu.memory_space<vmem>>, vector<16xf32>,
      tpu.vector_store %arg9[%swap3A_590, %swap3A_591], %gather3A_586 {strides = array<i32>} : memref<16x1024xf32, #tpu.memory_space<vmem>>, vector<16xf32>,
      %add3A_593 = arith.constant 11264 : i32
      %add3A_594 = vector.broadcast %add3A_593 : i32 to vector<16xi32>
      %add3A_595 = arith.addi %get3A_484, %add3A_594 : vector<16xi32>
      %gather3A_596 = tpu.vector_load_idx %arg7[%add3A_595] : memref<16384xf32, #tpu.memory_space<vmem>>[vector<16xi32>], vector<16xf32>,
      %mul3A_597 = arith.constant 16 : i32
      %mul3A_598 = arith.muli %scan3A_481, %mul3A_597 : i32
      %swap3A_599 = arith.constant 11 : i32
      %swap3A_600 = arith.index_cast %swap3A_599 : i32 to index
      %swap3A_601 = arith.index_cast %mul3A_598 : i32 to index
      %swap3A_602 = tpu.vector_load %arg9[%swap3A_600, %swap3A_601] {strides = array<i32>} : memref<16x1024xf32, #tpu.memory_space<vmem>>, vector<16xf32>,
      tpu.vector_store %arg9[%swap3A_600, %swap3A_601], %gather3A_596 {strides = array<i32>} : memref<16x1024xf32, #tpu.memory_space<vmem>>, vector<16xf32>,
      %add3A_603 = arith.constant 12288 : i32
      %add3A_604 = vector.broadcast %add3A_603 : i32 to vector<16xi32>
      %add3A_605 = arith.addi %get3A_484, %add3A_604 : vector<16xi32>
      %gather3A_606 = tpu.vector_load_idx %arg7[%add3A_605] : memref<16384xf32, #tpu.memory_space<vmem>>[vector<16xi32>], vector<16xf32>,
      %mul3A_607 = arith.constant 16 : i32
      %mul3A_608 = arith.muli %scan3A_481, %mul3A_607 : i32
      %swap3A_609 = arith.constant 12 : i32
      %swap3A_610 = arith.index_cast %swap3A_609 : i32 to index
      %swap3A_611 = arith.index_cast %mul3A_608 : i32 to index
      %swap3A_612 = tpu.vector_load %arg9[%swap3A_610, %swap3A_611] {strides = array<i32>} : memref<16x1024xf32, #tpu.memory_space<vmem>>, vector<16xf32>,
      tpu.vector_store %arg9[%swap3A_610, %swap3A_611], %gather3A_606 {strides = array<i32>} : memref<16x1024xf32, #tpu.memory_space<vmem>>, vector<16xf32>,
      %add3A_613 = arith.constant 13312 : i32
      %add3A_614 = vector.broadcast %add3A_613 : i32 to vector<16xi32>
      %add3A_615 = arith.addi %get3A_484, %add3A_614 : vector<16xi32>
      %gather3A_616 = tpu.vector_load_idx %arg7[%add3A_615] : memref<16384xf32, #tpu.memory_space<vmem>>[vector<16xi32>], vector<16xf32>,
      %mul3A_617 = arith.constant 16 : i32
      %mul3A_618 = arith.muli %scan3A_481, %mul3A_617 : i32
      %swap3A_619 = arith.constant 13 : i32
      %swap3A_620 = arith.index_cast %swap3A_619 : i32 to index
      %swap3A_621 = arith.index_cast %mul3A_618 : i32 to index
      %swap3A_622 = tpu.vector_load %arg9[%swap3A_620, %swap3A_621] {strides = array<i32>} : memref<16x1024xf32, #tpu.memory_space<vmem>>, vector<16xf32>,
      tpu.vector_store %arg9[%swap3A_620, %swap3A_621], %gather3A_616 {strides = array<i32>} : memref<16x1024xf32, #tpu.memory_space<vmem>>, vector<16xf32>,
      %add3A_623 = arith.constant 14336 : i32
      %add3A_624 = vector.broadcast %add3A_623 : i32 to vector<16xi32>
      %add3A_625 = arith.addi %get3A_484, %add3A_624 : vector<16xi32>
      %gather3A_626 = tpu.vector_load_idx %arg7[%add3A_625] : memref<16384xf32, #tpu.memory_space<vmem>>[vector<16xi32>], vector<16xf32>,
      %mul3A_627 = arith.constant 16 : i32
      %mul3A_628 = arith.muli %scan3A_481, %mul3A_627 : i32
      %swap3A_629 = arith.constant 14 : i32
      %swap3A_630 = arith.index_cast %swap3A_629 : i32 to index
      %swap3A_631 = arith.index_cast %mul3A_628 : i32 to index
      %swap3A_632 = tpu.vector_load %arg9[%swap3A_630, %swap3A_631] {strides = array<i32>} : memref<16x1024xf32, #tpu.memory_space<vmem>>, vector<16xf32>,
      tpu.vector_store %arg9[%swap3A_630, %swap3A_631], %gather3A_626 {strides = array<i32>} : memref<16x1024xf32, #tpu.memory_space<vmem>>, vector<16xf32>,
      %add3A_633 = arith.constant 15360 : i32
      %add3A_634 = vector.broadcast %add3A_633 : i32 to vector<16xi32>
      %add3A_635 = arith.addi %get3A_484, %add3A_634 : vector<16xi32>
      %gather3A_636 = tpu.vector_load_idx %arg7[%add3A_635] : memref<16384xf32, #tpu.memory_space<vmem>>[vector<16xi32>], vector<16xf32>,
      %mul3A_637 = arith.constant 16 : i32
      %mul3A_638 = arith.muli %scan3A_481, %mul3A_637 : i32
      %swap3A_639 = arith.constant 15 : i32
      %swap3A_640 = arith.index_cast %swap3A_639 : i32 to index
      %swap3A_641 = arith.index_cast %mul3A_638 : i32 to index
      %swap3A_642 = tpu.vector_load %arg9[%swap3A_640, %swap3A_641] {strides = array<i32>} : memref<16x1024xf32, #tpu.memory_space<vmem>>, vector<16xf32>,
      tpu.vector_store %arg9[%swap3A_640, %swap3A_641], %gather3A_636 {strides = array<i32>} : memref<16x1024xf32, #tpu.memory_space<vmem>>, vector<16xf32>,
    }
    %scan3A_128 = arith.constant 64 : i32
    %mul3A_129 = arith.constant 1024 : i32
    %mul3A_130 = arith.muli %select_n3A_30, %mul3A_129 : i32
    %dma_start3A_131 = arith.constant 48 : i32
    %dma_start3A_132 = tpu.memref_slice %arg4[%select_n3A, %dma_start3A_131, %mul3A_130] : memref<8x256x4096xf32, #tpu.memory_space<hbm>> -> memref<1x16x1024xf32, #tpu.memory_space<hbm>>
    %dma_start3A_133 = tpu.memref_squeeze %dma_start3A_132 : memref<1x16x1024xf32, #tpu.memory_space<hbm>> -> memref<16x1024xf32, #tpu.memory_space<hbm>>
    %dma_start3A_134 = arith.constant 48 : i32
    %dma_start3A_135 = tpu.memref_slice %arg4[%select_n3A, %dma_start3A_134, %mul3A_130] : memref<8x256x4096xf32, #tpu.memory_space<hbm>> -> memref<1x16x1024xf32, #tpu.memory_space<hbm>>
    %dma_start3A_136 = tpu.memref_squeeze %dma_start3A_135 : memref<1x16x1024xf32, #tpu.memory_space<hbm>> -> memref<16x1024xf32, #tpu.memory_space<hbm>>
    tpu.enqueue_dma source(%arg9 : memref<16x1024xf32, #tpu.memory_space<vmem>>) target(%dma_start3A_136 : memref<16x1024xf32, #tpu.memory_space<hbm>>) target_semaphore(%arg13 : memref<!tpu.dma_semaphore, #tpu.memory_space<semaphore_mem>>)
    %dma_start3A_137 = arith.constant 81920 : i32
    %dma_start3A_138 = tpu.memref_slice %arg2[%dma_start3A_137] : memref<262144xf32, #tpu.memory_space<hbm>> -> memref<16384xf32, #tpu.memory_space<hbm>>
    %dma_start3A_139 = arith.constant 81920 : i32
    %dma_start3A_140 = tpu.memref_slice %arg2[%dma_start3A_139] : memref<262144xf32, #tpu.memory_space<hbm>> -> memref<16384xf32, #tpu.memory_space<hbm>>
    tpu.enqueue_dma source(%dma_start3A_140 : memref<16384xf32, #tpu.memory_space<hbm>>) target(%arg7 : memref<16384xf32, #tpu.memory_space<vmem>>) target_semaphore(%arg11 : memref<!tpu.dma_semaphore, #tpu.memory_space<semaphore_mem>>)
    %dma_wait3A_141 = arith.constant 65536 : i32
    %dma_wait3A_142 = tpu.memref_slice %arg2[%dma_wait3A_141] : memref<262144xf32, #tpu.memory_space<hbm>> -> memref<16384xf32, #tpu.memory_space<hbm>>
    %dma_wait3A_143 = arith.constant 65536 : i32
    %dma_wait3A_144 = tpu.memref_slice %arg2[%dma_wait3A_143] : memref<262144xf32, #tpu.memory_space<hbm>> -> memref<16384xf32, #tpu.memory_space<hbm>>
    tpu.wait_dma2 semaphore(%arg10 : memref<!tpu.dma_semaphore, #tpu.memory_space<semaphore_mem>>) src(%dma_wait3A_144 : memref<16384xf32, #tpu.memory_space<hbm>>) dst(%arg6 : memref<16384xf32, #tpu.memory_space<vmem>>)
    %dma_wait3A_145 = arith.constant 32 : i32
    %dma_wait3A_146 = tpu.memref_slice %arg4[%select_n3A, %dma_wait3A_145, %mul3A_102] : memref<8x256x4096xf32, #tpu.memory_space<hbm>> -> memref<1x16x1024xf32, #tpu.memory_space<hbm>>
    %dma_wait3A_147 = tpu.memref_squeeze %dma_wait3A_146 : memref<1x16x1024xf32, #tpu.memory_space<hbm>> -> memref<16x1024xf32, #tpu.memory_space<hbm>>
    %dma_wait3A_148 = arith.constant 32 : i32
    %dma_wait3A_149 = tpu.memref_slice %arg4[%select_n3A, %dma_wait3A_148, %mul3A_102] : memref<8x256x4096xf32, #tpu.memory_space<hbm>> -> memref<1x16x1024xf32, #tpu.memory_space<hbm>>
    %dma_wait3A_150 = tpu.memref_squeeze %dma_wait3A_149 : memref<1x16x1024xf32, #tpu.memory_space<hbm>> -> memref<16x1024xf32, #tpu.memory_space<hbm>>
    tpu.wait_dma2 semaphore(%arg12 : memref<!tpu.dma_semaphore, #tpu.memory_space<semaphore_mem>>) src(%arg8 : memref<16x1024xf32, #tpu.memory_space<vmem>>) dst(%dma_wait3A_150 : memref<16x1024xf32, #tpu.memory_space<hbm>>)
    %scan3A_151 = arith.constant 0 : i32
    %scan3A_152 = arith.constant 0 : i32
    %scan3A_153 = arith.constant 64 : i32
    %scan3A_154 = arith.addi %scan3A_152, %scan3A_153 : i32
    %scan3A_155 = arith.constant 1 : i32
    scf.for %scan3A_481 = %scan3A_152 to %scan3A_154 step %scan3A_155  : i32 {
      %mul3A_482 = arith.constant 16 : i32
      %mul3A_483 = arith.muli %scan3A_481, %mul3A_482 : i32
      %get3A = arith.index_cast %mul3A_483 : i32 to index
      %get3A_484 = tpu.vector_load %arg5[%get3A] {strides = array<i32>} : memref<1024xi32, #tpu.memory_space<vmem>>, vector<16xi32>,
      %add3A_485 = arith.constant 0 : i32
      %add3A_486 = vector.broadcast %add3A_485 : i32 to vector<16xi32>
      %add3A_487 = arith.addi %get3A_484, %add3A_486 : vector<16xi32>
      %gather3A = tpu.vector_load_idx %arg6[%add3A_487] : memref<16384xf32, #tpu.memory_space<vmem>>[vector<16xi32>], vector<16xf32>,
      %mul3A_488 = arith.constant 16 : i32
      %mul3A_489 = arith.muli %scan3A_481, %mul3A_488 : i32
      %swap3A = arith.constant 0 : i32
      %swap3A_490 = arith.index_cast %swap3A : i32 to index
      %swap3A_491 = arith.index_cast %mul3A_489 : i32 to index
      %swap3A_492 = tpu.vector_load %arg8[%swap3A_490, %swap3A_491] {strides = array<i32>} : memref<16x1024xf32, #tpu.memory_space<vmem>>, vector<16xf32>,
      tpu.vector_store %arg8[%swap3A_490, %swap3A_491], %gather3A {strides = array<i32>} : memref<16x1024xf32, #tpu.memory_space<vmem>>, vector<16xf32>,
      %add3A_493 = arith.constant 1024 : i32
      %add3A_494 = vector.broadcast %add3A_493 : i32 to vector<16xi32>
      %add3A_495 = arith.addi %get3A_484, %add3A_494 : vector<16xi32>
      %gather3A_496 = tpu.vector_load_idx %arg6[%add3A_495] : memref<16384xf32, #tpu.memory_space<vmem>>[vector<16xi32>], vector<16xf32>,
      %mul3A_497 = arith.constant 16 : i32
      %mul3A_498 = arith.muli %scan3A_481, %mul3A_497 : i32
      %swap3A_499 = arith.constant 1 : i32
      %swap3A_500 = arith.index_cast %swap3A_499 : i32 to index
      %swap3A_501 = arith.index_cast %mul3A_498 : i32 to index
      %swap3A_502 = tpu.vector_load %arg8[%swap3A_500, %swap3A_501] {strides = array<i32>} : memref<16x1024xf32, #tpu.memory_space<vmem>>, vector<16xf32>,
      tpu.vector_store %arg8[%swap3A_500, %swap3A_501], %gather3A_496 {strides = array<i32>} : memref<16x1024xf32, #tpu.memory_space<vmem>>, vector<16xf32>,
      %add3A_503 = arith.constant 2048 : i32
      %add3A_504 = vector.broadcast %add3A_503 : i32 to vector<16xi32>
      %add3A_505 = arith.addi %get3A_484, %add3A_504 : vector<16xi32>
      %gather3A_506 = tpu.vector_load_idx %arg6[%add3A_505] : memref<16384xf32, #tpu.memory_space<vmem>>[vector<16xi32>], vector<16xf32>,
      %mul3A_507 = arith.constant 16 : i32
      %mul3A_508 = arith.muli %scan3A_481, %mul3A_507 : i32
      %swap3A_509 = arith.constant 2 : i32
      %swap3A_510 = arith.index_cast %swap3A_509 : i32 to index
      %swap3A_511 = arith.index_cast %mul3A_508 : i32 to index
      %swap3A_512 = tpu.vector_load %arg8[%swap3A_510, %swap3A_511] {strides = array<i32>} : memref<16x1024xf32, #tpu.memory_space<vmem>>, vector<16xf32>,
      tpu.vector_store %arg8[%swap3A_510, %swap3A_511], %gather3A_506 {strides = array<i32>} : memref<16x1024xf32, #tpu.memory_space<vmem>>, vector<16xf32>,
      %add3A_513 = arith.constant 3072 : i32
      %add3A_514 = vector.broadcast %add3A_513 : i32 to vector<16xi32>
      %add3A_515 = arith.addi %get3A_484, %add3A_514 : vector<16xi32>
      %gather3A_516 = tpu.vector_load_idx %arg6[%add3A_515] : memref<16384xf32, #tpu.memory_space<vmem>>[vector<16xi32>], vector<16xf32>,
      %mul3A_517 = arith.constant 16 : i32
      %mul3A_518 = arith.muli %scan3A_481, %mul3A_517 : i32
      %swap3A_519 = arith.constant 3 : i32
      %swap3A_520 = arith.index_cast %swap3A_519 : i32 to index
      %swap3A_521 = arith.index_cast %mul3A_518 : i32 to index
      %swap3A_522 = tpu.vector_load %arg8[%swap3A_520, %swap3A_521] {strides = array<i32>} : memref<16x1024xf32, #tpu.memory_space<vmem>>, vector<16xf32>,
      tpu.vector_store %arg8[%swap3A_520, %swap3A_521], %gather3A_516 {strides = array<i32>} : memref<16x1024xf32, #tpu.memory_space<vmem>>, vector<16xf32>,
      %add3A_523 = arith.constant 4096 : i32
      %add3A_524 = vector.broadcast %add3A_523 : i32 to vector<16xi32>
      %add3A_525 = arith.addi %get3A_484, %add3A_524 : vector<16xi32>
      %gather3A_526 = tpu.vector_load_idx %arg6[%add3A_525] : memref<16384xf32, #tpu.memory_space<vmem>>[vector<16xi32>], vector<16xf32>,
      %mul3A_527 = arith.constant 16 : i32
      %mul3A_528 = arith.muli %scan3A_481, %mul3A_527 : i32
      %swap3A_529 = arith.constant 4 : i32
      %swap3A_530 = arith.index_cast %swap3A_529 : i32 to index
      %swap3A_531 = arith.index_cast %mul3A_528 : i32 to index
      %swap3A_532 = tpu.vector_load %arg8[%swap3A_530, %swap3A_531] {strides = array<i32>} : memref<16x1024xf32, #tpu.memory_space<vmem>>, vector<16xf32>,
      tpu.vector_store %arg8[%swap3A_530, %swap3A_531], %gather3A_526 {strides = array<i32>} : memref<16x1024xf32, #tpu.memory_space<vmem>>, vector<16xf32>,
      %add3A_533 = arith.constant 5120 : i32
      %add3A_534 = vector.broadcast %add3A_533 : i32 to vector<16xi32>
      %add3A_535 = arith.addi %get3A_484, %add3A_534 : vector<16xi32>
      %gather3A_536 = tpu.vector_load_idx %arg6[%add3A_535] : memref<16384xf32, #tpu.memory_space<vmem>>[vector<16xi32>], vector<16xf32>,
      %mul3A_537 = arith.constant 16 : i32
      %mul3A_538 = arith.muli %scan3A_481, %mul3A_537 : i32
      %swap3A_539 = arith.constant 5 : i32
      %swap3A_540 = arith.index_cast %swap3A_539 : i32 to index
      %swap3A_541 = arith.index_cast %mul3A_538 : i32 to index
      %swap3A_542 = tpu.vector_load %arg8[%swap3A_540, %swap3A_541] {strides = array<i32>} : memref<16x1024xf32, #tpu.memory_space<vmem>>, vector<16xf32>,
      tpu.vector_store %arg8[%swap3A_540, %swap3A_541], %gather3A_536 {strides = array<i32>} : memref<16x1024xf32, #tpu.memory_space<vmem>>, vector<16xf32>,
      %add3A_543 = arith.constant 6144 : i32
      %add3A_544 = vector.broadcast %add3A_543 : i32 to vector<16xi32>
      %add3A_545 = arith.addi %get3A_484, %add3A_544 : vector<16xi32>
      %gather3A_546 = tpu.vector_load_idx %arg6[%add3A_545] : memref<16384xf32, #tpu.memory_space<vmem>>[vector<16xi32>], vector<16xf32>,
      %mul3A_547 = arith.constant 16 : i32
      %mul3A_548 = arith.muli %scan3A_481, %mul3A_547 : i32
      %swap3A_549 = arith.constant 6 : i32
      %swap3A_550 = arith.index_cast %swap3A_549 : i32 to index
      %swap3A_551 = arith.index_cast %mul3A_548 : i32 to index
      %swap3A_552 = tpu.vector_load %arg8[%swap3A_550, %swap3A_551] {strides = array<i32>} : memref<16x1024xf32, #tpu.memory_space<vmem>>, vector<16xf32>,
      tpu.vector_store %arg8[%swap3A_550, %swap3A_551], %gather3A_546 {strides = array<i32>} : memref<16x1024xf32, #tpu.memory_space<vmem>>, vector<16xf32>,
      %add3A_553 = arith.constant 7168 : i32
      %add3A_554 = vector.broadcast %add3A_553 : i32 to vector<16xi32>
      %add3A_555 = arith.addi %get3A_484, %add3A_554 : vector<16xi32>
      %gather3A_556 = tpu.vector_load_idx %arg6[%add3A_555] : memref<16384xf32, #tpu.memory_space<vmem>>[vector<16xi32>], vector<16xf32>,
      %mul3A_557 = arith.constant 16 : i32
      %mul3A_558 = arith.muli %scan3A_481, %mul3A_557 : i32
      %swap3A_559 = arith.constant 7 : i32
      %swap3A_560 = arith.index_cast %swap3A_559 : i32 to index
      %swap3A_561 = arith.index_cast %mul3A_558 : i32 to index
      %swap3A_562 = tpu.vector_load %arg8[%swap3A_560, %swap3A_561] {strides = array<i32>} : memref<16x1024xf32, #tpu.memory_space<vmem>>, vector<16xf32>,
      tpu.vector_store %arg8[%swap3A_560, %swap3A_561], %gather3A_556 {strides = array<i32>} : memref<16x1024xf32, #tpu.memory_space<vmem>>, vector<16xf32>,
      %add3A_563 = arith.constant 8192 : i32
      %add3A_564 = vector.broadcast %add3A_563 : i32 to vector<16xi32>
      %add3A_565 = arith.addi %get3A_484, %add3A_564 : vector<16xi32>
      %gather3A_566 = tpu.vector_load_idx %arg6[%add3A_565] : memref<16384xf32, #tpu.memory_space<vmem>>[vector<16xi32>], vector<16xf32>,
      %mul3A_567 = arith.constant 16 : i32
      %mul3A_568 = arith.muli %scan3A_481, %mul3A_567 : i32
      %swap3A_569 = arith.constant 8 : i32
      %swap3A_570 = arith.index_cast %swap3A_569 : i32 to index
      %swap3A_571 = arith.index_cast %mul3A_568 : i32 to index
      %swap3A_572 = tpu.vector_load %arg8[%swap3A_570, %swap3A_571] {strides = array<i32>} : memref<16x1024xf32, #tpu.memory_space<vmem>>, vector<16xf32>,
      tpu.vector_store %arg8[%swap3A_570, %swap3A_571], %gather3A_566 {strides = array<i32>} : memref<16x1024xf32, #tpu.memory_space<vmem>>, vector<16xf32>,
      %add3A_573 = arith.constant 9216 : i32
      %add3A_574 = vector.broadcast %add3A_573 : i32 to vector<16xi32>
      %add3A_575 = arith.addi %get3A_484, %add3A_574 : vector<16xi32>
      %gather3A_576 = tpu.vector_load_idx %arg6[%add3A_575] : memref<16384xf32, #tpu.memory_space<vmem>>[vector<16xi32>], vector<16xf32>,
      %mul3A_577 = arith.constant 16 : i32
      %mul3A_578 = arith.muli %scan3A_481, %mul3A_577 : i32
      %swap3A_579 = arith.constant 9 : i32
      %swap3A_580 = arith.index_cast %swap3A_579 : i32 to index
      %swap3A_581 = arith.index_cast %mul3A_578 : i32 to index
      %swap3A_582 = tpu.vector_load %arg8[%swap3A_580, %swap3A_581] {strides = array<i32>} : memref<16x1024xf32, #tpu.memory_space<vmem>>, vector<16xf32>,
      tpu.vector_store %arg8[%swap3A_580, %swap3A_581], %gather3A_576 {strides = array<i32>} : memref<16x1024xf32, #tpu.memory_space<vmem>>, vector<16xf32>,
      %add3A_583 = arith.constant 10240 : i32
      %add3A_584 = vector.broadcast %add3A_583 : i32 to vector<16xi32>
      %add3A_585 = arith.addi %get3A_484, %add3A_584 : vector<16xi32>
      %gather3A_586 = tpu.vector_load_idx %arg6[%add3A_585] : memref<16384xf32, #tpu.memory_space<vmem>>[vector<16xi32>], vector<16xf32>,
      %mul3A_587 = arith.constant 16 : i32
      %mul3A_588 = arith.muli %scan3A_481, %mul3A_587 : i32
      %swap3A_589 = arith.constant 10 : i32
      %swap3A_590 = arith.index_cast %swap3A_589 : i32 to index
      %swap3A_591 = arith.index_cast %mul3A_588 : i32 to index
      %swap3A_592 = tpu.vector_load %arg8[%swap3A_590, %swap3A_591] {strides = array<i32>} : memref<16x1024xf32, #tpu.memory_space<vmem>>, vector<16xf32>,
      tpu.vector_store %arg8[%swap3A_590, %swap3A_591], %gather3A_586 {strides = array<i32>} : memref<16x1024xf32, #tpu.memory_space<vmem>>, vector<16xf32>,
      %add3A_593 = arith.constant 11264 : i32
      %add3A_594 = vector.broadcast %add3A_593 : i32 to vector<16xi32>
      %add3A_595 = arith.addi %get3A_484, %add3A_594 : vector<16xi32>
      %gather3A_596 = tpu.vector_load_idx %arg6[%add3A_595] : memref<16384xf32, #tpu.memory_space<vmem>>[vector<16xi32>], vector<16xf32>,
      %mul3A_597 = arith.constant 16 : i32
      %mul3A_598 = arith.muli %scan3A_481, %mul3A_597 : i32
      %swap3A_599 = arith.constant 11 : i32
      %swap3A_600 = arith.index_cast %swap3A_599 : i32 to index
      %swap3A_601 = arith.index_cast %mul3A_598 : i32 to index
      %swap3A_602 = tpu.vector_load %arg8[%swap3A_600, %swap3A_601] {strides = array<i32>} : memref<16x1024xf32, #tpu.memory_space<vmem>>, vector<16xf32>,
      tpu.vector_store %arg8[%swap3A_600, %swap3A_601], %gather3A_596 {strides = array<i32>} : memref<16x1024xf32, #tpu.memory_space<vmem>>, vector<16xf32>,
      %add3A_603 = arith.constant 12288 : i32
      %add3A_604 = vector.broadcast %add3A_603 : i32 to vector<16xi32>
      %add3A_605 = arith.addi %get3A_484, %add3A_604 : vector<16xi32>
      %gather3A_606 = tpu.vector_load_idx %arg6[%add3A_605] : memref<16384xf32, #tpu.memory_space<vmem>>[vector<16xi32>], vector<16xf32>,
      %mul3A_607 = arith.constant 16 : i32
      %mul3A_608 = arith.muli %scan3A_481, %mul3A_607 : i32
      %swap3A_609 = arith.constant 12 : i32
      %swap3A_610 = arith.index_cast %swap3A_609 : i32 to index
      %swap3A_611 = arith.index_cast %mul3A_608 : i32 to index
      %swap3A_612 = tpu.vector_load %arg8[%swap3A_610, %swap3A_611] {strides = array<i32>} : memref<16x1024xf32, #tpu.memory_space<vmem>>, vector<16xf32>,
      tpu.vector_store %arg8[%swap3A_610, %swap3A_611], %gather3A_606 {strides = array<i32>} : memref<16x1024xf32, #tpu.memory_space<vmem>>, vector<16xf32>,
      %add3A_613 = arith.constant 13312 : i32
      %add3A_614 = vector.broadcast %add3A_613 : i32 to vector<16xi32>
      %add3A_615 = arith.addi %get3A_484, %add3A_614 : vector<16xi32>
      %gather3A_616 = tpu.vector_load_idx %arg6[%add3A_615] : memref<16384xf32, #tpu.memory_space<vmem>>[vector<16xi32>], vector<16xf32>,
      %mul3A_617 = arith.constant 16 : i32
      %mul3A_618 = arith.muli %scan3A_481, %mul3A_617 : i32
      %swap3A_619 = arith.constant 13 : i32
      %swap3A_620 = arith.index_cast %swap3A_619 : i32 to index
      %swap3A_621 = arith.index_cast %mul3A_618 : i32 to index
      %swap3A_622 = tpu.vector_load %arg8[%swap3A_620, %swap3A_621] {strides = array<i32>} : memref<16x1024xf32, #tpu.memory_space<vmem>>, vector<16xf32>,
      tpu.vector_store %arg8[%swap3A_620, %swap3A_621], %gather3A_616 {strides = array<i32>} : memref<16x1024xf32, #tpu.memory_space<vmem>>, vector<16xf32>,
      %add3A_623 = arith.constant 14336 : i32
      %add3A_624 = vector.broadcast %add3A_623 : i32 to vector<16xi32>
      %add3A_625 = arith.addi %get3A_484, %add3A_624 : vector<16xi32>
      %gather3A_626 = tpu.vector_load_idx %arg6[%add3A_625] : memref<16384xf32, #tpu.memory_space<vmem>>[vector<16xi32>], vector<16xf32>,
      %mul3A_627 = arith.constant 16 : i32
      %mul3A_628 = arith.muli %scan3A_481, %mul3A_627 : i32
      %swap3A_629 = arith.constant 14 : i32
      %swap3A_630 = arith.index_cast %swap3A_629 : i32 to index
      %swap3A_631 = arith.index_cast %mul3A_628 : i32 to index
      %swap3A_632 = tpu.vector_load %arg8[%swap3A_630, %swap3A_631] {strides = array<i32>} : memref<16x1024xf32, #tpu.memory_space<vmem>>, vector<16xf32>,
      tpu.vector_store %arg8[%swap3A_630, %swap3A_631], %gather3A_626 {strides = array<i32>} : memref<16x1024xf32, #tpu.memory_space<vmem>>, vector<16xf32>,
      %add3A_633 = arith.constant 15360 : i32
      %add3A_634 = vector.broadcast %add3A_633 : i32 to vector<16xi32>
      %add3A_635 = arith.addi %get3A_484, %add3A_634 : vector<16xi32>
      %gather3A_636 = tpu.vector_load_idx %arg6[%add3A_635] : memref<16384xf32, #tpu.memory_space<vmem>>[vector<16xi32>], vector<16xf32>,
      %mul3A_637 = arith.constant 16 : i32
      %mul3A_638 = arith.muli %scan3A_481, %mul3A_637 : i32
      %swap3A_639 = arith.constant 15 : i32
      %swap3A_640 = arith.index_cast %swap3A_639 : i32 to index
      %swap3A_641 = arith.index_cast %mul3A_638 : i32 to index
      %swap3A_642 = tpu.vector_load %arg8[%swap3A_640, %swap3A_641] {strides = array<i32>} : memref<16x1024xf32, #tpu.memory_space<vmem>>, vector<16xf32>,
      tpu.vector_store %arg8[%swap3A_640, %swap3A_641], %gather3A_636 {strides = array<i32>} : memref<16x1024xf32, #tpu.memory_space<vmem>>, vector<16xf32>,
    }
    %scan3A_156 = arith.constant 64 : i32
    %mul3A_157 = arith.constant 1024 : i32
    %mul3A_158 = arith.muli %select_n3A_30, %mul3A_157 : i32
    %dma_start3A_159 = arith.constant 64 : i32
    %dma_start3A_160 = tpu.memref_slice %arg4[%select_n3A, %dma_start3A_159, %mul3A_158] : memref<8x256x4096xf32, #tpu.memory_space<hbm>> -> memref<1x16x1024xf32, #tpu.memory_space<hbm>>
    %dma_start3A_161 = tpu.memref_squeeze %dma_start3A_160 : memref<1x16x1024xf32, #tpu.memory_space<hbm>> -> memref<16x1024xf32, #tpu.memory_space<hbm>>
    %dma_start3A_162 = arith.constant 64 : i32
    %dma_start3A_163 = tpu.memref_slice %arg4[%select_n3A, %dma_start3A_162, %mul3A_158] : memref<8x256x4096xf32, #tpu.memory_space<hbm>> -> memref<1x16x1024xf32, #tpu.memory_space<hbm>>
    %dma_start3A_164 = tpu.memref_squeeze %dma_start3A_163 : memref<1x16x1024xf32, #tpu.memory_space<hbm>> -> memref<16x1024xf32, #tpu.memory_space<hbm>>
    tpu.enqueue_dma source(%arg8 : memref<16x1024xf32, #tpu.memory_space<vmem>>) target(%dma_start3A_164 : memref<16x1024xf32, #tpu.memory_space<hbm>>) target_semaphore(%arg12 : memref<!tpu.dma_semaphore, #tpu.memory_space<semaphore_mem>>)
    %dma_start3A_165 = arith.constant 98304 : i32
    %dma_start3A_166 = tpu.memref_slice %arg2[%dma_start3A_165] : memref<262144xf32, #tpu.memory_space<hbm>> -> memref<16384xf32, #tpu.memory_space<hbm>>
    %dma_start3A_167 = arith.constant 98304 : i32
    %dma_start3A_168 = tpu.memref_slice %arg2[%dma_start3A_167] : memref<262144xf32, #tpu.memory_space<hbm>> -> memref<16384xf32, #tpu.memory_space<hbm>>
    tpu.enqueue_dma source(%dma_start3A_168 : memref<16384xf32, #tpu.memory_space<hbm>>) target(%arg6 : memref<16384xf32, #tpu.memory_space<vmem>>) target_semaphore(%arg10 : memref<!tpu.dma_semaphore, #tpu.memory_space<semaphore_mem>>)
    %dma_wait3A_169 = arith.constant 81920 : i32
    %dma_wait3A_170 = tpu.memref_slice %arg2[%dma_wait3A_169] : memref<262144xf32, #tpu.memory_space<hbm>> -> memref<16384xf32, #tpu.memory_space<hbm>>
    %dma_wait3A_171 = arith.constant 81920 : i32
    %dma_wait3A_172 = tpu.memref_slice %arg2[%dma_wait3A_171] : memref<262144xf32, #tpu.memory_space<hbm>> -> memref<16384xf32, #tpu.memory_space<hbm>>
    tpu.wait_dma2 semaphore(%arg11 : memref<!tpu.dma_semaphore, #tpu.memory_space<semaphore_mem>>) src(%dma_wait3A_172 : memref<16384xf32, #tpu.memory_space<hbm>>) dst(%arg7 : memref<16384xf32, #tpu.memory_space<vmem>>)
    %dma_wait3A_173 = arith.constant 48 : i32
    %dma_wait3A_174 = tpu.memref_slice %arg4[%select_n3A, %dma_wait3A_173, %mul3A_130] : memref<8x256x4096xf32, #tpu.memory_space<hbm>> -> memref<1x16x1024xf32, #tpu.memory_space<hbm>>
    %dma_wait3A_175 = tpu.memref_squeeze %dma_wait3A_174 : memref<1x16x1024xf32, #tpu.memory_space<hbm>> -> memref<16x1024xf32, #tpu.memory_space<hbm>>
    %dma_wait3A_176 = arith.constant 48 : i32
    %dma_wait3A_177 = tpu.memref_slice %arg4[%select_n3A, %dma_wait3A_176, %mul3A_130] : memref<8x256x4096xf32, #tpu.memory_space<hbm>> -> memref<1x16x1024xf32, #tpu.memory_space<hbm>>
    %dma_wait3A_178 = tpu.memref_squeeze %dma_wait3A_177 : memref<1x16x1024xf32, #tpu.memory_space<hbm>> -> memref<16x1024xf32, #tpu.memory_space<hbm>>
    tpu.wait_dma2 semaphore(%arg13 : memref<!tpu.dma_semaphore, #tpu.memory_space<semaphore_mem>>) src(%arg9 : memref<16x1024xf32, #tpu.memory_space<vmem>>) dst(%dma_wait3A_178 : memref<16x1024xf32, #tpu.memory_space<hbm>>)
    %scan3A_179 = arith.constant 0 : i32
    %scan3A_180 = arith.constant 0 : i32
    %scan3A_181 = arith.constant 64 : i32
    %scan3A_182 = arith.addi %scan3A_180, %scan3A_181 : i32
    %scan3A_183 = arith.constant 1 : i32
    scf.for %scan3A_481 = %scan3A_180 to %scan3A_182 step %scan3A_183  : i32 {
      %mul3A_482 = arith.constant 16 : i32
      %mul3A_483 = arith.muli %scan3A_481, %mul3A_482 : i32
      %get3A = arith.index_cast %mul3A_483 : i32 to index
      %get3A_484 = tpu.vector_load %arg5[%get3A] {strides = array<i32>} : memref<1024xi32, #tpu.memory_space<vmem>>, vector<16xi32>,
      %add3A_485 = arith.constant 0 : i32
      %add3A_486 = vector.broadcast %add3A_485 : i32 to vector<16xi32>
      %add3A_487 = arith.addi %get3A_484, %add3A_486 : vector<16xi32>
      %gather3A = tpu.vector_load_idx %arg7[%add3A_487] : memref<16384xf32, #tpu.memory_space<vmem>>[vector<16xi32>], vector<16xf32>,
      %mul3A_488 = arith.constant 16 : i32
      %mul3A_489 = arith.muli %scan3A_481, %mul3A_488 : i32
      %swap3A = arith.constant 0 : i32
      %swap3A_490 = arith.index_cast %swap3A : i32 to index
      %swap3A_491 = arith.index_cast %mul3A_489 : i32 to index
      %swap3A_492 = tpu.vector_load %arg9[%swap3A_490, %swap3A_491] {strides = array<i32>} : memref<16x1024xf32, #tpu.memory_space<vmem>>, vector<16xf32>,
      tpu.vector_store %arg9[%swap3A_490, %swap3A_491], %gather3A {strides = array<i32>} : memref<16x1024xf32, #tpu.memory_space<vmem>>, vector<16xf32>,
      %add3A_493 = arith.constant 1024 : i32
      %add3A_494 = vector.broadcast %add3A_493 : i32 to vector<16xi32>
      %add3A_495 = arith.addi %get3A_484, %add3A_494 : vector<16xi32>
      %gather3A_496 = tpu.vector_load_idx %arg7[%add3A_495] : memref<16384xf32, #tpu.memory_space<vmem>>[vector<16xi32>], vector<16xf32>,
      %mul3A_497 = arith.constant 16 : i32
      %mul3A_498 = arith.muli %scan3A_481, %mul3A_497 : i32
      %swap3A_499 = arith.constant 1 : i32
      %swap3A_500 = arith.index_cast %swap3A_499 : i32 to index
      %swap3A_501 = arith.index_cast %mul3A_498 : i32 to index
      %swap3A_502 = tpu.vector_load %arg9[%swap3A_500, %swap3A_501] {strides = array<i32>} : memref<16x1024xf32, #tpu.memory_space<vmem>>, vector<16xf32>,
      tpu.vector_store %arg9[%swap3A_500, %swap3A_501], %gather3A_496 {strides = array<i32>} : memref<16x1024xf32, #tpu.memory_space<vmem>>, vector<16xf32>,
      %add3A_503 = arith.constant 2048 : i32
      %add3A_504 = vector.broadcast %add3A_503 : i32 to vector<16xi32>
      %add3A_505 = arith.addi %get3A_484, %add3A_504 : vector<16xi32>
      %gather3A_506 = tpu.vector_load_idx %arg7[%add3A_505] : memref<16384xf32, #tpu.memory_space<vmem>>[vector<16xi32>], vector<16xf32>,
      %mul3A_507 = arith.constant 16 : i32
      %mul3A_508 = arith.muli %scan3A_481, %mul3A_507 : i32
      %swap3A_509 = arith.constant 2 : i32
      %swap3A_510 = arith.index_cast %swap3A_509 : i32 to index
      %swap3A_511 = arith.index_cast %mul3A_508 : i32 to index
      %swap3A_512 = tpu.vector_load %arg9[%swap3A_510, %swap3A_511] {strides = array<i32>} : memref<16x1024xf32, #tpu.memory_space<vmem>>, vector<16xf32>,
      tpu.vector_store %arg9[%swap3A_510, %swap3A_511], %gather3A_506 {strides = array<i32>} : memref<16x1024xf32, #tpu.memory_space<vmem>>, vector<16xf32>,
      %add3A_513 = arith.constant 3072 : i32
      %add3A_514 = vector.broadcast %add3A_513 : i32 to vector<16xi32>
      %add3A_515 = arith.addi %get3A_484, %add3A_514 : vector<16xi32>
      %gather3A_516 = tpu.vector_load_idx %arg7[%add3A_515] : memref<16384xf32, #tpu.memory_space<vmem>>[vector<16xi32>], vector<16xf32>,
      %mul3A_517 = arith.constant 16 : i32
      %mul3A_518 = arith.muli %scan3A_481, %mul3A_517 : i32
      %swap3A_519 = arith.constant 3 : i32
      %swap3A_520 = arith.index_cast %swap3A_519 : i32 to index
      %swap3A_521 = arith.index_cast %mul3A_518 : i32 to index
      %swap3A_522 = tpu.vector_load %arg9[%swap3A_520, %swap3A_521] {strides = array<i32>} : memref<16x1024xf32, #tpu.memory_space<vmem>>, vector<16xf32>,
      tpu.vector_store %arg9[%swap3A_520, %swap3A_521], %gather3A_516 {strides = array<i32>} : memref<16x1024xf32, #tpu.memory_space<vmem>>, vector<16xf32>,
      %add3A_523 = arith.constant 4096 : i32
      %add3A_524 = vector.broadcast %add3A_523 : i32 to vector<16xi32>
      %add3A_525 = arith.addi %get3A_484, %add3A_524 : vector<16xi32>
      %gather3A_526 = tpu.vector_load_idx %arg7[%add3A_525] : memref<16384xf32, #tpu.memory_space<vmem>>[vector<16xi32>], vector<16xf32>,
      %mul3A_527 = arith.constant 16 : i32
      %mul3A_528 = arith.muli %scan3A_481, %mul3A_527 : i32
      %swap3A_529 = arith.constant 4 : i32
      %swap3A_530 = arith.index_cast %swap3A_529 : i32 to index
      %swap3A_531 = arith.index_cast %mul3A_528 : i32 to index
      %swap3A_532 = tpu.vector_load %arg9[%swap3A_530, %swap3A_531] {strides = array<i32>} : memref<16x1024xf32, #tpu.memory_space<vmem>>, vector<16xf32>,
      tpu.vector_store %arg9[%swap3A_530, %swap3A_531], %gather3A_526 {strides = array<i32>} : memref<16x1024xf32, #tpu.memory_space<vmem>>, vector<16xf32>,
      %add3A_533 = arith.constant 5120 : i32
      %add3A_534 = vector.broadcast %add3A_533 : i32 to vector<16xi32>
      %add3A_535 = arith.addi %get3A_484, %add3A_534 : vector<16xi32>
      %gather3A_536 = tpu.vector_load_idx %arg7[%add3A_535] : memref<16384xf32, #tpu.memory_space<vmem>>[vector<16xi32>], vector<16xf32>,
      %mul3A_537 = arith.constant 16 : i32
      %mul3A_538 = arith.muli %scan3A_481, %mul3A_537 : i32
      %swap3A_539 = arith.constant 5 : i32
      %swap3A_540 = arith.index_cast %swap3A_539 : i32 to index
      %swap3A_541 = arith.index_cast %mul3A_538 : i32 to index
      %swap3A_542 = tpu.vector_load %arg9[%swap3A_540, %swap3A_541] {strides = array<i32>} : memref<16x1024xf32, #tpu.memory_space<vmem>>, vector<16xf32>,
      tpu.vector_store %arg9[%swap3A_540, %swap3A_541], %gather3A_536 {strides = array<i32>} : memref<16x1024xf32, #tpu.memory_space<vmem>>, vector<16xf32>,
      %add3A_543 = arith.constant 6144 : i32
      %add3A_544 = vector.broadcast %add3A_543 : i32 to vector<16xi32>
      %add3A_545 = arith.addi %get3A_484, %add3A_544 : vector<16xi32>
      %gather3A_546 = tpu.vector_load_idx %arg7[%add3A_545] : memref<16384xf32, #tpu.memory_space<vmem>>[vector<16xi32>], vector<16xf32>,
      %mul3A_547 = arith.constant 16 : i32
      %mul3A_548 = arith.muli %scan3A_481, %mul3A_547 : i32
      %swap3A_549 = arith.constant 6 : i32
      %swap3A_550 = arith.index_cast %swap3A_549 : i32 to index
      %swap3A_551 = arith.index_cast %mul3A_548 : i32 to index
      %swap3A_552 = tpu.vector_load %arg9[%swap3A_550, %swap3A_551] {strides = array<i32>} : memref<16x1024xf32, #tpu.memory_space<vmem>>, vector<16xf32>,
      tpu.vector_store %arg9[%swap3A_550, %swap3A_551], %gather3A_546 {strides = array<i32>} : memref<16x1024xf32, #tpu.memory_space<vmem>>, vector<16xf32>,
      %add3A_553 = arith.constant 7168 : i32
      %add3A_554 = vector.broadcast %add3A_553 : i32 to vector<16xi32>
      %add3A_555 = arith.addi %get3A_484, %add3A_554 : vector<16xi32>
      %gather3A_556 = tpu.vector_load_idx %arg7[%add3A_555] : memref<16384xf32, #tpu.memory_space<vmem>>[vector<16xi32>], vector<16xf32>,
      %mul3A_557 = arith.constant 16 : i32
      %mul3A_558 = arith.muli %scan3A_481, %mul3A_557 : i32
      %swap3A_559 = arith.constant 7 : i32
      %swap3A_560 = arith.index_cast %swap3A_559 : i32 to index
      %swap3A_561 = arith.index_cast %mul3A_558 : i32 to index
      %swap3A_562 = tpu.vector_load %arg9[%swap3A_560, %swap3A_561] {strides = array<i32>} : memref<16x1024xf32, #tpu.memory_space<vmem>>, vector<16xf32>,
      tpu.vector_store %arg9[%swap3A_560, %swap3A_561], %gather3A_556 {strides = array<i32>} : memref<16x1024xf32, #tpu.memory_space<vmem>>, vector<16xf32>,
      %add3A_563 = arith.constant 8192 : i32
      %add3A_564 = vector.broadcast %add3A_563 : i32 to vector<16xi32>
      %add3A_565 = arith.addi %get3A_484, %add3A_564 : vector<16xi32>
      %gather3A_566 = tpu.vector_load_idx %arg7[%add3A_565] : memref<16384xf32, #tpu.memory_space<vmem>>[vector<16xi32>], vector<16xf32>,
      %mul3A_567 = arith.constant 16 : i32
      %mul3A_568 = arith.muli %scan3A_481, %mul3A_567 : i32
      %swap3A_569 = arith.constant 8 : i32
      %swap3A_570 = arith.index_cast %swap3A_569 : i32 to index
      %swap3A_571 = arith.index_cast %mul3A_568 : i32 to index
      %swap3A_572 = tpu.vector_load %arg9[%swap3A_570, %swap3A_571] {strides = array<i32>} : memref<16x1024xf32, #tpu.memory_space<vmem>>, vector<16xf32>,
      tpu.vector_store %arg9[%swap3A_570, %swap3A_571], %gather3A_566 {strides = array<i32>} : memref<16x1024xf32, #tpu.memory_space<vmem>>, vector<16xf32>,
      %add3A_573 = arith.constant 9216 : i32
      %add3A_574 = vector.broadcast %add3A_573 : i32 to vector<16xi32>
      %add3A_575 = arith.addi %get3A_484, %add3A_574 : vector<16xi32>
      %gather3A_576 = tpu.vector_load_idx %arg7[%add3A_575] : memref<16384xf32, #tpu.memory_space<vmem>>[vector<16xi32>], vector<16xf32>,
      %mul3A_577 = arith.constant 16 : i32
      %mul3A_578 = arith.muli %scan3A_481, %mul3A_577 : i32
      %swap3A_579 = arith.constant 9 : i32
      %swap3A_580 = arith.index_cast %swap3A_579 : i32 to index
      %swap3A_581 = arith.index_cast %mul3A_578 : i32 to index
      %swap3A_582 = tpu.vector_load %arg9[%swap3A_580, %swap3A_581] {strides = array<i32>} : memref<16x1024xf32, #tpu.memory_space<vmem>>, vector<16xf32>,
      tpu.vector_store %arg9[%swap3A_580, %swap3A_581], %gather3A_576 {strides = array<i32>} : memref<16x1024xf32, #tpu.memory_space<vmem>>, vector<16xf32>,
      %add3A_583 = arith.constant 10240 : i32
      %add3A_584 = vector.broadcast %add3A_583 : i32 to vector<16xi32>
      %add3A_585 = arith.addi %get3A_484, %add3A_584 : vector<16xi32>
      %gather3A_586 = tpu.vector_load_idx %arg7[%add3A_585] : memref<16384xf32, #tpu.memory_space<vmem>>[vector<16xi32>], vector<16xf32>,
      %mul3A_587 = arith.constant 16 : i32
      %mul3A_588 = arith.muli %scan3A_481, %mul3A_587 : i32
      %swap3A_589 = arith.constant 10 : i32
      %swap3A_590 = arith.index_cast %swap3A_589 : i32 to index
      %swap3A_591 = arith.index_cast %mul3A_588 : i32 to index
      %swap3A_592 = tpu.vector_load %arg9[%swap3A_590, %swap3A_591] {strides = array<i32>} : memref<16x1024xf32, #tpu.memory_space<vmem>>, vector<16xf32>,
      tpu.vector_store %arg9[%swap3A_590, %swap3A_591], %gather3A_586 {strides = array<i32>} : memref<16x1024xf32, #tpu.memory_space<vmem>>, vector<16xf32>,
      %add3A_593 = arith.constant 11264 : i32
      %add3A_594 = vector.broadcast %add3A_593 : i32 to vector<16xi32>
      %add3A_595 = arith.addi %get3A_484, %add3A_594 : vector<16xi32>
      %gather3A_596 = tpu.vector_load_idx %arg7[%add3A_595] : memref<16384xf32, #tpu.memory_space<vmem>>[vector<16xi32>], vector<16xf32>,
      %mul3A_597 = arith.constant 16 : i32
      %mul3A_598 = arith.muli %scan3A_481, %mul3A_597 : i32
      %swap3A_599 = arith.constant 11 : i32
      %swap3A_600 = arith.index_cast %swap3A_599 : i32 to index
      %swap3A_601 = arith.index_cast %mul3A_598 : i32 to index
      %swap3A_602 = tpu.vector_load %arg9[%swap3A_600, %swap3A_601] {strides = array<i32>} : memref<16x1024xf32, #tpu.memory_space<vmem>>, vector<16xf32>,
      tpu.vector_store %arg9[%swap3A_600, %swap3A_601], %gather3A_596 {strides = array<i32>} : memref<16x1024xf32, #tpu.memory_space<vmem>>, vector<16xf32>,
      %add3A_603 = arith.constant 12288 : i32
      %add3A_604 = vector.broadcast %add3A_603 : i32 to vector<16xi32>
      %add3A_605 = arith.addi %get3A_484, %add3A_604 : vector<16xi32>
      %gather3A_606 = tpu.vector_load_idx %arg7[%add3A_605] : memref<16384xf32, #tpu.memory_space<vmem>>[vector<16xi32>], vector<16xf32>,
      %mul3A_607 = arith.constant 16 : i32
      %mul3A_608 = arith.muli %scan3A_481, %mul3A_607 : i32
      %swap3A_609 = arith.constant 12 : i32
      %swap3A_610 = arith.index_cast %swap3A_609 : i32 to index
      %swap3A_611 = arith.index_cast %mul3A_608 : i32 to index
      %swap3A_612 = tpu.vector_load %arg9[%swap3A_610, %swap3A_611] {strides = array<i32>} : memref<16x1024xf32, #tpu.memory_space<vmem>>, vector<16xf32>,
      tpu.vector_store %arg9[%swap3A_610, %swap3A_611], %gather3A_606 {strides = array<i32>} : memref<16x1024xf32, #tpu.memory_space<vmem>>, vector<16xf32>,
      %add3A_613 = arith.constant 13312 : i32
      %add3A_614 = vector.broadcast %add3A_613 : i32 to vector<16xi32>
      %add3A_615 = arith.addi %get3A_484, %add3A_614 : vector<16xi32>
      %gather3A_616 = tpu.vector_load_idx %arg7[%add3A_615] : memref<16384xf32, #tpu.memory_space<vmem>>[vector<16xi32>], vector<16xf32>,
      %mul3A_617 = arith.constant 16 : i32
      %mul3A_618 = arith.muli %scan3A_481, %mul3A_617 : i32
      %swap3A_619 = arith.constant 13 : i32
      %swap3A_620 = arith.index_cast %swap3A_619 : i32 to index
      %swap3A_621 = arith.index_cast %mul3A_618 : i32 to index
      %swap3A_622 = tpu.vector_load %arg9[%swap3A_620, %swap3A_621] {strides = array<i32>} : memref<16x1024xf32, #tpu.memory_space<vmem>>, vector<16xf32>,
      tpu.vector_store %arg9[%swap3A_620, %swap3A_621], %gather3A_616 {strides = array<i32>} : memref<16x1024xf32, #tpu.memory_space<vmem>>, vector<16xf32>,
      %add3A_623 = arith.constant 14336 : i32
      %add3A_624 = vector.broadcast %add3A_623 : i32 to vector<16xi32>
      %add3A_625 = arith.addi %get3A_484, %add3A_624 : vector<16xi32>
      %gather3A_626 = tpu.vector_load_idx %arg7[%add3A_625] : memref<16384xf32, #tpu.memory_space<vmem>>[vector<16xi32>], vector<16xf32>,
      %mul3A_627 = arith.constant 16 : i32
      %mul3A_628 = arith.muli %scan3A_481, %mul3A_627 : i32
      %swap3A_629 = arith.constant 14 : i32
      %swap3A_630 = arith.index_cast %swap3A_629 : i32 to index
      %swap3A_631 = arith.index_cast %mul3A_628 : i32 to index
      %swap3A_632 = tpu.vector_load %arg9[%swap3A_630, %swap3A_631] {strides = array<i32>} : memref<16x1024xf32, #tpu.memory_space<vmem>>, vector<16xf32>,
      tpu.vector_store %arg9[%swap3A_630, %swap3A_631], %gather3A_626 {strides = array<i32>} : memref<16x1024xf32, #tpu.memory_space<vmem>>, vector<16xf32>,
      %add3A_633 = arith.constant 15360 : i32
      %add3A_634 = vector.broadcast %add3A_633 : i32 to vector<16xi32>
      %add3A_635 = arith.addi %get3A_484, %add3A_634 : vector<16xi32>
      %gather3A_636 = tpu.vector_load_idx %arg7[%add3A_635] : memref<16384xf32, #tpu.memory_space<vmem>>[vector<16xi32>], vector<16xf32>,
      %mul3A_637 = arith.constant 16 : i32
      %mul3A_638 = arith.muli %scan3A_481, %mul3A_637 : i32
      %swap3A_639 = arith.constant 15 : i32
      %swap3A_640 = arith.index_cast %swap3A_639 : i32 to index
      %swap3A_641 = arith.index_cast %mul3A_638 : i32 to index
      %swap3A_642 = tpu.vector_load %arg9[%swap3A_640, %swap3A_641] {strides = array<i32>} : memref<16x1024xf32, #tpu.memory_space<vmem>>, vector<16xf32>,
      tpu.vector_store %arg9[%swap3A_640, %swap3A_641], %gather3A_636 {strides = array<i32>} : memref<16x1024xf32, #tpu.memory_space<vmem>>, vector<16xf32>,
    }
    %scan3A_184 = arith.constant 64 : i32
    %mul3A_185 = arith.constant 1024 : i32
    %mul3A_186 = arith.muli %select_n3A_30, %mul3A_185 : i32
    %dma_start3A_187 = arith.constant 80 : i32
    %dma_start3A_188 = tpu.memref_slice %arg4[%select_n3A, %dma_start3A_187, %mul3A_186] : memref<8x256x4096xf32, #tpu.memory_space<hbm>> -> memref<1x16x1024xf32, #tpu.memory_space<hbm>>
    %dma_start3A_189 = tpu.memref_squeeze %dma_start3A_188 : memref<1x16x1024xf32, #tpu.memory_space<hbm>> -> memref<16x1024xf32, #tpu.memory_space<hbm>>
    %dma_start3A_190 = arith.constant 80 : i32
    %dma_start3A_191 = tpu.memref_slice %arg4[%select_n3A, %dma_start3A_190, %mul3A_186] : memref<8x256x4096xf32, #tpu.memory_space<hbm>> -> memref<1x16x1024xf32, #tpu.memory_space<hbm>>
    %dma_start3A_192 = tpu.memref_squeeze %dma_start3A_191 : memref<1x16x1024xf32, #tpu.memory_space<hbm>> -> memref<16x1024xf32, #tpu.memory_space<hbm>>
    tpu.enqueue_dma source(%arg9 : memref<16x1024xf32, #tpu.memory_space<vmem>>) target(%dma_start3A_192 : memref<16x1024xf32, #tpu.memory_space<hbm>>) target_semaphore(%arg13 : memref<!tpu.dma_semaphore, #tpu.memory_space<semaphore_mem>>)
    %dma_start3A_193 = arith.constant 114688 : i32
    %dma_start3A_194 = tpu.memref_slice %arg2[%dma_start3A_193] : memref<262144xf32, #tpu.memory_space<hbm>> -> memref<16384xf32, #tpu.memory_space<hbm>>
    %dma_start3A_195 = arith.constant 114688 : i32
    %dma_start3A_196 = tpu.memref_slice %arg2[%dma_start3A_195] : memref<262144xf32, #tpu.memory_space<hbm>> -> memref<16384xf32, #tpu.memory_space<hbm>>
    tpu.enqueue_dma source(%dma_start3A_196 : memref<16384xf32, #tpu.memory_space<hbm>>) target(%arg7 : memref<16384xf32, #tpu.memory_space<vmem>>) target_semaphore(%arg11 : memref<!tpu.dma_semaphore, #tpu.memory_space<semaphore_mem>>)
    %dma_wait3A_197 = arith.constant 98304 : i32
    %dma_wait3A_198 = tpu.memref_slice %arg2[%dma_wait3A_197] : memref<262144xf32, #tpu.memory_space<hbm>> -> memref<16384xf32, #tpu.memory_space<hbm>>
    %dma_wait3A_199 = arith.constant 98304 : i32
    %dma_wait3A_200 = tpu.memref_slice %arg2[%dma_wait3A_199] : memref<262144xf32, #tpu.memory_space<hbm>> -> memref<16384xf32, #tpu.memory_space<hbm>>
    tpu.wait_dma2 semaphore(%arg10 : memref<!tpu.dma_semaphore, #tpu.memory_space<semaphore_mem>>) src(%dma_wait3A_200 : memref<16384xf32, #tpu.memory_space<hbm>>) dst(%arg6 : memref<16384xf32, #tpu.memory_space<vmem>>)
    %dma_wait3A_201 = arith.constant 64 : i32
    %dma_wait3A_202 = tpu.memref_slice %arg4[%select_n3A, %dma_wait3A_201, %mul3A_158] : memref<8x256x4096xf32, #tpu.memory_space<hbm>> -> memref<1x16x1024xf32, #tpu.memory_space<hbm>>
    %dma_wait3A_203 = tpu.memref_squeeze %dma_wait3A_202 : memref<1x16x1024xf32, #tpu.memory_space<hbm>> -> memref<16x1024xf32, #tpu.memory_space<hbm>>
    %dma_wait3A_204 = arith.constant 64 : i32
    %dma_wait3A_205 = tpu.memref_slice %arg4[%select_n3A, %dma_wait3A_204, %mul3A_158] : memref<8x256x4096xf32, #tpu.memory_space<hbm>> -> memref<1x16x1024xf32, #tpu.memory_space<hbm>>
    %dma_wait3A_206 = tpu.memref_squeeze %dma_wait3A_205 : memref<1x16x1024xf32, #tpu.memory_space<hbm>> -> memref<16x1024xf32, #tpu.memory_space<hbm>>
    tpu.wait_dma2 semaphore(%arg12 : memref<!tpu.dma_semaphore, #tpu.memory_space<semaphore_mem>>) src(%arg8 : memref<16x1024xf32, #tpu.memory_space<vmem>>) dst(%dma_wait3A_206 : memref<16x1024xf32, #tpu.memory_space<hbm>>)
    %scan3A_207 = arith.constant 0 : i32
    %scan3A_208 = arith.constant 0 : i32
    %scan3A_209 = arith.constant 64 : i32
    %scan3A_210 = arith.addi %scan3A_208, %scan3A_209 : i32
    %scan3A_211 = arith.constant 1 : i32
    scf.for %scan3A_481 = %scan3A_208 to %scan3A_210 step %scan3A_211  : i32 {
      %mul3A_482 = arith.constant 16 : i32
      %mul3A_483 = arith.muli %scan3A_481, %mul3A_482 : i32
      %get3A = arith.index_cast %mul3A_483 : i32 to index
      %get3A_484 = tpu.vector_load %arg5[%get3A] {strides = array<i32>} : memref<1024xi32, #tpu.memory_space<vmem>>, vector<16xi32>,
      %add3A_485 = arith.constant 0 : i32
      %add3A_486 = vector.broadcast %add3A_485 : i32 to vector<16xi32>
      %add3A_487 = arith.addi %get3A_484, %add3A_486 : vector<16xi32>
      %gather3A = tpu.vector_load_idx %arg6[%add3A_487] : memref<16384xf32, #tpu.memory_space<vmem>>[vector<16xi32>], vector<16xf32>,
      %mul3A_488 = arith.constant 16 : i32
      %mul3A_489 = arith.muli %scan3A_481, %mul3A_488 : i32
      %swap3A = arith.constant 0 : i32
      %swap3A_490 = arith.index_cast %swap3A : i32 to index
      %swap3A_491 = arith.index_cast %mul3A_489 : i32 to index
      %swap3A_492 = tpu.vector_load %arg8[%swap3A_490, %swap3A_491] {strides = array<i32>} : memref<16x1024xf32, #tpu.memory_space<vmem>>, vector<16xf32>,
      tpu.vector_store %arg8[%swap3A_490, %swap3A_491], %gather3A {strides = array<i32>} : memref<16x1024xf32, #tpu.memory_space<vmem>>, vector<16xf32>,
      %add3A_493 = arith.constant 1024 : i32
      %add3A_494 = vector.broadcast %add3A_493 : i32 to vector<16xi32>
      %add3A_495 = arith.addi %get3A_484, %add3A_494 : vector<16xi32>
      %gather3A_496 = tpu.vector_load_idx %arg6[%add3A_495] : memref<16384xf32, #tpu.memory_space<vmem>>[vector<16xi32>], vector<16xf32>,
      %mul3A_497 = arith.constant 16 : i32
      %mul3A_498 = arith.muli %scan3A_481, %mul3A_497 : i32
      %swap3A_499 = arith.constant 1 : i32
      %swap3A_500 = arith.index_cast %swap3A_499 : i32 to index
      %swap3A_501 = arith.index_cast %mul3A_498 : i32 to index
      %swap3A_502 = tpu.vector_load %arg8[%swap3A_500, %swap3A_501] {strides = array<i32>} : memref<16x1024xf32, #tpu.memory_space<vmem>>, vector<16xf32>,
      tpu.vector_store %arg8[%swap3A_500, %swap3A_501], %gather3A_496 {strides = array<i32>} : memref<16x1024xf32, #tpu.memory_space<vmem>>, vector<16xf32>,
      %add3A_503 = arith.constant 2048 : i32
      %add3A_504 = vector.broadcast %add3A_503 : i32 to vector<16xi32>
      %add3A_505 = arith.addi %get3A_484, %add3A_504 : vector<16xi32>
      %gather3A_506 = tpu.vector_load_idx %arg6[%add3A_505] : memref<16384xf32, #tpu.memory_space<vmem>>[vector<16xi32>], vector<16xf32>,
      %mul3A_507 = arith.constant 16 : i32
      %mul3A_508 = arith.muli %scan3A_481, %mul3A_507 : i32
      %swap3A_509 = arith.constant 2 : i32
      %swap3A_510 = arith.index_cast %swap3A_509 : i32 to index
      %swap3A_511 = arith.index_cast %mul3A_508 : i32 to index
      %swap3A_512 = tpu.vector_load %arg8[%swap3A_510, %swap3A_511] {strides = array<i32>} : memref<16x1024xf32, #tpu.memory_space<vmem>>, vector<16xf32>,
      tpu.vector_store %arg8[%swap3A_510, %swap3A_511], %gather3A_506 {strides = array<i32>} : memref<16x1024xf32, #tpu.memory_space<vmem>>, vector<16xf32>,
      %add3A_513 = arith.constant 3072 : i32
      %add3A_514 = vector.broadcast %add3A_513 : i32 to vector<16xi32>
      %add3A_515 = arith.addi %get3A_484, %add3A_514 : vector<16xi32>
      %gather3A_516 = tpu.vector_load_idx %arg6[%add3A_515] : memref<16384xf32, #tpu.memory_space<vmem>>[vector<16xi32>], vector<16xf32>,
      %mul3A_517 = arith.constant 16 : i32
      %mul3A_518 = arith.muli %scan3A_481, %mul3A_517 : i32
      %swap3A_519 = arith.constant 3 : i32
      %swap3A_520 = arith.index_cast %swap3A_519 : i32 to index
      %swap3A_521 = arith.index_cast %mul3A_518 : i32 to index
      %swap3A_522 = tpu.vector_load %arg8[%swap3A_520, %swap3A_521] {strides = array<i32>} : memref<16x1024xf32, #tpu.memory_space<vmem>>, vector<16xf32>,
      tpu.vector_store %arg8[%swap3A_520, %swap3A_521], %gather3A_516 {strides = array<i32>} : memref<16x1024xf32, #tpu.memory_space<vmem>>, vector<16xf32>,
      %add3A_523 = arith.constant 4096 : i32
      %add3A_524 = vector.broadcast %add3A_523 : i32 to vector<16xi32>
      %add3A_525 = arith.addi %get3A_484, %add3A_524 : vector<16xi32>
      %gather3A_526 = tpu.vector_load_idx %arg6[%add3A_525] : memref<16384xf32, #tpu.memory_space<vmem>>[vector<16xi32>], vector<16xf32>,
      %mul3A_527 = arith.constant 16 : i32
      %mul3A_528 = arith.muli %scan3A_481, %mul3A_527 : i32
      %swap3A_529 = arith.constant 4 : i32
      %swap3A_530 = arith.index_cast %swap3A_529 : i32 to index
      %swap3A_531 = arith.index_cast %mul3A_528 : i32 to index
      %swap3A_532 = tpu.vector_load %arg8[%swap3A_530, %swap3A_531] {strides = array<i32>} : memref<16x1024xf32, #tpu.memory_space<vmem>>, vector<16xf32>,
      tpu.vector_store %arg8[%swap3A_530, %swap3A_531], %gather3A_526 {strides = array<i32>} : memref<16x1024xf32, #tpu.memory_space<vmem>>, vector<16xf32>,
      %add3A_533 = arith.constant 5120 : i32
      %add3A_534 = vector.broadcast %add3A_533 : i32 to vector<16xi32>
      %add3A_535 = arith.addi %get3A_484, %add3A_534 : vector<16xi32>
      %gather3A_536 = tpu.vector_load_idx %arg6[%add3A_535] : memref<16384xf32, #tpu.memory_space<vmem>>[vector<16xi32>], vector<16xf32>,
      %mul3A_537 = arith.constant 16 : i32
      %mul3A_538 = arith.muli %scan3A_481, %mul3A_537 : i32
      %swap3A_539 = arith.constant 5 : i32
      %swap3A_540 = arith.index_cast %swap3A_539 : i32 to index
      %swap3A_541 = arith.index_cast %mul3A_538 : i32 to index
      %swap3A_542 = tpu.vector_load %arg8[%swap3A_540, %swap3A_541] {strides = array<i32>} : memref<16x1024xf32, #tpu.memory_space<vmem>>, vector<16xf32>,
      tpu.vector_store %arg8[%swap3A_540, %swap3A_541], %gather3A_536 {strides = array<i32>} : memref<16x1024xf32, #tpu.memory_space<vmem>>, vector<16xf32>,
      %add3A_543 = arith.constant 6144 : i32
      %add3A_544 = vector.broadcast %add3A_543 : i32 to vector<16xi32>
      %add3A_545 = arith.addi %get3A_484, %add3A_544 : vector<16xi32>
      %gather3A_546 = tpu.vector_load_idx %arg6[%add3A_545] : memref<16384xf32, #tpu.memory_space<vmem>>[vector<16xi32>], vector<16xf32>,
      %mul3A_547 = arith.constant 16 : i32
      %mul3A_548 = arith.muli %scan3A_481, %mul3A_547 : i32
      %swap3A_549 = arith.constant 6 : i32
      %swap3A_550 = arith.index_cast %swap3A_549 : i32 to index
      %swap3A_551 = arith.index_cast %mul3A_548 : i32 to index
      %swap3A_552 = tpu.vector_load %arg8[%swap3A_550, %swap3A_551] {strides = array<i32>} : memref<16x1024xf32, #tpu.memory_space<vmem>>, vector<16xf32>,
      tpu.vector_store %arg8[%swap3A_550, %swap3A_551], %gather3A_546 {strides = array<i32>} : memref<16x1024xf32, #tpu.memory_space<vmem>>, vector<16xf32>,
      %add3A_553 = arith.constant 7168 : i32
      %add3A_554 = vector.broadcast %add3A_553 : i32 to vector<16xi32>
      %add3A_555 = arith.addi %get3A_484, %add3A_554 : vector<16xi32>
      %gather3A_556 = tpu.vector_load_idx %arg6[%add3A_555] : memref<16384xf32, #tpu.memory_space<vmem>>[vector<16xi32>], vector<16xf32>,
      %mul3A_557 = arith.constant 16 : i32
      %mul3A_558 = arith.muli %scan3A_481, %mul3A_557 : i32
      %swap3A_559 = arith.constant 7 : i32
      %swap3A_560 = arith.index_cast %swap3A_559 : i32 to index
      %swap3A_561 = arith.index_cast %mul3A_558 : i32 to index
      %swap3A_562 = tpu.vector_load %arg8[%swap3A_560, %swap3A_561] {strides = array<i32>} : memref<16x1024xf32, #tpu.memory_space<vmem>>, vector<16xf32>,
      tpu.vector_store %arg8[%swap3A_560, %swap3A_561], %gather3A_556 {strides = array<i32>} : memref<16x1024xf32, #tpu.memory_space<vmem>>, vector<16xf32>,
      %add3A_563 = arith.constant 8192 : i32
      %add3A_564 = vector.broadcast %add3A_563 : i32 to vector<16xi32>
      %add3A_565 = arith.addi %get3A_484, %add3A_564 : vector<16xi32>
      %gather3A_566 = tpu.vector_load_idx %arg6[%add3A_565] : memref<16384xf32, #tpu.memory_space<vmem>>[vector<16xi32>], vector<16xf32>,
      %mul3A_567 = arith.constant 16 : i32
      %mul3A_568 = arith.muli %scan3A_481, %mul3A_567 : i32
      %swap3A_569 = arith.constant 8 : i32
      %swap3A_570 = arith.index_cast %swap3A_569 : i32 to index
      %swap3A_571 = arith.index_cast %mul3A_568 : i32 to index
      %swap3A_572 = tpu.vector_load %arg8[%swap3A_570, %swap3A_571] {strides = array<i32>} : memref<16x1024xf32, #tpu.memory_space<vmem>>, vector<16xf32>,
      tpu.vector_store %arg8[%swap3A_570, %swap3A_571], %gather3A_566 {strides = array<i32>} : memref<16x1024xf32, #tpu.memory_space<vmem>>, vector<16xf32>,
      %add3A_573 = arith.constant 9216 : i32
      %add3A_574 = vector.broadcast %add3A_573 : i32 to vector<16xi32>
      %add3A_575 = arith.addi %get3A_484, %add3A_574 : vector<16xi32>
      %gather3A_576 = tpu.vector_load_idx %arg6[%add3A_575] : memref<16384xf32, #tpu.memory_space<vmem>>[vector<16xi32>], vector<16xf32>,
      %mul3A_577 = arith.constant 16 : i32
      %mul3A_578 = arith.muli %scan3A_481, %mul3A_577 : i32
      %swap3A_579 = arith.constant 9 : i32
      %swap3A_580 = arith.index_cast %swap3A_579 : i32 to index
      %swap3A_581 = arith.index_cast %mul3A_578 : i32 to index
      %swap3A_582 = tpu.vector_load %arg8[%swap3A_580, %swap3A_581] {strides = array<i32>} : memref<16x1024xf32, #tpu.memory_space<vmem>>, vector<16xf32>,
      tpu.vector_store %arg8[%swap3A_580, %swap3A_581], %gather3A_576 {strides = array<i32>} : memref<16x1024xf32, #tpu.memory_space<vmem>>, vector<16xf32>,
      %add3A_583 = arith.constant 10240 : i32
      %add3A_584 = vector.broadcast %add3A_583 : i32 to vector<16xi32>
      %add3A_585 = arith.addi %get3A_484, %add3A_584 : vector<16xi32>
      %gather3A_586 = tpu.vector_load_idx %arg6[%add3A_585] : memref<16384xf32, #tpu.memory_space<vmem>>[vector<16xi32>], vector<16xf32>,
      %mul3A_587 = arith.constant 16 : i32
      %mul3A_588 = arith.muli %scan3A_481, %mul3A_587 : i32
      %swap3A_589 = arith.constant 10 : i32
      %swap3A_590 = arith.index_cast %swap3A_589 : i32 to index
      %swap3A_591 = arith.index_cast %mul3A_588 : i32 to index
      %swap3A_592 = tpu.vector_load %arg8[%swap3A_590, %swap3A_591] {strides = array<i32>} : memref<16x1024xf32, #tpu.memory_space<vmem>>, vector<16xf32>,
      tpu.vector_store %arg8[%swap3A_590, %swap3A_591], %gather3A_586 {strides = array<i32>} : memref<16x1024xf32, #tpu.memory_space<vmem>>, vector<16xf32>,
      %add3A_593 = arith.constant 11264 : i32
      %add3A_594 = vector.broadcast %add3A_593 : i32 to vector<16xi32>
      %add3A_595 = arith.addi %get3A_484, %add3A_594 : vector<16xi32>
      %gather3A_596 = tpu.vector_load_idx %arg6[%add3A_595] : memref<16384xf32, #tpu.memory_space<vmem>>[vector<16xi32>], vector<16xf32>,
      %mul3A_597 = arith.constant 16 : i32
      %mul3A_598 = arith.muli %scan3A_481, %mul3A_597 : i32
      %swap3A_599 = arith.constant 11 : i32
      %swap3A_600 = arith.index_cast %swap3A_599 : i32 to index
      %swap3A_601 = arith.index_cast %mul3A_598 : i32 to index
      %swap3A_602 = tpu.vector_load %arg8[%swap3A_600, %swap3A_601] {strides = array<i32>} : memref<16x1024xf32, #tpu.memory_space<vmem>>, vector<16xf32>,
      tpu.vector_store %arg8[%swap3A_600, %swap3A_601], %gather3A_596 {strides = array<i32>} : memref<16x1024xf32, #tpu.memory_space<vmem>>, vector<16xf32>,
      %add3A_603 = arith.constant 12288 : i32
      %add3A_604 = vector.broadcast %add3A_603 : i32 to vector<16xi32>
      %add3A_605 = arith.addi %get3A_484, %add3A_604 : vector<16xi32>
      %gather3A_606 = tpu.vector_load_idx %arg6[%add3A_605] : memref<16384xf32, #tpu.memory_space<vmem>>[vector<16xi32>], vector<16xf32>,
      %mul3A_607 = arith.constant 16 : i32
      %mul3A_608 = arith.muli %scan3A_481, %mul3A_607 : i32
      %swap3A_609 = arith.constant 12 : i32
      %swap3A_610 = arith.index_cast %swap3A_609 : i32 to index
      %swap3A_611 = arith.index_cast %mul3A_608 : i32 to index
      %swap3A_612 = tpu.vector_load %arg8[%swap3A_610, %swap3A_611] {strides = array<i32>} : memref<16x1024xf32, #tpu.memory_space<vmem>>, vector<16xf32>,
      tpu.vector_store %arg8[%swap3A_610, %swap3A_611], %gather3A_606 {strides = array<i32>} : memref<16x1024xf32, #tpu.memory_space<vmem>>, vector<16xf32>,
      %add3A_613 = arith.constant 13312 : i32
      %add3A_614 = vector.broadcast %add3A_613 : i32 to vector<16xi32>
      %add3A_615 = arith.addi %get3A_484, %add3A_614 : vector<16xi32>
      %gather3A_616 = tpu.vector_load_idx %arg6[%add3A_615] : memref<16384xf32, #tpu.memory_space<vmem>>[vector<16xi32>], vector<16xf32>,
      %mul3A_617 = arith.constant 16 : i32
      %mul3A_618 = arith.muli %scan3A_481, %mul3A_617 : i32
      %swap3A_619 = arith.constant 13 : i32
      %swap3A_620 = arith.index_cast %swap3A_619 : i32 to index
      %swap3A_621 = arith.index_cast %mul3A_618 : i32 to index
      %swap3A_622 = tpu.vector_load %arg8[%swap3A_620, %swap3A_621] {strides = array<i32>} : memref<16x1024xf32, #tpu.memory_space<vmem>>, vector<16xf32>,
      tpu.vector_store %arg8[%swap3A_620, %swap3A_621], %gather3A_616 {strides = array<i32>} : memref<16x1024xf32, #tpu.memory_space<vmem>>, vector<16xf32>,
      %add3A_623 = arith.constant 14336 : i32
      %add3A_624 = vector.broadcast %add3A_623 : i32 to vector<16xi32>
      %add3A_625 = arith.addi %get3A_484, %add3A_624 : vector<16xi32>
      %gather3A_626 = tpu.vector_load_idx %arg6[%add3A_625] : memref<16384xf32, #tpu.memory_space<vmem>>[vector<16xi32>], vector<16xf32>,
      %mul3A_627 = arith.constant 16 : i32
      %mul3A_628 = arith.muli %scan3A_481, %mul3A_627 : i32
      %swap3A_629 = arith.constant 14 : i32
      %swap3A_630 = arith.index_cast %swap3A_629 : i32 to index
      %swap3A_631 = arith.index_cast %mul3A_628 : i32 to index
      %swap3A_632 = tpu.vector_load %arg8[%swap3A_630, %swap3A_631] {strides = array<i32>} : memref<16x1024xf32, #tpu.memory_space<vmem>>, vector<16xf32>,
      tpu.vector_store %arg8[%swap3A_630, %swap3A_631], %gather3A_626 {strides = array<i32>} : memref<16x1024xf32, #tpu.memory_space<vmem>>, vector<16xf32>,
      %add3A_633 = arith.constant 15360 : i32
      %add3A_634 = vector.broadcast %add3A_633 : i32 to vector<16xi32>
      %add3A_635 = arith.addi %get3A_484, %add3A_634 : vector<16xi32>
      %gather3A_636 = tpu.vector_load_idx %arg6[%add3A_635] : memref<16384xf32, #tpu.memory_space<vmem>>[vector<16xi32>], vector<16xf32>,
      %mul3A_637 = arith.constant 16 : i32
      %mul3A_638 = arith.muli %scan3A_481, %mul3A_637 : i32
      %swap3A_639 = arith.constant 15 : i32
      %swap3A_640 = arith.index_cast %swap3A_639 : i32 to index
      %swap3A_641 = arith.index_cast %mul3A_638 : i32 to index
      %swap3A_642 = tpu.vector_load %arg8[%swap3A_640, %swap3A_641] {strides = array<i32>} : memref<16x1024xf32, #tpu.memory_space<vmem>>, vector<16xf32>,
      tpu.vector_store %arg8[%swap3A_640, %swap3A_641], %gather3A_636 {strides = array<i32>} : memref<16x1024xf32, #tpu.memory_space<vmem>>, vector<16xf32>,
    }
    %scan3A_212 = arith.constant 64 : i32
    %mul3A_213 = arith.constant 1024 : i32
    %mul3A_214 = arith.muli %select_n3A_30, %mul3A_213 : i32
    %dma_start3A_215 = arith.constant 96 : i32
    %dma_start3A_216 = tpu.memref_slice %arg4[%select_n3A, %dma_start3A_215, %mul3A_214] : memref<8x256x4096xf32, #tpu.memory_space<hbm>> -> memref<1x16x1024xf32, #tpu.memory_space<hbm>>
    %dma_start3A_217 = tpu.memref_squeeze %dma_start3A_216 : memref<1x16x1024xf32, #tpu.memory_space<hbm>> -> memref<16x1024xf32, #tpu.memory_space<hbm>>
    %dma_start3A_218 = arith.constant 96 : i32
    %dma_start3A_219 = tpu.memref_slice %arg4[%select_n3A, %dma_start3A_218, %mul3A_214] : memref<8x256x4096xf32, #tpu.memory_space<hbm>> -> memref<1x16x1024xf32, #tpu.memory_space<hbm>>
    %dma_start3A_220 = tpu.memref_squeeze %dma_start3A_219 : memref<1x16x1024xf32, #tpu.memory_space<hbm>> -> memref<16x1024xf32, #tpu.memory_space<hbm>>
    tpu.enqueue_dma source(%arg8 : memref<16x1024xf32, #tpu.memory_space<vmem>>) target(%dma_start3A_220 : memref<16x1024xf32, #tpu.memory_space<hbm>>) target_semaphore(%arg12 : memref<!tpu.dma_semaphore, #tpu.memory_space<semaphore_mem>>)
    %dma_start3A_221 = arith.constant 131072 : i32
    %dma_start3A_222 = tpu.memref_slice %arg2[%dma_start3A_221] : memref<262144xf32, #tpu.memory_space<hbm>> -> memref<16384xf32, #tpu.memory_space<hbm>>
    %dma_start3A_223 = arith.constant 131072 : i32
    %dma_start3A_224 = tpu.memref_slice %arg2[%dma_start3A_223] : memref<262144xf32, #tpu.memory_space<hbm>> -> memref<16384xf32, #tpu.memory_space<hbm>>
    tpu.enqueue_dma source(%dma_start3A_224 : memref<16384xf32, #tpu.memory_space<hbm>>) target(%arg6 : memref<16384xf32, #tpu.memory_space<vmem>>) target_semaphore(%arg10 : memref<!tpu.dma_semaphore, #tpu.memory_space<semaphore_mem>>)
    %dma_wait3A_225 = arith.constant 114688 : i32
    %dma_wait3A_226 = tpu.memref_slice %arg2[%dma_wait3A_225] : memref<262144xf32, #tpu.memory_space<hbm>> -> memref<16384xf32, #tpu.memory_space<hbm>>
    %dma_wait3A_227 = arith.constant 114688 : i32
    %dma_wait3A_228 = tpu.memref_slice %arg2[%dma_wait3A_227] : memref<262144xf32, #tpu.memory_space<hbm>> -> memref<16384xf32, #tpu.memory_space<hbm>>
    tpu.wait_dma2 semaphore(%arg11 : memref<!tpu.dma_semaphore, #tpu.memory_space<semaphore_mem>>) src(%dma_wait3A_228 : memref<16384xf32, #tpu.memory_space<hbm>>) dst(%arg7 : memref<16384xf32, #tpu.memory_space<vmem>>)
    %dma_wait3A_229 = arith.constant 80 : i32
    %dma_wait3A_230 = tpu.memref_slice %arg4[%select_n3A, %dma_wait3A_229, %mul3A_186] : memref<8x256x4096xf32, #tpu.memory_space<hbm>> -> memref<1x16x1024xf32, #tpu.memory_space<hbm>>
    %dma_wait3A_231 = tpu.memref_squeeze %dma_wait3A_230 : memref<1x16x1024xf32, #tpu.memory_space<hbm>> -> memref<16x1024xf32, #tpu.memory_space<hbm>>
    %dma_wait3A_232 = arith.constant 80 : i32
    %dma_wait3A_233 = tpu.memref_slice %arg4[%select_n3A, %dma_wait3A_232, %mul3A_186] : memref<8x256x4096xf32, #tpu.memory_space<hbm>> -> memref<1x16x1024xf32, #tpu.memory_space<hbm>>
    %dma_wait3A_234 = tpu.memref_squeeze %dma_wait3A_233 : memref<1x16x1024xf32, #tpu.memory_space<hbm>> -> memref<16x1024xf32, #tpu.memory_space<hbm>>
    tpu.wait_dma2 semaphore(%arg13 : memref<!tpu.dma_semaphore, #tpu.memory_space<semaphore_mem>>) src(%arg9 : memref<16x1024xf32, #tpu.memory_space<vmem>>) dst(%dma_wait3A_234 : memref<16x1024xf32, #tpu.memory_space<hbm>>)
    %scan3A_235 = arith.constant 0 : i32
    %scan3A_236 = arith.constant 0 : i32
    %scan3A_237 = arith.constant 64 : i32
    %scan3A_238 = arith.addi %scan3A_236, %scan3A_237 : i32
    %scan3A_239 = arith.constant 1 : i32
    scf.for %scan3A_481 = %scan3A_236 to %scan3A_238 step %scan3A_239  : i32 {
      %mul3A_482 = arith.constant 16 : i32
      %mul3A_483 = arith.muli %scan3A_481, %mul3A_482 : i32
      %get3A = arith.index_cast %mul3A_483 : i32 to index
      %get3A_484 = tpu.vector_load %arg5[%get3A] {strides = array<i32>} : memref<1024xi32, #tpu.memory_space<vmem>>, vector<16xi32>,
      %add3A_485 = arith.constant 0 : i32
      %add3A_486 = vector.broadcast %add3A_485 : i32 to vector<16xi32>
      %add3A_487 = arith.addi %get3A_484, %add3A_486 : vector<16xi32>
      %gather3A = tpu.vector_load_idx %arg7[%add3A_487] : memref<16384xf32, #tpu.memory_space<vmem>>[vector<16xi32>], vector<16xf32>,
      %mul3A_488 = arith.constant 16 : i32
      %mul3A_489 = arith.muli %scan3A_481, %mul3A_488 : i32
      %swap3A = arith.constant 0 : i32
      %swap3A_490 = arith.index_cast %swap3A : i32 to index
      %swap3A_491 = arith.index_cast %mul3A_489 : i32 to index
      %swap3A_492 = tpu.vector_load %arg9[%swap3A_490, %swap3A_491] {strides = array<i32>} : memref<16x1024xf32, #tpu.memory_space<vmem>>, vector<16xf32>,
      tpu.vector_store %arg9[%swap3A_490, %swap3A_491], %gather3A {strides = array<i32>} : memref<16x1024xf32, #tpu.memory_space<vmem>>, vector<16xf32>,
      %add3A_493 = arith.constant 1024 : i32
      %add3A_494 = vector.broadcast %add3A_493 : i32 to vector<16xi32>
      %add3A_495 = arith.addi %get3A_484, %add3A_494 : vector<16xi32>
      %gather3A_496 = tpu.vector_load_idx %arg7[%add3A_495] : memref<16384xf32, #tpu.memory_space<vmem>>[vector<16xi32>], vector<16xf32>,
      %mul3A_497 = arith.constant 16 : i32
      %mul3A_498 = arith.muli %scan3A_481, %mul3A_497 : i32
      %swap3A_499 = arith.constant 1 : i32
      %swap3A_500 = arith.index_cast %swap3A_499 : i32 to index
      %swap3A_501 = arith.index_cast %mul3A_498 : i32 to index
      %swap3A_502 = tpu.vector_load %arg9[%swap3A_500, %swap3A_501] {strides = array<i32>} : memref<16x1024xf32, #tpu.memory_space<vmem>>, vector<16xf32>,
      tpu.vector_store %arg9[%swap3A_500, %swap3A_501], %gather3A_496 {strides = array<i32>} : memref<16x1024xf32, #tpu.memory_space<vmem>>, vector<16xf32>,
      %add3A_503 = arith.constant 2048 : i32
      %add3A_504 = vector.broadcast %add3A_503 : i32 to vector<16xi32>
      %add3A_505 = arith.addi %get3A_484, %add3A_504 : vector<16xi32>
      %gather3A_506 = tpu.vector_load_idx %arg7[%add3A_505] : memref<16384xf32, #tpu.memory_space<vmem>>[vector<16xi32>], vector<16xf32>,
      %mul3A_507 = arith.constant 16 : i32
      %mul3A_508 = arith.muli %scan3A_481, %mul3A_507 : i32
      %swap3A_509 = arith.constant 2 : i32
      %swap3A_510 = arith.index_cast %swap3A_509 : i32 to index
      %swap3A_511 = arith.index_cast %mul3A_508 : i32 to index
      %swap3A_512 = tpu.vector_load %arg9[%swap3A_510, %swap3A_511] {strides = array<i32>} : memref<16x1024xf32, #tpu.memory_space<vmem>>, vector<16xf32>,
      tpu.vector_store %arg9[%swap3A_510, %swap3A_511], %gather3A_506 {strides = array<i32>} : memref<16x1024xf32, #tpu.memory_space<vmem>>, vector<16xf32>,
      %add3A_513 = arith.constant 3072 : i32
      %add3A_514 = vector.broadcast %add3A_513 : i32 to vector<16xi32>
      %add3A_515 = arith.addi %get3A_484, %add3A_514 : vector<16xi32>
      %gather3A_516 = tpu.vector_load_idx %arg7[%add3A_515] : memref<16384xf32, #tpu.memory_space<vmem>>[vector<16xi32>], vector<16xf32>,
      %mul3A_517 = arith.constant 16 : i32
      %mul3A_518 = arith.muli %scan3A_481, %mul3A_517 : i32
      %swap3A_519 = arith.constant 3 : i32
      %swap3A_520 = arith.index_cast %swap3A_519 : i32 to index
      %swap3A_521 = arith.index_cast %mul3A_518 : i32 to index
      %swap3A_522 = tpu.vector_load %arg9[%swap3A_520, %swap3A_521] {strides = array<i32>} : memref<16x1024xf32, #tpu.memory_space<vmem>>, vector<16xf32>,
      tpu.vector_store %arg9[%swap3A_520, %swap3A_521], %gather3A_516 {strides = array<i32>} : memref<16x1024xf32, #tpu.memory_space<vmem>>, vector<16xf32>,
      %add3A_523 = arith.constant 4096 : i32
      %add3A_524 = vector.broadcast %add3A_523 : i32 to vector<16xi32>
      %add3A_525 = arith.addi %get3A_484, %add3A_524 : vector<16xi32>
      %gather3A_526 = tpu.vector_load_idx %arg7[%add3A_525] : memref<16384xf32, #tpu.memory_space<vmem>>[vector<16xi32>], vector<16xf32>,
      %mul3A_527 = arith.constant 16 : i32
      %mul3A_528 = arith.muli %scan3A_481, %mul3A_527 : i32
      %swap3A_529 = arith.constant 4 : i32
      %swap3A_530 = arith.index_cast %swap3A_529 : i32 to index
      %swap3A_531 = arith.index_cast %mul3A_528 : i32 to index
      %swap3A_532 = tpu.vector_load %arg9[%swap3A_530, %swap3A_531] {strides = array<i32>} : memref<16x1024xf32, #tpu.memory_space<vmem>>, vector<16xf32>,
      tpu.vector_store %arg9[%swap3A_530, %swap3A_531], %gather3A_526 {strides = array<i32>} : memref<16x1024xf32, #tpu.memory_space<vmem>>, vector<16xf32>,
      %add3A_533 = arith.constant 5120 : i32
      %add3A_534 = vector.broadcast %add3A_533 : i32 to vector<16xi32>
      %add3A_535 = arith.addi %get3A_484, %add3A_534 : vector<16xi32>
      %gather3A_536 = tpu.vector_load_idx %arg7[%add3A_535] : memref<16384xf32, #tpu.memory_space<vmem>>[vector<16xi32>], vector<16xf32>,
      %mul3A_537 = arith.constant 16 : i32
      %mul3A_538 = arith.muli %scan3A_481, %mul3A_537 : i32
      %swap3A_539 = arith.constant 5 : i32
      %swap3A_540 = arith.index_cast %swap3A_539 : i32 to index
      %swap3A_541 = arith.index_cast %mul3A_538 : i32 to index
      %swap3A_542 = tpu.vector_load %arg9[%swap3A_540, %swap3A_541] {strides = array<i32>} : memref<16x1024xf32, #tpu.memory_space<vmem>>, vector<16xf32>,
      tpu.vector_store %arg9[%swap3A_540, %swap3A_541], %gather3A_536 {strides = array<i32>} : memref<16x1024xf32, #tpu.memory_space<vmem>>, vector<16xf32>,
      %add3A_543 = arith.constant 6144 : i32
      %add3A_544 = vector.broadcast %add3A_543 : i32 to vector<16xi32>
      %add3A_545 = arith.addi %get3A_484, %add3A_544 : vector<16xi32>
      %gather3A_546 = tpu.vector_load_idx %arg7[%add3A_545] : memref<16384xf32, #tpu.memory_space<vmem>>[vector<16xi32>], vector<16xf32>,
      %mul3A_547 = arith.constant 16 : i32
      %mul3A_548 = arith.muli %scan3A_481, %mul3A_547 : i32
      %swap3A_549 = arith.constant 6 : i32
      %swap3A_550 = arith.index_cast %swap3A_549 : i32 to index
      %swap3A_551 = arith.index_cast %mul3A_548 : i32 to index
      %swap3A_552 = tpu.vector_load %arg9[%swap3A_550, %swap3A_551] {strides = array<i32>} : memref<16x1024xf32, #tpu.memory_space<vmem>>, vector<16xf32>,
      tpu.vector_store %arg9[%swap3A_550, %swap3A_551], %gather3A_546 {strides = array<i32>} : memref<16x1024xf32, #tpu.memory_space<vmem>>, vector<16xf32>,
      %add3A_553 = arith.constant 7168 : i32
      %add3A_554 = vector.broadcast %add3A_553 : i32 to vector<16xi32>
      %add3A_555 = arith.addi %get3A_484, %add3A_554 : vector<16xi32>
      %gather3A_556 = tpu.vector_load_idx %arg7[%add3A_555] : memref<16384xf32, #tpu.memory_space<vmem>>[vector<16xi32>], vector<16xf32>,
      %mul3A_557 = arith.constant 16 : i32
      %mul3A_558 = arith.muli %scan3A_481, %mul3A_557 : i32
      %swap3A_559 = arith.constant 7 : i32
      %swap3A_560 = arith.index_cast %swap3A_559 : i32 to index
      %swap3A_561 = arith.index_cast %mul3A_558 : i32 to index
      %swap3A_562 = tpu.vector_load %arg9[%swap3A_560, %swap3A_561] {strides = array<i32>} : memref<16x1024xf32, #tpu.memory_space<vmem>>, vector<16xf32>,
      tpu.vector_store %arg9[%swap3A_560, %swap3A_561], %gather3A_556 {strides = array<i32>} : memref<16x1024xf32, #tpu.memory_space<vmem>>, vector<16xf32>,
      %add3A_563 = arith.constant 8192 : i32
      %add3A_564 = vector.broadcast %add3A_563 : i32 to vector<16xi32>
      %add3A_565 = arith.addi %get3A_484, %add3A_564 : vector<16xi32>
      %gather3A_566 = tpu.vector_load_idx %arg7[%add3A_565] : memref<16384xf32, #tpu.memory_space<vmem>>[vector<16xi32>], vector<16xf32>,
      %mul3A_567 = arith.constant 16 : i32
      %mul3A_568 = arith.muli %scan3A_481, %mul3A_567 : i32
      %swap3A_569 = arith.constant 8 : i32
      %swap3A_570 = arith.index_cast %swap3A_569 : i32 to index
      %swap3A_571 = arith.index_cast %mul3A_568 : i32 to index
      %swap3A_572 = tpu.vector_load %arg9[%swap3A_570, %swap3A_571] {strides = array<i32>} : memref<16x1024xf32, #tpu.memory_space<vmem>>, vector<16xf32>,
      tpu.vector_store %arg9[%swap3A_570, %swap3A_571], %gather3A_566 {strides = array<i32>} : memref<16x1024xf32, #tpu.memory_space<vmem>>, vector<16xf32>,
      %add3A_573 = arith.constant 9216 : i32
      %add3A_574 = vector.broadcast %add3A_573 : i32 to vector<16xi32>
      %add3A_575 = arith.addi %get3A_484, %add3A_574 : vector<16xi32>
      %gather3A_576 = tpu.vector_load_idx %arg7[%add3A_575] : memref<16384xf32, #tpu.memory_space<vmem>>[vector<16xi32>], vector<16xf32>,
      %mul3A_577 = arith.constant 16 : i32
      %mul3A_578 = arith.muli %scan3A_481, %mul3A_577 : i32
      %swap3A_579 = arith.constant 9 : i32
      %swap3A_580 = arith.index_cast %swap3A_579 : i32 to index
      %swap3A_581 = arith.index_cast %mul3A_578 : i32 to index
      %swap3A_582 = tpu.vector_load %arg9[%swap3A_580, %swap3A_581] {strides = array<i32>} : memref<16x1024xf32, #tpu.memory_space<vmem>>, vector<16xf32>,
      tpu.vector_store %arg9[%swap3A_580, %swap3A_581], %gather3A_576 {strides = array<i32>} : memref<16x1024xf32, #tpu.memory_space<vmem>>, vector<16xf32>,
      %add3A_583 = arith.constant 10240 : i32
      %add3A_584 = vector.broadcast %add3A_583 : i32 to vector<16xi32>
      %add3A_585 = arith.addi %get3A_484, %add3A_584 : vector<16xi32>
      %gather3A_586 = tpu.vector_load_idx %arg7[%add3A_585] : memref<16384xf32, #tpu.memory_space<vmem>>[vector<16xi32>], vector<16xf32>,
      %mul3A_587 = arith.constant 16 : i32
      %mul3A_588 = arith.muli %scan3A_481, %mul3A_587 : i32
      %swap3A_589 = arith.constant 10 : i32
      %swap3A_590 = arith.index_cast %swap3A_589 : i32 to index
      %swap3A_591 = arith.index_cast %mul3A_588 : i32 to index
      %swap3A_592 = tpu.vector_load %arg9[%swap3A_590, %swap3A_591] {strides = array<i32>} : memref<16x1024xf32, #tpu.memory_space<vmem>>, vector<16xf32>,
      tpu.vector_store %arg9[%swap3A_590, %swap3A_591], %gather3A_586 {strides = array<i32>} : memref<16x1024xf32, #tpu.memory_space<vmem>>, vector<16xf32>,
      %add3A_593 = arith.constant 11264 : i32
      %add3A_594 = vector.broadcast %add3A_593 : i32 to vector<16xi32>
      %add3A_595 = arith.addi %get3A_484, %add3A_594 : vector<16xi32>
      %gather3A_596 = tpu.vector_load_idx %arg7[%add3A_595] : memref<16384xf32, #tpu.memory_space<vmem>>[vector<16xi32>], vector<16xf32>,
      %mul3A_597 = arith.constant 16 : i32
      %mul3A_598 = arith.muli %scan3A_481, %mul3A_597 : i32
      %swap3A_599 = arith.constant 11 : i32
      %swap3A_600 = arith.index_cast %swap3A_599 : i32 to index
      %swap3A_601 = arith.index_cast %mul3A_598 : i32 to index
      %swap3A_602 = tpu.vector_load %arg9[%swap3A_600, %swap3A_601] {strides = array<i32>} : memref<16x1024xf32, #tpu.memory_space<vmem>>, vector<16xf32>,
      tpu.vector_store %arg9[%swap3A_600, %swap3A_601], %gather3A_596 {strides = array<i32>} : memref<16x1024xf32, #tpu.memory_space<vmem>>, vector<16xf32>,
      %add3A_603 = arith.constant 12288 : i32
      %add3A_604 = vector.broadcast %add3A_603 : i32 to vector<16xi32>
      %add3A_605 = arith.addi %get3A_484, %add3A_604 : vector<16xi32>
      %gather3A_606 = tpu.vector_load_idx %arg7[%add3A_605] : memref<16384xf32, #tpu.memory_space<vmem>>[vector<16xi32>], vector<16xf32>,
      %mul3A_607 = arith.constant 16 : i32
      %mul3A_608 = arith.muli %scan3A_481, %mul3A_607 : i32
      %swap3A_609 = arith.constant 12 : i32
      %swap3A_610 = arith.index_cast %swap3A_609 : i32 to index
      %swap3A_611 = arith.index_cast %mul3A_608 : i32 to index
      %swap3A_612 = tpu.vector_load %arg9[%swap3A_610, %swap3A_611] {strides = array<i32>} : memref<16x1024xf32, #tpu.memory_space<vmem>>, vector<16xf32>,
      tpu.vector_store %arg9[%swap3A_610, %swap3A_611], %gather3A_606 {strides = array<i32>} : memref<16x1024xf32, #tpu.memory_space<vmem>>, vector<16xf32>,
      %add3A_613 = arith.constant 13312 : i32
      %add3A_614 = vector.broadcast %add3A_613 : i32 to vector<16xi32>
      %add3A_615 = arith.addi %get3A_484, %add3A_614 : vector<16xi32>
      %gather3A_616 = tpu.vector_load_idx %arg7[%add3A_615] : memref<16384xf32, #tpu.memory_space<vmem>>[vector<16xi32>], vector<16xf32>,
      %mul3A_617 = arith.constant 16 : i32
      %mul3A_618 = arith.muli %scan3A_481, %mul3A_617 : i32
      %swap3A_619 = arith.constant 13 : i32
      %swap3A_620 = arith.index_cast %swap3A_619 : i32 to index
      %swap3A_621 = arith.index_cast %mul3A_618 : i32 to index
      %swap3A_622 = tpu.vector_load %arg9[%swap3A_620, %swap3A_621] {strides = array<i32>} : memref<16x1024xf32, #tpu.memory_space<vmem>>, vector<16xf32>,
      tpu.vector_store %arg9[%swap3A_620, %swap3A_621], %gather3A_616 {strides = array<i32>} : memref<16x1024xf32, #tpu.memory_space<vmem>>, vector<16xf32>,
      %add3A_623 = arith.constant 14336 : i32
      %add3A_624 = vector.broadcast %add3A_623 : i32 to vector<16xi32>
      %add3A_625 = arith.addi %get3A_484, %add3A_624 : vector<16xi32>
      %gather3A_626 = tpu.vector_load_idx %arg7[%add3A_625] : memref<16384xf32, #tpu.memory_space<vmem>>[vector<16xi32>], vector<16xf32>,
      %mul3A_627 = arith.constant 16 : i32
      %mul3A_628 = arith.muli %scan3A_481, %mul3A_627 : i32
      %swap3A_629 = arith.constant 14 : i32
      %swap3A_630 = arith.index_cast %swap3A_629 : i32 to index
      %swap3A_631 = arith.index_cast %mul3A_628 : i32 to index
      %swap3A_632 = tpu.vector_load %arg9[%swap3A_630, %swap3A_631] {strides = array<i32>} : memref<16x1024xf32, #tpu.memory_space<vmem>>, vector<16xf32>,
      tpu.vector_store %arg9[%swap3A_630, %swap3A_631], %gather3A_626 {strides = array<i32>} : memref<16x1024xf32, #tpu.memory_space<vmem>>, vector<16xf32>,
      %add3A_633 = arith.constant 15360 : i32
      %add3A_634 = vector.broadcast %add3A_633 : i32 to vector<16xi32>
      %add3A_635 = arith.addi %get3A_484, %add3A_634 : vector<16xi32>
      %gather3A_636 = tpu.vector_load_idx %arg7[%add3A_635] : memref<16384xf32, #tpu.memory_space<vmem>>[vector<16xi32>], vector<16xf32>,
      %mul3A_637 = arith.constant 16 : i32
      %mul3A_638 = arith.muli %scan3A_481, %mul3A_637 : i32
      %swap3A_639 = arith.constant 15 : i32
      %swap3A_640 = arith.index_cast %swap3A_639 : i32 to index
      %swap3A_641 = arith.index_cast %mul3A_638 : i32 to index
      %swap3A_642 = tpu.vector_load %arg9[%swap3A_640, %swap3A_641] {strides = array<i32>} : memref<16x1024xf32, #tpu.memory_space<vmem>>, vector<16xf32>,
      tpu.vector_store %arg9[%swap3A_640, %swap3A_641], %gather3A_636 {strides = array<i32>} : memref<16x1024xf32, #tpu.memory_space<vmem>>, vector<16xf32>,
    }
    %scan3A_240 = arith.constant 64 : i32
    %mul3A_241 = arith.constant 1024 : i32
    %mul3A_242 = arith.muli %select_n3A_30, %mul3A_241 : i32
    %dma_start3A_243 = arith.constant 112 : i32
    %dma_start3A_244 = tpu.memref_slice %arg4[%select_n3A, %dma_start3A_243, %mul3A_242] : memref<8x256x4096xf32, #tpu.memory_space<hbm>> -> memref<1x16x1024xf32, #tpu.memory_space<hbm>>
    %dma_start3A_245 = tpu.memref_squeeze %dma_start3A_244 : memref<1x16x1024xf32, #tpu.memory_space<hbm>> -> memref<16x1024xf32, #tpu.memory_space<hbm>>
    %dma_start3A_246 = arith.constant 112 : i32
    %dma_start3A_247 = tpu.memref_slice %arg4[%select_n3A, %dma_start3A_246, %mul3A_242] : memref<8x256x4096xf32, #tpu.memory_space<hbm>> -> memref<1x16x1024xf32, #tpu.memory_space<hbm>>
    %dma_start3A_248 = tpu.memref_squeeze %dma_start3A_247 : memref<1x16x1024xf32, #tpu.memory_space<hbm>> -> memref<16x1024xf32, #tpu.memory_space<hbm>>
    tpu.enqueue_dma source(%arg9 : memref<16x1024xf32, #tpu.memory_space<vmem>>) target(%dma_start3A_248 : memref<16x1024xf32, #tpu.memory_space<hbm>>) target_semaphore(%arg13 : memref<!tpu.dma_semaphore, #tpu.memory_space<semaphore_mem>>)
    %dma_start3A_249 = arith.constant 147456 : i32
    %dma_start3A_250 = tpu.memref_slice %arg2[%dma_start3A_249] : memref<262144xf32, #tpu.memory_space<hbm>> -> memref<16384xf32, #tpu.memory_space<hbm>>
    %dma_start3A_251 = arith.constant 147456 : i32
    %dma_start3A_252 = tpu.memref_slice %arg2[%dma_start3A_251] : memref<262144xf32, #tpu.memory_space<hbm>> -> memref<16384xf32, #tpu.memory_space<hbm>>
    tpu.enqueue_dma source(%dma_start3A_252 : memref<16384xf32, #tpu.memory_space<hbm>>) target(%arg7 : memref<16384xf32, #tpu.memory_space<vmem>>) target_semaphore(%arg11 : memref<!tpu.dma_semaphore, #tpu.memory_space<semaphore_mem>>)
    %dma_wait3A_253 = arith.constant 131072 : i32
    %dma_wait3A_254 = tpu.memref_slice %arg2[%dma_wait3A_253] : memref<262144xf32, #tpu.memory_space<hbm>> -> memref<16384xf32, #tpu.memory_space<hbm>>
    %dma_wait3A_255 = arith.constant 131072 : i32
    %dma_wait3A_256 = tpu.memref_slice %arg2[%dma_wait3A_255] : memref<262144xf32, #tpu.memory_space<hbm>> -> memref<16384xf32, #tpu.memory_space<hbm>>
    tpu.wait_dma2 semaphore(%arg10 : memref<!tpu.dma_semaphore, #tpu.memory_space<semaphore_mem>>) src(%dma_wait3A_256 : memref<16384xf32, #tpu.memory_space<hbm>>) dst(%arg6 : memref<16384xf32, #tpu.memory_space<vmem>>)
    %dma_wait3A_257 = arith.constant 96 : i32
    %dma_wait3A_258 = tpu.memref_slice %arg4[%select_n3A, %dma_wait3A_257, %mul3A_214] : memref<8x256x4096xf32, #tpu.memory_space<hbm>> -> memref<1x16x1024xf32, #tpu.memory_space<hbm>>
    %dma_wait3A_259 = tpu.memref_squeeze %dma_wait3A_258 : memref<1x16x1024xf32, #tpu.memory_space<hbm>> -> memref<16x1024xf32, #tpu.memory_space<hbm>>
    %dma_wait3A_260 = arith.constant 96 : i32
    %dma_wait3A_261 = tpu.memref_slice %arg4[%select_n3A, %dma_wait3A_260, %mul3A_214] : memref<8x256x4096xf32, #tpu.memory_space<hbm>> -> memref<1x16x1024xf32, #tpu.memory_space<hbm>>
    %dma_wait3A_262 = tpu.memref_squeeze %dma_wait3A_261 : memref<1x16x1024xf32, #tpu.memory_space<hbm>> -> memref<16x1024xf32, #tpu.memory_space<hbm>>
    tpu.wait_dma2 semaphore(%arg12 : memref<!tpu.dma_semaphore, #tpu.memory_space<semaphore_mem>>) src(%arg8 : memref<16x1024xf32, #tpu.memory_space<vmem>>) dst(%dma_wait3A_262 : memref<16x1024xf32, #tpu.memory_space<hbm>>)
    %scan3A_263 = arith.constant 0 : i32
    %scan3A_264 = arith.constant 0 : i32
    %scan3A_265 = arith.constant 64 : i32
    %scan3A_266 = arith.addi %scan3A_264, %scan3A_265 : i32
    %scan3A_267 = arith.constant 1 : i32
    scf.for %scan3A_481 = %scan3A_264 to %scan3A_266 step %scan3A_267  : i32 {
      %mul3A_482 = arith.constant 16 : i32
      %mul3A_483 = arith.muli %scan3A_481, %mul3A_482 : i32
      %get3A = arith.index_cast %mul3A_483 : i32 to index
      %get3A_484 = tpu.vector_load %arg5[%get3A] {strides = array<i32>} : memref<1024xi32, #tpu.memory_space<vmem>>, vector<16xi32>,
      %add3A_485 = arith.constant 0 : i32
      %add3A_486 = vector.broadcast %add3A_485 : i32 to vector<16xi32>
      %add3A_487 = arith.addi %get3A_484, %add3A_486 : vector<16xi32>
      %gather3A = tpu.vector_load_idx %arg6[%add3A_487] : memref<16384xf32, #tpu.memory_space<vmem>>[vector<16xi32>], vector<16xf32>,
      %mul3A_488 = arith.constant 16 : i32
      %mul3A_489 = arith.muli %scan3A_481, %mul3A_488 : i32
      %swap3A = arith.constant 0 : i32
      %swap3A_490 = arith.index_cast %swap3A : i32 to index
      %swap3A_491 = arith.index_cast %mul3A_489 : i32 to index
      %swap3A_492 = tpu.vector_load %arg8[%swap3A_490, %swap3A_491] {strides = array<i32>} : memref<16x1024xf32, #tpu.memory_space<vmem>>, vector<16xf32>,
      tpu.vector_store %arg8[%swap3A_490, %swap3A_491], %gather3A {strides = array<i32>} : memref<16x1024xf32, #tpu.memory_space<vmem>>, vector<16xf32>,
      %add3A_493 = arith.constant 1024 : i32
      %add3A_494 = vector.broadcast %add3A_493 : i32 to vector<16xi32>
      %add3A_495 = arith.addi %get3A_484, %add3A_494 : vector<16xi32>
      %gather3A_496 = tpu.vector_load_idx %arg6[%add3A_495] : memref<16384xf32, #tpu.memory_space<vmem>>[vector<16xi32>], vector<16xf32>,
      %mul3A_497 = arith.constant 16 : i32
      %mul3A_498 = arith.muli %scan3A_481, %mul3A_497 : i32
      %swap3A_499 = arith.constant 1 : i32
      %swap3A_500 = arith.index_cast %swap3A_499 : i32 to index
      %swap3A_501 = arith.index_cast %mul3A_498 : i32 to index
      %swap3A_502 = tpu.vector_load %arg8[%swap3A_500, %swap3A_501] {strides = array<i32>} : memref<16x1024xf32, #tpu.memory_space<vmem>>, vector<16xf32>,
      tpu.vector_store %arg8[%swap3A_500, %swap3A_501], %gather3A_496 {strides = array<i32>} : memref<16x1024xf32, #tpu.memory_space<vmem>>, vector<16xf32>,
      %add3A_503 = arith.constant 2048 : i32
      %add3A_504 = vector.broadcast %add3A_503 : i32 to vector<16xi32>
      %add3A_505 = arith.addi %get3A_484, %add3A_504 : vector<16xi32>
      %gather3A_506 = tpu.vector_load_idx %arg6[%add3A_505] : memref<16384xf32, #tpu.memory_space<vmem>>[vector<16xi32>], vector<16xf32>,
      %mul3A_507 = arith.constant 16 : i32
      %mul3A_508 = arith.muli %scan3A_481, %mul3A_507 : i32
      %swap3A_509 = arith.constant 2 : i32
      %swap3A_510 = arith.index_cast %swap3A_509 : i32 to index
      %swap3A_511 = arith.index_cast %mul3A_508 : i32 to index
      %swap3A_512 = tpu.vector_load %arg8[%swap3A_510, %swap3A_511] {strides = array<i32>} : memref<16x1024xf32, #tpu.memory_space<vmem>>, vector<16xf32>,
      tpu.vector_store %arg8[%swap3A_510, %swap3A_511], %gather3A_506 {strides = array<i32>} : memref<16x1024xf32, #tpu.memory_space<vmem>>, vector<16xf32>,
      %add3A_513 = arith.constant 3072 : i32
      %add3A_514 = vector.broadcast %add3A_513 : i32 to vector<16xi32>
      %add3A_515 = arith.addi %get3A_484, %add3A_514 : vector<16xi32>
      %gather3A_516 = tpu.vector_load_idx %arg6[%add3A_515] : memref<16384xf32, #tpu.memory_space<vmem>>[vector<16xi32>], vector<16xf32>,
      %mul3A_517 = arith.constant 16 : i32
      %mul3A_518 = arith.muli %scan3A_481, %mul3A_517 : i32
      %swap3A_519 = arith.constant 3 : i32
      %swap3A_520 = arith.index_cast %swap3A_519 : i32 to index
      %swap3A_521 = arith.index_cast %mul3A_518 : i32 to index
      %swap3A_522 = tpu.vector_load %arg8[%swap3A_520, %swap3A_521] {strides = array<i32>} : memref<16x1024xf32, #tpu.memory_space<vmem>>, vector<16xf32>,
      tpu.vector_store %arg8[%swap3A_520, %swap3A_521], %gather3A_516 {strides = array<i32>} : memref<16x1024xf32, #tpu.memory_space<vmem>>, vector<16xf32>,
      %add3A_523 = arith.constant 4096 : i32
      %add3A_524 = vector.broadcast %add3A_523 : i32 to vector<16xi32>
      %add3A_525 = arith.addi %get3A_484, %add3A_524 : vector<16xi32>
      %gather3A_526 = tpu.vector_load_idx %arg6[%add3A_525] : memref<16384xf32, #tpu.memory_space<vmem>>[vector<16xi32>], vector<16xf32>,
      %mul3A_527 = arith.constant 16 : i32
      %mul3A_528 = arith.muli %scan3A_481, %mul3A_527 : i32
      %swap3A_529 = arith.constant 4 : i32
      %swap3A_530 = arith.index_cast %swap3A_529 : i32 to index
      %swap3A_531 = arith.index_cast %mul3A_528 : i32 to index
      %swap3A_532 = tpu.vector_load %arg8[%swap3A_530, %swap3A_531] {strides = array<i32>} : memref<16x1024xf32, #tpu.memory_space<vmem>>, vector<16xf32>,
      tpu.vector_store %arg8[%swap3A_530, %swap3A_531], %gather3A_526 {strides = array<i32>} : memref<16x1024xf32, #tpu.memory_space<vmem>>, vector<16xf32>,
      %add3A_533 = arith.constant 5120 : i32
      %add3A_534 = vector.broadcast %add3A_533 : i32 to vector<16xi32>
      %add3A_535 = arith.addi %get3A_484, %add3A_534 : vector<16xi32>
      %gather3A_536 = tpu.vector_load_idx %arg6[%add3A_535] : memref<16384xf32, #tpu.memory_space<vmem>>[vector<16xi32>], vector<16xf32>,
      %mul3A_537 = arith.constant 16 : i32
      %mul3A_538 = arith.muli %scan3A_481, %mul3A_537 : i32
      %swap3A_539 = arith.constant 5 : i32
      %swap3A_540 = arith.index_cast %swap3A_539 : i32 to index
      %swap3A_541 = arith.index_cast %mul3A_538 : i32 to index
      %swap3A_542 = tpu.vector_load %arg8[%swap3A_540, %swap3A_541] {strides = array<i32>} : memref<16x1024xf32, #tpu.memory_space<vmem>>, vector<16xf32>,
      tpu.vector_store %arg8[%swap3A_540, %swap3A_541], %gather3A_536 {strides = array<i32>} : memref<16x1024xf32, #tpu.memory_space<vmem>>, vector<16xf32>,
      %add3A_543 = arith.constant 6144 : i32
      %add3A_544 = vector.broadcast %add3A_543 : i32 to vector<16xi32>
      %add3A_545 = arith.addi %get3A_484, %add3A_544 : vector<16xi32>
      %gather3A_546 = tpu.vector_load_idx %arg6[%add3A_545] : memref<16384xf32, #tpu.memory_space<vmem>>[vector<16xi32>], vector<16xf32>,
      %mul3A_547 = arith.constant 16 : i32
      %mul3A_548 = arith.muli %scan3A_481, %mul3A_547 : i32
      %swap3A_549 = arith.constant 6 : i32
      %swap3A_550 = arith.index_cast %swap3A_549 : i32 to index
      %swap3A_551 = arith.index_cast %mul3A_548 : i32 to index
      %swap3A_552 = tpu.vector_load %arg8[%swap3A_550, %swap3A_551] {strides = array<i32>} : memref<16x1024xf32, #tpu.memory_space<vmem>>, vector<16xf32>,
      tpu.vector_store %arg8[%swap3A_550, %swap3A_551], %gather3A_546 {strides = array<i32>} : memref<16x1024xf32, #tpu.memory_space<vmem>>, vector<16xf32>,
      %add3A_553 = arith.constant 7168 : i32
      %add3A_554 = vector.broadcast %add3A_553 : i32 to vector<16xi32>
      %add3A_555 = arith.addi %get3A_484, %add3A_554 : vector<16xi32>
      %gather3A_556 = tpu.vector_load_idx %arg6[%add3A_555] : memref<16384xf32, #tpu.memory_space<vmem>>[vector<16xi32>], vector<16xf32>,
      %mul3A_557 = arith.constant 16 : i32
      %mul3A_558 = arith.muli %scan3A_481, %mul3A_557 : i32
      %swap3A_559 = arith.constant 7 : i32
      %swap3A_560 = arith.index_cast %swap3A_559 : i32 to index
      %swap3A_561 = arith.index_cast %mul3A_558 : i32 to index
      %swap3A_562 = tpu.vector_load %arg8[%swap3A_560, %swap3A_561] {strides = array<i32>} : memref<16x1024xf32, #tpu.memory_space<vmem>>, vector<16xf32>,
      tpu.vector_store %arg8[%swap3A_560, %swap3A_561], %gather3A_556 {strides = array<i32>} : memref<16x1024xf32, #tpu.memory_space<vmem>>, vector<16xf32>,
      %add3A_563 = arith.constant 8192 : i32
      %add3A_564 = vector.broadcast %add3A_563 : i32 to vector<16xi32>
      %add3A_565 = arith.addi %get3A_484, %add3A_564 : vector<16xi32>
      %gather3A_566 = tpu.vector_load_idx %arg6[%add3A_565] : memref<16384xf32, #tpu.memory_space<vmem>>[vector<16xi32>], vector<16xf32>,
      %mul3A_567 = arith.constant 16 : i32
      %mul3A_568 = arith.muli %scan3A_481, %mul3A_567 : i32
      %swap3A_569 = arith.constant 8 : i32
      %swap3A_570 = arith.index_cast %swap3A_569 : i32 to index
      %swap3A_571 = arith.index_cast %mul3A_568 : i32 to index
      %swap3A_572 = tpu.vector_load %arg8[%swap3A_570, %swap3A_571] {strides = array<i32>} : memref<16x1024xf32, #tpu.memory_space<vmem>>, vector<16xf32>,
      tpu.vector_store %arg8[%swap3A_570, %swap3A_571], %gather3A_566 {strides = array<i32>} : memref<16x1024xf32, #tpu.memory_space<vmem>>, vector<16xf32>,
      %add3A_573 = arith.constant 9216 : i32
      %add3A_574 = vector.broadcast %add3A_573 : i32 to vector<16xi32>
      %add3A_575 = arith.addi %get3A_484, %add3A_574 : vector<16xi32>
      %gather3A_576 = tpu.vector_load_idx %arg6[%add3A_575] : memref<16384xf32, #tpu.memory_space<vmem>>[vector<16xi32>], vector<16xf32>,
      %mul3A_577 = arith.constant 16 : i32
      %mul3A_578 = arith.muli %scan3A_481, %mul3A_577 : i32
      %swap3A_579 = arith.constant 9 : i32
      %swap3A_580 = arith.index_cast %swap3A_579 : i32 to index
      %swap3A_581 = arith.index_cast %mul3A_578 : i32 to index
      %swap3A_582 = tpu.vector_load %arg8[%swap3A_580, %swap3A_581] {strides = array<i32>} : memref<16x1024xf32, #tpu.memory_space<vmem>>, vector<16xf32>,
      tpu.vector_store %arg8[%swap3A_580, %swap3A_581], %gather3A_576 {strides = array<i32>} : memref<16x1024xf32, #tpu.memory_space<vmem>>, vector<16xf32>,
      %add3A_583 = arith.constant 10240 : i32
      %add3A_584 = vector.broadcast %add3A_583 : i32 to vector<16xi32>
      %add3A_585 = arith.addi %get3A_484, %add3A_584 : vector<16xi32>
      %gather3A_586 = tpu.vector_load_idx %arg6[%add3A_585] : memref<16384xf32, #tpu.memory_space<vmem>>[vector<16xi32>], vector<16xf32>,
      %mul3A_587 = arith.constant 16 : i32
      %mul3A_588 = arith.muli %scan3A_481, %mul3A_587 : i32
      %swap3A_589 = arith.constant 10 : i32
      %swap3A_590 = arith.index_cast %swap3A_589 : i32 to index
      %swap3A_591 = arith.index_cast %mul3A_588 : i32 to index
      %swap3A_592 = tpu.vector_load %arg8[%swap3A_590, %swap3A_591] {strides = array<i32>} : memref<16x1024xf32, #tpu.memory_space<vmem>>, vector<16xf32>,
      tpu.vector_store %arg8[%swap3A_590, %swap3A_591], %gather3A_586 {strides = array<i32>} : memref<16x1024xf32, #tpu.memory_space<vmem>>, vector<16xf32>,
      %add3A_593 = arith.constant 11264 : i32
      %add3A_594 = vector.broadcast %add3A_593 : i32 to vector<16xi32>
      %add3A_595 = arith.addi %get3A_484, %add3A_594 : vector<16xi32>
      %gather3A_596 = tpu.vector_load_idx %arg6[%add3A_595] : memref<16384xf32, #tpu.memory_space<vmem>>[vector<16xi32>], vector<16xf32>,
      %mul3A_597 = arith.constant 16 : i32
      %mul3A_598 = arith.muli %scan3A_481, %mul3A_597 : i32
      %swap3A_599 = arith.constant 11 : i32
      %swap3A_600 = arith.index_cast %swap3A_599 : i32 to index
      %swap3A_601 = arith.index_cast %mul3A_598 : i32 to index
      %swap3A_602 = tpu.vector_load %arg8[%swap3A_600, %swap3A_601] {strides = array<i32>} : memref<16x1024xf32, #tpu.memory_space<vmem>>, vector<16xf32>,
      tpu.vector_store %arg8[%swap3A_600, %swap3A_601], %gather3A_596 {strides = array<i32>} : memref<16x1024xf32, #tpu.memory_space<vmem>>, vector<16xf32>,
      %add3A_603 = arith.constant 12288 : i32
      %add3A_604 = vector.broadcast %add3A_603 : i32 to vector<16xi32>
      %add3A_605 = arith.addi %get3A_484, %add3A_604 : vector<16xi32>
      %gather3A_606 = tpu.vector_load_idx %arg6[%add3A_605] : memref<16384xf32, #tpu.memory_space<vmem>>[vector<16xi32>], vector<16xf32>,
      %mul3A_607 = arith.constant 16 : i32
      %mul3A_608 = arith.muli %scan3A_481, %mul3A_607 : i32
      %swap3A_609 = arith.constant 12 : i32
      %swap3A_610 = arith.index_cast %swap3A_609 : i32 to index
      %swap3A_611 = arith.index_cast %mul3A_608 : i32 to index
      %swap3A_612 = tpu.vector_load %arg8[%swap3A_610, %swap3A_611] {strides = array<i32>} : memref<16x1024xf32, #tpu.memory_space<vmem>>, vector<16xf32>,
      tpu.vector_store %arg8[%swap3A_610, %swap3A_611], %gather3A_606 {strides = array<i32>} : memref<16x1024xf32, #tpu.memory_space<vmem>>, vector<16xf32>,
      %add3A_613 = arith.constant 13312 : i32
      %add3A_614 = vector.broadcast %add3A_613 : i32 to vector<16xi32>
      %add3A_615 = arith.addi %get3A_484, %add3A_614 : vector<16xi32>
      %gather3A_616 = tpu.vector_load_idx %arg6[%add3A_615] : memref<16384xf32, #tpu.memory_space<vmem>>[vector<16xi32>], vector<16xf32>,
      %mul3A_617 = arith.constant 16 : i32
      %mul3A_618 = arith.muli %scan3A_481, %mul3A_617 : i32
      %swap3A_619 = arith.constant 13 : i32
      %swap3A_620 = arith.index_cast %swap3A_619 : i32 to index
      %swap3A_621 = arith.index_cast %mul3A_618 : i32 to index
      %swap3A_622 = tpu.vector_load %arg8[%swap3A_620, %swap3A_621] {strides = array<i32>} : memref<16x1024xf32, #tpu.memory_space<vmem>>, vector<16xf32>,
      tpu.vector_store %arg8[%swap3A_620, %swap3A_621], %gather3A_616 {strides = array<i32>} : memref<16x1024xf32, #tpu.memory_space<vmem>>, vector<16xf32>,
      %add3A_623 = arith.constant 14336 : i32
      %add3A_624 = vector.broadcast %add3A_623 : i32 to vector<16xi32>
      %add3A_625 = arith.addi %get3A_484, %add3A_624 : vector<16xi32>
      %gather3A_626 = tpu.vector_load_idx %arg6[%add3A_625] : memref<16384xf32, #tpu.memory_space<vmem>>[vector<16xi32>], vector<16xf32>,
      %mul3A_627 = arith.constant 16 : i32
      %mul3A_628 = arith.muli %scan3A_481, %mul3A_627 : i32
      %swap3A_629 = arith.constant 14 : i32
      %swap3A_630 = arith.index_cast %swap3A_629 : i32 to index
      %swap3A_631 = arith.index_cast %mul3A_628 : i32 to index
      %swap3A_632 = tpu.vector_load %arg8[%swap3A_630, %swap3A_631] {strides = array<i32>} : memref<16x1024xf32, #tpu.memory_space<vmem>>, vector<16xf32>,
      tpu.vector_store %arg8[%swap3A_630, %swap3A_631], %gather3A_626 {strides = array<i32>} : memref<16x1024xf32, #tpu.memory_space<vmem>>, vector<16xf32>,
      %add3A_633 = arith.constant 15360 : i32
      %add3A_634 = vector.broadcast %add3A_633 : i32 to vector<16xi32>
      %add3A_635 = arith.addi %get3A_484, %add3A_634 : vector<16xi32>
      %gather3A_636 = tpu.vector_load_idx %arg6[%add3A_635] : memref<16384xf32, #tpu.memory_space<vmem>>[vector<16xi32>], vector<16xf32>,
      %mul3A_637 = arith.constant 16 : i32
      %mul3A_638 = arith.muli %scan3A_481, %mul3A_637 : i32
      %swap3A_639 = arith.constant 15 : i32
      %swap3A_640 = arith.index_cast %swap3A_639 : i32 to index
      %swap3A_641 = arith.index_cast %mul3A_638 : i32 to index
      %swap3A_642 = tpu.vector_load %arg8[%swap3A_640, %swap3A_641] {strides = array<i32>} : memref<16x1024xf32, #tpu.memory_space<vmem>>, vector<16xf32>,
      tpu.vector_store %arg8[%swap3A_640, %swap3A_641], %gather3A_636 {strides = array<i32>} : memref<16x1024xf32, #tpu.memory_space<vmem>>, vector<16xf32>,
    }
    %scan3A_268 = arith.constant 64 : i32
    %mul3A_269 = arith.constant 1024 : i32
    %mul3A_270 = arith.muli %select_n3A_30, %mul3A_269 : i32
    %dma_start3A_271 = arith.constant 128 : i32
    %dma_start3A_272 = tpu.memref_slice %arg4[%select_n3A, %dma_start3A_271, %mul3A_270] : memref<8x256x4096xf32, #tpu.memory_space<hbm>> -> memref<1x16x1024xf32, #tpu.memory_space<hbm>>
    %dma_start3A_273 = tpu.memref_squeeze %dma_start3A_272 : memref<1x16x1024xf32, #tpu.memory_space<hbm>> -> memref<16x1024xf32, #tpu.memory_space<hbm>>
    %dma_start3A_274 = arith.constant 128 : i32
    %dma_start3A_275 = tpu.memref_slice %arg4[%select_n3A, %dma_start3A_274, %mul3A_270] : memref<8x256x4096xf32, #tpu.memory_space<hbm>> -> memref<1x16x1024xf32, #tpu.memory_space<hbm>>
    %dma_start3A_276 = tpu.memref_squeeze %dma_start3A_275 : memref<1x16x1024xf32, #tpu.memory_space<hbm>> -> memref<16x1024xf32, #tpu.memory_space<hbm>>
    tpu.enqueue_dma source(%arg8 : memref<16x1024xf32, #tpu.memory_space<vmem>>) target(%dma_start3A_276 : memref<16x1024xf32, #tpu.memory_space<hbm>>) target_semaphore(%arg12 : memref<!tpu.dma_semaphore, #tpu.memory_space<semaphore_mem>>)
    %dma_start3A_277 = arith.constant 163840 : i32
    %dma_start3A_278 = tpu.memref_slice %arg2[%dma_start3A_277] : memref<262144xf32, #tpu.memory_space<hbm>> -> memref<16384xf32, #tpu.memory_space<hbm>>
    %dma_start3A_279 = arith.constant 163840 : i32
    %dma_start3A_280 = tpu.memref_slice %arg2[%dma_start3A_279] : memref<262144xf32, #tpu.memory_space<hbm>> -> memref<16384xf32, #tpu.memory_space<hbm>>
    tpu.enqueue_dma source(%dma_start3A_280 : memref<16384xf32, #tpu.memory_space<hbm>>) target(%arg6 : memref<16384xf32, #tpu.memory_space<vmem>>) target_semaphore(%arg10 : memref<!tpu.dma_semaphore, #tpu.memory_space<semaphore_mem>>)
    %dma_wait3A_281 = arith.constant 147456 : i32
    %dma_wait3A_282 = tpu.memref_slice %arg2[%dma_wait3A_281] : memref<262144xf32, #tpu.memory_space<hbm>> -> memref<16384xf32, #tpu.memory_space<hbm>>
    %dma_wait3A_283 = arith.constant 147456 : i32
    %dma_wait3A_284 = tpu.memref_slice %arg2[%dma_wait3A_283] : memref<262144xf32, #tpu.memory_space<hbm>> -> memref<16384xf32, #tpu.memory_space<hbm>>
    tpu.wait_dma2 semaphore(%arg11 : memref<!tpu.dma_semaphore, #tpu.memory_space<semaphore_mem>>) src(%dma_wait3A_284 : memref<16384xf32, #tpu.memory_space<hbm>>) dst(%arg7 : memref<16384xf32, #tpu.memory_space<vmem>>)
    %dma_wait3A_285 = arith.constant 112 : i32
    %dma_wait3A_286 = tpu.memref_slice %arg4[%select_n3A, %dma_wait3A_285, %mul3A_242] : memref<8x256x4096xf32, #tpu.memory_space<hbm>> -> memref<1x16x1024xf32, #tpu.memory_space<hbm>>
    %dma_wait3A_287 = tpu.memref_squeeze %dma_wait3A_286 : memref<1x16x1024xf32, #tpu.memory_space<hbm>> -> memref<16x1024xf32, #tpu.memory_space<hbm>>
    %dma_wait3A_288 = arith.constant 112 : i32
    %dma_wait3A_289 = tpu.memref_slice %arg4[%select_n3A, %dma_wait3A_288, %mul3A_242] : memref<8x256x4096xf32, #tpu.memory_space<hbm>> -> memref<1x16x1024xf32, #tpu.memory_space<hbm>>
    %dma_wait3A_290 = tpu.memref_squeeze %dma_wait3A_289 : memref<1x16x1024xf32, #tpu.memory_space<hbm>> -> memref<16x1024xf32, #tpu.memory_space<hbm>>
    tpu.wait_dma2 semaphore(%arg13 : memref<!tpu.dma_semaphore, #tpu.memory_space<semaphore_mem>>) src(%arg9 : memref<16x1024xf32, #tpu.memory_space<vmem>>) dst(%dma_wait3A_290 : memref<16x1024xf32, #tpu.memory_space<hbm>>)
    %scan3A_291 = arith.constant 0 : i32
    %scan3A_292 = arith.constant 0 : i32
    %scan3A_293 = arith.constant 64 : i32
    %scan3A_294 = arith.addi %scan3A_292, %scan3A_293 : i32
    %scan3A_295 = arith.constant 1 : i32
    scf.for %scan3A_481 = %scan3A_292 to %scan3A_294 step %scan3A_295  : i32 {
      %mul3A_482 = arith.constant 16 : i32
      %mul3A_483 = arith.muli %scan3A_481, %mul3A_482 : i32
      %get3A = arith.index_cast %mul3A_483 : i32 to index
      %get3A_484 = tpu.vector_load %arg5[%get3A] {strides = array<i32>} : memref<1024xi32, #tpu.memory_space<vmem>>, vector<16xi32>,
      %add3A_485 = arith.constant 0 : i32
      %add3A_486 = vector.broadcast %add3A_485 : i32 to vector<16xi32>
      %add3A_487 = arith.addi %get3A_484, %add3A_486 : vector<16xi32>
      %gather3A = tpu.vector_load_idx %arg7[%add3A_487] : memref<16384xf32, #tpu.memory_space<vmem>>[vector<16xi32>], vector<16xf32>,
      %mul3A_488 = arith.constant 16 : i32
      %mul3A_489 = arith.muli %scan3A_481, %mul3A_488 : i32
      %swap3A = arith.constant 0 : i32
      %swap3A_490 = arith.index_cast %swap3A : i32 to index
      %swap3A_491 = arith.index_cast %mul3A_489 : i32 to index
      %swap3A_492 = tpu.vector_load %arg9[%swap3A_490, %swap3A_491] {strides = array<i32>} : memref<16x1024xf32, #tpu.memory_space<vmem>>, vector<16xf32>,
      tpu.vector_store %arg9[%swap3A_490, %swap3A_491], %gather3A {strides = array<i32>} : memref<16x1024xf32, #tpu.memory_space<vmem>>, vector<16xf32>,
      %add3A_493 = arith.constant 1024 : i32
      %add3A_494 = vector.broadcast %add3A_493 : i32 to vector<16xi32>
      %add3A_495 = arith.addi %get3A_484, %add3A_494 : vector<16xi32>
      %gather3A_496 = tpu.vector_load_idx %arg7[%add3A_495] : memref<16384xf32, #tpu.memory_space<vmem>>[vector<16xi32>], vector<16xf32>,
      %mul3A_497 = arith.constant 16 : i32
      %mul3A_498 = arith.muli %scan3A_481, %mul3A_497 : i32
      %swap3A_499 = arith.constant 1 : i32
      %swap3A_500 = arith.index_cast %swap3A_499 : i32 to index
      %swap3A_501 = arith.index_cast %mul3A_498 : i32 to index
      %swap3A_502 = tpu.vector_load %arg9[%swap3A_500, %swap3A_501] {strides = array<i32>} : memref<16x1024xf32, #tpu.memory_space<vmem>>, vector<16xf32>,
      tpu.vector_store %arg9[%swap3A_500, %swap3A_501], %gather3A_496 {strides = array<i32>} : memref<16x1024xf32, #tpu.memory_space<vmem>>, vector<16xf32>,
      %add3A_503 = arith.constant 2048 : i32
      %add3A_504 = vector.broadcast %add3A_503 : i32 to vector<16xi32>
      %add3A_505 = arith.addi %get3A_484, %add3A_504 : vector<16xi32>
      %gather3A_506 = tpu.vector_load_idx %arg7[%add3A_505] : memref<16384xf32, #tpu.memory_space<vmem>>[vector<16xi32>], vector<16xf32>,
      %mul3A_507 = arith.constant 16 : i32
      %mul3A_508 = arith.muli %scan3A_481, %mul3A_507 : i32
      %swap3A_509 = arith.constant 2 : i32
      %swap3A_510 = arith.index_cast %swap3A_509 : i32 to index
      %swap3A_511 = arith.index_cast %mul3A_508 : i32 to index
      %swap3A_512 = tpu.vector_load %arg9[%swap3A_510, %swap3A_511] {strides = array<i32>} : memref<16x1024xf32, #tpu.memory_space<vmem>>, vector<16xf32>,
      tpu.vector_store %arg9[%swap3A_510, %swap3A_511], %gather3A_506 {strides = array<i32>} : memref<16x1024xf32, #tpu.memory_space<vmem>>, vector<16xf32>,
      %add3A_513 = arith.constant 3072 : i32
      %add3A_514 = vector.broadcast %add3A_513 : i32 to vector<16xi32>
      %add3A_515 = arith.addi %get3A_484, %add3A_514 : vector<16xi32>
      %gather3A_516 = tpu.vector_load_idx %arg7[%add3A_515] : memref<16384xf32, #tpu.memory_space<vmem>>[vector<16xi32>], vector<16xf32>,
      %mul3A_517 = arith.constant 16 : i32
      %mul3A_518 = arith.muli %scan3A_481, %mul3A_517 : i32
      %swap3A_519 = arith.constant 3 : i32
      %swap3A_520 = arith.index_cast %swap3A_519 : i32 to index
      %swap3A_521 = arith.index_cast %mul3A_518 : i32 to index
      %swap3A_522 = tpu.vector_load %arg9[%swap3A_520, %swap3A_521] {strides = array<i32>} : memref<16x1024xf32, #tpu.memory_space<vmem>>, vector<16xf32>,
      tpu.vector_store %arg9[%swap3A_520, %swap3A_521], %gather3A_516 {strides = array<i32>} : memref<16x1024xf32, #tpu.memory_space<vmem>>, vector<16xf32>,
      %add3A_523 = arith.constant 4096 : i32
      %add3A_524 = vector.broadcast %add3A_523 : i32 to vector<16xi32>
      %add3A_525 = arith.addi %get3A_484, %add3A_524 : vector<16xi32>
      %gather3A_526 = tpu.vector_load_idx %arg7[%add3A_525] : memref<16384xf32, #tpu.memory_space<vmem>>[vector<16xi32>], vector<16xf32>,
      %mul3A_527 = arith.constant 16 : i32
      %mul3A_528 = arith.muli %scan3A_481, %mul3A_527 : i32
      %swap3A_529 = arith.constant 4 : i32
      %swap3A_530 = arith.index_cast %swap3A_529 : i32 to index
      %swap3A_531 = arith.index_cast %mul3A_528 : i32 to index
      %swap3A_532 = tpu.vector_load %arg9[%swap3A_530, %swap3A_531] {strides = array<i32>} : memref<16x1024xf32, #tpu.memory_space<vmem>>, vector<16xf32>,
      tpu.vector_store %arg9[%swap3A_530, %swap3A_531], %gather3A_526 {strides = array<i32>} : memref<16x1024xf32, #tpu.memory_space<vmem>>, vector<16xf32>,
      %add3A_533 = arith.constant 5120 : i32
      %add3A_534 = vector.broadcast %add3A_533 : i32 to vector<16xi32>
      %add3A_535 = arith.addi %get3A_484, %add3A_534 : vector<16xi32>
      %gather3A_536 = tpu.vector_load_idx %arg7[%add3A_535] : memref<16384xf32, #tpu.memory_space<vmem>>[vector<16xi32>], vector<16xf32>,
      %mul3A_537 = arith.constant 16 : i32
      %mul3A_538 = arith.muli %scan3A_481, %mul3A_537 : i32
      %swap3A_539 = arith.constant 5 : i32
      %swap3A_540 = arith.index_cast %swap3A_539 : i32 to index
      %swap3A_541 = arith.index_cast %mul3A_538 : i32 to index
      %swap3A_542 = tpu.vector_load %arg9[%swap3A_540, %swap3A_541] {strides = array<i32>} : memref<16x1024xf32, #tpu.memory_space<vmem>>, vector<16xf32>,
      tpu.vector_store %arg9[%swap3A_540, %swap3A_541], %gather3A_536 {strides = array<i32>} : memref<16x1024xf32, #tpu.memory_space<vmem>>, vector<16xf32>,
      %add3A_543 = arith.constant 6144 : i32
      %add3A_544 = vector.broadcast %add3A_543 : i32 to vector<16xi32>
      %add3A_545 = arith.addi %get3A_484, %add3A_544 : vector<16xi32>
      %gather3A_546 = tpu.vector_load_idx %arg7[%add3A_545] : memref<16384xf32, #tpu.memory_space<vmem>>[vector<16xi32>], vector<16xf32>,
      %mul3A_547 = arith.constant 16 : i32
      %mul3A_548 = arith.muli %scan3A_481, %mul3A_547 : i32
      %swap3A_549 = arith.constant 6 : i32
      %swap3A_550 = arith.index_cast %swap3A_549 : i32 to index
      %swap3A_551 = arith.index_cast %mul3A_548 : i32 to index
      %swap3A_552 = tpu.vector_load %arg9[%swap3A_550, %swap3A_551] {strides = array<i32>} : memref<16x1024xf32, #tpu.memory_space<vmem>>, vector<16xf32>,
      tpu.vector_store %arg9[%swap3A_550, %swap3A_551], %gather3A_546 {strides = array<i32>} : memref<16x1024xf32, #tpu.memory_space<vmem>>, vector<16xf32>,
      %add3A_553 = arith.constant 7168 : i32
      %add3A_554 = vector.broadcast %add3A_553 : i32 to vector<16xi32>
      %add3A_555 = arith.addi %get3A_484, %add3A_554 : vector<16xi32>
      %gather3A_556 = tpu.vector_load_idx %arg7[%add3A_555] : memref<16384xf32, #tpu.memory_space<vmem>>[vector<16xi32>], vector<16xf32>,
      %mul3A_557 = arith.constant 16 : i32
      %mul3A_558 = arith.muli %scan3A_481, %mul3A_557 : i32
      %swap3A_559 = arith.constant 7 : i32
      %swap3A_560 = arith.index_cast %swap3A_559 : i32 to index
      %swap3A_561 = arith.index_cast %mul3A_558 : i32 to index
      %swap3A_562 = tpu.vector_load %arg9[%swap3A_560, %swap3A_561] {strides = array<i32>} : memref<16x1024xf32, #tpu.memory_space<vmem>>, vector<16xf32>,
      tpu.vector_store %arg9[%swap3A_560, %swap3A_561], %gather3A_556 {strides = array<i32>} : memref<16x1024xf32, #tpu.memory_space<vmem>>, vector<16xf32>,
      %add3A_563 = arith.constant 8192 : i32
      %add3A_564 = vector.broadcast %add3A_563 : i32 to vector<16xi32>
      %add3A_565 = arith.addi %get3A_484, %add3A_564 : vector<16xi32>
      %gather3A_566 = tpu.vector_load_idx %arg7[%add3A_565] : memref<16384xf32, #tpu.memory_space<vmem>>[vector<16xi32>], vector<16xf32>,
      %mul3A_567 = arith.constant 16 : i32
      %mul3A_568 = arith.muli %scan3A_481, %mul3A_567 : i32
      %swap3A_569 = arith.constant 8 : i32
      %swap3A_570 = arith.index_cast %swap3A_569 : i32 to index
      %swap3A_571 = arith.index_cast %mul3A_568 : i32 to index
      %swap3A_572 = tpu.vector_load %arg9[%swap3A_570, %swap3A_571] {strides = array<i32>} : memref<16x1024xf32, #tpu.memory_space<vmem>>, vector<16xf32>,
      tpu.vector_store %arg9[%swap3A_570, %swap3A_571], %gather3A_566 {strides = array<i32>} : memref<16x1024xf32, #tpu.memory_space<vmem>>, vector<16xf32>,
      %add3A_573 = arith.constant 9216 : i32
      %add3A_574 = vector.broadcast %add3A_573 : i32 to vector<16xi32>
      %add3A_575 = arith.addi %get3A_484, %add3A_574 : vector<16xi32>
      %gather3A_576 = tpu.vector_load_idx %arg7[%add3A_575] : memref<16384xf32, #tpu.memory_space<vmem>>[vector<16xi32>], vector<16xf32>,
      %mul3A_577 = arith.constant 16 : i32
      %mul3A_578 = arith.muli %scan3A_481, %mul3A_577 : i32
      %swap3A_579 = arith.constant 9 : i32
      %swap3A_580 = arith.index_cast %swap3A_579 : i32 to index
      %swap3A_581 = arith.index_cast %mul3A_578 : i32 to index
      %swap3A_582 = tpu.vector_load %arg9[%swap3A_580, %swap3A_581] {strides = array<i32>} : memref<16x1024xf32, #tpu.memory_space<vmem>>, vector<16xf32>,
      tpu.vector_store %arg9[%swap3A_580, %swap3A_581], %gather3A_576 {strides = array<i32>} : memref<16x1024xf32, #tpu.memory_space<vmem>>, vector<16xf32>,
      %add3A_583 = arith.constant 10240 : i32
      %add3A_584 = vector.broadcast %add3A_583 : i32 to vector<16xi32>
      %add3A_585 = arith.addi %get3A_484, %add3A_584 : vector<16xi32>
      %gather3A_586 = tpu.vector_load_idx %arg7[%add3A_585] : memref<16384xf32, #tpu.memory_space<vmem>>[vector<16xi32>], vector<16xf32>,
      %mul3A_587 = arith.constant 16 : i32
      %mul3A_588 = arith.muli %scan3A_481, %mul3A_587 : i32
      %swap3A_589 = arith.constant 10 : i32
      %swap3A_590 = arith.index_cast %swap3A_589 : i32 to index
      %swap3A_591 = arith.index_cast %mul3A_588 : i32 to index
      %swap3A_592 = tpu.vector_load %arg9[%swap3A_590, %swap3A_591] {strides = array<i32>} : memref<16x1024xf32, #tpu.memory_space<vmem>>, vector<16xf32>,
      tpu.vector_store %arg9[%swap3A_590, %swap3A_591], %gather3A_586 {strides = array<i32>} : memref<16x1024xf32, #tpu.memory_space<vmem>>, vector<16xf32>,
      %add3A_593 = arith.constant 11264 : i32
      %add3A_594 = vector.broadcast %add3A_593 : i32 to vector<16xi32>
      %add3A_595 = arith.addi %get3A_484, %add3A_594 : vector<16xi32>
      %gather3A_596 = tpu.vector_load_idx %arg7[%add3A_595] : memref<16384xf32, #tpu.memory_space<vmem>>[vector<16xi32>], vector<16xf32>,
      %mul3A_597 = arith.constant 16 : i32
      %mul3A_598 = arith.muli %scan3A_481, %mul3A_597 : i32
      %swap3A_599 = arith.constant 11 : i32
      %swap3A_600 = arith.index_cast %swap3A_599 : i32 to index
      %swap3A_601 = arith.index_cast %mul3A_598 : i32 to index
      %swap3A_602 = tpu.vector_load %arg9[%swap3A_600, %swap3A_601] {strides = array<i32>} : memref<16x1024xf32, #tpu.memory_space<vmem>>, vector<16xf32>,
      tpu.vector_store %arg9[%swap3A_600, %swap3A_601], %gather3A_596 {strides = array<i32>} : memref<16x1024xf32, #tpu.memory_space<vmem>>, vector<16xf32>,
      %add3A_603 = arith.constant 12288 : i32
      %add3A_604 = vector.broadcast %add3A_603 : i32 to vector<16xi32>
      %add3A_605 = arith.addi %get3A_484, %add3A_604 : vector<16xi32>
      %gather3A_606 = tpu.vector_load_idx %arg7[%add3A_605] : memref<16384xf32, #tpu.memory_space<vmem>>[vector<16xi32>], vector<16xf32>,
      %mul3A_607 = arith.constant 16 : i32
      %mul3A_608 = arith.muli %scan3A_481, %mul3A_607 : i32
      %swap3A_609 = arith.constant 12 : i32
      %swap3A_610 = arith.index_cast %swap3A_609 : i32 to index
      %swap3A_611 = arith.index_cast %mul3A_608 : i32 to index
      %swap3A_612 = tpu.vector_load %arg9[%swap3A_610, %swap3A_611] {strides = array<i32>} : memref<16x1024xf32, #tpu.memory_space<vmem>>, vector<16xf32>,
      tpu.vector_store %arg9[%swap3A_610, %swap3A_611], %gather3A_606 {strides = array<i32>} : memref<16x1024xf32, #tpu.memory_space<vmem>>, vector<16xf32>,
      %add3A_613 = arith.constant 13312 : i32
      %add3A_614 = vector.broadcast %add3A_613 : i32 to vector<16xi32>
      %add3A_615 = arith.addi %get3A_484, %add3A_614 : vector<16xi32>
      %gather3A_616 = tpu.vector_load_idx %arg7[%add3A_615] : memref<16384xf32, #tpu.memory_space<vmem>>[vector<16xi32>], vector<16xf32>,
      %mul3A_617 = arith.constant 16 : i32
      %mul3A_618 = arith.muli %scan3A_481, %mul3A_617 : i32
      %swap3A_619 = arith.constant 13 : i32
      %swap3A_620 = arith.index_cast %swap3A_619 : i32 to index
      %swap3A_621 = arith.index_cast %mul3A_618 : i32 to index
      %swap3A_622 = tpu.vector_load %arg9[%swap3A_620, %swap3A_621] {strides = array<i32>} : memref<16x1024xf32, #tpu.memory_space<vmem>>, vector<16xf32>,
      tpu.vector_store %arg9[%swap3A_620, %swap3A_621], %gather3A_616 {strides = array<i32>} : memref<16x1024xf32, #tpu.memory_space<vmem>>, vector<16xf32>,
      %add3A_623 = arith.constant 14336 : i32
      %add3A_624 = vector.broadcast %add3A_623 : i32 to vector<16xi32>
      %add3A_625 = arith.addi %get3A_484, %add3A_624 : vector<16xi32>
      %gather3A_626 = tpu.vector_load_idx %arg7[%add3A_625] : memref<16384xf32, #tpu.memory_space<vmem>>[vector<16xi32>], vector<16xf32>,
      %mul3A_627 = arith.constant 16 : i32
      %mul3A_628 = arith.muli %scan3A_481, %mul3A_627 : i32
      %swap3A_629 = arith.constant 14 : i32
      %swap3A_630 = arith.index_cast %swap3A_629 : i32 to index
      %swap3A_631 = arith.index_cast %mul3A_628 : i32 to index
      %swap3A_632 = tpu.vector_load %arg9[%swap3A_630, %swap3A_631] {strides = array<i32>} : memref<16x1024xf32, #tpu.memory_space<vmem>>, vector<16xf32>,
      tpu.vector_store %arg9[%swap3A_630, %swap3A_631], %gather3A_626 {strides = array<i32>} : memref<16x1024xf32, #tpu.memory_space<vmem>>, vector<16xf32>,
      %add3A_633 = arith.constant 15360 : i32
      %add3A_634 = vector.broadcast %add3A_633 : i32 to vector<16xi32>
      %add3A_635 = arith.addi %get3A_484, %add3A_634 : vector<16xi32>
      %gather3A_636 = tpu.vector_load_idx %arg7[%add3A_635] : memref<16384xf32, #tpu.memory_space<vmem>>[vector<16xi32>], vector<16xf32>,
      %mul3A_637 = arith.constant 16 : i32
      %mul3A_638 = arith.muli %scan3A_481, %mul3A_637 : i32
      %swap3A_639 = arith.constant 15 : i32
      %swap3A_640 = arith.index_cast %swap3A_639 : i32 to index
      %swap3A_641 = arith.index_cast %mul3A_638 : i32 to index
      %swap3A_642 = tpu.vector_load %arg9[%swap3A_640, %swap3A_641] {strides = array<i32>} : memref<16x1024xf32, #tpu.memory_space<vmem>>, vector<16xf32>,
      tpu.vector_store %arg9[%swap3A_640, %swap3A_641], %gather3A_636 {strides = array<i32>} : memref<16x1024xf32, #tpu.memory_space<vmem>>, vector<16xf32>,
    }
    %scan3A_296 = arith.constant 64 : i32
    %mul3A_297 = arith.constant 1024 : i32
    %mul3A_298 = arith.muli %select_n3A_30, %mul3A_297 : i32
    %dma_start3A_299 = arith.constant 144 : i32
    %dma_start3A_300 = tpu.memref_slice %arg4[%select_n3A, %dma_start3A_299, %mul3A_298] : memref<8x256x4096xf32, #tpu.memory_space<hbm>> -> memref<1x16x1024xf32, #tpu.memory_space<hbm>>
    %dma_start3A_301 = tpu.memref_squeeze %dma_start3A_300 : memref<1x16x1024xf32, #tpu.memory_space<hbm>> -> memref<16x1024xf32, #tpu.memory_space<hbm>>
    %dma_start3A_302 = arith.constant 144 : i32
    %dma_start3A_303 = tpu.memref_slice %arg4[%select_n3A, %dma_start3A_302, %mul3A_298] : memref<8x256x4096xf32, #tpu.memory_space<hbm>> -> memref<1x16x1024xf32, #tpu.memory_space<hbm>>
    %dma_start3A_304 = tpu.memref_squeeze %dma_start3A_303 : memref<1x16x1024xf32, #tpu.memory_space<hbm>> -> memref<16x1024xf32, #tpu.memory_space<hbm>>
    tpu.enqueue_dma source(%arg9 : memref<16x1024xf32, #tpu.memory_space<vmem>>) target(%dma_start3A_304 : memref<16x1024xf32, #tpu.memory_space<hbm>>) target_semaphore(%arg13 : memref<!tpu.dma_semaphore, #tpu.memory_space<semaphore_mem>>)
    %dma_start3A_305 = arith.constant 180224 : i32
    %dma_start3A_306 = tpu.memref_slice %arg2[%dma_start3A_305] : memref<262144xf32, #tpu.memory_space<hbm>> -> memref<16384xf32, #tpu.memory_space<hbm>>
    %dma_start3A_307 = arith.constant 180224 : i32
    %dma_start3A_308 = tpu.memref_slice %arg2[%dma_start3A_307] : memref<262144xf32, #tpu.memory_space<hbm>> -> memref<16384xf32, #tpu.memory_space<hbm>>
    tpu.enqueue_dma source(%dma_start3A_308 : memref<16384xf32, #tpu.memory_space<hbm>>) target(%arg7 : memref<16384xf32, #tpu.memory_space<vmem>>) target_semaphore(%arg11 : memref<!tpu.dma_semaphore, #tpu.memory_space<semaphore_mem>>)
    %dma_wait3A_309 = arith.constant 163840 : i32
    %dma_wait3A_310 = tpu.memref_slice %arg2[%dma_wait3A_309] : memref<262144xf32, #tpu.memory_space<hbm>> -> memref<16384xf32, #tpu.memory_space<hbm>>
    %dma_wait3A_311 = arith.constant 163840 : i32
    %dma_wait3A_312 = tpu.memref_slice %arg2[%dma_wait3A_311] : memref<262144xf32, #tpu.memory_space<hbm>> -> memref<16384xf32, #tpu.memory_space<hbm>>
    tpu.wait_dma2 semaphore(%arg10 : memref<!tpu.dma_semaphore, #tpu.memory_space<semaphore_mem>>) src(%dma_wait3A_312 : memref<16384xf32, #tpu.memory_space<hbm>>) dst(%arg6 : memref<16384xf32, #tpu.memory_space<vmem>>)
    %dma_wait3A_313 = arith.constant 128 : i32
    %dma_wait3A_314 = tpu.memref_slice %arg4[%select_n3A, %dma_wait3A_313, %mul3A_270] : memref<8x256x4096xf32, #tpu.memory_space<hbm>> -> memref<1x16x1024xf32, #tpu.memory_space<hbm>>
    %dma_wait3A_315 = tpu.memref_squeeze %dma_wait3A_314 : memref<1x16x1024xf32, #tpu.memory_space<hbm>> -> memref<16x1024xf32, #tpu.memory_space<hbm>>
    %dma_wait3A_316 = arith.constant 128 : i32
    %dma_wait3A_317 = tpu.memref_slice %arg4[%select_n3A, %dma_wait3A_316, %mul3A_270] : memref<8x256x4096xf32, #tpu.memory_space<hbm>> -> memref<1x16x1024xf32, #tpu.memory_space<hbm>>
    %dma_wait3A_318 = tpu.memref_squeeze %dma_wait3A_317 : memref<1x16x1024xf32, #tpu.memory_space<hbm>> -> memref<16x1024xf32, #tpu.memory_space<hbm>>
    tpu.wait_dma2 semaphore(%arg12 : memref<!tpu.dma_semaphore, #tpu.memory_space<semaphore_mem>>) src(%arg8 : memref<16x1024xf32, #tpu.memory_space<vmem>>) dst(%dma_wait3A_318 : memref<16x1024xf32, #tpu.memory_space<hbm>>)
    %scan3A_319 = arith.constant 0 : i32
    %scan3A_320 = arith.constant 0 : i32
    %scan3A_321 = arith.constant 64 : i32
    %scan3A_322 = arith.addi %scan3A_320, %scan3A_321 : i32
    %scan3A_323 = arith.constant 1 : i32
    scf.for %scan3A_481 = %scan3A_320 to %scan3A_322 step %scan3A_323  : i32 {
      %mul3A_482 = arith.constant 16 : i32
      %mul3A_483 = arith.muli %scan3A_481, %mul3A_482 : i32
      %get3A = arith.index_cast %mul3A_483 : i32 to index
      %get3A_484 = tpu.vector_load %arg5[%get3A] {strides = array<i32>} : memref<1024xi32, #tpu.memory_space<vmem>>, vector<16xi32>,
      %add3A_485 = arith.constant 0 : i32
      %add3A_486 = vector.broadcast %add3A_485 : i32 to vector<16xi32>
      %add3A_487 = arith.addi %get3A_484, %add3A_486 : vector<16xi32>
      %gather3A = tpu.vector_load_idx %arg6[%add3A_487] : memref<16384xf32, #tpu.memory_space<vmem>>[vector<16xi32>], vector<16xf32>,
      %mul3A_488 = arith.constant 16 : i32
      %mul3A_489 = arith.muli %scan3A_481, %mul3A_488 : i32
      %swap3A = arith.constant 0 : i32
      %swap3A_490 = arith.index_cast %swap3A : i32 to index
      %swap3A_491 = arith.index_cast %mul3A_489 : i32 to index
      %swap3A_492 = tpu.vector_load %arg8[%swap3A_490, %swap3A_491] {strides = array<i32>} : memref<16x1024xf32, #tpu.memory_space<vmem>>, vector<16xf32>,
      tpu.vector_store %arg8[%swap3A_490, %swap3A_491], %gather3A {strides = array<i32>} : memref<16x1024xf32, #tpu.memory_space<vmem>>, vector<16xf32>,
      %add3A_493 = arith.constant 1024 : i32
      %add3A_494 = vector.broadcast %add3A_493 : i32 to vector<16xi32>
      %add3A_495 = arith.addi %get3A_484, %add3A_494 : vector<16xi32>
      %gather3A_496 = tpu.vector_load_idx %arg6[%add3A_495] : memref<16384xf32, #tpu.memory_space<vmem>>[vector<16xi32>], vector<16xf32>,
      %mul3A_497 = arith.constant 16 : i32
      %mul3A_498 = arith.muli %scan3A_481, %mul3A_497 : i32
      %swap3A_499 = arith.constant 1 : i32
      %swap3A_500 = arith.index_cast %swap3A_499 : i32 to index
      %swap3A_501 = arith.index_cast %mul3A_498 : i32 to index
      %swap3A_502 = tpu.vector_load %arg8[%swap3A_500, %swap3A_501] {strides = array<i32>} : memref<16x1024xf32, #tpu.memory_space<vmem>>, vector<16xf32>,
      tpu.vector_store %arg8[%swap3A_500, %swap3A_501], %gather3A_496 {strides = array<i32>} : memref<16x1024xf32, #tpu.memory_space<vmem>>, vector<16xf32>,
      %add3A_503 = arith.constant 2048 : i32
      %add3A_504 = vector.broadcast %add3A_503 : i32 to vector<16xi32>
      %add3A_505 = arith.addi %get3A_484, %add3A_504 : vector<16xi32>
      %gather3A_506 = tpu.vector_load_idx %arg6[%add3A_505] : memref<16384xf32, #tpu.memory_space<vmem>>[vector<16xi32>], vector<16xf32>,
      %mul3A_507 = arith.constant 16 : i32
      %mul3A_508 = arith.muli %scan3A_481, %mul3A_507 : i32
      %swap3A_509 = arith.constant 2 : i32
      %swap3A_510 = arith.index_cast %swap3A_509 : i32 to index
      %swap3A_511 = arith.index_cast %mul3A_508 : i32 to index
      %swap3A_512 = tpu.vector_load %arg8[%swap3A_510, %swap3A_511] {strides = array<i32>} : memref<16x1024xf32, #tpu.memory_space<vmem>>, vector<16xf32>,
      tpu.vector_store %arg8[%swap3A_510, %swap3A_511], %gather3A_506 {strides = array<i32>} : memref<16x1024xf32, #tpu.memory_space<vmem>>, vector<16xf32>,
      %add3A_513 = arith.constant 3072 : i32
      %add3A_514 = vector.broadcast %add3A_513 : i32 to vector<16xi32>
      %add3A_515 = arith.addi %get3A_484, %add3A_514 : vector<16xi32>
      %gather3A_516 = tpu.vector_load_idx %arg6[%add3A_515] : memref<16384xf32, #tpu.memory_space<vmem>>[vector<16xi32>], vector<16xf32>,
      %mul3A_517 = arith.constant 16 : i32
      %mul3A_518 = arith.muli %scan3A_481, %mul3A_517 : i32
      %swap3A_519 = arith.constant 3 : i32
      %swap3A_520 = arith.index_cast %swap3A_519 : i32 to index
      %swap3A_521 = arith.index_cast %mul3A_518 : i32 to index
      %swap3A_522 = tpu.vector_load %arg8[%swap3A_520, %swap3A_521] {strides = array<i32>} : memref<16x1024xf32, #tpu.memory_space<vmem>>, vector<16xf32>,
      tpu.vector_store %arg8[%swap3A_520, %swap3A_521], %gather3A_516 {strides = array<i32>} : memref<16x1024xf32, #tpu.memory_space<vmem>>, vector<16xf32>,
      %add3A_523 = arith.constant 4096 : i32
      %add3A_524 = vector.broadcast %add3A_523 : i32 to vector<16xi32>
      %add3A_525 = arith.addi %get3A_484, %add3A_524 : vector<16xi32>
      %gather3A_526 = tpu.vector_load_idx %arg6[%add3A_525] : memref<16384xf32, #tpu.memory_space<vmem>>[vector<16xi32>], vector<16xf32>,
      %mul3A_527 = arith.constant 16 : i32
      %mul3A_528 = arith.muli %scan3A_481, %mul3A_527 : i32
      %swap3A_529 = arith.constant 4 : i32
      %swap3A_530 = arith.index_cast %swap3A_529 : i32 to index
      %swap3A_531 = arith.index_cast %mul3A_528 : i32 to index
      %swap3A_532 = tpu.vector_load %arg8[%swap3A_530, %swap3A_531] {strides = array<i32>} : memref<16x1024xf32, #tpu.memory_space<vmem>>, vector<16xf32>,
      tpu.vector_store %arg8[%swap3A_530, %swap3A_531], %gather3A_526 {strides = array<i32>} : memref<16x1024xf32, #tpu.memory_space<vmem>>, vector<16xf32>,
      %add3A_533 = arith.constant 5120 : i32
      %add3A_534 = vector.broadcast %add3A_533 : i32 to vector<16xi32>
      %add3A_535 = arith.addi %get3A_484, %add3A_534 : vector<16xi32>
      %gather3A_536 = tpu.vector_load_idx %arg6[%add3A_535] : memref<16384xf32, #tpu.memory_space<vmem>>[vector<16xi32>], vector<16xf32>,
      %mul3A_537 = arith.constant 16 : i32
      %mul3A_538 = arith.muli %scan3A_481, %mul3A_537 : i32
      %swap3A_539 = arith.constant 5 : i32
      %swap3A_540 = arith.index_cast %swap3A_539 : i32 to index
      %swap3A_541 = arith.index_cast %mul3A_538 : i32 to index
      %swap3A_542 = tpu.vector_load %arg8[%swap3A_540, %swap3A_541] {strides = array<i32>} : memref<16x1024xf32, #tpu.memory_space<vmem>>, vector<16xf32>,
      tpu.vector_store %arg8[%swap3A_540, %swap3A_541], %gather3A_536 {strides = array<i32>} : memref<16x1024xf32, #tpu.memory_space<vmem>>, vector<16xf32>,
      %add3A_543 = arith.constant 6144 : i32
      %add3A_544 = vector.broadcast %add3A_543 : i32 to vector<16xi32>
      %add3A_545 = arith.addi %get3A_484, %add3A_544 : vector<16xi32>
      %gather3A_546 = tpu.vector_load_idx %arg6[%add3A_545] : memref<16384xf32, #tpu.memory_space<vmem>>[vector<16xi32>], vector<16xf32>,
      %mul3A_547 = arith.constant 16 : i32
      %mul3A_548 = arith.muli %scan3A_481, %mul3A_547 : i32
      %swap3A_549 = arith.constant 6 : i32
      %swap3A_550 = arith.index_cast %swap3A_549 : i32 to index
      %swap3A_551 = arith.index_cast %mul3A_548 : i32 to index
      %swap3A_552 = tpu.vector_load %arg8[%swap3A_550, %swap3A_551] {strides = array<i32>} : memref<16x1024xf32, #tpu.memory_space<vmem>>, vector<16xf32>,
      tpu.vector_store %arg8[%swap3A_550, %swap3A_551], %gather3A_546 {strides = array<i32>} : memref<16x1024xf32, #tpu.memory_space<vmem>>, vector<16xf32>,
      %add3A_553 = arith.constant 7168 : i32
      %add3A_554 = vector.broadcast %add3A_553 : i32 to vector<16xi32>
      %add3A_555 = arith.addi %get3A_484, %add3A_554 : vector<16xi32>
      %gather3A_556 = tpu.vector_load_idx %arg6[%add3A_555] : memref<16384xf32, #tpu.memory_space<vmem>>[vector<16xi32>], vector<16xf32>,
      %mul3A_557 = arith.constant 16 : i32
      %mul3A_558 = arith.muli %scan3A_481, %mul3A_557 : i32
      %swap3A_559 = arith.constant 7 : i32
      %swap3A_560 = arith.index_cast %swap3A_559 : i32 to index
      %swap3A_561 = arith.index_cast %mul3A_558 : i32 to index
      %swap3A_562 = tpu.vector_load %arg8[%swap3A_560, %swap3A_561] {strides = array<i32>} : memref<16x1024xf32, #tpu.memory_space<vmem>>, vector<16xf32>,
      tpu.vector_store %arg8[%swap3A_560, %swap3A_561], %gather3A_556 {strides = array<i32>} : memref<16x1024xf32, #tpu.memory_space<vmem>>, vector<16xf32>,
      %add3A_563 = arith.constant 8192 : i32
      %add3A_564 = vector.broadcast %add3A_563 : i32 to vector<16xi32>
      %add3A_565 = arith.addi %get3A_484, %add3A_564 : vector<16xi32>
      %gather3A_566 = tpu.vector_load_idx %arg6[%add3A_565] : memref<16384xf32, #tpu.memory_space<vmem>>[vector<16xi32>], vector<16xf32>,
      %mul3A_567 = arith.constant 16 : i32
      %mul3A_568 = arith.muli %scan3A_481, %mul3A_567 : i32
      %swap3A_569 = arith.constant 8 : i32
      %swap3A_570 = arith.index_cast %swap3A_569 : i32 to index
      %swap3A_571 = arith.index_cast %mul3A_568 : i32 to index
      %swap3A_572 = tpu.vector_load %arg8[%swap3A_570, %swap3A_571] {strides = array<i32>} : memref<16x1024xf32, #tpu.memory_space<vmem>>, vector<16xf32>,
      tpu.vector_store %arg8[%swap3A_570, %swap3A_571], %gather3A_566 {strides = array<i32>} : memref<16x1024xf32, #tpu.memory_space<vmem>>, vector<16xf32>,
      %add3A_573 = arith.constant 9216 : i32
      %add3A_574 = vector.broadcast %add3A_573 : i32 to vector<16xi32>
      %add3A_575 = arith.addi %get3A_484, %add3A_574 : vector<16xi32>
      %gather3A_576 = tpu.vector_load_idx %arg6[%add3A_575] : memref<16384xf32, #tpu.memory_space<vmem>>[vector<16xi32>], vector<16xf32>,
      %mul3A_577 = arith.constant 16 : i32
      %mul3A_578 = arith.muli %scan3A_481, %mul3A_577 : i32
      %swap3A_579 = arith.constant 9 : i32
      %swap3A_580 = arith.index_cast %swap3A_579 : i32 to index
      %swap3A_581 = arith.index_cast %mul3A_578 : i32 to index
      %swap3A_582 = tpu.vector_load %arg8[%swap3A_580, %swap3A_581] {strides = array<i32>} : memref<16x1024xf32, #tpu.memory_space<vmem>>, vector<16xf32>,
      tpu.vector_store %arg8[%swap3A_580, %swap3A_581], %gather3A_576 {strides = array<i32>} : memref<16x1024xf32, #tpu.memory_space<vmem>>, vector<16xf32>,
      %add3A_583 = arith.constant 10240 : i32
      %add3A_584 = vector.broadcast %add3A_583 : i32 to vector<16xi32>
      %add3A_585 = arith.addi %get3A_484, %add3A_584 : vector<16xi32>
      %gather3A_586 = tpu.vector_load_idx %arg6[%add3A_585] : memref<16384xf32, #tpu.memory_space<vmem>>[vector<16xi32>], vector<16xf32>,
      %mul3A_587 = arith.constant 16 : i32
      %mul3A_588 = arith.muli %scan3A_481, %mul3A_587 : i32
      %swap3A_589 = arith.constant 10 : i32
      %swap3A_590 = arith.index_cast %swap3A_589 : i32 to index
      %swap3A_591 = arith.index_cast %mul3A_588 : i32 to index
      %swap3A_592 = tpu.vector_load %arg8[%swap3A_590, %swap3A_591] {strides = array<i32>} : memref<16x1024xf32, #tpu.memory_space<vmem>>, vector<16xf32>,
      tpu.vector_store %arg8[%swap3A_590, %swap3A_591], %gather3A_586 {strides = array<i32>} : memref<16x1024xf32, #tpu.memory_space<vmem>>, vector<16xf32>,
      %add3A_593 = arith.constant 11264 : i32
      %add3A_594 = vector.broadcast %add3A_593 : i32 to vector<16xi32>
      %add3A_595 = arith.addi %get3A_484, %add3A_594 : vector<16xi32>
      %gather3A_596 = tpu.vector_load_idx %arg6[%add3A_595] : memref<16384xf32, #tpu.memory_space<vmem>>[vector<16xi32>], vector<16xf32>,
      %mul3A_597 = arith.constant 16 : i32
      %mul3A_598 = arith.muli %scan3A_481, %mul3A_597 : i32
      %swap3A_599 = arith.constant 11 : i32
      %swap3A_600 = arith.index_cast %swap3A_599 : i32 to index
      %swap3A_601 = arith.index_cast %mul3A_598 : i32 to index
      %swap3A_602 = tpu.vector_load %arg8[%swap3A_600, %swap3A_601] {strides = array<i32>} : memref<16x1024xf32, #tpu.memory_space<vmem>>, vector<16xf32>,
      tpu.vector_store %arg8[%swap3A_600, %swap3A_601], %gather3A_596 {strides = array<i32>} : memref<16x1024xf32, #tpu.memory_space<vmem>>, vector<16xf32>,
      %add3A_603 = arith.constant 12288 : i32
      %add3A_604 = vector.broadcast %add3A_603 : i32 to vector<16xi32>
      %add3A_605 = arith.addi %get3A_484, %add3A_604 : vector<16xi32>
      %gather3A_606 = tpu.vector_load_idx %arg6[%add3A_605] : memref<16384xf32, #tpu.memory_space<vmem>>[vector<16xi32>], vector<16xf32>,
      %mul3A_607 = arith.constant 16 : i32
      %mul3A_608 = arith.muli %scan3A_481, %mul3A_607 : i32
      %swap3A_609 = arith.constant 12 : i32
      %swap3A_610 = arith.index_cast %swap3A_609 : i32 to index
      %swap3A_611 = arith.index_cast %mul3A_608 : i32 to index
      %swap3A_612 = tpu.vector_load %arg8[%swap3A_610, %swap3A_611] {strides = array<i32>} : memref<16x1024xf32, #tpu.memory_space<vmem>>, vector<16xf32>,
      tpu.vector_store %arg8[%swap3A_610, %swap3A_611], %gather3A_606 {strides = array<i32>} : memref<16x1024xf32, #tpu.memory_space<vmem>>, vector<16xf32>,
      %add3A_613 = arith.constant 13312 : i32
      %add3A_614 = vector.broadcast %add3A_613 : i32 to vector<16xi32>
      %add3A_615 = arith.addi %get3A_484, %add3A_614 : vector<16xi32>
      %gather3A_616 = tpu.vector_load_idx %arg6[%add3A_615] : memref<16384xf32, #tpu.memory_space<vmem>>[vector<16xi32>], vector<16xf32>,
      %mul3A_617 = arith.constant 16 : i32
      %mul3A_618 = arith.muli %scan3A_481, %mul3A_617 : i32
      %swap3A_619 = arith.constant 13 : i32
      %swap3A_620 = arith.index_cast %swap3A_619 : i32 to index
      %swap3A_621 = arith.index_cast %mul3A_618 : i32 to index
      %swap3A_622 = tpu.vector_load %arg8[%swap3A_620, %swap3A_621] {strides = array<i32>} : memref<16x1024xf32, #tpu.memory_space<vmem>>, vector<16xf32>,
      tpu.vector_store %arg8[%swap3A_620, %swap3A_621], %gather3A_616 {strides = array<i32>} : memref<16x1024xf32, #tpu.memory_space<vmem>>, vector<16xf32>,
      %add3A_623 = arith.constant 14336 : i32
      %add3A_624 = vector.broadcast %add3A_623 : i32 to vector<16xi32>
      %add3A_625 = arith.addi %get3A_484, %add3A_624 : vector<16xi32>
      %gather3A_626 = tpu.vector_load_idx %arg6[%add3A_625] : memref<16384xf32, #tpu.memory_space<vmem>>[vector<16xi32>], vector<16xf32>,
      %mul3A_627 = arith.constant 16 : i32
      %mul3A_628 = arith.muli %scan3A_481, %mul3A_627 : i32
      %swap3A_629 = arith.constant 14 : i32
      %swap3A_630 = arith.index_cast %swap3A_629 : i32 to index
      %swap3A_631 = arith.index_cast %mul3A_628 : i32 to index
      %swap3A_632 = tpu.vector_load %arg8[%swap3A_630, %swap3A_631] {strides = array<i32>} : memref<16x1024xf32, #tpu.memory_space<vmem>>, vector<16xf32>,
      tpu.vector_store %arg8[%swap3A_630, %swap3A_631], %gather3A_626 {strides = array<i32>} : memref<16x1024xf32, #tpu.memory_space<vmem>>, vector<16xf32>,
      %add3A_633 = arith.constant 15360 : i32
      %add3A_634 = vector.broadcast %add3A_633 : i32 to vector<16xi32>
      %add3A_635 = arith.addi %get3A_484, %add3A_634 : vector<16xi32>
      %gather3A_636 = tpu.vector_load_idx %arg6[%add3A_635] : memref<16384xf32, #tpu.memory_space<vmem>>[vector<16xi32>], vector<16xf32>,
      %mul3A_637 = arith.constant 16 : i32
      %mul3A_638 = arith.muli %scan3A_481, %mul3A_637 : i32
      %swap3A_639 = arith.constant 15 : i32
      %swap3A_640 = arith.index_cast %swap3A_639 : i32 to index
      %swap3A_641 = arith.index_cast %mul3A_638 : i32 to index
      %swap3A_642 = tpu.vector_load %arg8[%swap3A_640, %swap3A_641] {strides = array<i32>} : memref<16x1024xf32, #tpu.memory_space<vmem>>, vector<16xf32>,
      tpu.vector_store %arg8[%swap3A_640, %swap3A_641], %gather3A_636 {strides = array<i32>} : memref<16x1024xf32, #tpu.memory_space<vmem>>, vector<16xf32>,
    }
    %scan3A_324 = arith.constant 64 : i32
    %mul3A_325 = arith.constant 1024 : i32
    %mul3A_326 = arith.muli %select_n3A_30, %mul3A_325 : i32
    %dma_start3A_327 = arith.constant 160 : i32
    %dma_start3A_328 = tpu.memref_slice %arg4[%select_n3A, %dma_start3A_327, %mul3A_326] : memref<8x256x4096xf32, #tpu.memory_space<hbm>> -> memref<1x16x1024xf32, #tpu.memory_space<hbm>>
    %dma_start3A_329 = tpu.memref_squeeze %dma_start3A_328 : memref<1x16x1024xf32, #tpu.memory_space<hbm>> -> memref<16x1024xf32, #tpu.memory_space<hbm>>
    %dma_start3A_330 = arith.constant 160 : i32
    %dma_start3A_331 = tpu.memref_slice %arg4[%select_n3A, %dma_start3A_330, %mul3A_326] : memref<8x256x4096xf32, #tpu.memory_space<hbm>> -> memref<1x16x1024xf32, #tpu.memory_space<hbm>>
    %dma_start3A_332 = tpu.memref_squeeze %dma_start3A_331 : memref<1x16x1024xf32, #tpu.memory_space<hbm>> -> memref<16x1024xf32, #tpu.memory_space<hbm>>
    tpu.enqueue_dma source(%arg8 : memref<16x1024xf32, #tpu.memory_space<vmem>>) target(%dma_start3A_332 : memref<16x1024xf32, #tpu.memory_space<hbm>>) target_semaphore(%arg12 : memref<!tpu.dma_semaphore, #tpu.memory_space<semaphore_mem>>)
    %dma_start3A_333 = arith.constant 196608 : i32
    %dma_start3A_334 = tpu.memref_slice %arg2[%dma_start3A_333] : memref<262144xf32, #tpu.memory_space<hbm>> -> memref<16384xf32, #tpu.memory_space<hbm>>
    %dma_start3A_335 = arith.constant 196608 : i32
    %dma_start3A_336 = tpu.memref_slice %arg2[%dma_start3A_335] : memref<262144xf32, #tpu.memory_space<hbm>> -> memref<16384xf32, #tpu.memory_space<hbm>>
    tpu.enqueue_dma source(%dma_start3A_336 : memref<16384xf32, #tpu.memory_space<hbm>>) target(%arg6 : memref<16384xf32, #tpu.memory_space<vmem>>) target_semaphore(%arg10 : memref<!tpu.dma_semaphore, #tpu.memory_space<semaphore_mem>>)
    %dma_wait3A_337 = arith.constant 180224 : i32
    %dma_wait3A_338 = tpu.memref_slice %arg2[%dma_wait3A_337] : memref<262144xf32, #tpu.memory_space<hbm>> -> memref<16384xf32, #tpu.memory_space<hbm>>
    %dma_wait3A_339 = arith.constant 180224 : i32
    %dma_wait3A_340 = tpu.memref_slice %arg2[%dma_wait3A_339] : memref<262144xf32, #tpu.memory_space<hbm>> -> memref<16384xf32, #tpu.memory_space<hbm>>
    tpu.wait_dma2 semaphore(%arg11 : memref<!tpu.dma_semaphore, #tpu.memory_space<semaphore_mem>>) src(%dma_wait3A_340 : memref<16384xf32, #tpu.memory_space<hbm>>) dst(%arg7 : memref<16384xf32, #tpu.memory_space<vmem>>)
    %dma_wait3A_341 = arith.constant 144 : i32
    %dma_wait3A_342 = tpu.memref_slice %arg4[%select_n3A, %dma_wait3A_341, %mul3A_298] : memref<8x256x4096xf32, #tpu.memory_space<hbm>> -> memref<1x16x1024xf32, #tpu.memory_space<hbm>>
    %dma_wait3A_343 = tpu.memref_squeeze %dma_wait3A_342 : memref<1x16x1024xf32, #tpu.memory_space<hbm>> -> memref<16x1024xf32, #tpu.memory_space<hbm>>
    %dma_wait3A_344 = arith.constant 144 : i32
    %dma_wait3A_345 = tpu.memref_slice %arg4[%select_n3A, %dma_wait3A_344, %mul3A_298] : memref<8x256x4096xf32, #tpu.memory_space<hbm>> -> memref<1x16x1024xf32, #tpu.memory_space<hbm>>
    %dma_wait3A_346 = tpu.memref_squeeze %dma_wait3A_345 : memref<1x16x1024xf32, #tpu.memory_space<hbm>> -> memref<16x1024xf32, #tpu.memory_space<hbm>>
    tpu.wait_dma2 semaphore(%arg13 : memref<!tpu.dma_semaphore, #tpu.memory_space<semaphore_mem>>) src(%arg9 : memref<16x1024xf32, #tpu.memory_space<vmem>>) dst(%dma_wait3A_346 : memref<16x1024xf32, #tpu.memory_space<hbm>>)
    %scan3A_347 = arith.constant 0 : i32
    %scan3A_348 = arith.constant 0 : i32
    %scan3A_349 = arith.constant 64 : i32
    %scan3A_350 = arith.addi %scan3A_348, %scan3A_349 : i32
    %scan3A_351 = arith.constant 1 : i32
    scf.for %scan3A_481 = %scan3A_348 to %scan3A_350 step %scan3A_351  : i32 {
      %mul3A_482 = arith.constant 16 : i32
      %mul3A_483 = arith.muli %scan3A_481, %mul3A_482 : i32
      %get3A = arith.index_cast %mul3A_483 : i32 to index
      %get3A_484 = tpu.vector_load %arg5[%get3A] {strides = array<i32>} : memref<1024xi32, #tpu.memory_space<vmem>>, vector<16xi32>,
      %add3A_485 = arith.constant 0 : i32
      %add3A_486 = vector.broadcast %add3A_485 : i32 to vector<16xi32>
      %add3A_487 = arith.addi %get3A_484, %add3A_486 : vector<16xi32>
      %gather3A = tpu.vector_load_idx %arg7[%add3A_487] : memref<16384xf32, #tpu.memory_space<vmem>>[vector<16xi32>], vector<16xf32>,
      %mul3A_488 = arith.constant 16 : i32
      %mul3A_489 = arith.muli %scan3A_481, %mul3A_488 : i32
      %swap3A = arith.constant 0 : i32
      %swap3A_490 = arith.index_cast %swap3A : i32 to index
      %swap3A_491 = arith.index_cast %mul3A_489 : i32 to index
      %swap3A_492 = tpu.vector_load %arg9[%swap3A_490, %swap3A_491] {strides = array<i32>} : memref<16x1024xf32, #tpu.memory_space<vmem>>, vector<16xf32>,
      tpu.vector_store %arg9[%swap3A_490, %swap3A_491], %gather3A {strides = array<i32>} : memref<16x1024xf32, #tpu.memory_space<vmem>>, vector<16xf32>,
      %add3A_493 = arith.constant 1024 : i32
      %add3A_494 = vector.broadcast %add3A_493 : i32 to vector<16xi32>
      %add3A_495 = arith.addi %get3A_484, %add3A_494 : vector<16xi32>
      %gather3A_496 = tpu.vector_load_idx %arg7[%add3A_495] : memref<16384xf32, #tpu.memory_space<vmem>>[vector<16xi32>], vector<16xf32>,
      %mul3A_497 = arith.constant 16 : i32
      %mul3A_498 = arith.muli %scan3A_481, %mul3A_497 : i32
      %swap3A_499 = arith.constant 1 : i32
      %swap3A_500 = arith.index_cast %swap3A_499 : i32 to index
      %swap3A_501 = arith.index_cast %mul3A_498 : i32 to index
      %swap3A_502 = tpu.vector_load %arg9[%swap3A_500, %swap3A_501] {strides = array<i32>} : memref<16x1024xf32, #tpu.memory_space<vmem>>, vector<16xf32>,
      tpu.vector_store %arg9[%swap3A_500, %swap3A_501], %gather3A_496 {strides = array<i32>} : memref<16x1024xf32, #tpu.memory_space<vmem>>, vector<16xf32>,
      %add3A_503 = arith.constant 2048 : i32
      %add3A_504 = vector.broadcast %add3A_503 : i32 to vector<16xi32>
      %add3A_505 = arith.addi %get3A_484, %add3A_504 : vector<16xi32>
      %gather3A_506 = tpu.vector_load_idx %arg7[%add3A_505] : memref<16384xf32, #tpu.memory_space<vmem>>[vector<16xi32>], vector<16xf32>,
      %mul3A_507 = arith.constant 16 : i32
      %mul3A_508 = arith.muli %scan3A_481, %mul3A_507 : i32
      %swap3A_509 = arith.constant 2 : i32
      %swap3A_510 = arith.index_cast %swap3A_509 : i32 to index
      %swap3A_511 = arith.index_cast %mul3A_508 : i32 to index
      %swap3A_512 = tpu.vector_load %arg9[%swap3A_510, %swap3A_511] {strides = array<i32>} : memref<16x1024xf32, #tpu.memory_space<vmem>>, vector<16xf32>,
      tpu.vector_store %arg9[%swap3A_510, %swap3A_511], %gather3A_506 {strides = array<i32>} : memref<16x1024xf32, #tpu.memory_space<vmem>>, vector<16xf32>,
      %add3A_513 = arith.constant 3072 : i32
      %add3A_514 = vector.broadcast %add3A_513 : i32 to vector<16xi32>
      %add3A_515 = arith.addi %get3A_484, %add3A_514 : vector<16xi32>
      %gather3A_516 = tpu.vector_load_idx %arg7[%add3A_515] : memref<16384xf32, #tpu.memory_space<vmem>>[vector<16xi32>], vector<16xf32>,
      %mul3A_517 = arith.constant 16 : i32
      %mul3A_518 = arith.muli %scan3A_481, %mul3A_517 : i32
      %swap3A_519 = arith.constant 3 : i32
      %swap3A_520 = arith.index_cast %swap3A_519 : i32 to index
      %swap3A_521 = arith.index_cast %mul3A_518 : i32 to index
      %swap3A_522 = tpu.vector_load %arg9[%swap3A_520, %swap3A_521] {strides = array<i32>} : memref<16x1024xf32, #tpu.memory_space<vmem>>, vector<16xf32>,
      tpu.vector_store %arg9[%swap3A_520, %swap3A_521], %gather3A_516 {strides = array<i32>} : memref<16x1024xf32, #tpu.memory_space<vmem>>, vector<16xf32>,
      %add3A_523 = arith.constant 4096 : i32
      %add3A_524 = vector.broadcast %add3A_523 : i32 to vector<16xi32>
      %add3A_525 = arith.addi %get3A_484, %add3A_524 : vector<16xi32>
      %gather3A_526 = tpu.vector_load_idx %arg7[%add3A_525] : memref<16384xf32, #tpu.memory_space<vmem>>[vector<16xi32>], vector<16xf32>,
      %mul3A_527 = arith.constant 16 : i32
      %mul3A_528 = arith.muli %scan3A_481, %mul3A_527 : i32
      %swap3A_529 = arith.constant 4 : i32
      %swap3A_530 = arith.index_cast %swap3A_529 : i32 to index
      %swap3A_531 = arith.index_cast %mul3A_528 : i32 to index
      %swap3A_532 = tpu.vector_load %arg9[%swap3A_530, %swap3A_531] {strides = array<i32>} : memref<16x1024xf32, #tpu.memory_space<vmem>>, vector<16xf32>,
      tpu.vector_store %arg9[%swap3A_530, %swap3A_531], %gather3A_526 {strides = array<i32>} : memref<16x1024xf32, #tpu.memory_space<vmem>>, vector<16xf32>,
      %add3A_533 = arith.constant 5120 : i32
      %add3A_534 = vector.broadcast %add3A_533 : i32 to vector<16xi32>
      %add3A_535 = arith.addi %get3A_484, %add3A_534 : vector<16xi32>
      %gather3A_536 = tpu.vector_load_idx %arg7[%add3A_535] : memref<16384xf32, #tpu.memory_space<vmem>>[vector<16xi32>], vector<16xf32>,
      %mul3A_537 = arith.constant 16 : i32
      %mul3A_538 = arith.muli %scan3A_481, %mul3A_537 : i32
      %swap3A_539 = arith.constant 5 : i32
      %swap3A_540 = arith.index_cast %swap3A_539 : i32 to index
      %swap3A_541 = arith.index_cast %mul3A_538 : i32 to index
      %swap3A_542 = tpu.vector_load %arg9[%swap3A_540, %swap3A_541] {strides = array<i32>} : memref<16x1024xf32, #tpu.memory_space<vmem>>, vector<16xf32>,
      tpu.vector_store %arg9[%swap3A_540, %swap3A_541], %gather3A_536 {strides = array<i32>} : memref<16x1024xf32, #tpu.memory_space<vmem>>, vector<16xf32>,
      %add3A_543 = arith.constant 6144 : i32
      %add3A_544 = vector.broadcast %add3A_543 : i32 to vector<16xi32>
      %add3A_545 = arith.addi %get3A_484, %add3A_544 : vector<16xi32>
      %gather3A_546 = tpu.vector_load_idx %arg7[%add3A_545] : memref<16384xf32, #tpu.memory_space<vmem>>[vector<16xi32>], vector<16xf32>,
      %mul3A_547 = arith.constant 16 : i32
      %mul3A_548 = arith.muli %scan3A_481, %mul3A_547 : i32
      %swap3A_549 = arith.constant 6 : i32
      %swap3A_550 = arith.index_cast %swap3A_549 : i32 to index
      %swap3A_551 = arith.index_cast %mul3A_548 : i32 to index
      %swap3A_552 = tpu.vector_load %arg9[%swap3A_550, %swap3A_551] {strides = array<i32>} : memref<16x1024xf32, #tpu.memory_space<vmem>>, vector<16xf32>,
      tpu.vector_store %arg9[%swap3A_550, %swap3A_551], %gather3A_546 {strides = array<i32>} : memref<16x1024xf32, #tpu.memory_space<vmem>>, vector<16xf32>,
      %add3A_553 = arith.constant 7168 : i32
      %add3A_554 = vector.broadcast %add3A_553 : i32 to vector<16xi32>
      %add3A_555 = arith.addi %get3A_484, %add3A_554 : vector<16xi32>
      %gather3A_556 = tpu.vector_load_idx %arg7[%add3A_555] : memref<16384xf32, #tpu.memory_space<vmem>>[vector<16xi32>], vector<16xf32>,
      %mul3A_557 = arith.constant 16 : i32
      %mul3A_558 = arith.muli %scan3A_481, %mul3A_557 : i32
      %swap3A_559 = arith.constant 7 : i32
      %swap3A_560 = arith.index_cast %swap3A_559 : i32 to index
      %swap3A_561 = arith.index_cast %mul3A_558 : i32 to index
      %swap3A_562 = tpu.vector_load %arg9[%swap3A_560, %swap3A_561] {strides = array<i32>} : memref<16x1024xf32, #tpu.memory_space<vmem>>, vector<16xf32>,
      tpu.vector_store %arg9[%swap3A_560, %swap3A_561], %gather3A_556 {strides = array<i32>} : memref<16x1024xf32, #tpu.memory_space<vmem>>, vector<16xf32>,
      %add3A_563 = arith.constant 8192 : i32
      %add3A_564 = vector.broadcast %add3A_563 : i32 to vector<16xi32>
      %add3A_565 = arith.addi %get3A_484, %add3A_564 : vector<16xi32>
      %gather3A_566 = tpu.vector_load_idx %arg7[%add3A_565] : memref<16384xf32, #tpu.memory_space<vmem>>[vector<16xi32>], vector<16xf32>,
      %mul3A_567 = arith.constant 16 : i32
      %mul3A_568 = arith.muli %scan3A_481, %mul3A_567 : i32
      %swap3A_569 = arith.constant 8 : i32
      %swap3A_570 = arith.index_cast %swap3A_569 : i32 to index
      %swap3A_571 = arith.index_cast %mul3A_568 : i32 to index
      %swap3A_572 = tpu.vector_load %arg9[%swap3A_570, %swap3A_571] {strides = array<i32>} : memref<16x1024xf32, #tpu.memory_space<vmem>>, vector<16xf32>,
      tpu.vector_store %arg9[%swap3A_570, %swap3A_571], %gather3A_566 {strides = array<i32>} : memref<16x1024xf32, #tpu.memory_space<vmem>>, vector<16xf32>,
      %add3A_573 = arith.constant 9216 : i32
      %add3A_574 = vector.broadcast %add3A_573 : i32 to vector<16xi32>
      %add3A_575 = arith.addi %get3A_484, %add3A_574 : vector<16xi32>
      %gather3A_576 = tpu.vector_load_idx %arg7[%add3A_575] : memref<16384xf32, #tpu.memory_space<vmem>>[vector<16xi32>], vector<16xf32>,
      %mul3A_577 = arith.constant 16 : i32
      %mul3A_578 = arith.muli %scan3A_481, %mul3A_577 : i32
      %swap3A_579 = arith.constant 9 : i32
      %swap3A_580 = arith.index_cast %swap3A_579 : i32 to index
      %swap3A_581 = arith.index_cast %mul3A_578 : i32 to index
      %swap3A_582 = tpu.vector_load %arg9[%swap3A_580, %swap3A_581] {strides = array<i32>} : memref<16x1024xf32, #tpu.memory_space<vmem>>, vector<16xf32>,
      tpu.vector_store %arg9[%swap3A_580, %swap3A_581], %gather3A_576 {strides = array<i32>} : memref<16x1024xf32, #tpu.memory_space<vmem>>, vector<16xf32>,
      %add3A_583 = arith.constant 10240 : i32
      %add3A_584 = vector.broadcast %add3A_583 : i32 to vector<16xi32>
      %add3A_585 = arith.addi %get3A_484, %add3A_584 : vector<16xi32>
      %gather3A_586 = tpu.vector_load_idx %arg7[%add3A_585] : memref<16384xf32, #tpu.memory_space<vmem>>[vector<16xi32>], vector<16xf32>,
      %mul3A_587 = arith.constant 16 : i32
      %mul3A_588 = arith.muli %scan3A_481, %mul3A_587 : i32
      %swap3A_589 = arith.constant 10 : i32
      %swap3A_590 = arith.index_cast %swap3A_589 : i32 to index
      %swap3A_591 = arith.index_cast %mul3A_588 : i32 to index
      %swap3A_592 = tpu.vector_load %arg9[%swap3A_590, %swap3A_591] {strides = array<i32>} : memref<16x1024xf32, #tpu.memory_space<vmem>>, vector<16xf32>,
      tpu.vector_store %arg9[%swap3A_590, %swap3A_591], %gather3A_586 {strides = array<i32>} : memref<16x1024xf32, #tpu.memory_space<vmem>>, vector<16xf32>,
      %add3A_593 = arith.constant 11264 : i32
      %add3A_594 = vector.broadcast %add3A_593 : i32 to vector<16xi32>
      %add3A_595 = arith.addi %get3A_484, %add3A_594 : vector<16xi32>
      %gather3A_596 = tpu.vector_load_idx %arg7[%add3A_595] : memref<16384xf32, #tpu.memory_space<vmem>>[vector<16xi32>], vector<16xf32>,
      %mul3A_597 = arith.constant 16 : i32
      %mul3A_598 = arith.muli %scan3A_481, %mul3A_597 : i32
      %swap3A_599 = arith.constant 11 : i32
      %swap3A_600 = arith.index_cast %swap3A_599 : i32 to index
      %swap3A_601 = arith.index_cast %mul3A_598 : i32 to index
      %swap3A_602 = tpu.vector_load %arg9[%swap3A_600, %swap3A_601] {strides = array<i32>} : memref<16x1024xf32, #tpu.memory_space<vmem>>, vector<16xf32>,
      tpu.vector_store %arg9[%swap3A_600, %swap3A_601], %gather3A_596 {strides = array<i32>} : memref<16x1024xf32, #tpu.memory_space<vmem>>, vector<16xf32>,
      %add3A_603 = arith.constant 12288 : i32
      %add3A_604 = vector.broadcast %add3A_603 : i32 to vector<16xi32>
      %add3A_605 = arith.addi %get3A_484, %add3A_604 : vector<16xi32>
      %gather3A_606 = tpu.vector_load_idx %arg7[%add3A_605] : memref<16384xf32, #tpu.memory_space<vmem>>[vector<16xi32>], vector<16xf32>,
      %mul3A_607 = arith.constant 16 : i32
      %mul3A_608 = arith.muli %scan3A_481, %mul3A_607 : i32
      %swap3A_609 = arith.constant 12 : i32
      %swap3A_610 = arith.index_cast %swap3A_609 : i32 to index
      %swap3A_611 = arith.index_cast %mul3A_608 : i32 to index
      %swap3A_612 = tpu.vector_load %arg9[%swap3A_610, %swap3A_611] {strides = array<i32>} : memref<16x1024xf32, #tpu.memory_space<vmem>>, vector<16xf32>,
      tpu.vector_store %arg9[%swap3A_610, %swap3A_611], %gather3A_606 {strides = array<i32>} : memref<16x1024xf32, #tpu.memory_space<vmem>>, vector<16xf32>,
      %add3A_613 = arith.constant 13312 : i32
      %add3A_614 = vector.broadcast %add3A_613 : i32 to vector<16xi32>
      %add3A_615 = arith.addi %get3A_484, %add3A_614 : vector<16xi32>
      %gather3A_616 = tpu.vector_load_idx %arg7[%add3A_615] : memref<16384xf32, #tpu.memory_space<vmem>>[vector<16xi32>], vector<16xf32>,
      %mul3A_617 = arith.constant 16 : i32
      %mul3A_618 = arith.muli %scan3A_481, %mul3A_617 : i32
      %swap3A_619 = arith.constant 13 : i32
      %swap3A_620 = arith.index_cast %swap3A_619 : i32 to index
      %swap3A_621 = arith.index_cast %mul3A_618 : i32 to index
      %swap3A_622 = tpu.vector_load %arg9[%swap3A_620, %swap3A_621] {strides = array<i32>} : memref<16x1024xf32, #tpu.memory_space<vmem>>, vector<16xf32>,
      tpu.vector_store %arg9[%swap3A_620, %swap3A_621], %gather3A_616 {strides = array<i32>} : memref<16x1024xf32, #tpu.memory_space<vmem>>, vector<16xf32>,
      %add3A_623 = arith.constant 14336 : i32
      %add3A_624 = vector.broadcast %add3A_623 : i32 to vector<16xi32>
      %add3A_625 = arith.addi %get3A_484, %add3A_624 : vector<16xi32>
      %gather3A_626 = tpu.vector_load_idx %arg7[%add3A_625] : memref<16384xf32, #tpu.memory_space<vmem>>[vector<16xi32>], vector<16xf32>,
      %mul3A_627 = arith.constant 16 : i32
      %mul3A_628 = arith.muli %scan3A_481, %mul3A_627 : i32
      %swap3A_629 = arith.constant 14 : i32
      %swap3A_630 = arith.index_cast %swap3A_629 : i32 to index
      %swap3A_631 = arith.index_cast %mul3A_628 : i32 to index
      %swap3A_632 = tpu.vector_load %arg9[%swap3A_630, %swap3A_631] {strides = array<i32>} : memref<16x1024xf32, #tpu.memory_space<vmem>>, vector<16xf32>,
      tpu.vector_store %arg9[%swap3A_630, %swap3A_631], %gather3A_626 {strides = array<i32>} : memref<16x1024xf32, #tpu.memory_space<vmem>>, vector<16xf32>,
      %add3A_633 = arith.constant 15360 : i32
      %add3A_634 = vector.broadcast %add3A_633 : i32 to vector<16xi32>
      %add3A_635 = arith.addi %get3A_484, %add3A_634 : vector<16xi32>
      %gather3A_636 = tpu.vector_load_idx %arg7[%add3A_635] : memref<16384xf32, #tpu.memory_space<vmem>>[vector<16xi32>], vector<16xf32>,
      %mul3A_637 = arith.constant 16 : i32
      %mul3A_638 = arith.muli %scan3A_481, %mul3A_637 : i32
      %swap3A_639 = arith.constant 15 : i32
      %swap3A_640 = arith.index_cast %swap3A_639 : i32 to index
      %swap3A_641 = arith.index_cast %mul3A_638 : i32 to index
      %swap3A_642 = tpu.vector_load %arg9[%swap3A_640, %swap3A_641] {strides = array<i32>} : memref<16x1024xf32, #tpu.memory_space<vmem>>, vector<16xf32>,
      tpu.vector_store %arg9[%swap3A_640, %swap3A_641], %gather3A_636 {strides = array<i32>} : memref<16x1024xf32, #tpu.memory_space<vmem>>, vector<16xf32>,
    }
    %scan3A_352 = arith.constant 64 : i32
    %mul3A_353 = arith.constant 1024 : i32
    %mul3A_354 = arith.muli %select_n3A_30, %mul3A_353 : i32
    %dma_start3A_355 = arith.constant 176 : i32
    %dma_start3A_356 = tpu.memref_slice %arg4[%select_n3A, %dma_start3A_355, %mul3A_354] : memref<8x256x4096xf32, #tpu.memory_space<hbm>> -> memref<1x16x1024xf32, #tpu.memory_space<hbm>>
    %dma_start3A_357 = tpu.memref_squeeze %dma_start3A_356 : memref<1x16x1024xf32, #tpu.memory_space<hbm>> -> memref<16x1024xf32, #tpu.memory_space<hbm>>
    %dma_start3A_358 = arith.constant 176 : i32
    %dma_start3A_359 = tpu.memref_slice %arg4[%select_n3A, %dma_start3A_358, %mul3A_354] : memref<8x256x4096xf32, #tpu.memory_space<hbm>> -> memref<1x16x1024xf32, #tpu.memory_space<hbm>>
    %dma_start3A_360 = tpu.memref_squeeze %dma_start3A_359 : memref<1x16x1024xf32, #tpu.memory_space<hbm>> -> memref<16x1024xf32, #tpu.memory_space<hbm>>
    tpu.enqueue_dma source(%arg9 : memref<16x1024xf32, #tpu.memory_space<vmem>>) target(%dma_start3A_360 : memref<16x1024xf32, #tpu.memory_space<hbm>>) target_semaphore(%arg13 : memref<!tpu.dma_semaphore, #tpu.memory_space<semaphore_mem>>)
    %dma_start3A_361 = arith.constant 212992 : i32
    %dma_start3A_362 = tpu.memref_slice %arg2[%dma_start3A_361] : memref<262144xf32, #tpu.memory_space<hbm>> -> memref<16384xf32, #tpu.memory_space<hbm>>
    %dma_start3A_363 = arith.constant 212992 : i32
    %dma_start3A_364 = tpu.memref_slice %arg2[%dma_start3A_363] : memref<262144xf32, #tpu.memory_space<hbm>> -> memref<16384xf32, #tpu.memory_space<hbm>>
    tpu.enqueue_dma source(%dma_start3A_364 : memref<16384xf32, #tpu.memory_space<hbm>>) target(%arg7 : memref<16384xf32, #tpu.memory_space<vmem>>) target_semaphore(%arg11 : memref<!tpu.dma_semaphore, #tpu.memory_space<semaphore_mem>>)
    %dma_wait3A_365 = arith.constant 196608 : i32
    %dma_wait3A_366 = tpu.memref_slice %arg2[%dma_wait3A_365] : memref<262144xf32, #tpu.memory_space<hbm>> -> memref<16384xf32, #tpu.memory_space<hbm>>
    %dma_wait3A_367 = arith.constant 196608 : i32
    %dma_wait3A_368 = tpu.memref_slice %arg2[%dma_wait3A_367] : memref<262144xf32, #tpu.memory_space<hbm>> -> memref<16384xf32, #tpu.memory_space<hbm>>
    tpu.wait_dma2 semaphore(%arg10 : memref<!tpu.dma_semaphore, #tpu.memory_space<semaphore_mem>>) src(%dma_wait3A_368 : memref<16384xf32, #tpu.memory_space<hbm>>) dst(%arg6 : memref<16384xf32, #tpu.memory_space<vmem>>)
    %dma_wait3A_369 = arith.constant 160 : i32
    %dma_wait3A_370 = tpu.memref_slice %arg4[%select_n3A, %dma_wait3A_369, %mul3A_326] : memref<8x256x4096xf32, #tpu.memory_space<hbm>> -> memref<1x16x1024xf32, #tpu.memory_space<hbm>>
    %dma_wait3A_371 = tpu.memref_squeeze %dma_wait3A_370 : memref<1x16x1024xf32, #tpu.memory_space<hbm>> -> memref<16x1024xf32, #tpu.memory_space<hbm>>
    %dma_wait3A_372 = arith.constant 160 : i32
    %dma_wait3A_373 = tpu.memref_slice %arg4[%select_n3A, %dma_wait3A_372, %mul3A_326] : memref<8x256x4096xf32, #tpu.memory_space<hbm>> -> memref<1x16x1024xf32, #tpu.memory_space<hbm>>
    %dma_wait3A_374 = tpu.memref_squeeze %dma_wait3A_373 : memref<1x16x1024xf32, #tpu.memory_space<hbm>> -> memref<16x1024xf32, #tpu.memory_space<hbm>>
    tpu.wait_dma2 semaphore(%arg12 : memref<!tpu.dma_semaphore, #tpu.memory_space<semaphore_mem>>) src(%arg8 : memref<16x1024xf32, #tpu.memory_space<vmem>>) dst(%dma_wait3A_374 : memref<16x1024xf32, #tpu.memory_space<hbm>>)
    %scan3A_375 = arith.constant 0 : i32
    %scan3A_376 = arith.constant 0 : i32
    %scan3A_377 = arith.constant 64 : i32
    %scan3A_378 = arith.addi %scan3A_376, %scan3A_377 : i32
    %scan3A_379 = arith.constant 1 : i32
    scf.for %scan3A_481 = %scan3A_376 to %scan3A_378 step %scan3A_379  : i32 {
      %mul3A_482 = arith.constant 16 : i32
      %mul3A_483 = arith.muli %scan3A_481, %mul3A_482 : i32
      %get3A = arith.index_cast %mul3A_483 : i32 to index
      %get3A_484 = tpu.vector_load %arg5[%get3A] {strides = array<i32>} : memref<1024xi32, #tpu.memory_space<vmem>>, vector<16xi32>,
      %add3A_485 = arith.constant 0 : i32
      %add3A_486 = vector.broadcast %add3A_485 : i32 to vector<16xi32>
      %add3A_487 = arith.addi %get3A_484, %add3A_486 : vector<16xi32>
      %gather3A = tpu.vector_load_idx %arg6[%add3A_487] : memref<16384xf32, #tpu.memory_space<vmem>>[vector<16xi32>], vector<16xf32>,
      %mul3A_488 = arith.constant 16 : i32
      %mul3A_489 = arith.muli %scan3A_481, %mul3A_488 : i32
      %swap3A = arith.constant 0 : i32
      %swap3A_490 = arith.index_cast %swap3A : i32 to index
      %swap3A_491 = arith.index_cast %mul3A_489 : i32 to index
      %swap3A_492 = tpu.vector_load %arg8[%swap3A_490, %swap3A_491] {strides = array<i32>} : memref<16x1024xf32, #tpu.memory_space<vmem>>, vector<16xf32>,
      tpu.vector_store %arg8[%swap3A_490, %swap3A_491], %gather3A {strides = array<i32>} : memref<16x1024xf32, #tpu.memory_space<vmem>>, vector<16xf32>,
      %add3A_493 = arith.constant 1024 : i32
      %add3A_494 = vector.broadcast %add3A_493 : i32 to vector<16xi32>
      %add3A_495 = arith.addi %get3A_484, %add3A_494 : vector<16xi32>
      %gather3A_496 = tpu.vector_load_idx %arg6[%add3A_495] : memref<16384xf32, #tpu.memory_space<vmem>>[vector<16xi32>], vector<16xf32>,
      %mul3A_497 = arith.constant 16 : i32
      %mul3A_498 = arith.muli %scan3A_481, %mul3A_497 : i32
      %swap3A_499 = arith.constant 1 : i32
      %swap3A_500 = arith.index_cast %swap3A_499 : i32 to index
      %swap3A_501 = arith.index_cast %mul3A_498 : i32 to index
      %swap3A_502 = tpu.vector_load %arg8[%swap3A_500, %swap3A_501] {strides = array<i32>} : memref<16x1024xf32, #tpu.memory_space<vmem>>, vector<16xf32>,
      tpu.vector_store %arg8[%swap3A_500, %swap3A_501], %gather3A_496 {strides = array<i32>} : memref<16x1024xf32, #tpu.memory_space<vmem>>, vector<16xf32>,
      %add3A_503 = arith.constant 2048 : i32
      %add3A_504 = vector.broadcast %add3A_503 : i32 to vector<16xi32>
      %add3A_505 = arith.addi %get3A_484, %add3A_504 : vector<16xi32>
      %gather3A_506 = tpu.vector_load_idx %arg6[%add3A_505] : memref<16384xf32, #tpu.memory_space<vmem>>[vector<16xi32>], vector<16xf32>,
      %mul3A_507 = arith.constant 16 : i32
      %mul3A_508 = arith.muli %scan3A_481, %mul3A_507 : i32
      %swap3A_509 = arith.constant 2 : i32
      %swap3A_510 = arith.index_cast %swap3A_509 : i32 to index
      %swap3A_511 = arith.index_cast %mul3A_508 : i32 to index
      %swap3A_512 = tpu.vector_load %arg8[%swap3A_510, %swap3A_511] {strides = array<i32>} : memref<16x1024xf32, #tpu.memory_space<vmem>>, vector<16xf32>,
      tpu.vector_store %arg8[%swap3A_510, %swap3A_511], %gather3A_506 {strides = array<i32>} : memref<16x1024xf32, #tpu.memory_space<vmem>>, vector<16xf32>,
      %add3A_513 = arith.constant 3072 : i32
      %add3A_514 = vector.broadcast %add3A_513 : i32 to vector<16xi32>
      %add3A_515 = arith.addi %get3A_484, %add3A_514 : vector<16xi32>
      %gather3A_516 = tpu.vector_load_idx %arg6[%add3A_515] : memref<16384xf32, #tpu.memory_space<vmem>>[vector<16xi32>], vector<16xf32>,
      %mul3A_517 = arith.constant 16 : i32
      %mul3A_518 = arith.muli %scan3A_481, %mul3A_517 : i32
      %swap3A_519 = arith.constant 3 : i32
      %swap3A_520 = arith.index_cast %swap3A_519 : i32 to index
      %swap3A_521 = arith.index_cast %mul3A_518 : i32 to index
      %swap3A_522 = tpu.vector_load %arg8[%swap3A_520, %swap3A_521] {strides = array<i32>} : memref<16x1024xf32, #tpu.memory_space<vmem>>, vector<16xf32>,
      tpu.vector_store %arg8[%swap3A_520, %swap3A_521], %gather3A_516 {strides = array<i32>} : memref<16x1024xf32, #tpu.memory_space<vmem>>, vector<16xf32>,
      %add3A_523 = arith.constant 4096 : i32
      %add3A_524 = vector.broadcast %add3A_523 : i32 to vector<16xi32>
      %add3A_525 = arith.addi %get3A_484, %add3A_524 : vector<16xi32>
      %gather3A_526 = tpu.vector_load_idx %arg6[%add3A_525] : memref<16384xf32, #tpu.memory_space<vmem>>[vector<16xi32>], vector<16xf32>,
      %mul3A_527 = arith.constant 16 : i32
      %mul3A_528 = arith.muli %scan3A_481, %mul3A_527 : i32
      %swap3A_529 = arith.constant 4 : i32
      %swap3A_530 = arith.index_cast %swap3A_529 : i32 to index
      %swap3A_531 = arith.index_cast %mul3A_528 : i32 to index
      %swap3A_532 = tpu.vector_load %arg8[%swap3A_530, %swap3A_531] {strides = array<i32>} : memref<16x1024xf32, #tpu.memory_space<vmem>>, vector<16xf32>,
      tpu.vector_store %arg8[%swap3A_530, %swap3A_531], %gather3A_526 {strides = array<i32>} : memref<16x1024xf32, #tpu.memory_space<vmem>>, vector<16xf32>,
      %add3A_533 = arith.constant 5120 : i32
      %add3A_534 = vector.broadcast %add3A_533 : i32 to vector<16xi32>
      %add3A_535 = arith.addi %get3A_484, %add3A_534 : vector<16xi32>
      %gather3A_536 = tpu.vector_load_idx %arg6[%add3A_535] : memref<16384xf32, #tpu.memory_space<vmem>>[vector<16xi32>], vector<16xf32>,
      %mul3A_537 = arith.constant 16 : i32
      %mul3A_538 = arith.muli %scan3A_481, %mul3A_537 : i32
      %swap3A_539 = arith.constant 5 : i32
      %swap3A_540 = arith.index_cast %swap3A_539 : i32 to index
      %swap3A_541 = arith.index_cast %mul3A_538 : i32 to index
      %swap3A_542 = tpu.vector_load %arg8[%swap3A_540, %swap3A_541] {strides = array<i32>} : memref<16x1024xf32, #tpu.memory_space<vmem>>, vector<16xf32>,
      tpu.vector_store %arg8[%swap3A_540, %swap3A_541], %gather3A_536 {strides = array<i32>} : memref<16x1024xf32, #tpu.memory_space<vmem>>, vector<16xf32>,
      %add3A_543 = arith.constant 6144 : i32
      %add3A_544 = vector.broadcast %add3A_543 : i32 to vector<16xi32>
      %add3A_545 = arith.addi %get3A_484, %add3A_544 : vector<16xi32>
      %gather3A_546 = tpu.vector_load_idx %arg6[%add3A_545] : memref<16384xf32, #tpu.memory_space<vmem>>[vector<16xi32>], vector<16xf32>,
      %mul3A_547 = arith.constant 16 : i32
      %mul3A_548 = arith.muli %scan3A_481, %mul3A_547 : i32
      %swap3A_549 = arith.constant 6 : i32
      %swap3A_550 = arith.index_cast %swap3A_549 : i32 to index
      %swap3A_551 = arith.index_cast %mul3A_548 : i32 to index
      %swap3A_552 = tpu.vector_load %arg8[%swap3A_550, %swap3A_551] {strides = array<i32>} : memref<16x1024xf32, #tpu.memory_space<vmem>>, vector<16xf32>,
      tpu.vector_store %arg8[%swap3A_550, %swap3A_551], %gather3A_546 {strides = array<i32>} : memref<16x1024xf32, #tpu.memory_space<vmem>>, vector<16xf32>,
      %add3A_553 = arith.constant 7168 : i32
      %add3A_554 = vector.broadcast %add3A_553 : i32 to vector<16xi32>
      %add3A_555 = arith.addi %get3A_484, %add3A_554 : vector<16xi32>
      %gather3A_556 = tpu.vector_load_idx %arg6[%add3A_555] : memref<16384xf32, #tpu.memory_space<vmem>>[vector<16xi32>], vector<16xf32>,
      %mul3A_557 = arith.constant 16 : i32
      %mul3A_558 = arith.muli %scan3A_481, %mul3A_557 : i32
      %swap3A_559 = arith.constant 7 : i32
      %swap3A_560 = arith.index_cast %swap3A_559 : i32 to index
      %swap3A_561 = arith.index_cast %mul3A_558 : i32 to index
      %swap3A_562 = tpu.vector_load %arg8[%swap3A_560, %swap3A_561] {strides = array<i32>} : memref<16x1024xf32, #tpu.memory_space<vmem>>, vector<16xf32>,
      tpu.vector_store %arg8[%swap3A_560, %swap3A_561], %gather3A_556 {strides = array<i32>} : memref<16x1024xf32, #tpu.memory_space<vmem>>, vector<16xf32>,
      %add3A_563 = arith.constant 8192 : i32
      %add3A_564 = vector.broadcast %add3A_563 : i32 to vector<16xi32>
      %add3A_565 = arith.addi %get3A_484, %add3A_564 : vector<16xi32>
      %gather3A_566 = tpu.vector_load_idx %arg6[%add3A_565] : memref<16384xf32, #tpu.memory_space<vmem>>[vector<16xi32>], vector<16xf32>,
      %mul3A_567 = arith.constant 16 : i32
      %mul3A_568 = arith.muli %scan3A_481, %mul3A_567 : i32
      %swap3A_569 = arith.constant 8 : i32
      %swap3A_570 = arith.index_cast %swap3A_569 : i32 to index
      %swap3A_571 = arith.index_cast %mul3A_568 : i32 to index
      %swap3A_572 = tpu.vector_load %arg8[%swap3A_570, %swap3A_571] {strides = array<i32>} : memref<16x1024xf32, #tpu.memory_space<vmem>>, vector<16xf32>,
      tpu.vector_store %arg8[%swap3A_570, %swap3A_571], %gather3A_566 {strides = array<i32>} : memref<16x1024xf32, #tpu.memory_space<vmem>>, vector<16xf32>,
      %add3A_573 = arith.constant 9216 : i32
      %add3A_574 = vector.broadcast %add3A_573 : i32 to vector<16xi32>
      %add3A_575 = arith.addi %get3A_484, %add3A_574 : vector<16xi32>
      %gather3A_576 = tpu.vector_load_idx %arg6[%add3A_575] : memref<16384xf32, #tpu.memory_space<vmem>>[vector<16xi32>], vector<16xf32>,
      %mul3A_577 = arith.constant 16 : i32
      %mul3A_578 = arith.muli %scan3A_481, %mul3A_577 : i32
      %swap3A_579 = arith.constant 9 : i32
      %swap3A_580 = arith.index_cast %swap3A_579 : i32 to index
      %swap3A_581 = arith.index_cast %mul3A_578 : i32 to index
      %swap3A_582 = tpu.vector_load %arg8[%swap3A_580, %swap3A_581] {strides = array<i32>} : memref<16x1024xf32, #tpu.memory_space<vmem>>, vector<16xf32>,
      tpu.vector_store %arg8[%swap3A_580, %swap3A_581], %gather3A_576 {strides = array<i32>} : memref<16x1024xf32, #tpu.memory_space<vmem>>, vector<16xf32>,
      %add3A_583 = arith.constant 10240 : i32
      %add3A_584 = vector.broadcast %add3A_583 : i32 to vector<16xi32>
      %add3A_585 = arith.addi %get3A_484, %add3A_584 : vector<16xi32>
      %gather3A_586 = tpu.vector_load_idx %arg6[%add3A_585] : memref<16384xf32, #tpu.memory_space<vmem>>[vector<16xi32>], vector<16xf32>,
      %mul3A_587 = arith.constant 16 : i32
      %mul3A_588 = arith.muli %scan3A_481, %mul3A_587 : i32
      %swap3A_589 = arith.constant 10 : i32
      %swap3A_590 = arith.index_cast %swap3A_589 : i32 to index
      %swap3A_591 = arith.index_cast %mul3A_588 : i32 to index
      %swap3A_592 = tpu.vector_load %arg8[%swap3A_590, %swap3A_591] {strides = array<i32>} : memref<16x1024xf32, #tpu.memory_space<vmem>>, vector<16xf32>,
      tpu.vector_store %arg8[%swap3A_590, %swap3A_591], %gather3A_586 {strides = array<i32>} : memref<16x1024xf32, #tpu.memory_space<vmem>>, vector<16xf32>,
      %add3A_593 = arith.constant 11264 : i32
      %add3A_594 = vector.broadcast %add3A_593 : i32 to vector<16xi32>
      %add3A_595 = arith.addi %get3A_484, %add3A_594 : vector<16xi32>
      %gather3A_596 = tpu.vector_load_idx %arg6[%add3A_595] : memref<16384xf32, #tpu.memory_space<vmem>>[vector<16xi32>], vector<16xf32>,
      %mul3A_597 = arith.constant 16 : i32
      %mul3A_598 = arith.muli %scan3A_481, %mul3A_597 : i32
      %swap3A_599 = arith.constant 11 : i32
      %swap3A_600 = arith.index_cast %swap3A_599 : i32 to index
      %swap3A_601 = arith.index_cast %mul3A_598 : i32 to index
      %swap3A_602 = tpu.vector_load %arg8[%swap3A_600, %swap3A_601] {strides = array<i32>} : memref<16x1024xf32, #tpu.memory_space<vmem>>, vector<16xf32>,
      tpu.vector_store %arg8[%swap3A_600, %swap3A_601], %gather3A_596 {strides = array<i32>} : memref<16x1024xf32, #tpu.memory_space<vmem>>, vector<16xf32>,
      %add3A_603 = arith.constant 12288 : i32
      %add3A_604 = vector.broadcast %add3A_603 : i32 to vector<16xi32>
      %add3A_605 = arith.addi %get3A_484, %add3A_604 : vector<16xi32>
      %gather3A_606 = tpu.vector_load_idx %arg6[%add3A_605] : memref<16384xf32, #tpu.memory_space<vmem>>[vector<16xi32>], vector<16xf32>,
      %mul3A_607 = arith.constant 16 : i32
      %mul3A_608 = arith.muli %scan3A_481, %mul3A_607 : i32
      %swap3A_609 = arith.constant 12 : i32
      %swap3A_610 = arith.index_cast %swap3A_609 : i32 to index
      %swap3A_611 = arith.index_cast %mul3A_608 : i32 to index
      %swap3A_612 = tpu.vector_load %arg8[%swap3A_610, %swap3A_611] {strides = array<i32>} : memref<16x1024xf32, #tpu.memory_space<vmem>>, vector<16xf32>,
      tpu.vector_store %arg8[%swap3A_610, %swap3A_611], %gather3A_606 {strides = array<i32>} : memref<16x1024xf32, #tpu.memory_space<vmem>>, vector<16xf32>,
      %add3A_613 = arith.constant 13312 : i32
      %add3A_614 = vector.broadcast %add3A_613 : i32 to vector<16xi32>
      %add3A_615 = arith.addi %get3A_484, %add3A_614 : vector<16xi32>
      %gather3A_616 = tpu.vector_load_idx %arg6[%add3A_615] : memref<16384xf32, #tpu.memory_space<vmem>>[vector<16xi32>], vector<16xf32>,
      %mul3A_617 = arith.constant 16 : i32
      %mul3A_618 = arith.muli %scan3A_481, %mul3A_617 : i32
      %swap3A_619 = arith.constant 13 : i32
      %swap3A_620 = arith.index_cast %swap3A_619 : i32 to index
      %swap3A_621 = arith.index_cast %mul3A_618 : i32 to index
      %swap3A_622 = tpu.vector_load %arg8[%swap3A_620, %swap3A_621] {strides = array<i32>} : memref<16x1024xf32, #tpu.memory_space<vmem>>, vector<16xf32>,
      tpu.vector_store %arg8[%swap3A_620, %swap3A_621], %gather3A_616 {strides = array<i32>} : memref<16x1024xf32, #tpu.memory_space<vmem>>, vector<16xf32>,
      %add3A_623 = arith.constant 14336 : i32
      %add3A_624 = vector.broadcast %add3A_623 : i32 to vector<16xi32>
      %add3A_625 = arith.addi %get3A_484, %add3A_624 : vector<16xi32>
      %gather3A_626 = tpu.vector_load_idx %arg6[%add3A_625] : memref<16384xf32, #tpu.memory_space<vmem>>[vector<16xi32>], vector<16xf32>,
      %mul3A_627 = arith.constant 16 : i32
      %mul3A_628 = arith.muli %scan3A_481, %mul3A_627 : i32
      %swap3A_629 = arith.constant 14 : i32
      %swap3A_630 = arith.index_cast %swap3A_629 : i32 to index
      %swap3A_631 = arith.index_cast %mul3A_628 : i32 to index
      %swap3A_632 = tpu.vector_load %arg8[%swap3A_630, %swap3A_631] {strides = array<i32>} : memref<16x1024xf32, #tpu.memory_space<vmem>>, vector<16xf32>,
      tpu.vector_store %arg8[%swap3A_630, %swap3A_631], %gather3A_626 {strides = array<i32>} : memref<16x1024xf32, #tpu.memory_space<vmem>>, vector<16xf32>,
      %add3A_633 = arith.constant 15360 : i32
      %add3A_634 = vector.broadcast %add3A_633 : i32 to vector<16xi32>
      %add3A_635 = arith.addi %get3A_484, %add3A_634 : vector<16xi32>
      %gather3A_636 = tpu.vector_load_idx %arg6[%add3A_635] : memref<16384xf32, #tpu.memory_space<vmem>>[vector<16xi32>], vector<16xf32>,
      %mul3A_637 = arith.constant 16 : i32
      %mul3A_638 = arith.muli %scan3A_481, %mul3A_637 : i32
      %swap3A_639 = arith.constant 15 : i32
      %swap3A_640 = arith.index_cast %swap3A_639 : i32 to index
      %swap3A_641 = arith.index_cast %mul3A_638 : i32 to index
      %swap3A_642 = tpu.vector_load %arg8[%swap3A_640, %swap3A_641] {strides = array<i32>} : memref<16x1024xf32, #tpu.memory_space<vmem>>, vector<16xf32>,
      tpu.vector_store %arg8[%swap3A_640, %swap3A_641], %gather3A_636 {strides = array<i32>} : memref<16x1024xf32, #tpu.memory_space<vmem>>, vector<16xf32>,
    }
    %scan3A_380 = arith.constant 64 : i32
    %mul3A_381 = arith.constant 1024 : i32
    %mul3A_382 = arith.muli %select_n3A_30, %mul3A_381 : i32
    %dma_start3A_383 = arith.constant 192 : i32
    %dma_start3A_384 = tpu.memref_slice %arg4[%select_n3A, %dma_start3A_383, %mul3A_382] : memref<8x256x4096xf32, #tpu.memory_space<hbm>> -> memref<1x16x1024xf32, #tpu.memory_space<hbm>>
    %dma_start3A_385 = tpu.memref_squeeze %dma_start3A_384 : memref<1x16x1024xf32, #tpu.memory_space<hbm>> -> memref<16x1024xf32, #tpu.memory_space<hbm>>
    %dma_start3A_386 = arith.constant 192 : i32
    %dma_start3A_387 = tpu.memref_slice %arg4[%select_n3A, %dma_start3A_386, %mul3A_382] : memref<8x256x4096xf32, #tpu.memory_space<hbm>> -> memref<1x16x1024xf32, #tpu.memory_space<hbm>>
    %dma_start3A_388 = tpu.memref_squeeze %dma_start3A_387 : memref<1x16x1024xf32, #tpu.memory_space<hbm>> -> memref<16x1024xf32, #tpu.memory_space<hbm>>
    tpu.enqueue_dma source(%arg8 : memref<16x1024xf32, #tpu.memory_space<vmem>>) target(%dma_start3A_388 : memref<16x1024xf32, #tpu.memory_space<hbm>>) target_semaphore(%arg12 : memref<!tpu.dma_semaphore, #tpu.memory_space<semaphore_mem>>)
    %dma_start3A_389 = arith.constant 229376 : i32
    %dma_start3A_390 = tpu.memref_slice %arg2[%dma_start3A_389] : memref<262144xf32, #tpu.memory_space<hbm>> -> memref<16384xf32, #tpu.memory_space<hbm>>
    %dma_start3A_391 = arith.constant 229376 : i32
    %dma_start3A_392 = tpu.memref_slice %arg2[%dma_start3A_391] : memref<262144xf32, #tpu.memory_space<hbm>> -> memref<16384xf32, #tpu.memory_space<hbm>>
    tpu.enqueue_dma source(%dma_start3A_392 : memref<16384xf32, #tpu.memory_space<hbm>>) target(%arg6 : memref<16384xf32, #tpu.memory_space<vmem>>) target_semaphore(%arg10 : memref<!tpu.dma_semaphore, #tpu.memory_space<semaphore_mem>>)
    %dma_wait3A_393 = arith.constant 212992 : i32
    %dma_wait3A_394 = tpu.memref_slice %arg2[%dma_wait3A_393] : memref<262144xf32, #tpu.memory_space<hbm>> -> memref<16384xf32, #tpu.memory_space<hbm>>
    %dma_wait3A_395 = arith.constant 212992 : i32
    %dma_wait3A_396 = tpu.memref_slice %arg2[%dma_wait3A_395] : memref<262144xf32, #tpu.memory_space<hbm>> -> memref<16384xf32, #tpu.memory_space<hbm>>
    tpu.wait_dma2 semaphore(%arg11 : memref<!tpu.dma_semaphore, #tpu.memory_space<semaphore_mem>>) src(%dma_wait3A_396 : memref<16384xf32, #tpu.memory_space<hbm>>) dst(%arg7 : memref<16384xf32, #tpu.memory_space<vmem>>)
    %dma_wait3A_397 = arith.constant 176 : i32
    %dma_wait3A_398 = tpu.memref_slice %arg4[%select_n3A, %dma_wait3A_397, %mul3A_354] : memref<8x256x4096xf32, #tpu.memory_space<hbm>> -> memref<1x16x1024xf32, #tpu.memory_space<hbm>>
    %dma_wait3A_399 = tpu.memref_squeeze %dma_wait3A_398 : memref<1x16x1024xf32, #tpu.memory_space<hbm>> -> memref<16x1024xf32, #tpu.memory_space<hbm>>
    %dma_wait3A_400 = arith.constant 176 : i32
    %dma_wait3A_401 = tpu.memref_slice %arg4[%select_n3A, %dma_wait3A_400, %mul3A_354] : memref<8x256x4096xf32, #tpu.memory_space<hbm>> -> memref<1x16x1024xf32, #tpu.memory_space<hbm>>
    %dma_wait3A_402 = tpu.memref_squeeze %dma_wait3A_401 : memref<1x16x1024xf32, #tpu.memory_space<hbm>> -> memref<16x1024xf32, #tpu.memory_space<hbm>>
    tpu.wait_dma2 semaphore(%arg13 : memref<!tpu.dma_semaphore, #tpu.memory_space<semaphore_mem>>) src(%arg9 : memref<16x1024xf32, #tpu.memory_space<vmem>>) dst(%dma_wait3A_402 : memref<16x1024xf32, #tpu.memory_space<hbm>>)
    %scan3A_403 = arith.constant 0 : i32
    %scan3A_404 = arith.constant 0 : i32
    %scan3A_405 = arith.constant 64 : i32
    %scan3A_406 = arith.addi %scan3A_404, %scan3A_405 : i32
    %scan3A_407 = arith.constant 1 : i32
    scf.for %scan3A_481 = %scan3A_404 to %scan3A_406 step %scan3A_407  : i32 {
      %mul3A_482 = arith.constant 16 : i32
      %mul3A_483 = arith.muli %scan3A_481, %mul3A_482 : i32
      %get3A = arith.index_cast %mul3A_483 : i32 to index
      %get3A_484 = tpu.vector_load %arg5[%get3A] {strides = array<i32>} : memref<1024xi32, #tpu.memory_space<vmem>>, vector<16xi32>,
      %add3A_485 = arith.constant 0 : i32
      %add3A_486 = vector.broadcast %add3A_485 : i32 to vector<16xi32>
      %add3A_487 = arith.addi %get3A_484, %add3A_486 : vector<16xi32>
      %gather3A = tpu.vector_load_idx %arg7[%add3A_487] : memref<16384xf32, #tpu.memory_space<vmem>>[vector<16xi32>], vector<16xf32>,
      %mul3A_488 = arith.constant 16 : i32
      %mul3A_489 = arith.muli %scan3A_481, %mul3A_488 : i32
      %swap3A = arith.constant 0 : i32
      %swap3A_490 = arith.index_cast %swap3A : i32 to index
      %swap3A_491 = arith.index_cast %mul3A_489 : i32 to index
      %swap3A_492 = tpu.vector_load %arg9[%swap3A_490, %swap3A_491] {strides = array<i32>} : memref<16x1024xf32, #tpu.memory_space<vmem>>, vector<16xf32>,
      tpu.vector_store %arg9[%swap3A_490, %swap3A_491], %gather3A {strides = array<i32>} : memref<16x1024xf32, #tpu.memory_space<vmem>>, vector<16xf32>,
      %add3A_493 = arith.constant 1024 : i32
      %add3A_494 = vector.broadcast %add3A_493 : i32 to vector<16xi32>
      %add3A_495 = arith.addi %get3A_484, %add3A_494 : vector<16xi32>
      %gather3A_496 = tpu.vector_load_idx %arg7[%add3A_495] : memref<16384xf32, #tpu.memory_space<vmem>>[vector<16xi32>], vector<16xf32>,
      %mul3A_497 = arith.constant 16 : i32
      %mul3A_498 = arith.muli %scan3A_481, %mul3A_497 : i32
      %swap3A_499 = arith.constant 1 : i32
      %swap3A_500 = arith.index_cast %swap3A_499 : i32 to index
      %swap3A_501 = arith.index_cast %mul3A_498 : i32 to index
      %swap3A_502 = tpu.vector_load %arg9[%swap3A_500, %swap3A_501] {strides = array<i32>} : memref<16x1024xf32, #tpu.memory_space<vmem>>, vector<16xf32>,
      tpu.vector_store %arg9[%swap3A_500, %swap3A_501], %gather3A_496 {strides = array<i32>} : memref<16x1024xf32, #tpu.memory_space<vmem>>, vector<16xf32>,
      %add3A_503 = arith.constant 2048 : i32
      %add3A_504 = vector.broadcast %add3A_503 : i32 to vector<16xi32>
      %add3A_505 = arith.addi %get3A_484, %add3A_504 : vector<16xi32>
      %gather3A_506 = tpu.vector_load_idx %arg7[%add3A_505] : memref<16384xf32, #tpu.memory_space<vmem>>[vector<16xi32>], vector<16xf32>,
      %mul3A_507 = arith.constant 16 : i32
      %mul3A_508 = arith.muli %scan3A_481, %mul3A_507 : i32
      %swap3A_509 = arith.constant 2 : i32
      %swap3A_510 = arith.index_cast %swap3A_509 : i32 to index
      %swap3A_511 = arith.index_cast %mul3A_508 : i32 to index
      %swap3A_512 = tpu.vector_load %arg9[%swap3A_510, %swap3A_511] {strides = array<i32>} : memref<16x1024xf32, #tpu.memory_space<vmem>>, vector<16xf32>,
      tpu.vector_store %arg9[%swap3A_510, %swap3A_511], %gather3A_506 {strides = array<i32>} : memref<16x1024xf32, #tpu.memory_space<vmem>>, vector<16xf32>,
      %add3A_513 = arith.constant 3072 : i32
      %add3A_514 = vector.broadcast %add3A_513 : i32 to vector<16xi32>
      %add3A_515 = arith.addi %get3A_484, %add3A_514 : vector<16xi32>
      %gather3A_516 = tpu.vector_load_idx %arg7[%add3A_515] : memref<16384xf32, #tpu.memory_space<vmem>>[vector<16xi32>], vector<16xf32>,
      %mul3A_517 = arith.constant 16 : i32
      %mul3A_518 = arith.muli %scan3A_481, %mul3A_517 : i32
      %swap3A_519 = arith.constant 3 : i32
      %swap3A_520 = arith.index_cast %swap3A_519 : i32 to index
      %swap3A_521 = arith.index_cast %mul3A_518 : i32 to index
      %swap3A_522 = tpu.vector_load %arg9[%swap3A_520, %swap3A_521] {strides = array<i32>} : memref<16x1024xf32, #tpu.memory_space<vmem>>, vector<16xf32>,
      tpu.vector_store %arg9[%swap3A_520, %swap3A_521], %gather3A_516 {strides = array<i32>} : memref<16x1024xf32, #tpu.memory_space<vmem>>, vector<16xf32>,
      %add3A_523 = arith.constant 4096 : i32
      %add3A_524 = vector.broadcast %add3A_523 : i32 to vector<16xi32>
      %add3A_525 = arith.addi %get3A_484, %add3A_524 : vector<16xi32>
      %gather3A_526 = tpu.vector_load_idx %arg7[%add3A_525] : memref<16384xf32, #tpu.memory_space<vmem>>[vector<16xi32>], vector<16xf32>,
      %mul3A_527 = arith.constant 16 : i32
      %mul3A_528 = arith.muli %scan3A_481, %mul3A_527 : i32
      %swap3A_529 = arith.constant 4 : i32
      %swap3A_530 = arith.index_cast %swap3A_529 : i32 to index
      %swap3A_531 = arith.index_cast %mul3A_528 : i32 to index
      %swap3A_532 = tpu.vector_load %arg9[%swap3A_530, %swap3A_531] {strides = array<i32>} : memref<16x1024xf32, #tpu.memory_space<vmem>>, vector<16xf32>,
      tpu.vector_store %arg9[%swap3A_530, %swap3A_531], %gather3A_526 {strides = array<i32>} : memref<16x1024xf32, #tpu.memory_space<vmem>>, vector<16xf32>,
      %add3A_533 = arith.constant 5120 : i32
      %add3A_534 = vector.broadcast %add3A_533 : i32 to vector<16xi32>
      %add3A_535 = arith.addi %get3A_484, %add3A_534 : vector<16xi32>
      %gather3A_536 = tpu.vector_load_idx %arg7[%add3A_535] : memref<16384xf32, #tpu.memory_space<vmem>>[vector<16xi32>], vector<16xf32>,
      %mul3A_537 = arith.constant 16 : i32
      %mul3A_538 = arith.muli %scan3A_481, %mul3A_537 : i32
      %swap3A_539 = arith.constant 5 : i32
      %swap3A_540 = arith.index_cast %swap3A_539 : i32 to index
      %swap3A_541 = arith.index_cast %mul3A_538 : i32 to index
      %swap3A_542 = tpu.vector_load %arg9[%swap3A_540, %swap3A_541] {strides = array<i32>} : memref<16x1024xf32, #tpu.memory_space<vmem>>, vector<16xf32>,
      tpu.vector_store %arg9[%swap3A_540, %swap3A_541], %gather3A_536 {strides = array<i32>} : memref<16x1024xf32, #tpu.memory_space<vmem>>, vector<16xf32>,
      %add3A_543 = arith.constant 6144 : i32
      %add3A_544 = vector.broadcast %add3A_543 : i32 to vector<16xi32>
      %add3A_545 = arith.addi %get3A_484, %add3A_544 : vector<16xi32>
      %gather3A_546 = tpu.vector_load_idx %arg7[%add3A_545] : memref<16384xf32, #tpu.memory_space<vmem>>[vector<16xi32>], vector<16xf32>,
      %mul3A_547 = arith.constant 16 : i32
      %mul3A_548 = arith.muli %scan3A_481, %mul3A_547 : i32
      %swap3A_549 = arith.constant 6 : i32
      %swap3A_550 = arith.index_cast %swap3A_549 : i32 to index
      %swap3A_551 = arith.index_cast %mul3A_548 : i32 to index
      %swap3A_552 = tpu.vector_load %arg9[%swap3A_550, %swap3A_551] {strides = array<i32>} : memref<16x1024xf32, #tpu.memory_space<vmem>>, vector<16xf32>,
      tpu.vector_store %arg9[%swap3A_550, %swap3A_551], %gather3A_546 {strides = array<i32>} : memref<16x1024xf32, #tpu.memory_space<vmem>>, vector<16xf32>,
      %add3A_553 = arith.constant 7168 : i32
      %add3A_554 = vector.broadcast %add3A_553 : i32 to vector<16xi32>
      %add3A_555 = arith.addi %get3A_484, %add3A_554 : vector<16xi32>
      %gather3A_556 = tpu.vector_load_idx %arg7[%add3A_555] : memref<16384xf32, #tpu.memory_space<vmem>>[vector<16xi32>], vector<16xf32>,
      %mul3A_557 = arith.constant 16 : i32
      %mul3A_558 = arith.muli %scan3A_481, %mul3A_557 : i32
      %swap3A_559 = arith.constant 7 : i32
      %swap3A_560 = arith.index_cast %swap3A_559 : i32 to index
      %swap3A_561 = arith.index_cast %mul3A_558 : i32 to index
      %swap3A_562 = tpu.vector_load %arg9[%swap3A_560, %swap3A_561] {strides = array<i32>} : memref<16x1024xf32, #tpu.memory_space<vmem>>, vector<16xf32>,
      tpu.vector_store %arg9[%swap3A_560, %swap3A_561], %gather3A_556 {strides = array<i32>} : memref<16x1024xf32, #tpu.memory_space<vmem>>, vector<16xf32>,
      %add3A_563 = arith.constant 8192 : i32
      %add3A_564 = vector.broadcast %add3A_563 : i32 to vector<16xi32>
      %add3A_565 = arith.addi %get3A_484, %add3A_564 : vector<16xi32>
      %gather3A_566 = tpu.vector_load_idx %arg7[%add3A_565] : memref<16384xf32, #tpu.memory_space<vmem>>[vector<16xi32>], vector<16xf32>,
      %mul3A_567 = arith.constant 16 : i32
      %mul3A_568 = arith.muli %scan3A_481, %mul3A_567 : i32
      %swap3A_569 = arith.constant 8 : i32
      %swap3A_570 = arith.index_cast %swap3A_569 : i32 to index
      %swap3A_571 = arith.index_cast %mul3A_568 : i32 to index
      %swap3A_572 = tpu.vector_load %arg9[%swap3A_570, %swap3A_571] {strides = array<i32>} : memref<16x1024xf32, #tpu.memory_space<vmem>>, vector<16xf32>,
      tpu.vector_store %arg9[%swap3A_570, %swap3A_571], %gather3A_566 {strides = array<i32>} : memref<16x1024xf32, #tpu.memory_space<vmem>>, vector<16xf32>,
      %add3A_573 = arith.constant 9216 : i32
      %add3A_574 = vector.broadcast %add3A_573 : i32 to vector<16xi32>
      %add3A_575 = arith.addi %get3A_484, %add3A_574 : vector<16xi32>
      %gather3A_576 = tpu.vector_load_idx %arg7[%add3A_575] : memref<16384xf32, #tpu.memory_space<vmem>>[vector<16xi32>], vector<16xf32>,
      %mul3A_577 = arith.constant 16 : i32
      %mul3A_578 = arith.muli %scan3A_481, %mul3A_577 : i32
      %swap3A_579 = arith.constant 9 : i32
      %swap3A_580 = arith.index_cast %swap3A_579 : i32 to index
      %swap3A_581 = arith.index_cast %mul3A_578 : i32 to index
      %swap3A_582 = tpu.vector_load %arg9[%swap3A_580, %swap3A_581] {strides = array<i32>} : memref<16x1024xf32, #tpu.memory_space<vmem>>, vector<16xf32>,
      tpu.vector_store %arg9[%swap3A_580, %swap3A_581], %gather3A_576 {strides = array<i32>} : memref<16x1024xf32, #tpu.memory_space<vmem>>, vector<16xf32>,
      %add3A_583 = arith.constant 10240 : i32
      %add3A_584 = vector.broadcast %add3A_583 : i32 to vector<16xi32>
      %add3A_585 = arith.addi %get3A_484, %add3A_584 : vector<16xi32>
      %gather3A_586 = tpu.vector_load_idx %arg7[%add3A_585] : memref<16384xf32, #tpu.memory_space<vmem>>[vector<16xi32>], vector<16xf32>,
      %mul3A_587 = arith.constant 16 : i32
      %mul3A_588 = arith.muli %scan3A_481, %mul3A_587 : i32
      %swap3A_589 = arith.constant 10 : i32
      %swap3A_590 = arith.index_cast %swap3A_589 : i32 to index
      %swap3A_591 = arith.index_cast %mul3A_588 : i32 to index
      %swap3A_592 = tpu.vector_load %arg9[%swap3A_590, %swap3A_591] {strides = array<i32>} : memref<16x1024xf32, #tpu.memory_space<vmem>>, vector<16xf32>,
      tpu.vector_store %arg9[%swap3A_590, %swap3A_591], %gather3A_586 {strides = array<i32>} : memref<16x1024xf32, #tpu.memory_space<vmem>>, vector<16xf32>,
      %add3A_593 = arith.constant 11264 : i32
      %add3A_594 = vector.broadcast %add3A_593 : i32 to vector<16xi32>
      %add3A_595 = arith.addi %get3A_484, %add3A_594 : vector<16xi32>
      %gather3A_596 = tpu.vector_load_idx %arg7[%add3A_595] : memref<16384xf32, #tpu.memory_space<vmem>>[vector<16xi32>], vector<16xf32>,
      %mul3A_597 = arith.constant 16 : i32
      %mul3A_598 = arith.muli %scan3A_481, %mul3A_597 : i32
      %swap3A_599 = arith.constant 11 : i32
      %swap3A_600 = arith.index_cast %swap3A_599 : i32 to index
      %swap3A_601 = arith.index_cast %mul3A_598 : i32 to index
      %swap3A_602 = tpu.vector_load %arg9[%swap3A_600, %swap3A_601] {strides = array<i32>} : memref<16x1024xf32, #tpu.memory_space<vmem>>, vector<16xf32>,
      tpu.vector_store %arg9[%swap3A_600, %swap3A_601], %gather3A_596 {strides = array<i32>} : memref<16x1024xf32, #tpu.memory_space<vmem>>, vector<16xf32>,
      %add3A_603 = arith.constant 12288 : i32
      %add3A_604 = vector.broadcast %add3A_603 : i32 to vector<16xi32>
      %add3A_605 = arith.addi %get3A_484, %add3A_604 : vector<16xi32>
      %gather3A_606 = tpu.vector_load_idx %arg7[%add3A_605] : memref<16384xf32, #tpu.memory_space<vmem>>[vector<16xi32>], vector<16xf32>,
      %mul3A_607 = arith.constant 16 : i32
      %mul3A_608 = arith.muli %scan3A_481, %mul3A_607 : i32
      %swap3A_609 = arith.constant 12 : i32
      %swap3A_610 = arith.index_cast %swap3A_609 : i32 to index
      %swap3A_611 = arith.index_cast %mul3A_608 : i32 to index
      %swap3A_612 = tpu.vector_load %arg9[%swap3A_610, %swap3A_611] {strides = array<i32>} : memref<16x1024xf32, #tpu.memory_space<vmem>>, vector<16xf32>,
      tpu.vector_store %arg9[%swap3A_610, %swap3A_611], %gather3A_606 {strides = array<i32>} : memref<16x1024xf32, #tpu.memory_space<vmem>>, vector<16xf32>,
      %add3A_613 = arith.constant 13312 : i32
      %add3A_614 = vector.broadcast %add3A_613 : i32 to vector<16xi32>
      %add3A_615 = arith.addi %get3A_484, %add3A_614 : vector<16xi32>
      %gather3A_616 = tpu.vector_load_idx %arg7[%add3A_615] : memref<16384xf32, #tpu.memory_space<vmem>>[vector<16xi32>], vector<16xf32>,
      %mul3A_617 = arith.constant 16 : i32
      %mul3A_618 = arith.muli %scan3A_481, %mul3A_617 : i32
      %swap3A_619 = arith.constant 13 : i32
      %swap3A_620 = arith.index_cast %swap3A_619 : i32 to index
      %swap3A_621 = arith.index_cast %mul3A_618 : i32 to index
      %swap3A_622 = tpu.vector_load %arg9[%swap3A_620, %swap3A_621] {strides = array<i32>} : memref<16x1024xf32, #tpu.memory_space<vmem>>, vector<16xf32>,
      tpu.vector_store %arg9[%swap3A_620, %swap3A_621], %gather3A_616 {strides = array<i32>} : memref<16x1024xf32, #tpu.memory_space<vmem>>, vector<16xf32>,
      %add3A_623 = arith.constant 14336 : i32
      %add3A_624 = vector.broadcast %add3A_623 : i32 to vector<16xi32>
      %add3A_625 = arith.addi %get3A_484, %add3A_624 : vector<16xi32>
      %gather3A_626 = tpu.vector_load_idx %arg7[%add3A_625] : memref<16384xf32, #tpu.memory_space<vmem>>[vector<16xi32>], vector<16xf32>,
      %mul3A_627 = arith.constant 16 : i32
      %mul3A_628 = arith.muli %scan3A_481, %mul3A_627 : i32
      %swap3A_629 = arith.constant 14 : i32
      %swap3A_630 = arith.index_cast %swap3A_629 : i32 to index
      %swap3A_631 = arith.index_cast %mul3A_628 : i32 to index
      %swap3A_632 = tpu.vector_load %arg9[%swap3A_630, %swap3A_631] {strides = array<i32>} : memref<16x1024xf32, #tpu.memory_space<vmem>>, vector<16xf32>,
      tpu.vector_store %arg9[%swap3A_630, %swap3A_631], %gather3A_626 {strides = array<i32>} : memref<16x1024xf32, #tpu.memory_space<vmem>>, vector<16xf32>,
      %add3A_633 = arith.constant 15360 : i32
      %add3A_634 = vector.broadcast %add3A_633 : i32 to vector<16xi32>
      %add3A_635 = arith.addi %get3A_484, %add3A_634 : vector<16xi32>
      %gather3A_636 = tpu.vector_load_idx %arg7[%add3A_635] : memref<16384xf32, #tpu.memory_space<vmem>>[vector<16xi32>], vector<16xf32>,
      %mul3A_637 = arith.constant 16 : i32
      %mul3A_638 = arith.muli %scan3A_481, %mul3A_637 : i32
      %swap3A_639 = arith.constant 15 : i32
      %swap3A_640 = arith.index_cast %swap3A_639 : i32 to index
      %swap3A_641 = arith.index_cast %mul3A_638 : i32 to index
      %swap3A_642 = tpu.vector_load %arg9[%swap3A_640, %swap3A_641] {strides = array<i32>} : memref<16x1024xf32, #tpu.memory_space<vmem>>, vector<16xf32>,
      tpu.vector_store %arg9[%swap3A_640, %swap3A_641], %gather3A_636 {strides = array<i32>} : memref<16x1024xf32, #tpu.memory_space<vmem>>, vector<16xf32>,
    }
    %scan3A_408 = arith.constant 64 : i32
    %mul3A_409 = arith.constant 1024 : i32
    %mul3A_410 = arith.muli %select_n3A_30, %mul3A_409 : i32
    %dma_start3A_411 = arith.constant 208 : i32
    %dma_start3A_412 = tpu.memref_slice %arg4[%select_n3A, %dma_start3A_411, %mul3A_410] : memref<8x256x4096xf32, #tpu.memory_space<hbm>> -> memref<1x16x1024xf32, #tpu.memory_space<hbm>>
    %dma_start3A_413 = tpu.memref_squeeze %dma_start3A_412 : memref<1x16x1024xf32, #tpu.memory_space<hbm>> -> memref<16x1024xf32, #tpu.memory_space<hbm>>
    %dma_start3A_414 = arith.constant 208 : i32
    %dma_start3A_415 = tpu.memref_slice %arg4[%select_n3A, %dma_start3A_414, %mul3A_410] : memref<8x256x4096xf32, #tpu.memory_space<hbm>> -> memref<1x16x1024xf32, #tpu.memory_space<hbm>>
    %dma_start3A_416 = tpu.memref_squeeze %dma_start3A_415 : memref<1x16x1024xf32, #tpu.memory_space<hbm>> -> memref<16x1024xf32, #tpu.memory_space<hbm>>
    tpu.enqueue_dma source(%arg9 : memref<16x1024xf32, #tpu.memory_space<vmem>>) target(%dma_start3A_416 : memref<16x1024xf32, #tpu.memory_space<hbm>>) target_semaphore(%arg13 : memref<!tpu.dma_semaphore, #tpu.memory_space<semaphore_mem>>)
    %dma_start3A_417 = arith.constant 245760 : i32
    %dma_start3A_418 = tpu.memref_slice %arg2[%dma_start3A_417] : memref<262144xf32, #tpu.memory_space<hbm>> -> memref<16384xf32, #tpu.memory_space<hbm>>
    %dma_start3A_419 = arith.constant 245760 : i32
    %dma_start3A_420 = tpu.memref_slice %arg2[%dma_start3A_419] : memref<262144xf32, #tpu.memory_space<hbm>> -> memref<16384xf32, #tpu.memory_space<hbm>>
    tpu.enqueue_dma source(%dma_start3A_420 : memref<16384xf32, #tpu.memory_space<hbm>>) target(%arg7 : memref<16384xf32, #tpu.memory_space<vmem>>) target_semaphore(%arg11 : memref<!tpu.dma_semaphore, #tpu.memory_space<semaphore_mem>>)
    %dma_wait3A_421 = arith.constant 229376 : i32
    %dma_wait3A_422 = tpu.memref_slice %arg2[%dma_wait3A_421] : memref<262144xf32, #tpu.memory_space<hbm>> -> memref<16384xf32, #tpu.memory_space<hbm>>
    %dma_wait3A_423 = arith.constant 229376 : i32
    %dma_wait3A_424 = tpu.memref_slice %arg2[%dma_wait3A_423] : memref<262144xf32, #tpu.memory_space<hbm>> -> memref<16384xf32, #tpu.memory_space<hbm>>
    tpu.wait_dma2 semaphore(%arg10 : memref<!tpu.dma_semaphore, #tpu.memory_space<semaphore_mem>>) src(%dma_wait3A_424 : memref<16384xf32, #tpu.memory_space<hbm>>) dst(%arg6 : memref<16384xf32, #tpu.memory_space<vmem>>)
    %dma_wait3A_425 = arith.constant 192 : i32
    %dma_wait3A_426 = tpu.memref_slice %arg4[%select_n3A, %dma_wait3A_425, %mul3A_382] : memref<8x256x4096xf32, #tpu.memory_space<hbm>> -> memref<1x16x1024xf32, #tpu.memory_space<hbm>>
    %dma_wait3A_427 = tpu.memref_squeeze %dma_wait3A_426 : memref<1x16x1024xf32, #tpu.memory_space<hbm>> -> memref<16x1024xf32, #tpu.memory_space<hbm>>
    %dma_wait3A_428 = arith.constant 192 : i32
    %dma_wait3A_429 = tpu.memref_slice %arg4[%select_n3A, %dma_wait3A_428, %mul3A_382] : memref<8x256x4096xf32, #tpu.memory_space<hbm>> -> memref<1x16x1024xf32, #tpu.memory_space<hbm>>
    %dma_wait3A_430 = tpu.memref_squeeze %dma_wait3A_429 : memref<1x16x1024xf32, #tpu.memory_space<hbm>> -> memref<16x1024xf32, #tpu.memory_space<hbm>>
    tpu.wait_dma2 semaphore(%arg12 : memref<!tpu.dma_semaphore, #tpu.memory_space<semaphore_mem>>) src(%arg8 : memref<16x1024xf32, #tpu.memory_space<vmem>>) dst(%dma_wait3A_430 : memref<16x1024xf32, #tpu.memory_space<hbm>>)
    %scan3A_431 = arith.constant 0 : i32
    %scan3A_432 = arith.constant 0 : i32
    %scan3A_433 = arith.constant 64 : i32
    %scan3A_434 = arith.addi %scan3A_432, %scan3A_433 : i32
    %scan3A_435 = arith.constant 1 : i32
    scf.for %scan3A_481 = %scan3A_432 to %scan3A_434 step %scan3A_435  : i32 {
      %mul3A_482 = arith.constant 16 : i32
      %mul3A_483 = arith.muli %scan3A_481, %mul3A_482 : i32
      %get3A = arith.index_cast %mul3A_483 : i32 to index
      %get3A_484 = tpu.vector_load %arg5[%get3A] {strides = array<i32>} : memref<1024xi32, #tpu.memory_space<vmem>>, vector<16xi32>,
      %add3A_485 = arith.constant 0 : i32
      %add3A_486 = vector.broadcast %add3A_485 : i32 to vector<16xi32>
      %add3A_487 = arith.addi %get3A_484, %add3A_486 : vector<16xi32>
      %gather3A = tpu.vector_load_idx %arg6[%add3A_487] : memref<16384xf32, #tpu.memory_space<vmem>>[vector<16xi32>], vector<16xf32>,
      %mul3A_488 = arith.constant 16 : i32
      %mul3A_489 = arith.muli %scan3A_481, %mul3A_488 : i32
      %swap3A = arith.constant 0 : i32
      %swap3A_490 = arith.index_cast %swap3A : i32 to index
      %swap3A_491 = arith.index_cast %mul3A_489 : i32 to index
      %swap3A_492 = tpu.vector_load %arg8[%swap3A_490, %swap3A_491] {strides = array<i32>} : memref<16x1024xf32, #tpu.memory_space<vmem>>, vector<16xf32>,
      tpu.vector_store %arg8[%swap3A_490, %swap3A_491], %gather3A {strides = array<i32>} : memref<16x1024xf32, #tpu.memory_space<vmem>>, vector<16xf32>,
      %add3A_493 = arith.constant 1024 : i32
      %add3A_494 = vector.broadcast %add3A_493 : i32 to vector<16xi32>
      %add3A_495 = arith.addi %get3A_484, %add3A_494 : vector<16xi32>
      %gather3A_496 = tpu.vector_load_idx %arg6[%add3A_495] : memref<16384xf32, #tpu.memory_space<vmem>>[vector<16xi32>], vector<16xf32>,
      %mul3A_497 = arith.constant 16 : i32
      %mul3A_498 = arith.muli %scan3A_481, %mul3A_497 : i32
      %swap3A_499 = arith.constant 1 : i32
      %swap3A_500 = arith.index_cast %swap3A_499 : i32 to index
      %swap3A_501 = arith.index_cast %mul3A_498 : i32 to index
      %swap3A_502 = tpu.vector_load %arg8[%swap3A_500, %swap3A_501] {strides = array<i32>} : memref<16x1024xf32, #tpu.memory_space<vmem>>, vector<16xf32>,
      tpu.vector_store %arg8[%swap3A_500, %swap3A_501], %gather3A_496 {strides = array<i32>} : memref<16x1024xf32, #tpu.memory_space<vmem>>, vector<16xf32>,
      %add3A_503 = arith.constant 2048 : i32
      %add3A_504 = vector.broadcast %add3A_503 : i32 to vector<16xi32>
      %add3A_505 = arith.addi %get3A_484, %add3A_504 : vector<16xi32>
      %gather3A_506 = tpu.vector_load_idx %arg6[%add3A_505] : memref<16384xf32, #tpu.memory_space<vmem>>[vector<16xi32>], vector<16xf32>,
      %mul3A_507 = arith.constant 16 : i32
      %mul3A_508 = arith.muli %scan3A_481, %mul3A_507 : i32
      %swap3A_509 = arith.constant 2 : i32
      %swap3A_510 = arith.index_cast %swap3A_509 : i32 to index
      %swap3A_511 = arith.index_cast %mul3A_508 : i32 to index
      %swap3A_512 = tpu.vector_load %arg8[%swap3A_510, %swap3A_511] {strides = array<i32>} : memref<16x1024xf32, #tpu.memory_space<vmem>>, vector<16xf32>,
      tpu.vector_store %arg8[%swap3A_510, %swap3A_511], %gather3A_506 {strides = array<i32>} : memref<16x1024xf32, #tpu.memory_space<vmem>>, vector<16xf32>,
      %add3A_513 = arith.constant 3072 : i32
      %add3A_514 = vector.broadcast %add3A_513 : i32 to vector<16xi32>
      %add3A_515 = arith.addi %get3A_484, %add3A_514 : vector<16xi32>
      %gather3A_516 = tpu.vector_load_idx %arg6[%add3A_515] : memref<16384xf32, #tpu.memory_space<vmem>>[vector<16xi32>], vector<16xf32>,
      %mul3A_517 = arith.constant 16 : i32
      %mul3A_518 = arith.muli %scan3A_481, %mul3A_517 : i32
      %swap3A_519 = arith.constant 3 : i32
      %swap3A_520 = arith.index_cast %swap3A_519 : i32 to index
      %swap3A_521 = arith.index_cast %mul3A_518 : i32 to index
      %swap3A_522 = tpu.vector_load %arg8[%swap3A_520, %swap3A_521] {strides = array<i32>} : memref<16x1024xf32, #tpu.memory_space<vmem>>, vector<16xf32>,
      tpu.vector_store %arg8[%swap3A_520, %swap3A_521], %gather3A_516 {strides = array<i32>} : memref<16x1024xf32, #tpu.memory_space<vmem>>, vector<16xf32>,
      %add3A_523 = arith.constant 4096 : i32
      %add3A_524 = vector.broadcast %add3A_523 : i32 to vector<16xi32>
      %add3A_525 = arith.addi %get3A_484, %add3A_524 : vector<16xi32>
      %gather3A_526 = tpu.vector_load_idx %arg6[%add3A_525] : memref<16384xf32, #tpu.memory_space<vmem>>[vector<16xi32>], vector<16xf32>,
      %mul3A_527 = arith.constant 16 : i32
      %mul3A_528 = arith.muli %scan3A_481, %mul3A_527 : i32
      %swap3A_529 = arith.constant 4 : i32
      %swap3A_530 = arith.index_cast %swap3A_529 : i32 to index
      %swap3A_531 = arith.index_cast %mul3A_528 : i32 to index
      %swap3A_532 = tpu.vector_load %arg8[%swap3A_530, %swap3A_531] {strides = array<i32>} : memref<16x1024xf32, #tpu.memory_space<vmem>>, vector<16xf32>,
      tpu.vector_store %arg8[%swap3A_530, %swap3A_531], %gather3A_526 {strides = array<i32>} : memref<16x1024xf32, #tpu.memory_space<vmem>>, vector<16xf32>,
      %add3A_533 = arith.constant 5120 : i32
      %add3A_534 = vector.broadcast %add3A_533 : i32 to vector<16xi32>
      %add3A_535 = arith.addi %get3A_484, %add3A_534 : vector<16xi32>
      %gather3A_536 = tpu.vector_load_idx %arg6[%add3A_535] : memref<16384xf32, #tpu.memory_space<vmem>>[vector<16xi32>], vector<16xf32>,
      %mul3A_537 = arith.constant 16 : i32
      %mul3A_538 = arith.muli %scan3A_481, %mul3A_537 : i32
      %swap3A_539 = arith.constant 5 : i32
      %swap3A_540 = arith.index_cast %swap3A_539 : i32 to index
      %swap3A_541 = arith.index_cast %mul3A_538 : i32 to index
      %swap3A_542 = tpu.vector_load %arg8[%swap3A_540, %swap3A_541] {strides = array<i32>} : memref<16x1024xf32, #tpu.memory_space<vmem>>, vector<16xf32>,
      tpu.vector_store %arg8[%swap3A_540, %swap3A_541], %gather3A_536 {strides = array<i32>} : memref<16x1024xf32, #tpu.memory_space<vmem>>, vector<16xf32>,
      %add3A_543 = arith.constant 6144 : i32
      %add3A_544 = vector.broadcast %add3A_543 : i32 to vector<16xi32>
      %add3A_545 = arith.addi %get3A_484, %add3A_544 : vector<16xi32>
      %gather3A_546 = tpu.vector_load_idx %arg6[%add3A_545] : memref<16384xf32, #tpu.memory_space<vmem>>[vector<16xi32>], vector<16xf32>,
      %mul3A_547 = arith.constant 16 : i32
      %mul3A_548 = arith.muli %scan3A_481, %mul3A_547 : i32
      %swap3A_549 = arith.constant 6 : i32
      %swap3A_550 = arith.index_cast %swap3A_549 : i32 to index
      %swap3A_551 = arith.index_cast %mul3A_548 : i32 to index
      %swap3A_552 = tpu.vector_load %arg8[%swap3A_550, %swap3A_551] {strides = array<i32>} : memref<16x1024xf32, #tpu.memory_space<vmem>>, vector<16xf32>,
      tpu.vector_store %arg8[%swap3A_550, %swap3A_551], %gather3A_546 {strides = array<i32>} : memref<16x1024xf32, #tpu.memory_space<vmem>>, vector<16xf32>,
      %add3A_553 = arith.constant 7168 : i32
      %add3A_554 = vector.broadcast %add3A_553 : i32 to vector<16xi32>
      %add3A_555 = arith.addi %get3A_484, %add3A_554 : vector<16xi32>
      %gather3A_556 = tpu.vector_load_idx %arg6[%add3A_555] : memref<16384xf32, #tpu.memory_space<vmem>>[vector<16xi32>], vector<16xf32>,
      %mul3A_557 = arith.constant 16 : i32
      %mul3A_558 = arith.muli %scan3A_481, %mul3A_557 : i32
      %swap3A_559 = arith.constant 7 : i32
      %swap3A_560 = arith.index_cast %swap3A_559 : i32 to index
      %swap3A_561 = arith.index_cast %mul3A_558 : i32 to index
      %swap3A_562 = tpu.vector_load %arg8[%swap3A_560, %swap3A_561] {strides = array<i32>} : memref<16x1024xf32, #tpu.memory_space<vmem>>, vector<16xf32>,
      tpu.vector_store %arg8[%swap3A_560, %swap3A_561], %gather3A_556 {strides = array<i32>} : memref<16x1024xf32, #tpu.memory_space<vmem>>, vector<16xf32>,
      %add3A_563 = arith.constant 8192 : i32
      %add3A_564 = vector.broadcast %add3A_563 : i32 to vector<16xi32>
      %add3A_565 = arith.addi %get3A_484, %add3A_564 : vector<16xi32>
      %gather3A_566 = tpu.vector_load_idx %arg6[%add3A_565] : memref<16384xf32, #tpu.memory_space<vmem>>[vector<16xi32>], vector<16xf32>,
      %mul3A_567 = arith.constant 16 : i32
      %mul3A_568 = arith.muli %scan3A_481, %mul3A_567 : i32
      %swap3A_569 = arith.constant 8 : i32
      %swap3A_570 = arith.index_cast %swap3A_569 : i32 to index
      %swap3A_571 = arith.index_cast %mul3A_568 : i32 to index
      %swap3A_572 = tpu.vector_load %arg8[%swap3A_570, %swap3A_571] {strides = array<i32>} : memref<16x1024xf32, #tpu.memory_space<vmem>>, vector<16xf32>,
      tpu.vector_store %arg8[%swap3A_570, %swap3A_571], %gather3A_566 {strides = array<i32>} : memref<16x1024xf32, #tpu.memory_space<vmem>>, vector<16xf32>,
      %add3A_573 = arith.constant 9216 : i32
      %add3A_574 = vector.broadcast %add3A_573 : i32 to vector<16xi32>
      %add3A_575 = arith.addi %get3A_484, %add3A_574 : vector<16xi32>
      %gather3A_576 = tpu.vector_load_idx %arg6[%add3A_575] : memref<16384xf32, #tpu.memory_space<vmem>>[vector<16xi32>], vector<16xf32>,
      %mul3A_577 = arith.constant 16 : i32
      %mul3A_578 = arith.muli %scan3A_481, %mul3A_577 : i32
      %swap3A_579 = arith.constant 9 : i32
      %swap3A_580 = arith.index_cast %swap3A_579 : i32 to index
      %swap3A_581 = arith.index_cast %mul3A_578 : i32 to index
      %swap3A_582 = tpu.vector_load %arg8[%swap3A_580, %swap3A_581] {strides = array<i32>} : memref<16x1024xf32, #tpu.memory_space<vmem>>, vector<16xf32>,
      tpu.vector_store %arg8[%swap3A_580, %swap3A_581], %gather3A_576 {strides = array<i32>} : memref<16x1024xf32, #tpu.memory_space<vmem>>, vector<16xf32>,
      %add3A_583 = arith.constant 10240 : i32
      %add3A_584 = vector.broadcast %add3A_583 : i32 to vector<16xi32>
      %add3A_585 = arith.addi %get3A_484, %add3A_584 : vector<16xi32>
      %gather3A_586 = tpu.vector_load_idx %arg6[%add3A_585] : memref<16384xf32, #tpu.memory_space<vmem>>[vector<16xi32>], vector<16xf32>,
      %mul3A_587 = arith.constant 16 : i32
      %mul3A_588 = arith.muli %scan3A_481, %mul3A_587 : i32
      %swap3A_589 = arith.constant 10 : i32
      %swap3A_590 = arith.index_cast %swap3A_589 : i32 to index
      %swap3A_591 = arith.index_cast %mul3A_588 : i32 to index
      %swap3A_592 = tpu.vector_load %arg8[%swap3A_590, %swap3A_591] {strides = array<i32>} : memref<16x1024xf32, #tpu.memory_space<vmem>>, vector<16xf32>,
      tpu.vector_store %arg8[%swap3A_590, %swap3A_591], %gather3A_586 {strides = array<i32>} : memref<16x1024xf32, #tpu.memory_space<vmem>>, vector<16xf32>,
      %add3A_593 = arith.constant 11264 : i32
      %add3A_594 = vector.broadcast %add3A_593 : i32 to vector<16xi32>
      %add3A_595 = arith.addi %get3A_484, %add3A_594 : vector<16xi32>
      %gather3A_596 = tpu.vector_load_idx %arg6[%add3A_595] : memref<16384xf32, #tpu.memory_space<vmem>>[vector<16xi32>], vector<16xf32>,
      %mul3A_597 = arith.constant 16 : i32
      %mul3A_598 = arith.muli %scan3A_481, %mul3A_597 : i32
      %swap3A_599 = arith.constant 11 : i32
      %swap3A_600 = arith.index_cast %swap3A_599 : i32 to index
      %swap3A_601 = arith.index_cast %mul3A_598 : i32 to index
      %swap3A_602 = tpu.vector_load %arg8[%swap3A_600, %swap3A_601] {strides = array<i32>} : memref<16x1024xf32, #tpu.memory_space<vmem>>, vector<16xf32>,
      tpu.vector_store %arg8[%swap3A_600, %swap3A_601], %gather3A_596 {strides = array<i32>} : memref<16x1024xf32, #tpu.memory_space<vmem>>, vector<16xf32>,
      %add3A_603 = arith.constant 12288 : i32
      %add3A_604 = vector.broadcast %add3A_603 : i32 to vector<16xi32>
      %add3A_605 = arith.addi %get3A_484, %add3A_604 : vector<16xi32>
      %gather3A_606 = tpu.vector_load_idx %arg6[%add3A_605] : memref<16384xf32, #tpu.memory_space<vmem>>[vector<16xi32>], vector<16xf32>,
      %mul3A_607 = arith.constant 16 : i32
      %mul3A_608 = arith.muli %scan3A_481, %mul3A_607 : i32
      %swap3A_609 = arith.constant 12 : i32
      %swap3A_610 = arith.index_cast %swap3A_609 : i32 to index
      %swap3A_611 = arith.index_cast %mul3A_608 : i32 to index
      %swap3A_612 = tpu.vector_load %arg8[%swap3A_610, %swap3A_611] {strides = array<i32>} : memref<16x1024xf32, #tpu.memory_space<vmem>>, vector<16xf32>,
      tpu.vector_store %arg8[%swap3A_610, %swap3A_611], %gather3A_606 {strides = array<i32>} : memref<16x1024xf32, #tpu.memory_space<vmem>>, vector<16xf32>,
      %add3A_613 = arith.constant 13312 : i32
      %add3A_614 = vector.broadcast %add3A_613 : i32 to vector<16xi32>
      %add3A_615 = arith.addi %get3A_484, %add3A_614 : vector<16xi32>
      %gather3A_616 = tpu.vector_load_idx %arg6[%add3A_615] : memref<16384xf32, #tpu.memory_space<vmem>>[vector<16xi32>], vector<16xf32>,
      %mul3A_617 = arith.constant 16 : i32
      %mul3A_618 = arith.muli %scan3A_481, %mul3A_617 : i32
      %swap3A_619 = arith.constant 13 : i32
      %swap3A_620 = arith.index_cast %swap3A_619 : i32 to index
      %swap3A_621 = arith.index_cast %mul3A_618 : i32 to index
      %swap3A_622 = tpu.vector_load %arg8[%swap3A_620, %swap3A_621] {strides = array<i32>} : memref<16x1024xf32, #tpu.memory_space<vmem>>, vector<16xf32>,
      tpu.vector_store %arg8[%swap3A_620, %swap3A_621], %gather3A_616 {strides = array<i32>} : memref<16x1024xf32, #tpu.memory_space<vmem>>, vector<16xf32>,
      %add3A_623 = arith.constant 14336 : i32
      %add3A_624 = vector.broadcast %add3A_623 : i32 to vector<16xi32>
      %add3A_625 = arith.addi %get3A_484, %add3A_624 : vector<16xi32>
      %gather3A_626 = tpu.vector_load_idx %arg6[%add3A_625] : memref<16384xf32, #tpu.memory_space<vmem>>[vector<16xi32>], vector<16xf32>,
      %mul3A_627 = arith.constant 16 : i32
      %mul3A_628 = arith.muli %scan3A_481, %mul3A_627 : i32
      %swap3A_629 = arith.constant 14 : i32
      %swap3A_630 = arith.index_cast %swap3A_629 : i32 to index
      %swap3A_631 = arith.index_cast %mul3A_628 : i32 to index
      %swap3A_632 = tpu.vector_load %arg8[%swap3A_630, %swap3A_631] {strides = array<i32>} : memref<16x1024xf32, #tpu.memory_space<vmem>>, vector<16xf32>,
      tpu.vector_store %arg8[%swap3A_630, %swap3A_631], %gather3A_626 {strides = array<i32>} : memref<16x1024xf32, #tpu.memory_space<vmem>>, vector<16xf32>,
      %add3A_633 = arith.constant 15360 : i32
      %add3A_634 = vector.broadcast %add3A_633 : i32 to vector<16xi32>
      %add3A_635 = arith.addi %get3A_484, %add3A_634 : vector<16xi32>
      %gather3A_636 = tpu.vector_load_idx %arg6[%add3A_635] : memref<16384xf32, #tpu.memory_space<vmem>>[vector<16xi32>], vector<16xf32>,
      %mul3A_637 = arith.constant 16 : i32
      %mul3A_638 = arith.muli %scan3A_481, %mul3A_637 : i32
      %swap3A_639 = arith.constant 15 : i32
      %swap3A_640 = arith.index_cast %swap3A_639 : i32 to index
      %swap3A_641 = arith.index_cast %mul3A_638 : i32 to index
      %swap3A_642 = tpu.vector_load %arg8[%swap3A_640, %swap3A_641] {strides = array<i32>} : memref<16x1024xf32, #tpu.memory_space<vmem>>, vector<16xf32>,
      tpu.vector_store %arg8[%swap3A_640, %swap3A_641], %gather3A_636 {strides = array<i32>} : memref<16x1024xf32, #tpu.memory_space<vmem>>, vector<16xf32>,
    }
    %scan3A_436 = arith.constant 64 : i32
    %mul3A_437 = arith.constant 1024 : i32
    %mul3A_438 = arith.muli %select_n3A_30, %mul3A_437 : i32
    %dma_start3A_439 = arith.constant 224 : i32
    %dma_start3A_440 = tpu.memref_slice %arg4[%select_n3A, %dma_start3A_439, %mul3A_438] : memref<8x256x4096xf32, #tpu.memory_space<hbm>> -> memref<1x16x1024xf32, #tpu.memory_space<hbm>>
    %dma_start3A_441 = tpu.memref_squeeze %dma_start3A_440 : memref<1x16x1024xf32, #tpu.memory_space<hbm>> -> memref<16x1024xf32, #tpu.memory_space<hbm>>
    %dma_start3A_442 = arith.constant 224 : i32
    %dma_start3A_443 = tpu.memref_slice %arg4[%select_n3A, %dma_start3A_442, %mul3A_438] : memref<8x256x4096xf32, #tpu.memory_space<hbm>> -> memref<1x16x1024xf32, #tpu.memory_space<hbm>>
    %dma_start3A_444 = tpu.memref_squeeze %dma_start3A_443 : memref<1x16x1024xf32, #tpu.memory_space<hbm>> -> memref<16x1024xf32, #tpu.memory_space<hbm>>
    tpu.enqueue_dma source(%arg8 : memref<16x1024xf32, #tpu.memory_space<vmem>>) target(%dma_start3A_444 : memref<16x1024xf32, #tpu.memory_space<hbm>>) target_semaphore(%arg12 : memref<!tpu.dma_semaphore, #tpu.memory_space<semaphore_mem>>)
    %dma_wait3A_445 = arith.constant 245760 : i32
    %dma_wait3A_446 = tpu.memref_slice %arg2[%dma_wait3A_445] : memref<262144xf32, #tpu.memory_space<hbm>> -> memref<16384xf32, #tpu.memory_space<hbm>>
    %dma_wait3A_447 = arith.constant 245760 : i32
    %dma_wait3A_448 = tpu.memref_slice %arg2[%dma_wait3A_447] : memref<262144xf32, #tpu.memory_space<hbm>> -> memref<16384xf32, #tpu.memory_space<hbm>>
    tpu.wait_dma2 semaphore(%arg11 : memref<!tpu.dma_semaphore, #tpu.memory_space<semaphore_mem>>) src(%dma_wait3A_448 : memref<16384xf32, #tpu.memory_space<hbm>>) dst(%arg7 : memref<16384xf32, #tpu.memory_space<vmem>>)
    %dma_wait3A_449 = arith.constant 208 : i32
    %dma_wait3A_450 = tpu.memref_slice %arg4[%select_n3A, %dma_wait3A_449, %mul3A_410] : memref<8x256x4096xf32, #tpu.memory_space<hbm>> -> memref<1x16x1024xf32, #tpu.memory_space<hbm>>
    %dma_wait3A_451 = tpu.memref_squeeze %dma_wait3A_450 : memref<1x16x1024xf32, #tpu.memory_space<hbm>> -> memref<16x1024xf32, #tpu.memory_space<hbm>>
    %dma_wait3A_452 = arith.constant 208 : i32
    %dma_wait3A_453 = tpu.memref_slice %arg4[%select_n3A, %dma_wait3A_452, %mul3A_410] : memref<8x256x4096xf32, #tpu.memory_space<hbm>> -> memref<1x16x1024xf32, #tpu.memory_space<hbm>>
    %dma_wait3A_454 = tpu.memref_squeeze %dma_wait3A_453 : memref<1x16x1024xf32, #tpu.memory_space<hbm>> -> memref<16x1024xf32, #tpu.memory_space<hbm>>
    tpu.wait_dma2 semaphore(%arg13 : memref<!tpu.dma_semaphore, #tpu.memory_space<semaphore_mem>>) src(%arg9 : memref<16x1024xf32, #tpu.memory_space<vmem>>) dst(%dma_wait3A_454 : memref<16x1024xf32, #tpu.memory_space<hbm>>)
    %scan3A_455 = arith.constant 0 : i32
    %scan3A_456 = arith.constant 0 : i32
    %scan3A_457 = arith.constant 64 : i32
    %scan3A_458 = arith.addi %scan3A_456, %scan3A_457 : i32
    %scan3A_459 = arith.constant 1 : i32
    scf.for %scan3A_481 = %scan3A_456 to %scan3A_458 step %scan3A_459  : i32 {
      %mul3A_482 = arith.constant 16 : i32
      %mul3A_483 = arith.muli %scan3A_481, %mul3A_482 : i32
      %get3A = arith.index_cast %mul3A_483 : i32 to index
      %get3A_484 = tpu.vector_load %arg5[%get3A] {strides = array<i32>} : memref<1024xi32, #tpu.memory_space<vmem>>, vector<16xi32>,
      %add3A_485 = arith.constant 0 : i32
      %add3A_486 = vector.broadcast %add3A_485 : i32 to vector<16xi32>
      %add3A_487 = arith.addi %get3A_484, %add3A_486 : vector<16xi32>
      %gather3A = tpu.vector_load_idx %arg7[%add3A_487] : memref<16384xf32, #tpu.memory_space<vmem>>[vector<16xi32>], vector<16xf32>,
      %mul3A_488 = arith.constant 16 : i32
      %mul3A_489 = arith.muli %scan3A_481, %mul3A_488 : i32
      %swap3A = arith.constant 0 : i32
      %swap3A_490 = arith.index_cast %swap3A : i32 to index
      %swap3A_491 = arith.index_cast %mul3A_489 : i32 to index
      %swap3A_492 = tpu.vector_load %arg9[%swap3A_490, %swap3A_491] {strides = array<i32>} : memref<16x1024xf32, #tpu.memory_space<vmem>>, vector<16xf32>,
      tpu.vector_store %arg9[%swap3A_490, %swap3A_491], %gather3A {strides = array<i32>} : memref<16x1024xf32, #tpu.memory_space<vmem>>, vector<16xf32>,
      %add3A_493 = arith.constant 1024 : i32
      %add3A_494 = vector.broadcast %add3A_493 : i32 to vector<16xi32>
      %add3A_495 = arith.addi %get3A_484, %add3A_494 : vector<16xi32>
      %gather3A_496 = tpu.vector_load_idx %arg7[%add3A_495] : memref<16384xf32, #tpu.memory_space<vmem>>[vector<16xi32>], vector<16xf32>,
      %mul3A_497 = arith.constant 16 : i32
      %mul3A_498 = arith.muli %scan3A_481, %mul3A_497 : i32
      %swap3A_499 = arith.constant 1 : i32
      %swap3A_500 = arith.index_cast %swap3A_499 : i32 to index
      %swap3A_501 = arith.index_cast %mul3A_498 : i32 to index
      %swap3A_502 = tpu.vector_load %arg9[%swap3A_500, %swap3A_501] {strides = array<i32>} : memref<16x1024xf32, #tpu.memory_space<vmem>>, vector<16xf32>,
      tpu.vector_store %arg9[%swap3A_500, %swap3A_501], %gather3A_496 {strides = array<i32>} : memref<16x1024xf32, #tpu.memory_space<vmem>>, vector<16xf32>,
      %add3A_503 = arith.constant 2048 : i32
      %add3A_504 = vector.broadcast %add3A_503 : i32 to vector<16xi32>
      %add3A_505 = arith.addi %get3A_484, %add3A_504 : vector<16xi32>
      %gather3A_506 = tpu.vector_load_idx %arg7[%add3A_505] : memref<16384xf32, #tpu.memory_space<vmem>>[vector<16xi32>], vector<16xf32>,
      %mul3A_507 = arith.constant 16 : i32
      %mul3A_508 = arith.muli %scan3A_481, %mul3A_507 : i32
      %swap3A_509 = arith.constant 2 : i32
      %swap3A_510 = arith.index_cast %swap3A_509 : i32 to index
      %swap3A_511 = arith.index_cast %mul3A_508 : i32 to index
      %swap3A_512 = tpu.vector_load %arg9[%swap3A_510, %swap3A_511] {strides = array<i32>} : memref<16x1024xf32, #tpu.memory_space<vmem>>, vector<16xf32>,
      tpu.vector_store %arg9[%swap3A_510, %swap3A_511], %gather3A_506 {strides = array<i32>} : memref<16x1024xf32, #tpu.memory_space<vmem>>, vector<16xf32>,
      %add3A_513 = arith.constant 3072 : i32
      %add3A_514 = vector.broadcast %add3A_513 : i32 to vector<16xi32>
      %add3A_515 = arith.addi %get3A_484, %add3A_514 : vector<16xi32>
      %gather3A_516 = tpu.vector_load_idx %arg7[%add3A_515] : memref<16384xf32, #tpu.memory_space<vmem>>[vector<16xi32>], vector<16xf32>,
      %mul3A_517 = arith.constant 16 : i32
      %mul3A_518 = arith.muli %scan3A_481, %mul3A_517 : i32
      %swap3A_519 = arith.constant 3 : i32
      %swap3A_520 = arith.index_cast %swap3A_519 : i32 to index
      %swap3A_521 = arith.index_cast %mul3A_518 : i32 to index
      %swap3A_522 = tpu.vector_load %arg9[%swap3A_520, %swap3A_521] {strides = array<i32>} : memref<16x1024xf32, #tpu.memory_space<vmem>>, vector<16xf32>,
      tpu.vector_store %arg9[%swap3A_520, %swap3A_521], %gather3A_516 {strides = array<i32>} : memref<16x1024xf32, #tpu.memory_space<vmem>>, vector<16xf32>,
      %add3A_523 = arith.constant 4096 : i32
      %add3A_524 = vector.broadcast %add3A_523 : i32 to vector<16xi32>
      %add3A_525 = arith.addi %get3A_484, %add3A_524 : vector<16xi32>
      %gather3A_526 = tpu.vector_load_idx %arg7[%add3A_525] : memref<16384xf32, #tpu.memory_space<vmem>>[vector<16xi32>], vector<16xf32>,
      %mul3A_527 = arith.constant 16 : i32
      %mul3A_528 = arith.muli %scan3A_481, %mul3A_527 : i32
      %swap3A_529 = arith.constant 4 : i32
      %swap3A_530 = arith.index_cast %swap3A_529 : i32 to index
      %swap3A_531 = arith.index_cast %mul3A_528 : i32 to index
      %swap3A_532 = tpu.vector_load %arg9[%swap3A_530, %swap3A_531] {strides = array<i32>} : memref<16x1024xf32, #tpu.memory_space<vmem>>, vector<16xf32>,
      tpu.vector_store %arg9[%swap3A_530, %swap3A_531], %gather3A_526 {strides = array<i32>} : memref<16x1024xf32, #tpu.memory_space<vmem>>, vector<16xf32>,
      %add3A_533 = arith.constant 5120 : i32
      %add3A_534 = vector.broadcast %add3A_533 : i32 to vector<16xi32>
      %add3A_535 = arith.addi %get3A_484, %add3A_534 : vector<16xi32>
      %gather3A_536 = tpu.vector_load_idx %arg7[%add3A_535] : memref<16384xf32, #tpu.memory_space<vmem>>[vector<16xi32>], vector<16xf32>,
      %mul3A_537 = arith.constant 16 : i32
      %mul3A_538 = arith.muli %scan3A_481, %mul3A_537 : i32
      %swap3A_539 = arith.constant 5 : i32
      %swap3A_540 = arith.index_cast %swap3A_539 : i32 to index
      %swap3A_541 = arith.index_cast %mul3A_538 : i32 to index
      %swap3A_542 = tpu.vector_load %arg9[%swap3A_540, %swap3A_541] {strides = array<i32>} : memref<16x1024xf32, #tpu.memory_space<vmem>>, vector<16xf32>,
      tpu.vector_store %arg9[%swap3A_540, %swap3A_541], %gather3A_536 {strides = array<i32>} : memref<16x1024xf32, #tpu.memory_space<vmem>>, vector<16xf32>,
      %add3A_543 = arith.constant 6144 : i32
      %add3A_544 = vector.broadcast %add3A_543 : i32 to vector<16xi32>
      %add3A_545 = arith.addi %get3A_484, %add3A_544 : vector<16xi32>
      %gather3A_546 = tpu.vector_load_idx %arg7[%add3A_545] : memref<16384xf32, #tpu.memory_space<vmem>>[vector<16xi32>], vector<16xf32>,
      %mul3A_547 = arith.constant 16 : i32
      %mul3A_548 = arith.muli %scan3A_481, %mul3A_547 : i32
      %swap3A_549 = arith.constant 6 : i32
      %swap3A_550 = arith.index_cast %swap3A_549 : i32 to index
      %swap3A_551 = arith.index_cast %mul3A_548 : i32 to index
      %swap3A_552 = tpu.vector_load %arg9[%swap3A_550, %swap3A_551] {strides = array<i32>} : memref<16x1024xf32, #tpu.memory_space<vmem>>, vector<16xf32>,
      tpu.vector_store %arg9[%swap3A_550, %swap3A_551], %gather3A_546 {strides = array<i32>} : memref<16x1024xf32, #tpu.memory_space<vmem>>, vector<16xf32>,
      %add3A_553 = arith.constant 7168 : i32
      %add3A_554 = vector.broadcast %add3A_553 : i32 to vector<16xi32>
      %add3A_555 = arith.addi %get3A_484, %add3A_554 : vector<16xi32>
      %gather3A_556 = tpu.vector_load_idx %arg7[%add3A_555] : memref<16384xf32, #tpu.memory_space<vmem>>[vector<16xi32>], vector<16xf32>,
      %mul3A_557 = arith.constant 16 : i32
      %mul3A_558 = arith.muli %scan3A_481, %mul3A_557 : i32
      %swap3A_559 = arith.constant 7 : i32
      %swap3A_560 = arith.index_cast %swap3A_559 : i32 to index
      %swap3A_561 = arith.index_cast %mul3A_558 : i32 to index
      %swap3A_562 = tpu.vector_load %arg9[%swap3A_560, %swap3A_561] {strides = array<i32>} : memref<16x1024xf32, #tpu.memory_space<vmem>>, vector<16xf32>,
      tpu.vector_store %arg9[%swap3A_560, %swap3A_561], %gather3A_556 {strides = array<i32>} : memref<16x1024xf32, #tpu.memory_space<vmem>>, vector<16xf32>,
      %add3A_563 = arith.constant 8192 : i32
      %add3A_564 = vector.broadcast %add3A_563 : i32 to vector<16xi32>
      %add3A_565 = arith.addi %get3A_484, %add3A_564 : vector<16xi32>
      %gather3A_566 = tpu.vector_load_idx %arg7[%add3A_565] : memref<16384xf32, #tpu.memory_space<vmem>>[vector<16xi32>], vector<16xf32>,
      %mul3A_567 = arith.constant 16 : i32
      %mul3A_568 = arith.muli %scan3A_481, %mul3A_567 : i32
      %swap3A_569 = arith.constant 8 : i32
      %swap3A_570 = arith.index_cast %swap3A_569 : i32 to index
      %swap3A_571 = arith.index_cast %mul3A_568 : i32 to index
      %swap3A_572 = tpu.vector_load %arg9[%swap3A_570, %swap3A_571] {strides = array<i32>} : memref<16x1024xf32, #tpu.memory_space<vmem>>, vector<16xf32>,
      tpu.vector_store %arg9[%swap3A_570, %swap3A_571], %gather3A_566 {strides = array<i32>} : memref<16x1024xf32, #tpu.memory_space<vmem>>, vector<16xf32>,
      %add3A_573 = arith.constant 9216 : i32
      %add3A_574 = vector.broadcast %add3A_573 : i32 to vector<16xi32>
      %add3A_575 = arith.addi %get3A_484, %add3A_574 : vector<16xi32>
      %gather3A_576 = tpu.vector_load_idx %arg7[%add3A_575] : memref<16384xf32, #tpu.memory_space<vmem>>[vector<16xi32>], vector<16xf32>,
      %mul3A_577 = arith.constant 16 : i32
      %mul3A_578 = arith.muli %scan3A_481, %mul3A_577 : i32
      %swap3A_579 = arith.constant 9 : i32
      %swap3A_580 = arith.index_cast %swap3A_579 : i32 to index
      %swap3A_581 = arith.index_cast %mul3A_578 : i32 to index
      %swap3A_582 = tpu.vector_load %arg9[%swap3A_580, %swap3A_581] {strides = array<i32>} : memref<16x1024xf32, #tpu.memory_space<vmem>>, vector<16xf32>,
      tpu.vector_store %arg9[%swap3A_580, %swap3A_581], %gather3A_576 {strides = array<i32>} : memref<16x1024xf32, #tpu.memory_space<vmem>>, vector<16xf32>,
      %add3A_583 = arith.constant 10240 : i32
      %add3A_584 = vector.broadcast %add3A_583 : i32 to vector<16xi32>
      %add3A_585 = arith.addi %get3A_484, %add3A_584 : vector<16xi32>
      %gather3A_586 = tpu.vector_load_idx %arg7[%add3A_585] : memref<16384xf32, #tpu.memory_space<vmem>>[vector<16xi32>], vector<16xf32>,
      %mul3A_587 = arith.constant 16 : i32
      %mul3A_588 = arith.muli %scan3A_481, %mul3A_587 : i32
      %swap3A_589 = arith.constant 10 : i32
      %swap3A_590 = arith.index_cast %swap3A_589 : i32 to index
      %swap3A_591 = arith.index_cast %mul3A_588 : i32 to index
      %swap3A_592 = tpu.vector_load %arg9[%swap3A_590, %swap3A_591] {strides = array<i32>} : memref<16x1024xf32, #tpu.memory_space<vmem>>, vector<16xf32>,
      tpu.vector_store %arg9[%swap3A_590, %swap3A_591], %gather3A_586 {strides = array<i32>} : memref<16x1024xf32, #tpu.memory_space<vmem>>, vector<16xf32>,
      %add3A_593 = arith.constant 11264 : i32
      %add3A_594 = vector.broadcast %add3A_593 : i32 to vector<16xi32>
      %add3A_595 = arith.addi %get3A_484, %add3A_594 : vector<16xi32>
      %gather3A_596 = tpu.vector_load_idx %arg7[%add3A_595] : memref<16384xf32, #tpu.memory_space<vmem>>[vector<16xi32>], vector<16xf32>,
      %mul3A_597 = arith.constant 16 : i32
      %mul3A_598 = arith.muli %scan3A_481, %mul3A_597 : i32
      %swap3A_599 = arith.constant 11 : i32
      %swap3A_600 = arith.index_cast %swap3A_599 : i32 to index
      %swap3A_601 = arith.index_cast %mul3A_598 : i32 to index
      %swap3A_602 = tpu.vector_load %arg9[%swap3A_600, %swap3A_601] {strides = array<i32>} : memref<16x1024xf32, #tpu.memory_space<vmem>>, vector<16xf32>,
      tpu.vector_store %arg9[%swap3A_600, %swap3A_601], %gather3A_596 {strides = array<i32>} : memref<16x1024xf32, #tpu.memory_space<vmem>>, vector<16xf32>,
      %add3A_603 = arith.constant 12288 : i32
      %add3A_604 = vector.broadcast %add3A_603 : i32 to vector<16xi32>
      %add3A_605 = arith.addi %get3A_484, %add3A_604 : vector<16xi32>
      %gather3A_606 = tpu.vector_load_idx %arg7[%add3A_605] : memref<16384xf32, #tpu.memory_space<vmem>>[vector<16xi32>], vector<16xf32>,
      %mul3A_607 = arith.constant 16 : i32
      %mul3A_608 = arith.muli %scan3A_481, %mul3A_607 : i32
      %swap3A_609 = arith.constant 12 : i32
      %swap3A_610 = arith.index_cast %swap3A_609 : i32 to index
      %swap3A_611 = arith.index_cast %mul3A_608 : i32 to index
      %swap3A_612 = tpu.vector_load %arg9[%swap3A_610, %swap3A_611] {strides = array<i32>} : memref<16x1024xf32, #tpu.memory_space<vmem>>, vector<16xf32>,
      tpu.vector_store %arg9[%swap3A_610, %swap3A_611], %gather3A_606 {strides = array<i32>} : memref<16x1024xf32, #tpu.memory_space<vmem>>, vector<16xf32>,
      %add3A_613 = arith.constant 13312 : i32
      %add3A_614 = vector.broadcast %add3A_613 : i32 to vector<16xi32>
      %add3A_615 = arith.addi %get3A_484, %add3A_614 : vector<16xi32>
      %gather3A_616 = tpu.vector_load_idx %arg7[%add3A_615] : memref<16384xf32, #tpu.memory_space<vmem>>[vector<16xi32>], vector<16xf32>,
      %mul3A_617 = arith.constant 16 : i32
      %mul3A_618 = arith.muli %scan3A_481, %mul3A_617 : i32
      %swap3A_619 = arith.constant 13 : i32
      %swap3A_620 = arith.index_cast %swap3A_619 : i32 to index
      %swap3A_621 = arith.index_cast %mul3A_618 : i32 to index
      %swap3A_622 = tpu.vector_load %arg9[%swap3A_620, %swap3A_621] {strides = array<i32>} : memref<16x1024xf32, #tpu.memory_space<vmem>>, vector<16xf32>,
      tpu.vector_store %arg9[%swap3A_620, %swap3A_621], %gather3A_616 {strides = array<i32>} : memref<16x1024xf32, #tpu.memory_space<vmem>>, vector<16xf32>,
      %add3A_623 = arith.constant 14336 : i32
      %add3A_624 = vector.broadcast %add3A_623 : i32 to vector<16xi32>
      %add3A_625 = arith.addi %get3A_484, %add3A_624 : vector<16xi32>
      %gather3A_626 = tpu.vector_load_idx %arg7[%add3A_625] : memref<16384xf32, #tpu.memory_space<vmem>>[vector<16xi32>], vector<16xf32>,
      %mul3A_627 = arith.constant 16 : i32
      %mul3A_628 = arith.muli %scan3A_481, %mul3A_627 : i32
      %swap3A_629 = arith.constant 14 : i32
      %swap3A_630 = arith.index_cast %swap3A_629 : i32 to index
      %swap3A_631 = arith.index_cast %mul3A_628 : i32 to index
      %swap3A_632 = tpu.vector_load %arg9[%swap3A_630, %swap3A_631] {strides = array<i32>} : memref<16x1024xf32, #tpu.memory_space<vmem>>, vector<16xf32>,
      tpu.vector_store %arg9[%swap3A_630, %swap3A_631], %gather3A_626 {strides = array<i32>} : memref<16x1024xf32, #tpu.memory_space<vmem>>, vector<16xf32>,
      %add3A_633 = arith.constant 15360 : i32
      %add3A_634 = vector.broadcast %add3A_633 : i32 to vector<16xi32>
      %add3A_635 = arith.addi %get3A_484, %add3A_634 : vector<16xi32>
      %gather3A_636 = tpu.vector_load_idx %arg7[%add3A_635] : memref<16384xf32, #tpu.memory_space<vmem>>[vector<16xi32>], vector<16xf32>,
      %mul3A_637 = arith.constant 16 : i32
      %mul3A_638 = arith.muli %scan3A_481, %mul3A_637 : i32
      %swap3A_639 = arith.constant 15 : i32
      %swap3A_640 = arith.index_cast %swap3A_639 : i32 to index
      %swap3A_641 = arith.index_cast %mul3A_638 : i32 to index
      %swap3A_642 = tpu.vector_load %arg9[%swap3A_640, %swap3A_641] {strides = array<i32>} : memref<16x1024xf32, #tpu.memory_space<vmem>>, vector<16xf32>,
      tpu.vector_store %arg9[%swap3A_640, %swap3A_641], %gather3A_636 {strides = array<i32>} : memref<16x1024xf32, #tpu.memory_space<vmem>>, vector<16xf32>,
    }
    %scan3A_460 = arith.constant 64 : i32
    %mul3A_461 = arith.constant 1024 : i32
    %mul3A_462 = arith.muli %select_n3A_30, %mul3A_461 : i32
    %dma_start3A_463 = arith.constant 240 : i32
    %dma_start3A_464 = tpu.memref_slice %arg4[%select_n3A, %dma_start3A_463, %mul3A_462] : memref<8x256x4096xf32, #tpu.memory_space<hbm>> -> memref<1x16x1024xf32, #tpu.memory_space<hbm>>
    %dma_start3A_465 = tpu.memref_squeeze %dma_start3A_464 : memref<1x16x1024xf32, #tpu.memory_space<hbm>> -> memref<16x1024xf32, #tpu.memory_space<hbm>>
    %dma_start3A_466 = arith.constant 240 : i32
    %dma_start3A_467 = tpu.memref_slice %arg4[%select_n3A, %dma_start3A_466, %mul3A_462] : memref<8x256x4096xf32, #tpu.memory_space<hbm>> -> memref<1x16x1024xf32, #tpu.memory_space<hbm>>
    %dma_start3A_468 = tpu.memref_squeeze %dma_start3A_467 : memref<1x16x1024xf32, #tpu.memory_space<hbm>> -> memref<16x1024xf32, #tpu.memory_space<hbm>>
    tpu.enqueue_dma source(%arg9 : memref<16x1024xf32, #tpu.memory_space<vmem>>) target(%dma_start3A_468 : memref<16x1024xf32, #tpu.memory_space<hbm>>) target_semaphore(%arg13 : memref<!tpu.dma_semaphore, #tpu.memory_space<semaphore_mem>>)
    %dma_wait3A_469 = arith.constant 224 : i32
    %dma_wait3A_470 = tpu.memref_slice %arg4[%select_n3A, %dma_wait3A_469, %mul3A_438] : memref<8x256x4096xf32, #tpu.memory_space<hbm>> -> memref<1x16x1024xf32, #tpu.memory_space<hbm>>
    %dma_wait3A_471 = tpu.memref_squeeze %dma_wait3A_470 : memref<1x16x1024xf32, #tpu.memory_space<hbm>> -> memref<16x1024xf32, #tpu.memory_space<hbm>>
    %dma_wait3A_472 = arith.constant 224 : i32
    %dma_wait3A_473 = tpu.memref_slice %arg4[%select_n3A, %dma_wait3A_472, %mul3A_438] : memref<8x256x4096xf32, #tpu.memory_space<hbm>> -> memref<1x16x1024xf32, #tpu.memory_space<hbm>>
    %dma_wait3A_474 = tpu.memref_squeeze %dma_wait3A_473 : memref<1x16x1024xf32, #tpu.memory_space<hbm>> -> memref<16x1024xf32, #tpu.memory_space<hbm>>
    tpu.wait_dma2 semaphore(%arg12 : memref<!tpu.dma_semaphore, #tpu.memory_space<semaphore_mem>>) src(%arg8 : memref<16x1024xf32, #tpu.memory_space<vmem>>) dst(%dma_wait3A_474 : memref<16x1024xf32, #tpu.memory_space<hbm>>)
    %dma_wait3A_475 = arith.constant 240 : i32
    %dma_wait3A_476 = tpu.memref_slice %arg4[%select_n3A, %dma_wait3A_475, %mul3A_462] : memref<8x256x4096xf32, #tpu.memory_space<hbm>> -> memref<1x16x1024xf32, #tpu.memory_space<hbm>>
    %dma_wait3A_477 = tpu.memref_squeeze %dma_wait3A_476 : memref<1x16x1024xf32, #tpu.memory_space<hbm>> -> memref<16x1024xf32, #tpu.memory_space<hbm>>
    %dma_wait3A_478 = arith.constant 240 : i32
    %dma_wait3A_479 = tpu.memref_slice %arg4[%select_n3A, %dma_wait3A_478, %mul3A_462] : memref<8x256x4096xf32, #tpu.memory_space<hbm>> -> memref<1x16x1024xf32, #tpu.memory_space<hbm>>
    %dma_wait3A_480 = tpu.memref_squeeze %dma_wait3A_479 : memref<1x16x1024xf32, #tpu.memory_space<hbm>> -> memref<16x1024xf32, #tpu.memory_space<hbm>>
    tpu.wait_dma2 semaphore(%arg13 : memref<!tpu.dma_semaphore, #tpu.memory_space<semaphore_mem>>) src(%arg9 : memref<16x1024xf32, #tpu.memory_space<vmem>>) dst(%dma_wait3A_480 : memref<16x1024xf32, #tpu.memory_space<hbm>>)
    return
  }
}

module attributes {stable_mosaic.version = 14 : i64} {
  func.func @_idx_body(%arg0: i32, %arg1: i32, %arg2: memref<1x256x4096xf32, #tpu.memory_space<vmem>>, %arg3: memref<1024x256xf32, #tpu.memory_space<vmem>>, %arg4: memref<1x1x4096xi32, #tpu.memory_space<vmem>>) attributes {dimension_semantics = [#tpu.dimension_semantics<arbitrary>, #tpu.dimension_semantics<arbitrary>], iteration_bounds = array<i64: 8, 1>, scalar_prefetch = 0 : i64, scratch_operands = 0 : i64, tpu.core_type = #tpu.core_type<tc>, window_params = [{transform_indices = @transform_0, window_bounds = array<i64: 1, 256, 4096>}, {pipeline_mode = #tpu.pipeline_mode<synchronous>, transform_indices = @transform_1, window_bounds = array<i64: 1024, 256>}, {transform_indices = @transform_2, window_bounds = array<i64: 1, 1, 4096>}]} {
    %get3A = arith.constant 0 : index
    %get3A_0 = arith.constant 0 : index
    %get3A_1 = arith.constant 0 : index
    %get3A_2 = vector.load %arg2[%get3A, %get3A_0, %get3A_1] : memref<1x256x4096xf32, #tpu.memory_space<vmem>>, vector<1x256x4096xf32>
    %get3A_3 = vector.shape_cast %get3A_2 : vector<1x256x4096xf32> to vector<256x4096xf32>
    %mul3A = arith.mulf %get3A_3, %get3A_3 : vector<256x4096xf32>
    %reduce_sum3A = arith.constant dense<0.000000e+00> : vector<4096xf32>
    %reduce_sum3A_4 = vector.multi_reduction <add>, %mul3A, %reduce_sum3A [0] : vector<256x4096xf32> to vector<4096xf32>
    %broadcast_in_dim3A = vector.shape_cast %reduce_sum3A_4 : vector<4096xf32> to vector<1x4096xf32>
    %sqrt3A = math.sqrt %broadcast_in_dim3A : vector<1x4096xf32>
    %max3A = arith.constant 9.99999996E-13 : f32
    %max3A_5 = vector.broadcast %max3A : f32 to vector<1x4096xf32>
    %max3A_6 = arith.maximumf %sqrt3A, %max3A_5 : vector<1x4096xf32>
    %div3A = vector.broadcast %max3A_6 : vector<1x4096xf32> to vector<256x4096xf32>
    %div3A_7 = arith.divf %get3A_3, %div3A : vector<256x4096xf32>
    %get3A_8 = arith.constant 0 : index
    %get3A_9 = arith.constant 0 : index
    %get3A_10 = vector.load %arg3[%get3A_8, %get3A_9] : memref<1024x256xf32, #tpu.memory_space<vmem>>, vector<1024x256xf32>
    %dot_general3A = arith.constant dense<0.000000e+00> : vector<4096x1024xf32>
    %dot_general3A_11 = tpu.matmul %div3A_7, %get3A_10, %dot_general3A {dimension_numbers = #tpu.dot_dimension_numbers<[0], [1], [1], [0], [0, 1, 1, 0], [], []>, transpose_lhs_hint = false} : vector<256x4096xf32>, vector<1024x256xf32>, vector<4096x1024xf32> -> vector<4096x1024xf32>
    %argmax3A = tpu.reduce_index %dot_general3A_11 {axis = 1 : i32, kind = #tpu.reduction_kind<arg_max>} : vector<4096x1024xf32> -> vector<4096xi32>
    %swap3A = arith.constant 0 : index
    %swap3A_12 = arith.constant 0 : index
    %swap3A_13 = arith.constant 0 : index
    %swap3A_14 = vector.load %arg4[%swap3A, %swap3A_12, %swap3A_13] : memref<1x1x4096xi32, #tpu.memory_space<vmem>>, vector<1x1x4096xi32>
    %swap3A_15 = vector.shape_cast %swap3A_14 : vector<1x1x4096xi32> to vector<4096xi32>
    %swap3A_16 = vector.shape_cast %argmax3A : vector<4096xi32> to vector<1x1x4096xi32>
    tpu.vector_store %arg4[%swap3A, %swap3A_12, %swap3A_13], %swap3A_16 {strides = array<i32>} : memref<1x1x4096xi32, #tpu.memory_space<vmem>>, vector<1x1x4096xi32>,
    return
  }
  func.func @transform_0(%arg0: i32, %arg1: i32) -> (i32, i32, i32) {
    %c0_i32 = arith.constant 0 : i32
    %c0_i32_0 = arith.constant 0 : i32
    return %arg0, %c0_i32, %arg1 : i32, i32, i32
  }
  func.func @transform_1(%arg0: i32, %arg1: i32) -> (i32, i32) {
    %c0_i32 = arith.constant 0 : i32
    %c0_i32_0 = arith.constant 0 : i32
    %c0_i32_1 = arith.constant 0 : i32
    return %c0_i32, %c0_i32_0 : i32, i32
  }
  func.func @transform_2(%arg0: i32, %arg1: i32) -> (i32, i32, i32) {
    %mul3A = arith.constant 1 : i32
    %mul3A_0 = arith.muli %arg0, %mul3A : i32
    %add3A = arith.addi %mul3A_0, %arg1 : i32
    %c0_i32 = arith.constant 0 : i32
    %c0_i32_1 = arith.constant 0 : i32
    %c0_i32_2 = arith.constant 0 : i32
    return %add3A, %c0_i32, %c0_i32_1 : i32, i32, i32
  }
}

</mosaic_0001>

<sc_bundles>
// kernel: kernel.4.cloned.1.call-start
scs
__scs_entry_jumppad:
0x0: {  	(pc) =	sbr.rel $0x88, $3  }
0x1: {  	(tag) =	ssettag $0x0;
	lr =	simm.s32 $0x1  }
0x2: {  	[smem:$0x3F9F] =	sst lr;
	_ =	strace $0xD0000000  }
0x3: {  	_ = 	snop  }
0x4: {  	_ = 	snop  }
0x5: {  	_ = 	snop  }
0x6: {  	_ = 	snop  }
0x7: {  	_ = 	snop  }
__scs_overlays_trampoline_lowered:
0x8: {  	[smem:$0x3FAE] =	sst s0  }
0x9: {  	[smem:$0x3FAF] =	sst s1  }
0xa: {  	[smem:$0x3FB0] =	sst s2  }
0xb: {  	[smem:$0x3FB1] =	sst s3  }
0xc: {  	[smem:$0x3FB2] =	sst s4  }
0xd: {  	[smem:$0x3FB3] =	sst s5  }
0xe: {  	[smem:$0x3FB4] =	sst s6  }
0xf: {  	[smem:$0x3FB5] =	sst s7  }
0x10: {  	[smem:$0x3FB6] =	sst s8  }
0x11: {  	[smem:$0x3FB7] =	sst s9;
	s0 =	simm.s32 @!p0 $0x0  }
0x12: {  	s1 =	sld [smem:$0x3F9D];
	s0 =	simm.s32 @p0 $0x1  }
0x13: {  	[smem:$0x3FB8] =	sst s0;
	s0 =	simm.s32 @!p1 $0x0  }
0x14: {  	s2 =	sld [smem:$0x3F9C];
	s0 =	simm.s32 @p1 $0x1  }
0x15: {  	[smem:$0x3FB9] =	sst s0;
	s0 =	simm.s32 @!p2 $0x0  }
0x16: {  	s3 =	sld [smem:$0x3FDB];
	s0 =	simm.s32 @p2 $0x1  }
0x17: {  	s4 =	simm.s32 $0x1BF5;
	[smem:$0x3FBB] =	sst s0  }
0x18: {  	s0 =	sld [smem:$0x3F9E];
	_ =	swait.ge [sflag:s4], $0x0  }
0x19: {  	s7 =	sld [smem:$0x3F9F]  }
0x1a: {  	s8 =	sadd.s32 $0xFFFFE003, lr  }
0x1b: {  	s9 =	sadd.s32 $0xFFFFFEF7, lr;
	s5 =	simm.s32 $0xFFFFFFFF;
	p2 =	slt.u32 s8, $0xFFFFF086  }
0x1c: {  	p1 =	slt.u32 s9, $0xF7A;
	s5 =	simm.s32 @!p2 $0x0  }
0x1d: {  	s5 =	simm.s32 @p1 $0x1;
	p0 =	seq.s32 s7, s2  }
0x1e: {  	s7 =	smul.u32 @!p0 $0xF7A, s2;
	p2 =	seq.s32 @!p0 s5, $0x0  }
0x1f: {  	s9 =	smul.u32 $0xF7A, s1;
	s8 =	simm.s32 @!p0 $0x1BF5;
	p2 =	por !p2, p0  }
0x20: {  	[sflag:s8] =	ssyncset.s32 @!p0 $0xFFFFF086;
	s6 =	sadd.s32 @!p0 s3, s7;
	s7 =	simm.s32 @!p0 $0x108  }
0x21: {  	s3 =	sadd.s32 s3, s9;
	s6 =	sadd.s32 @!p0 $0x88, s6;
	s7 =	simm.s32 @p2 $0x1082  }
0x22: {  	[simem:s7], [sflag:s8] =	dma.local @!p0 [hbm:s6], $0xF7A  }
0x23: {  	s9 =	sor.u32 $0xD0000000, s2;
	s6 =	simm.s32 $0x108;
	_ =	swait.ge @!p0 [sflag:s8], $0x0  }
0x24: {  	s3 =	sadd.s32 $0x88, s3;
	s6 =	simm.s32 @!p1 $0x1082;
	[sflag:s4] =	ssyncset.s32 $0xFFFFF086  }
0x25: {  	[simem:s6], [sflag:s4] =	dma.local [hbm:s3], $0xF7A  }
0x26: {  	[smem:$0x3F9F] =	sst s1;
	(tag) =	ssettag s2;
	_ =	strace s9  }
0x27: {  	s1 =	sld [smem:$0x3FAF]  }
0x28: {  	s2 =	sld [smem:$0x3FB0]  }
0x29: {  	s4 =	sld [smem:$0x3FB2]  }
0x2a: {  	p0 =	seq.s32 s5, $0x0;
	s5 =	sld [smem:$0x3FB3]  }
0x2b: {  	s6 =	sld [smem:$0x3FB4]  }
0x2c: {  	s7 =	sld [smem:$0x3FB5]  }
0x2d: {  	s3 =	simm.s32 $0x108;
	s8 =	sld [smem:$0x3FB6]  }
0x2e: {  	s3 =	simm.s32 @!p0 $0x1082;
	s9 =	sld [smem:$0x3FB7]  }
0x2f: {  	lr =	sadd.s32 s0, s3;
	s0 =	sld [smem:$0x3FAE]  }
0x30: {  	s3 =	sld [smem:$0x3FB1]  }
0x31: {  	[smem:$0x3FBA] =	sst s10  }
0x32: {  	s10 =	sld [smem:$0x3FB8];
	_ =	sdelay $0x3  }
0x33: {  	p0 =	seq.s32 s10, $0x1;
	s10 =	sld [smem:$0x3FBA];
	_ =	sdelay $0x3  }
0x34: {  	[smem:$0x3FBA] =	sst s10  }
0x35: {  	s10 =	sld [smem:$0x3FB9];
	_ =	sdelay $0x3  }
0x36: {  	p1 =	seq.s32 s10, $0x1;
	s10 =	sld [smem:$0x3FBA];
	_ =	sdelay $0x3  }
0x37: {  	[smem:$0x3FBA] =	sst s10  }
0x38: {  	s10 =	sld [smem:$0x3FBB]  }
0x39: {  	_ = 	snop;
	(pc) =	sbr.ind lr, $3  }
0x3a: {  	_ = 	snop  }
0x3b: {  	_ = 	snop  }
0x3c: {  	p2 =	seq.s32 s10, $0x1;
	s10 =	sld [smem:$0x3FBA]  }
0x3d: {  	_ =	shalt  }
0x3e: {  	_ =	shalt  }
0x3f: {  	_ =	shalt  }
0x40: {  	_ =	shalt  }
0x41: {  	_ =	shalt  }
0x42: {  	_ =	shalt  }
0x43: {  	_ =	shalt  }
0x44: {  	_ =	shalt  }
0x45: {  	_ =	shalt  }
0x46: {  	_ =	shalt  }
0x47: {  	_ =	shalt  }
0x48: {  	_ =	shalt  }
0x49: {  	_ =	shalt  }
0x4a: {  	_ =	shalt  }
0x4b: {  	_ =	shalt  }
0x4c: {  	_ =	shalt  }
0x4d: {  	_ =	shalt  }
0x4e: {  	_ =	shalt  }
0x4f: {  	_ =	shalt  }
0x50: {  	_ =	shalt  }
0x51: {  	_ =	shalt  }
0x52: {  	_ =	shalt  }
0x53: {  	_ =	shalt  }
0x54: {  	_ =	shalt  }
0x55: {  	_ =	shalt  }
0x56: {  	_ =	shalt  }
0x57: {  	_ =	shalt  }
0x58: {  	_ =	shalt  }
0x59: {  	_ =	shalt  }
0x5a: {  	_ =	shalt  }
0x5b: {  	_ =	shalt  }
0x5c: {  	_ =	shalt  }
0x5d: {  	_ =	shalt  }
0x5e: {  	_ =	shalt  }
0x5f: {  	_ =	shalt  }
0x60: {  	_ =	shalt  }
0x61: {  	_ =	shalt  }
0x62: {  	_ =	shalt  }
0x63: {  	_ =	shalt  }
0x64: {  	_ =	shalt  }
0x65: {  	_ =	shalt  }
0x66: {  	_ =	shalt  }
0x67: {  	_ =	shalt  }
0x68: {  	_ =	shalt  }
0x69: {  	_ =	shalt  }
0x6a: {  	_ =	shalt  }
0x6b: {  	_ =	shalt  }
0x6c: {  	_ =	shalt  }
0x6d: {  	_ =	shalt  }
0x6e: {  	_ =	shalt  }
0x6f: {  	_ =	shalt  }
0x70: {  	_ =	shalt  }
0x71: {  	_ =	shalt  }
0x72: {  	_ =	shalt  }
0x73: {  	_ =	shalt  }
0x74: {  	_ =	shalt  }
0x75: {  	_ =	shalt  }
0x76: {  	_ =	shalt  }
0x77: {  	_ =	shalt  }
0x78: {  	_ =	shalt  }
0x79: {  	_ =	shalt  }
0x7a: {  	_ =	shalt  }
0x7b: {  	_ =	shalt  }
0x7c: {  	_ =	shalt  }
0x7d: {  	_ =	shalt  }
0x7e: {  	_ =	shalt  }
0x7f: {  	_ =	shalt  }
0x80: {  	_ =	shalt  }
0x81: {  	_ =	shalt  }
0x82: {  	_ =	shalt  }
0x83: {  	_ =	shalt  }
0x84: {  	_ =	shalt  }
0x85: {  	_ =	shalt  }
0x86: {  	_ =	shalt  }
0x87: {  	_ =	shalt  }
.Lfunc_end0:
.L_simem_size_0:
called_computation_lowered:
.L_overlay_start_0:
0x88: {  	s2 =	sld [smem:$0x3FD9]  }
0x89: {  	s3 =	sld [smem:$0x3FFE];
	_ =	sdelay $0x1  }
0x8a: {  	s1 =	srdreg.scid  }
0x8b: {  	s0 =	sand.u32 $0x1, s1  }
0x8c: {  	s17 =	sshll.u32 s0, $0xA;
	s2 =	sadd.s32 s3, s2  }
0x8d: {  	s2 =	sadd.s32 s2, s17  }
0x8e: {  	[smem:$0x3FC6] =	sst s2  }
0x8f: {  	_ = 	snop  }
0x90: {  	s2 =	sld [smem:$0x3FD0];
	(tm) =	ssettm $0x1  }
0x91: {  	s18 =	sld [smem:$0x3FFB];
	_ =	sdelay $0x3  }
0x92: {  	_ =	strace s18  }
0x93: {  	s3 =	sld [smem:$0x3FFC];
	_ =	sdelay $0x3  }
0x94: {  	_ =	strace s3  }
0x95: {  	s3 =	sld [smem:$0x3FFD];
	_ =	sdelay $0x3  }
0x96: {  	_ =	strace s3  }
0x97: {  	_ =	strace $0x8FFFFFFF  }
0x98: {  	s19 =	sld [smem:$0x3FDB];
	_ =	sdelay $0x1  }
0x99: {  	s4 =	simm.s32 $_scs_section_size  }
0x9a: {  	s5 =	simm.s32 $_size__tile_overlayer_lowered;
	s6 =	simm.s32 $_tile_overlayer_lowered  }
0x9b: {  	s22 =	simm.s32 $0x1BFF;
	s21 =	sshll.u32 s6, $0x1;
	s3 =	sadd.s32 s4, s19  }
0x9c: {  	s7 =	simm.s32 $0x0;
	s20 =	sshll.u32 s5, $0x1;
	s5 =	sadd.s32 s21, s3  }
0x9d: {  	[timem:s7], [sflag:s22] =	dma.local [hbm:s5], s20  }
0x9e: {  	_ =	swait.ge [sflag:s22], s20  }
0x9f: {  	s4 =	ssub.s32 $0x0, s20;
	[sflag:s22] =	ssyncset.done $0x0  }
0xa0: {  	[sflag:s22] =	ssyncadd.s32 s4;
	_ =	sdelay $0x1  }
0xa1: {  	s23 =	simm.s32 $0x1B8B  }
0xa2: {  	_ =	swait.ge [sflag:s23], $0x1  }
0xa3: {  	[sflag:s23] =	ssyncset.done $0x0  }
0xa4: {  	s25 =	simm.s32 $0x1B8E;
	s24 =	sld [smem:$0x3FFE];
	[sflag:s23] =	ssyncadd.s32 $0xFFFFFFFF  }
0xa5: {  	s26 =	simm.s32 $execute0_lowered;
	[smem:$0x3FD2] =	sst s25  }
0xa6: {  	s5 =	sshll.u32 s26, $0x1;
	_ =	strace $0x80000046;
	[dreg:$0x1] =	wrdreg $0xFFFFFFFF  }
0xa7: {  	s28 =	simm.s32 $_size_execute0_lowered;
	s3 =	sadd.s32 s3, s5;
	[dreg:$0x0] =	wrdreg $0x0  }
0xa8: {  	s5 =	sshll.u32 s28, $0x1;
	[dreg:$0x2] =	wrdreg s3  }
0xa9: {  	[dreg:$0x3] =	wrdreg s5  }
0xaa: {  	[dreg:$0x4] =	wrdreg $0xC0  }
0xab: {  	_ =	task [dreg:s7], $0x5FFFF  }
0xac: {  	[dreg:$0x1] =	wrdreg $0xFFFFFFFF  }
0xad: {  	[dreg:$0x0] =	wrdreg $0x60  }
0xae: {  	[dreg:$0x2] =	wrdreg s24  }
0xaf: {  	[dreg:$0x3] =	wrdreg s2  }
0xb0: {  	[dreg:$0x4] =	wrdreg $0x9  }
0xb1: {  	_ =	task.clear_ibuf [dreg:s7], $0x5FFFF;
	_ =	strace $0x90000046  }
0xb2: {  	s29 =	simm.s32 $0x9;
	_ =	strace $0x80000048  }
0xb3: {  	_ =	swait.ge [sflag:s29], $0x1  }
0xb4: {  	[sflag:s29] =	ssyncadd.s32 $0xFFFFFFFF  }
0xb5: {  	_ =	strace $0x90000048  }
0xb6: {  	_ =	sfence  }
0xb7: {  	s30 =	sld [smem:$0x0];
	_ =	sdelay $0x2  }
0xb8: {  	s31 =	sshll.u32 s1, $0xD;
	s1 =	sshrl.u32 s1, $0x2  }
0xb9: {  	s3 =	sand.u32 $0x4000, s31;
	s1 =	sadd.s32 s1, s30  }
0xba: {  	s0 =	sor.u32 s3, s0;
	s1 =	sshll.u32 s1, $0x11  }
0xbb: {  	s0 =	sor.u32 s1, s0  }
0xbc: {  	s0 =	sadd.s32 $0x8F2B, s0  }
0xbd: {  	[sflag:s0] =	ssyncadd.remote.s32 $0x1  }
0xbe: {  	_ =	sfence.sel $0xFFFF  }
0xbf: {  	[dreg:$0x0] =	wrdreg $0xFFFFFFFF;
	(pc) =	sbr.abs _section_cstart, $3  }
0xc0: {  	[dreg:$0x1] =	wrdreg $0xFFFFFFFF  }
0xc1: {  	_ =	task.clear_ibuf [dreg:s7], $0x2FFFF;
	_ =	strace $0x9FFFFFFF  }
0xc2: {  	(tm) =	ssettm $0x7FFFFFFF  }
0xc3: {  	_ =	shalt  }
tec
execute0_lowered:
.L_overlay_start_1:
0x0: {  	(tag) =	ssettag $0x1  }
0x1: {  	s0 =	rddreg [dreg:$0x0]  }
0x2: {  	s1 =	rddreg [dreg:$0x1];
	s2 =	simm.s32 $0x0  }
0x3: {  	[smem:$0x7FF] =	sst s2;
	s8 =	sadd.s32 $0x200, s0  }
0x4: {  	s10 =	sadd.s32 $0x1200, s0;
	_ =	strace $0x80000047;
	[dreg:$0x3] =	wrdreg s8  }
0x5: {  	s12 =	sadd.s32 $0x1A00, s0;
	[dreg:$0x7] =	wrdreg s10  }
0x6: {  	s14 =	sadd.s32 $0x2200, s0;
	[dreg:$0x9] =	wrdreg s12  }
0x7: {  	s16 =	sadd.s32 $0x2A00, s0;
	[dreg:$0xb] =	wrdreg s14  }
0x8: {  	s17 =	sadd.s32 $0x3200, s0;
	[dreg:$0xd] =	wrdreg s16  }
0x9: {  	s18 =	sadd.s32 $0x3A00, s0;
	[dreg:$0xe] =	wrdreg s17  }
0xa: {  	s5 =	stileid.u32;
	s19 =	sadd.s32 $0x4200, s0;
	[dreg:$0xf] =	wrdreg s18  }
0xb: {  	s3 =	srdreg.scid;
	s20 =	sadd.s32 $0x4A00, s0;
	[dreg:$0x10] =	wrdreg s19  }
0xc: {  	s4 =	sshll.u32 s5, $0x1;
	s21 =	sadd.s32 $0x5200, s0;
	[dreg:$0x11] =	wrdreg s20  }
0xd: {  	s3 =	sand.u32 $0x1, s3;
	s22 =	sadd.s32 $0x5A00, s0;
	[dreg:$0x12] =	wrdreg s21  }
0xe: {  	s5 =	sshrl.u32 s5, $0x1;
	s23 =	sadd.s32 $0x6200, s0;
	[dreg:$0x13] =	wrdreg s22  }
0xf: {  	s24 =	sadd.s32 $0x6A00, s0;
	s25 =	sadd.s32 $0x7200, s0;
	[dreg:$0x14] =	wrdreg s23  }
0x10: {  	s4 =	sand.u32 $0x2, s4;
	s6 =	sshll.u32 s5, $0x11;
	[dreg:$0x15] =	wrdreg s24  }
0x11: {  	s5 =	sshll.u32 s5, $0x9;
	s8 =	sadd.s32 $0xA00, s0;
	[dreg:$0x16] =	wrdreg s25  }
0x12: {  	s10 =	simm.s32 $0x1;
	s12 =	simm.s32 $0x8000;
	s14 =	simm.s32 $0x2  }
0x13: {  	s16 =	simm.s32 $0x3;
	s17 =	simm.s32 $0x4;
	s18 =	simm.s32 $0x0  }
0x14: {  	s4 =	sor.u32 s3, s4;
	s3 =	ssub.s32 $0x2, s3;
	s1 =	sadd.s32 s1, s5  }
0x15: {  	[dreg:$0x5] =	wrdreg s8;
	s8 =	simm.s32 $0x400;
	s7 =	sshll.u32 s4, $0xA  }
0x16: {  	s26 =	sshrl.u32 s3, $0x1;
	s4 =	sshll.u32 s4, $0x7;
	s6 =	sor.u32 s6, s7  }
0x17: {  	s7 =	ssub.s32 s3, s26;
	s1 =	sadd.s32 s4, s1;
	s6 =	sadd.s32 s6, s0  }
0x18: {  	[dreg:$0x4] =	wrdreg s1;
	s0 =	sadd.s32 $0x7A00, s0;
	s9 =	sadd.s32 $0x8200, s6  }
0x19: {  	s11 =	sadd.s32 $0xA200, s6;
	s13 =	sadd.s32 $0xC200, s6;
	s15 =	sadd.s32 $0xE200, s6  }
0x1a: {  	[dreg:$0x17] =	wrdreg s0;
	s26 =	sadd.s32 $0x10200, s6;
	s25 =	sadd.s32 $0x12200, s6  }
0x1b: {  	s28 =	sadd.s32 $0x16200, s6;
	s29 =	sadd.s32 $0x18200, s6;
	[dreg:$0x6] =	wrdreg s9  }
0x1c: {  	s30 =	sadd.s32 $0x1A200, s6;
	s31 =	sadd.s32 $0x1C200, s6;
	[dreg:$0x8] =	wrdreg s11  }
0x1d: {  	s0 =	sadd.s32 $0x1E200, s6;
	s1 =	sadd.s32 $0x20200, s6;
	[dreg:$0xa] =	wrdreg s13  }
0x1e: {  	s3 =	sadd.s32 $0x22200, s6;
	s4 =	sadd.s32 $0x24200, s6;
	[dreg:$0xc] =	wrdreg s15  }
0x1f: {  	s5 =	sadd.s32 $0x26200, s6;
	[dreg:$0x18] =	wrdreg s26;
	s26 =	sadd.s32 $0x14200, s6  }
0x20: {  	s6 =	smax.u32 s7, $0x1;
	s7 =	simm.s32 $0x5;
	s9 =	simm.s32 $0x4400  }
0x21: {  	s11 =	simm.s32 $0x2000;
	s13 =	simm.s32 $0x8400;
	s15 =	simm.s32 $0xC400  }
.LBB2_1:
0x22: {  	s19 =	rddreg [dreg:$0x4]  }
0x23: {  	[tilespmem:s2], [sflag:$0x5] =	stream.linear.gather [hbm4b:s19+s2], $0x400, $0x38;
	[tilespmem:$0x10400] =	vst v63  }
0x24: {  	_ =	swait.ge [sflag:s7], $0x400  }
0x25: {  	[sflag:s7] =	ssyncset.done $0x0  }
0x26: {  	s21 =	rddreg [dreg:$0x3];
	[sflag:s7] =	ssyncadd.s32 $0xFFFFFC00  }
0x27: {  	[tilespmem:s8], [sflag:$0x1] =	stream.linear.gather [hbm4b:s21+s2], $0x4000, $0x38;
	[tilespmem:$0x10400] =	vst v63  }
0x28: {  	s22 =	rddreg [dreg:$0x5]  }
0x29: {  	[tilespmem:s9], [sflag:$0x2] =	stream.linear.gather [hbm4b:s22+s2], $0x4000, $0x38;
	[tilespmem:$0x10400] =	vst v63  }
0x2a: {  	_ =	swait.ge [sflag:s10], $0x4000  }
0x2b: {  	[sflag:s10] =	ssyncset.done $0x0  }
0x2c: {  	[sflag:s10] =	ssyncadd.s32 $0xFFFFC000  }
0x2d: {  	v0 =	vld [tilespmem:s2+$0x0];
	_ =	sdelay $0x7  }
0x2e: {  	v1 =	vld.idx.msk [tilespmem:v0+s8+$0x0], $0xffff  }
0x2f: {  	v2 =	vadd.s32 $0x400, v0;
	_ =	sdelay $0x1  }
0x30: {  	s23 =	sand.u32 $0x70, s2;
	s20 =	sand.u32 $0x1C00, s2  }
0x31: {  	s19 =	sor.u32 s23, s20  }
0x32: {  	[tilespmem:s19+$0x8400] =	vst v1  }
0x33: {  	v1 =	vld.idx.msk [tilespmem:v2+s8+$0x0], $0xffff  }
0x34: {  	v2 =	vadd.s32 $0x800, v0;
	_ =	sdelay $0x3  }
0x35: {  	[tilespmem:s19+$0x8480] =	vst v1  }
0x36: {  	v1 =	vld.idx.msk [tilespmem:v2+s8+$0x0], $0xffff  }
0x37: {  	v2 =	vadd.s32 $0xC00, v0;
	_ =	sdelay $0x3  }
0x38: {  	[tilespmem:s19+$0x8500] =	vst v1  }
0x39: {  	v1 =	vld.idx.msk [tilespmem:v2+s8+$0x0], $0xffff  }
0x3a: {  	v2 =	vadd.s32 $0x1000, v0;
	_ =	sdelay $0x3  }
0x3b: {  	[tilespmem:s19+$0x8580] =	vst v1  }
0x3c: {  	v1 =	vld.idx.msk [tilespmem:v2+s8+$0x0], $0xffff  }
0x3d: {  	v2 =	vadd.s32 $0x1400, v0;
	_ =	sdelay $0x3  }
0x3e: {  	[tilespmem:s19+$0x8600] =	vst v1  }
0x3f: {  	v1 =	vld.idx.msk [tilespmem:v2+s8+$0x0], $0xffff  }
0x40: {  	v2 =	vadd.s32 $0x1800, v0;
	_ =	sdelay $0x3  }
0x41: {  	[tilespmem:s19+$0x8680] =	vst v1  }
0x42: {  	v1 =	vld.idx.msk [tilespmem:v2+s8+$0x0], $0xffff  }
0x43: {  	v2 =	vadd.s32 $0x1C00, v0;
	_ =	sdelay $0x3  }
0x44: {  	[tilespmem:s19+$0x8700] =	vst v1  }
0x45: {  	v1 =	vld.idx.msk [tilespmem:v2+s8+$0x0], $0xffff  }
0x46: {  	v2 =	vadd.s32 $0x2000, v0;
	_ =	sdelay $0x1  }
0x47: {  	s24 =	sor.u32 s2, s2  }
0x48: {  	s20 =	sor.u32 $0x380, s24  }
0x49: {  	[tilespmem:s20+$0x8400] =	vst v1  }
0x4a: {  	v1 =	vld.idx.msk [tilespmem:v2+s8+$0x0], $0xffff  }
0x4b: {  	v2 =	vadd.s32 $0x2400, v0;
	_ =	sdelay $0x3  }
0x4c: {  	[tilespmem:s19+$0xA400] =	vst v1  }
0x4d: {  	v1 =	vld.idx.msk [tilespmem:v2+s8+$0x0], $0xffff  }
0x4e: {  	v2 =	vadd.s32 $0x2800, v0;
	_ =	sdelay $0x3  }
0x4f: {  	[tilespmem:s19+$0xA480] =	vst v1  }
0x50: {  	v1 =	vld.idx.msk [tilespmem:v2+s8+$0x0], $0xffff  }
0x51: {  	v2 =	vadd.s32 $0x2C00, v0;
	_ =	sdelay $0x3  }
0x52: {  	[tilespmem:s19+$0xA500] =	vst v1  }
0x53: {  	v1 =	vld.idx.msk [tilespmem:v2+s8+$0x0], $0xffff  }
0x54: {  	v2 =	vadd.s32 $0x3000, v0;
	_ =	sdelay $0x3  }
0x55: {  	[tilespmem:s19+$0xA580] =	vst v1  }
0x56: {  	v1 =	vld.idx.msk [tilespmem:v2+s8+$0x0], $0xffff  }
0x57: {  	v2 =	vadd.s32 $0x3400, v0;
	_ =	sdelay $0x3  }
0x58: {  	[tilespmem:s19+$0xA600] =	vst v1  }
0x59: {  	v1 =	vld.idx.msk [tilespmem:v2+s8+$0x0], $0xffff  }
0x5a: {  	v2 =	vadd.s32 $0x3800, v0;
	_ =	sdelay $0x3  }
0x5b: {  	[tilespmem:s19+$0xA680] =	vst v1  }
0x5c: {  	v1 =	vld.idx.msk [tilespmem:v2+s8+$0x0], $0xffff  }
0x5d: {  	v0 =	vadd.s32 $0x3C00, v0;
	_ =	sdelay $0x3  }
0x5e: {  	[tilespmem:s19+$0xA700] =	vst v1  }
0x5f: {  	s21 =	simm.s32 $0x0;
	s22 =	simm.s32 $0x0;
	s20 =	simm.s32 $0x10;
	v0 =	vld.idx.msk [tilespmem:v0+s8+$0x0], $0xffff  }
.LBB2_2:
0x60: {  	_ =	sdelay $0x3  }
0x61: {  	p0 =	sne.s32 s20, $0x3F0;
	s21 =	sadd.s32 $0x80, s21;
	s22 =	sadd.s32 $0x10, s22;
	[tilespmem:s19+$0xA780] =	vst v0  }
0x62: {  	s23 =	smov.u32 s20;
	s20 =	sadd.s32 $0x10, s20;
	v0 =	vld [tilespmem:s22+$0x0];
	_ =	sdelay $0x7  }
0x63: {  	v1 =	vld.idx.msk [tilespmem:v0+s8+$0x0], $0xffff;
	_ =	sdelay $0x1  }
0x64: {  	v2 =	vadd.s32 $0x400, v0;
	_ =	sdelay $0x1  }
0x65: {  	s24 =	sand.u32 $0x1C00, s21;
	s19 =	sand.u32 $0x70, s23  }
0x66: {  	s19 =	sor.u32 s19, s24  }
0x67: {  	[tilespmem:s19+$0x8400] =	vst v1  }
0x68: {  	v1 =	vld.idx.msk [tilespmem:v2+s8+$0x0], $0xffff;
	_ =	sdelay $0x1  }
0x69: {  	v2 =	vadd.s32 $0x800, v0;
	_ =	sdelay $0x3  }
0x6a: {  	[tilespmem:s19+$0x8480] =	vst v1  }
0x6b: {  	v1 =	vld.idx.msk [tilespmem:v2+s8+$0x0], $0xffff;
	_ =	sdelay $0x1  }
0x6c: {  	v2 =	vadd.s32 $0xC00, v0;
	_ =	sdelay $0x3  }
0x6d: {  	[tilespmem:s19+$0x8500] =	vst v1  }
0x6e: {  	v1 =	vld.idx.msk [tilespmem:v2+s8+$0x0], $0xffff;
	_ =	sdelay $0x1  }
0x6f: {  	v2 =	vadd.s32 $0x1000, v0;
	_ =	sdelay $0x3  }
0x70: {  	[tilespmem:s19+$0x8580] =	vst v1  }
0x71: {  	v1 =	vld.idx.msk [tilespmem:v2+s8+$0x0], $0xffff;
	_ =	sdelay $0x1  }
0x72: {  	v2 =	vadd.s32 $0x1400, v0;
	_ =	sdelay $0x3  }
0x73: {  	[tilespmem:s19+$0x8600] =	vst v1  }
0x74: {  	v1 =	vld.idx.msk [tilespmem:v2+s8+$0x0], $0xffff;
	_ =	sdelay $0x1  }
0x75: {  	v2 =	vadd.s32 $0x1800, v0;
	_ =	sdelay $0x3  }
0x76: {  	[tilespmem:s19+$0x8680] =	vst v1  }
0x77: {  	v1 =	vld.idx.msk [tilespmem:v2+s8+$0x0], $0xffff;
	_ =	sdelay $0x1  }
0x78: {  	v2 =	vadd.s32 $0x1C00, v0;
	_ =	sdelay $0x3  }
0x79: {  	[tilespmem:s19+$0x8700] =	vst v1  }
0x7a: {  	v1 =	vld.idx.msk [tilespmem:v2+s8+$0x0], $0xffff;
	_ =	sdelay $0x1  }
0x7b: {  	v2 =	vadd.s32 $0x2000, v0;
	_ =	sdelay $0x1  }
0x7c: {  	s23 =	sor.u32 s21, s23  }
0x7d: {  	s23 =	sor.u32 $0x380, s23  }
0x7e: {  	[tilespmem:s23+$0x8400] =	vst v1  }
0x7f: {  	v1 =	vld.idx.msk [tilespmem:v2+s8+$0x0], $0xffff;
	_ =	sdelay $0x1  }
0x80: {  	v2 =	vadd.s32 $0x2400, v0;
	_ =	sdelay $0x3  }
0x81: {  	[tilespmem:s19+$0xA400] =	vst v1  }
0x82: {  	v1 =	vld.idx.msk [tilespmem:v2+s8+$0x0], $0xffff;
	_ =	sdelay $0x1  }
0x83: {  	v2 =	vadd.s32 $0x2800, v0;
	_ =	sdelay $0x3  }
0x84: {  	[tilespmem:s19+$0xA480] =	vst v1  }
0x85: {  	v1 =	vld.idx.msk [tilespmem:v2+s8+$0x0], $0xffff;
	_ =	sdelay $0x1  }
0x86: {  	v2 =	vadd.s32 $0x2C00, v0;
	_ =	sdelay $0x3  }
0x87: {  	[tilespmem:s19+$0xA500] =	vst v1  }
0x88: {  	v1 =	vld.idx.msk [tilespmem:v2+s8+$0x0], $0xffff;
	_ =	sdelay $0x1  }
0x89: {  	v2 =	vadd.s32 $0x3000, v0;
	_ =	sdelay $0x3  }
0x8a: {  	[tilespmem:s19+$0xA580] =	vst v1  }
0x8b: {  	v1 =	vld.idx.msk [tilespmem:v2+s8+$0x0], $0xffff;
	_ =	sdelay $0x1  }
0x8c: {  	v2 =	vadd.s32 $0x3400, v0;
	_ =	sdelay $0x3  }
0x8d: {  	[tilespmem:s19+$0xA600] =	vst v1  }
0x8e: {  	v1 =	vld.idx.msk [tilespmem:v2+s8+$0x0], $0xffff;
	_ =	sdelay $0x1  }
0x8f: {  	v2 =	vadd.s32 $0x3800, v0;
	_ =	sdelay $0x3  }
0x90: {  	[tilespmem:s19+$0xA680] =	vst v1  }
0x91: {  	v1 =	vld.idx.msk [tilespmem:v2+s8+$0x0], $0xffff;
	_ =	sdelay $0x1  }
0x92: {  	v0 =	vadd.s32 $0x3C00, v0  }
.Ltmp0:
0x93: {  	(pc) =	sbr.rel @p0 .LBB2_2-.Ltmp0, $3  }
0x94: {  	_ =	sdelay $0x1  }
0x95: {  	[tilespmem:s19+$0xA700] =	vst v1  }
0x96: {  	v0 =	vld.idx.msk [tilespmem:v0+s8+$0x0], $0xffff  }
0x97: {  	_ =	sdelay $0x3  }
0x98: {  	s22 =	rddreg [dreg:$0x6];
	[tilespmem:s19+$0xA780] =	vst v0  }
0x99: {  	[hbm4b:s22+s11] =	stream.strided.scatter [tilespmem:s13], [sflag:$0x3], $0x4000, s12, s11, $0x38;
	[tilespmem:$0x10400] =	vst v63  }
0x9a: {  	s20 =	rddreg [dreg:$0x7];
	s19 =	simm.s32 $0x0  }
0x9b: {  	[tilespmem:s8], [sflag:$0x1] =	stream.linear.gather [hbm4b:s20+s19], $0x4000, $0x38;
	[tilespmem:$0x10400] =	vst v63  }
0x9c: {  	_ =	swait.ge [sflag:s14], $0x4000  }
0x9d: {  	[sflag:s14] =	ssyncset.done $0x0  }
0x9e: {  	[sflag:s14] =	ssyncadd.s32 $0xFFFFC000  }
0x9f: {  	v0 =	vld [tilespmem:s19+$0x0];
	_ =	sdelay $0x7  }
0xa0: {  	v1 =	vld.idx.msk [tilespmem:v0+s9+$0x0], $0xffff  }
0xa1: {  	v2 =	vadd.s32 $0x400, v0;
	_ =	sdelay $0x1  }
0xa2: {  	s23 =	sand.u32 $0x70, s19;
	s21 =	sand.u32 $0x1C00, s19  }
0xa3: {  	s20 =	sor.u32 s23, s21  }
0xa4: {  	[tilespmem:s20+$0xC400] =	vst v1  }
0xa5: {  	v1 =	vld.idx.msk [tilespmem:v2+s9+$0x0], $0xffff  }
0xa6: {  	v2 =	vadd.s32 $0x800, v0;
	_ =	sdelay $0x3  }
0xa7: {  	[tilespmem:s20+$0xC480] =	vst v1  }
0xa8: {  	v1 =	vld.idx.msk [tilespmem:v2+s9+$0x0], $0xffff  }
0xa9: {  	v2 =	vadd.s32 $0xC00, v0;
	_ =	sdelay $0x3  }
0xaa: {  	[tilespmem:s20+$0xC500] =	vst v1  }
0xab: {  	v1 =	vld.idx.msk [tilespmem:v2+s9+$0x0], $0xffff  }
0xac: {  	v2 =	vadd.s32 $0x1000, v0;
	_ =	sdelay $0x3  }
0xad: {  	[tilespmem:s20+$0xC580] =	vst v1  }
0xae: {  	v1 =	vld.idx.msk [tilespmem:v2+s9+$0x0], $0xffff  }
0xaf: {  	v2 =	vadd.s32 $0x1400, v0;
	_ =	sdelay $0x3  }
0xb0: {  	[tilespmem:s20+$0xC600] =	vst v1  }
0xb1: {  	v1 =	vld.idx.msk [tilespmem:v2+s9+$0x0], $0xffff  }
0xb2: {  	v2 =	vadd.s32 $0x1800, v0;
	_ =	sdelay $0x3  }
0xb3: {  	[tilespmem:s20+$0xC680] =	vst v1  }
0xb4: {  	v1 =	vld.idx.msk [tilespmem:v2+s9+$0x0], $0xffff  }
0xb5: {  	v2 =	vadd.s32 $0x1C00, v0;
	_ =	sdelay $0x3  }
0xb6: {  	[tilespmem:s20+$0xC700] =	vst v1  }
0xb7: {  	v1 =	vld.idx.msk [tilespmem:v2+s9+$0x0], $0xffff  }
0xb8: {  	v2 =	vadd.s32 $0x2000, v0;
	_ =	sdelay $0x1  }
0xb9: {  	s24 =	sor.u32 s19, s19  }
0xba: {  	s21 =	sor.u32 $0x380, s24  }
0xbb: {  	[tilespmem:s21+$0xC400] =	vst v1  }
0xbc: {  	v1 =	vld.idx.msk [tilespmem:v2+s9+$0x0], $0xffff  }
0xbd: {  	v2 =	vadd.s32 $0x2400, v0;
	_ =	sdelay $0x3  }
0xbe: {  	[tilespmem:s20+$0xE400] =	vst v1  }
0xbf: {  	v1 =	vld.idx.msk [tilespmem:v2+s9+$0x0], $0xffff  }
0xc0: {  	v2 =	vadd.s32 $0x2800, v0;
	_ =	sdelay $0x3  }
0xc1: {  	[tilespmem:s20+$0xE480] =	vst v1  }
0xc2: {  	v1 =	vld.idx.msk [tilespmem:v2+s9+$0x0], $0xffff  }
0xc3: {  	v2 =	vadd.s32 $0x2C00, v0;
	_ =	sdelay $0x3  }
0xc4: {  	[tilespmem:s20+$0xE500] =	vst v1  }
0xc5: {  	v1 =	vld.idx.msk [tilespmem:v2+s9+$0x0], $0xffff  }
0xc6: {  	v2 =	vadd.s32 $0x3000, v0;
	_ =	sdelay $0x3  }
0xc7: {  	[tilespmem:s20+$0xE580] =	vst v1  }
0xc8: {  	v1 =	vld.idx.msk [tilespmem:v2+s9+$0x0], $0xffff  }
0xc9: {  	v2 =	vadd.s32 $0x3400, v0;
	_ =	sdelay $0x3  }
0xca: {  	[tilespmem:s20+$0xE600] =	vst v1  }
0xcb: {  	v1 =	vld.idx.msk [tilespmem:v2+s9+$0x0], $0xffff  }
0xcc: {  	v2 =	vadd.s32 $0x3800, v0;
	_ =	sdelay $0x3  }
0xcd: {  	[tilespmem:s20+$0xE680] =	vst v1  }
0xce: {  	v1 =	vld.idx.msk [tilespmem:v2+s9+$0x0], $0xffff  }
0xcf: {  	v0 =	vadd.s32 $0x3C00, v0;
	_ =	sdelay $0x3  }
0xd0: {  	[tilespmem:s20+$0xE700] =	vst v1  }
0xd1: {  	s22 =	simm.s32 $0x0;
	s21 =	simm.s32 $0x10;
	v0 =	vld.idx.msk [tilespmem:v0+s9+$0x0], $0xffff  }
.LBB2_4:
0xd2: {  	_ =	sdelay $0x3  }
0xd3: {  	p0 =	sne.s32 s21, $0x3F0;
	s19 =	sadd.s32 $0x80, s19;
	s22 =	sadd.s32 $0x10, s22;
	[tilespmem:s20+$0xE780] =	vst v0  }
0xd4: {  	s23 =	smov.u32 s21;
	s21 =	sadd.s32 $0x10, s21;
	v0 =	vld [tilespmem:s22+$0x0];
	_ =	sdelay $0x7  }
0xd5: {  	v1 =	vld.idx.msk [tilespmem:v0+s9+$0x0], $0xffff;
	_ =	sdelay $0x1  }
0xd6: {  	v2 =	vadd.s32 $0x400, v0;
	_ =	sdelay $0x1  }
0xd7: {  	s24 =	sand.u32 $0x1C00, s19;
	s20 =	sand.u32 $0x70, s23  }
0xd8: {  	s20 =	sor.u32 s20, s24  }
0xd9: {  	[tilespmem:s20+$0xC400] =	vst v1  }
0xda: {  	v1 =	vld.idx.msk [tilespmem:v2+s9+$0x0], $0xffff;
	_ =	sdelay $0x1  }
0xdb: {  	v2 =	vadd.s32 $0x800, v0;
	_ =	sdelay $0x3  }
0xdc: {  	[tilespmem:s20+$0xC480] =	vst v1  }
0xdd: {  	v1 =	vld.idx.msk [tilespmem:v2+s9+$0x0], $0xffff;
	_ =	sdelay $0x1  }
0xde: {  	v2 =	vadd.s32 $0xC00, v0;
	_ =	sdelay $0x3  }
0xdf: {  	[tilespmem:s20+$0xC500] =	vst v1  }
0xe0: {  	v1 =	vld.idx.msk [tilespmem:v2+s9+$0x0], $0xffff;
	_ =	sdelay $0x1  }
0xe1: {  	v2 =	vadd.s32 $0x1000, v0;
	_ =	sdelay $0x3  }
0xe2: {  	[tilespmem:s20+$0xC580] =	vst v1  }
0xe3: {  	v1 =	vld.idx.msk [tilespmem:v2+s9+$0x0], $0xffff;
	_ =	sdelay $0x1  }
0xe4: {  	v2 =	vadd.s32 $0x1400, v0;
	_ =	sdelay $0x3  }
0xe5: {  	[tilespmem:s20+$0xC600] =	vst v1  }
0xe6: {  	v1 =	vld.idx.msk [tilespmem:v2+s9+$0x0], $0xffff;
	_ =	sdelay $0x1  }
0xe7: {  	v2 =	vadd.s32 $0x1800, v0;
	_ =	sdelay $0x3  }
0xe8: {  	[tilespmem:s20+$0xC680] =	vst v1  }
0xe9: {  	v1 =	vld.idx.msk [tilespmem:v2+s9+$0x0], $0xffff;
	_ =	sdelay $0x1  }
0xea: {  	v2 =	vadd.s32 $0x1C00, v0;
	_ =	sdelay $0x3  }
0xeb: {  	[tilespmem:s20+$0xC700] =	vst v1  }
0xec: {  	v1 =	vld.idx.msk [tilespmem:v2+s9+$0x0], $0xffff;
	_ =	sdelay $0x1  }
0xed: {  	v2 =	vadd.s32 $0x2000, v0;
	_ =	sdelay $0x1  }
0xee: {  	s23 =	sor.u32 s19, s23  }
0xef: {  	s23 =	sor.u32 $0x380, s23  }
0xf0: {  	[tilespmem:s23+$0xC400] =	vst v1  }
0xf1: {  	v1 =	vld.idx.msk [tilespmem:v2+s9+$0x0], $0xffff;
	_ =	sdelay $0x1  }
0xf2: {  	v2 =	vadd.s32 $0x2400, v0;
	_ =	sdelay $0x3  }
0xf3: {  	[tilespmem:s20+$0xE400] =	vst v1  }
0xf4: {  	v1 =	vld.idx.msk [tilespmem:v2+s9+$0x0], $0xffff;
	_ =	sdelay $0x1  }
0xf5: {  	v2 =	vadd.s32 $0x2800, v0;
	_ =	sdelay $0x3  }
0xf6: {  	[tilespmem:s20+$0xE480] =	vst v1  }
0xf7: {  	v1 =	vld.idx.msk [tilespmem:v2+s9+$0x0], $0xffff;
	_ =	sdelay $0x1  }
0xf8: {  	v2 =	vadd.s32 $0x2C00, v0;
	_ =	sdelay $0x3  }
0xf9: {  	[tilespmem:s20+$0xE500] =	vst v1  }
0xfa: {  	v1 =	vld.idx.msk [tilespmem:v2+s9+$0x0], $0xffff;
	_ =	sdelay $0x1  }
0xfb: {  	v2 =	vadd.s32 $0x3000, v0;
	_ =	sdelay $0x3  }
0xfc: {  	[tilespmem:s20+$0xE580] =	vst v1  }
0xfd: {  	v1 =	vld.idx.msk [tilespmem:v2+s9+$0x0], $0xffff;
	_ =	sdelay $0x1  }
0xfe: {  	v2 =	vadd.s32 $0x3400, v0;
	_ =	sdelay $0x3  }
0xff: {  	[tilespmem:s20+$0xE600] =	vst v1  }
0x100: {  	v1 =	vld.idx.msk [tilespmem:v2+s9+$0x0], $0xffff;
	_ =	sdelay $0x1  }
0x101: {  	v2 =	vadd.s32 $0x3800, v0;
	_ =	sdelay $0x3  }
0x102: {  	[tilespmem:s20+$0xE680] =	vst v1  }
0x103: {  	v1 =	vld.idx.msk [tilespmem:v2+s9+$0x0], $0xffff;
	_ =	sdelay $0x1  }
0x104: {  	v0 =	vadd.s32 $0x3C00, v0  }
.Ltmp1:
0x105: {  	(pc) =	sbr.rel @p0 .LBB2_4-.Ltmp1, $3  }
0x106: {  	_ =	sdelay $0x1  }
0x107: {  	[tilespmem:s20+$0xE700] =	vst v1  }
0x108: {  	v0 =	vld.idx.msk [tilespmem:v0+s9+$0x0], $0xffff  }
0x109: {  	_ =	sdelay $0x3  }
0x10a: {  	s19 =	rddreg [dreg:$0x8];
	[tilespmem:s20+$0xE780] =	vst v0  }
0x10b: {  	[hbm4b:s19+s11] =	stream.strided.scatter [tilespmem:s15], [sflag:$0x4], $0x4000, s12, s11, $0x38;
	[tilespmem:$0x10400] =	vst v63  }
0x10c: {  	s22 =	rddreg [dreg:$0x9];
	s19 =	simm.s32 $0x0  }
0x10d: {  	[tilespmem:s9], [sflag:$0x2] =	stream.linear.gather [hbm4b:s22+s19], $0x4000, $0x38;
	[tilespmem:$0x10400] =	vst v63  }
0x10e: {  	_ =	swait.ge [sflag:s10], $0x4000  }
0x10f: {  	[sflag:s10] =	ssyncset.done $0x0  }
0x110: {  	[sflag:s10] =	ssyncadd.s32 $0xFFFFC000  }
0x111: {  	_ =	swait.ge [sflag:s16], $0x4000  }
0x112: {  	[sflag:s16] =	ssyncset.done $0x0  }
0x113: {  	[sflag:s16] =	ssyncadd.s32 $0xFFFFC000  }
0x114: {  	v0 =	vld [tilespmem:s19+$0x0];
	_ =	sdelay $0x7  }
0x115: {  	v1 =	vld.idx.msk [tilespmem:v0+s8+$0x0], $0xffff  }
0x116: {  	v2 =	vadd.s32 $0x400, v0;
	_ =	sdelay $0x1  }
0x117: {  	s23 =	sand.u32 $0x70, s19;
	s21 =	sand.u32 $0x1C00, s19  }
0x118: {  	s20 =	sor.u32 s23, s21  }
0x119: {  	[tilespmem:s20+$0x8400] =	vst v1  }
0x11a: {  	v1 =	vld.idx.msk [tilespmem:v2+s8+$0x0], $0xffff  }
0x11b: {  	v2 =	vadd.s32 $0x800, v0;
	_ =	sdelay $0x3  }
0x11c: {  	[tilespmem:s20+$0x8480] =	vst v1  }
0x11d: {  	v1 =	vld.idx.msk [tilespmem:v2+s8+$0x0], $0xffff  }
0x11e: {  	v2 =	vadd.s32 $0xC00, v0;
	_ =	sdelay $0x3  }
0x11f: {  	[tilespmem:s20+$0x8500] =	vst v1  }
0x120: {  	v1 =	vld.idx.msk [tilespmem:v2+s8+$0x0], $0xffff  }
0x121: {  	v2 =	vadd.s32 $0x1000, v0;
	_ =	sdelay $0x3  }
0x122: {  	[tilespmem:s20+$0x8580] =	vst v1  }
0x123: {  	v1 =	vld.idx.msk [tilespmem:v2+s8+$0x0], $0xffff  }
0x124: {  	v2 =	vadd.s32 $0x1400, v0;
	_ =	sdelay $0x3  }
0x125: {  	[tilespmem:s20+$0x8600] =	vst v1  }
0x126: {  	v1 =	vld.idx.msk [tilespmem:v2+s8+$0x0], $0xffff  }
0x127: {  	v2 =	vadd.s32 $0x1800, v0;
	_ =	sdelay $0x3  }
0x128: {  	[tilespmem:s20+$0x8680] =	vst v1  }
0x129: {  	v1 =	vld.idx.msk [tilespmem:v2+s8+$0x0], $0xffff  }
0x12a: {  	v2 =	vadd.s32 $0x1C00, v0;
	_ =	sdelay $0x3  }
0x12b: {  	[tilespmem:s20+$0x8700] =	vst v1  }
0x12c: {  	v1 =	vld.idx.msk [tilespmem:v2+s8+$0x0], $0xffff  }
0x12d: {  	v2 =	vadd.s32 $0x2000, v0;
	_ =	sdelay $0x1  }
0x12e: {  	s24 =	sor.u32 s19, s19  }
0x12f: {  	s21 =	sor.u32 $0x380, s24  }
0x130: {  	[tilespmem:s21+$0x8400] =	vst v1  }
0x131: {  	v1 =	vld.idx.msk [tilespmem:v2+s8+$0x0], $0xffff  }
0x132: {  	v2 =	vadd.s32 $0x2400, v0;
	_ =	sdelay $0x3  }
0x133: {  	[tilespmem:s20+$0xA400] =	vst v1  }
0x134: {  	v1 =	vld.idx.msk [tilespmem:v2+s8+$0x0], $0xffff  }
0x135: {  	v2 =	vadd.s32 $0x2800, v0;
	_ =	sdelay $0x3  }
0x136: {  	[tilespmem:s20+$0xA480] =	vst v1  }
0x137: {  	v1 =	vld.idx.msk [tilespmem:v2+s8+$0x0], $0xffff  }
0x138: {  	v2 =	vadd.s32 $0x2C00, v0;
	_ =	sdelay $0x3  }
0x139: {  	[tilespmem:s20+$0xA500] =	vst v1  }
0x13a: {  	v1 =	vld.idx.msk [tilespmem:v2+s8+$0x0], $0xffff  }
0x13b: {  	v2 =	vadd.s32 $0x3000, v0;
	_ =	sdelay $0x3  }
0x13c: {  	[tilespmem:s20+$0xA580] =	vst v1  }
0x13d: {  	v1 =	vld.idx.msk [tilespmem:v2+s8+$0x0], $0xffff  }
0x13e: {  	v2 =	vadd.s32 $0x3400, v0;
	_ =	sdelay $0x3  }
0x13f: {  	[tilespmem:s20+$0xA600] =	vst v1  }
0x140: {  	v1 =	vld.idx.msk [tilespmem:v2+s8+$0x0], $0xffff  }
0x141: {  	v2 =	vadd.s32 $0x3800, v0;
	_ =	sdelay $0x3  }
0x142: {  	[tilespmem:s20+$0xA680] =	vst v1  }
0x143: {  	v1 =	vld.idx.msk [tilespmem:v2+s8+$0x0], $0xffff  }
0x144: {  	v0 =	vadd.s32 $0x3C00, v0;
	_ =	sdelay $0x3  }
0x145: {  	[tilespmem:s20+$0xA700] =	vst v1  }
0x146: {  	s22 =	simm.s32 $0x0;
	s21 =	simm.s32 $0x10;
	v0 =	vld.idx.msk [tilespmem:v0+s8+$0x0], $0xffff  }
.LBB2_6:
0x147: {  	_ =	sdelay $0x3  }
0x148: {  	p0 =	sne.s32 s21, $0x3F0;
	s19 =	sadd.s32 $0x80, s19;
	s22 =	sadd.s32 $0x10, s22;
	[tilespmem:s20+$0xA780] =	vst v0  }
0x149: {  	s23 =	smov.u32 s21;
	s21 =	sadd.s32 $0x10, s21;
	v0 =	vld [tilespmem:s22+$0x0];
	_ =	sdelay $0x7  }
0x14a: {  	v1 =	vld.idx.msk [tilespmem:v0+s8+$0x0], $0xffff;
	_ =	sdelay $0x1  }
0x14b: {  	v2 =	vadd.s32 $0x400, v0;
	_ =	sdelay $0x1  }
0x14c: {  	s24 =	sand.u32 $0x1C00, s19;
	s20 =	sand.u32 $0x70, s23  }
0x14d: {  	s20 =	sor.u32 s20, s24  }
0x14e: {  	[tilespmem:s20+$0x8400] =	vst v1  }
0x14f: {  	v1 =	vld.idx.msk [tilespmem:v2+s8+$0x0], $0xffff;
	_ =	sdelay $0x1  }
0x150: {  	v2 =	vadd.s32 $0x800, v0;
	_ =	sdelay $0x3  }
0x151: {  	[tilespmem:s20+$0x8480] =	vst v1  }
0x152: {  	v1 =	vld.idx.msk [tilespmem:v2+s8+$0x0], $0xffff;
	_ =	sdelay $0x1  }
0x153: {  	v2 =	vadd.s32 $0xC00, v0;
	_ =	sdelay $0x3  }
0x154: {  	[tilespmem:s20+$0x8500] =	vst v1  }
0x155: {  	v1 =	vld.idx.msk [tilespmem:v2+s8+$0x0], $0xffff;
	_ =	sdelay $0x1  }
0x156: {  	v2 =	vadd.s32 $0x1000, v0;
	_ =	sdelay $0x3  }
0x157: {  	[tilespmem:s20+$0x8580] =	vst v1  }
0x158: {  	v1 =	vld.idx.msk [tilespmem:v2+s8+$0x0], $0xffff;
	_ =	sdelay $0x1  }
0x159: {  	v2 =	vadd.s32 $0x1400, v0;
	_ =	sdelay $0x3  }
0x15a: {  	[tilespmem:s20+$0x8600] =	vst v1  }
0x15b: {  	v1 =	vld.idx.msk [tilespmem:v2+s8+$0x0], $0xffff;
	_ =	sdelay $0x1  }
0x15c: {  	v2 =	vadd.s32 $0x1800, v0;
	_ =	sdelay $0x3  }
0x15d: {  	[tilespmem:s20+$0x8680] =	vst v1  }
0x15e: {  	v1 =	vld.idx.msk [tilespmem:v2+s8+$0x0], $0xffff;
	_ =	sdelay $0x1  }
0x15f: {  	v2 =	vadd.s32 $0x1C00, v0;
	_ =	sdelay $0x3  }
0x160: {  	[tilespmem:s20+$0x8700] =	vst v1  }
0x161: {  	v1 =	vld.idx.msk [tilespmem:v2+s8+$0x0], $0xffff;
	_ =	sdelay $0x1  }
0x162: {  	v2 =	vadd.s32 $0x2000, v0;
	_ =	sdelay $0x1  }
0x163: {  	s23 =	sor.u32 s19, s23  }
0x164: {  	s23 =	sor.u32 $0x380, s23  }
0x165: {  	[tilespmem:s23+$0x8400] =	vst v1  }
0x166: {  	v1 =	vld.idx.msk [tilespmem:v2+s8+$0x0], $0xffff;
	_ =	sdelay $0x1  }
0x167: {  	v2 =	vadd.s32 $0x2400, v0;
	_ =	sdelay $0x3  }
0x168: {  	[tilespmem:s20+$0xA400] =	vst v1  }
0x169: {  	v1 =	vld.idx.msk [tilespmem:v2+s8+$0x0], $0xffff;
	_ =	sdelay $0x1  }
0x16a: {  	v2 =	vadd.s32 $0x2800, v0;
	_ =	sdelay $0x3  }
0x16b: {  	[tilespmem:s20+$0xA480] =	vst v1  }
0x16c: {  	v1 =	vld.idx.msk [tilespmem:v2+s8+$0x0], $0xffff;
	_ =	sdelay $0x1  }
0x16d: {  	v2 =	vadd.s32 $0x2C00, v0;
	_ =	sdelay $0x3  }
0x16e: {  	[tilespmem:s20+$0xA500] =	vst v1  }
0x16f: {  	v1 =	vld.idx.msk [tilespmem:v2+s8+$0x0], $0xffff;
	_ =	sdelay $0x1  }
0x170: {  	v2 =	vadd.s32 $0x3000, v0;
	_ =	sdelay $0x3  }
0x171: {  	[tilespmem:s20+$0xA580] =	vst v1  }
0x172: {  	v1 =	vld.idx.msk [tilespmem:v2+s8+$0x0], $0xffff;
	_ =	sdelay $0x1  }
0x173: {  	v2 =	vadd.s32 $0x3400, v0;
	_ =	sdelay $0x3  }
0x174: {  	[tilespmem:s20+$0xA600] =	vst v1  }
0x175: {  	v1 =	vld.idx.msk [tilespmem:v2+s8+$0x0], $0xffff;
	_ =	sdelay $0x1  }
0x176: {  	v2 =	vadd.s32 $0x3800, v0;
	_ =	sdelay $0x3  }
0x177: {  	[tilespmem:s20+$0xA680] =	vst v1  }
0x178: {  	v1 =	vld.idx.msk [tilespmem:v2+s8+$0x0], $0xffff;
	_ =	sdelay $0x1  }
0x179: {  	v0 =	vadd.s32 $0x3C00, v0  }
.Ltmp2:
0x17a: {  	(pc) =	sbr.rel @p0 .LBB2_6-.Ltmp2, $3  }
0x17b: {  	_ =	sdelay $0x1  }
0x17c: {  	[tilespmem:s20+$0xA700] =	vst v1  }
0x17d: {  	v0 =	vld.idx.msk [tilespmem:v0+s8+$0x0], $0xffff  }
0x17e: {  	_ =	sdelay $0x3  }
0x17f: {  	s19 =	rddreg [dreg:$0xa];
	[tilespmem:s20+$0xA780] =	vst v0  }
0x180: {  	[hbm4b:s19+s11] =	stream.strided.scatter [tilespmem:s13], [sflag:$0x3], $0x4000, s12, s11, $0x38;
	[tilespmem:$0x10400] =	vst v63  }
0x181: {  	s22 =	rddreg [dreg:$0xb];
	s19 =	simm.s32 $0x0  }
0x182: {  	[tilespmem:s8], [sflag:$0x1] =	stream.linear.gather [hbm4b:s22+s19], $0x4000, $0x38;
	[tilespmem:$0x10400] =	vst v63  }
0x183: {  	_ =	swait.ge [sflag:s14], $0x4000  }
0x184: {  	[sflag:s14] =	ssyncset.done $0x0  }
0x185: {  	[sflag:s14] =	ssyncadd.s32 $0xFFFFC000  }
0x186: {  	_ =	swait.ge [sflag:s17], $0x4000  }
0x187: {  	[sflag:s17] =	ssyncset.done $0x0  }
0x188: {  	[sflag:s17] =	ssyncadd.s32 $0xFFFFC000  }
0x189: {  	v0 =	vld [tilespmem:s19+$0x0];
	_ =	sdelay $0x7  }
0x18a: {  	v1 =	vld.idx.msk [tilespmem:v0+s9+$0x0], $0xffff  }
0x18b: {  	v2 =	vadd.s32 $0x400, v0;
	_ =	sdelay $0x1  }
0x18c: {  	s23 =	sand.u32 $0x70, s19;
	s21 =	sand.u32 $0x1C00, s19  }
0x18d: {  	s20 =	sor.u32 s23, s21  }
0x18e: {  	[tilespmem:s20+$0xC400] =	vst v1  }
0x18f: {  	v1 =	vld.idx.msk [tilespmem:v2+s9+$0x0], $0xffff  }
0x190: {  	v2 =	vadd.s32 $0x800, v0;
	_ =	sdelay $0x3  }
0x191: {  	[tilespmem:s20+$0xC480] =	vst v1  }
0x192: {  	v1 =	vld.idx.msk [tilespmem:v2+s9+$0x0], $0xffff  }
0x193: {  	v2 =	vadd.s32 $0xC00, v0;
	_ =	sdelay $0x3  }
0x194: {  	[tilespmem:s20+$0xC500] =	vst v1  }
0x195: {  	v1 =	vld.idx.msk [tilespmem:v2+s9+$0x0], $0xffff  }
0x196: {  	v2 =	vadd.s32 $0x1000, v0;
	_ =	sdelay $0x3  }
0x197: {  	[tilespmem:s20+$0xC580] =	vst v1  }
0x198: {  	v1 =	vld.idx.msk [tilespmem:v2+s9+$0x0], $0xffff  }
0x199: {  	v2 =	vadd.s32 $0x1400, v0;
	_ =	sdelay $0x3  }
0x19a: {  	[tilespmem:s20+$0xC600] =	vst v1  }
0x19b: {  	v1 =	vld.idx.msk [tilespmem:v2+s9+$0x0], $0xffff  }
0x19c: {  	v2 =	vadd.s32 $0x1800, v0;
	_ =	sdelay $0x3  }
0x19d: {  	[tilespmem:s20+$0xC680] =	vst v1  }
0x19e: {  	v1 =	vld.idx.msk [tilespmem:v2+s9+$0x0], $0xffff  }
0x19f: {  	v2 =	vadd.s32 $0x1C00, v0;
	_ =	sdelay $0x3  }
0x1a0: {  	[tilespmem:s20+$0xC700] =	vst v1  }
0x1a1: {  	v1 =	vld.idx.msk [tilespmem:v2+s9+$0x0], $0xffff  }
0x1a2: {  	v2 =	vadd.s32 $0x2000, v0;
	_ =	sdelay $0x1  }
0x1a3: {  	s24 =	sor.u32 s19, s19  }
0x1a4: {  	s21 =	sor.u32 $0x380, s24  }
0x1a5: {  	[tilespmem:s21+$0xC400] =	vst v1  }
0x1a6: {  	v1 =	vld.idx.msk [tilespmem:v2+s9+$0x0], $0xffff  }
0x1a7: {  	v2 =	vadd.s32 $0x2400, v0;
	_ =	sdelay $0x3  }
0x1a8: {  	[tilespmem:s20+$0xE400] =	vst v1  }
0x1a9: {  	v1 =	vld.idx.msk [tilespmem:v2+s9+$0x0], $0xffff  }
0x1aa: {  	v2 =	vadd.s32 $0x2800, v0;
	_ =	sdelay $0x3  }
0x1ab: {  	[tilespmem:s20+$0xE480] =	vst v1  }
0x1ac: {  	v1 =	vld.idx.msk [tilespmem:v2+s9+$0x0], $0xffff  }
0x1ad: {  	v2 =	vadd.s32 $0x2C00, v0;
	_ =	sdelay $0x3  }
0x1ae: {  	[tilespmem:s20+$0xE500] =	vst v1  }
0x1af: {  	v1 =	vld.idx.msk [tilespmem:v2+s9+$0x0], $0xffff  }
0x1b0: {  	v2 =	vadd.s32 $0x3000, v0;
	_ =	sdelay $0x3  }
0x1b1: {  	[tilespmem:s20+$0xE580] =	vst v1  }
0x1b2: {  	v1 =	vld.idx.msk [tilespmem:v2+s9+$0x0], $0xffff  }
0x1b3: {  	v2 =	vadd.s32 $0x3400, v0;
	_ =	sdelay $0x3  }
0x1b4: {  	[tilespmem:s20+$0xE600] =	vst v1  }
0x1b5: {  	v1 =	vld.idx.msk [tilespmem:v2+s9+$0x0], $0xffff  }
0x1b6: {  	v2 =	vadd.s32 $0x3800, v0;
	_ =	sdelay $0x3  }
0x1b7: {  	[tilespmem:s20+$0xE680] =	vst v1  }
0x1b8: {  	v1 =	vld.idx.msk [tilespmem:v2+s9+$0x0], $0xffff  }
0x1b9: {  	v0 =	vadd.s32 $0x3C00, v0;
	_ =	sdelay $0x3  }
0x1ba: {  	[tilespmem:s20+$0xE700] =	vst v1  }
0x1bb: {  	s22 =	simm.s32 $0x0;
	s21 =	simm.s32 $0x10;
	v0 =	vld.idx.msk [tilespmem:v0+s9+$0x0], $0xffff  }
.LBB2_8:
0x1bc: {  	_ =	sdelay $0x3  }
0x1bd: {  	p0 =	sne.s32 s21, $0x3F0;
	s19 =	sadd.s32 $0x80, s19;
	s22 =	sadd.s32 $0x10, s22;
	[tilespmem:s20+$0xE780] =	vst v0  }
0x1be: {  	s23 =	smov.u32 s21;
	s21 =	sadd.s32 $0x10, s21;
	v0 =	vld [tilespmem:s22+$0x0];
	_ =	sdelay $0x7  }
0x1bf: {  	v1 =	vld.idx.msk [tilespmem:v0+s9+$0x0], $0xffff;
	_ =	sdelay $0x1  }
0x1c0: {  	v2 =	vadd.s32 $0x400, v0;
	_ =	sdelay $0x1  }
0x1c1: {  	s24 =	sand.u32 $0x1C00, s19;
	s20 =	sand.u32 $0x70, s23  }
0x1c2: {  	s20 =	sor.u32 s20, s24  }
0x1c3: {  	[tilespmem:s20+$0xC400] =	vst v1  }
0x1c4: {  	v1 =	vld.idx.msk [tilespmem:v2+s9+$0x0], $0xffff;
	_ =	sdelay $0x1  }
0x1c5: {  	v2 =	vadd.s32 $0x800, v0;
	_ =	sdelay $0x3  }
0x1c6: {  	[tilespmem:s20+$0xC480] =	vst v1  }
0x1c7: {  	v1 =	vld.idx.msk [tilespmem:v2+s9+$0x0], $0xffff;
	_ =	sdelay $0x1  }
0x1c8: {  	v2 =	vadd.s32 $0xC00, v0;
	_ =	sdelay $0x3  }
0x1c9: {  	[tilespmem:s20+$0xC500] =	vst v1  }
0x1ca: {  	v1 =	vld.idx.msk [tilespmem:v2+s9+$0x0], $0xffff;
	_ =	sdelay $0x1  }
0x1cb: {  	v2 =	vadd.s32 $0x1000, v0;
	_ =	sdelay $0x3  }
0x1cc: {  	[tilespmem:s20+$0xC580] =	vst v1  }
0x1cd: {  	v1 =	vld.idx.msk [tilespmem:v2+s9+$0x0], $0xffff;
	_ =	sdelay $0x1  }
0x1ce: {  	v2 =	vadd.s32 $0x1400, v0;
	_ =	sdelay $0x3  }
0x1cf: {  	[tilespmem:s20+$0xC600] =	vst v1  }
0x1d0: {  	v1 =	vld.idx.msk [tilespmem:v2+s9+$0x0], $0xffff;
	_ =	sdelay $0x1  }
0x1d1: {  	v2 =	vadd.s32 $0x1800, v0;
	_ =	sdelay $0x3  }
0x1d2: {  	[tilespmem:s20+$0xC680] =	vst v1  }
0x1d3: {  	v1 =	vld.idx.msk [tilespmem:v2+s9+$0x0], $0xffff;
	_ =	sdelay $0x1  }
0x1d4: {  	v2 =	vadd.s32 $0x1C00, v0;
	_ =	sdelay $0x3  }
0x1d5: {  	[tilespmem:s20+$0xC700] =	vst v1  }
0x1d6: {  	v1 =	vld.idx.msk [tilespmem:v2+s9+$0x0], $0xffff;
	_ =	sdelay $0x1  }
0x1d7: {  	v2 =	vadd.s32 $0x2000, v0;
	_ =	sdelay $0x1  }
0x1d8: {  	s23 =	sor.u32 s19, s23  }
0x1d9: {  	s23 =	sor.u32 $0x380, s23  }
0x1da: {  	[tilespmem:s23+$0xC400] =	vst v1  }
0x1db: {  	v1 =	vld.idx.msk [tilespmem:v2+s9+$0x0], $0xffff;
	_ =	sdelay $0x1  }
0x1dc: {  	v2 =	vadd.s32 $0x2400, v0;
	_ =	sdelay $0x3  }
0x1dd: {  	[tilespmem:s20+$0xE400] =	vst v1  }
0x1de: {  	v1 =	vld.idx.msk [tilespmem:v2+s9+$0x0], $0xffff;
	_ =	sdelay $0x1  }
0x1df: {  	v2 =	vadd.s32 $0x2800, v0;
	_ =	sdelay $0x3  }
0x1e0: {  	[tilespmem:s20+$0xE480] =	vst v1  }
0x1e1: {  	v1 =	vld.idx.msk [tilespmem:v2+s9+$0x0], $0xffff;
	_ =	sdelay $0x1  }
0x1e2: {  	v2 =	vadd.s32 $0x2C00, v0;
	_ =	sdelay $0x3  }
0x1e3: {  	[tilespmem:s20+$0xE500] =	vst v1  }
0x1e4: {  	v1 =	vld.idx.msk [tilespmem:v2+s9+$0x0], $0xffff;
	_ =	sdelay $0x1  }
0x1e5: {  	v2 =	vadd.s32 $0x3000, v0;
	_ =	sdelay $0x3  }
0x1e6: {  	[tilespmem:s20+$0xE580] =	vst v1  }
0x1e7: {  	v1 =	vld.idx.msk [tilespmem:v2+s9+$0x0], $0xffff;
	_ =	sdelay $0x1  }
0x1e8: {  	v2 =	vadd.s32 $0x3400, v0;
	_ =	sdelay $0x3  }
0x1e9: {  	[tilespmem:s20+$0xE600] =	vst v1  }
0x1ea: {  	v1 =	vld.idx.msk [tilespmem:v2+s9+$0x0], $0xffff;
	_ =	sdelay $0x1  }
0x1eb: {  	v2 =	vadd.s32 $0x3800, v0;
	_ =	sdelay $0x3  }
0x1ec: {  	[tilespmem:s20+$0xE680] =	vst v1  }
0x1ed: {  	v1 =	vld.idx.msk [tilespmem:v2+s9+$0x0], $0xffff;
	_ =	sdelay $0x1  }
0x1ee: {  	v0 =	vadd.s32 $0x3C00, v0  }
.Ltmp3:
0x1ef: {  	(pc) =	sbr.rel @p0 .LBB2_8-.Ltmp3, $3  }
0x1f0: {  	_ =	sdelay $0x1  }
0x1f1: {  	[tilespmem:s20+$0xE700] =	vst v1  }
0x1f2: {  	v0 =	vld.idx.msk [tilespmem:v0+s9+$0x0], $0xffff  }
0x1f3: {  	_ =	sdelay $0x3  }
0x1f4: {  	s19 =	rddreg [dreg:$0xc];
	[tilespmem:s20+$0xE780] =	vst v0  }
0x1f5: {  	[hbm4b:s19+s11] =	stream.strided.scatter [tilespmem:s15], [sflag:$0x4], $0x4000, s12, s11, $0x38;
	[tilespmem:$0x10400] =	vst v63  }
0x1f6: {  	s22 =	rddreg [dreg:$0xd];
	s19 =	simm.s32 $0x0  }
0x1f7: {  	[tilespmem:s9], [sflag:$0x2] =	stream.linear.gather [hbm4b:s22+s19], $0x4000, $0x38;
	[tilespmem:$0x10400] =	vst v63  }
0x1f8: {  	_ =	swait.ge [sflag:s10], $0x4000  }
0x1f9: {  	[sflag:s10] =	ssyncset.done $0x0  }
0x1fa: {  	[sflag:s10] =	ssyncadd.s32 $0xFFFFC000  }
0x1fb: {  	_ =	swait.ge [sflag:s16], $0x4000  }
0x1fc: {  	[sflag:s16] =	ssyncset.done $0x0  }
0x1fd: {  	[sflag:s16] =	ssyncadd.s32 $0xFFFFC000  }
0x1fe: {  	v0 =	vld [tilespmem:s19+$0x0];
	_ =	sdelay $0x7  }
0x1ff: {  	v1 =	vld.idx.msk [tilespmem:v0+s8+$0x0], $0xffff  }
0x200: {  	v2 =	vadd.s32 $0x400, v0;
	_ =	sdelay $0x1  }
0x201: {  	s23 =	sand.u32 $0x70, s19;
	s21 =	sand.u32 $0x1C00, s19  }
0x202: {  	s20 =	sor.u32 s23, s21  }
0x203: {  	[tilespmem:s20+$0x8400] =	vst v1  }
0x204: {  	v1 =	vld.idx.msk [tilespmem:v2+s8+$0x0], $0xffff  }
0x205: {  	v2 =	vadd.s32 $0x800, v0;
	_ =	sdelay $0x3  }
0x206: {  	[tilespmem:s20+$0x8480] =	vst v1  }
0x207: {  	v1 =	vld.idx.msk [tilespmem:v2+s8+$0x0], $0xffff  }
0x208: {  	v2 =	vadd.s32 $0xC00, v0;
	_ =	sdelay $0x3  }
0x209: {  	[tilespmem:s20+$0x8500] =	vst v1  }
0x20a: {  	v1 =	vld.idx.msk [tilespmem:v2+s8+$0x0], $0xffff  }
0x20b: {  	v2 =	vadd.s32 $0x1000, v0;
	_ =	sdelay $0x3  }
0x20c: {  	[tilespmem:s20+$0x8580] =	vst v1  }
0x20d: {  	v1 =	vld.idx.msk [tilespmem:v2+s8+$0x0], $0xffff  }
0x20e: {  	v2 =	vadd.s32 $0x1400, v0;
	_ =	sdelay $0x3  }
0x20f: {  	[tilespmem:s20+$0x8600] =	vst v1  }
0x210: {  	v1 =	vld.idx.msk [tilespmem:v2+s8+$0x0], $0xffff  }
0x211: {  	v2 =	vadd.s32 $0x1800, v0;
	_ =	sdelay $0x3  }
0x212: {  	[tilespmem:s20+$0x8680] =	vst v1  }
0x213: {  	v1 =	vld.idx.msk [tilespmem:v2+s8+$0x0], $0xffff  }
0x214: {  	v2 =	vadd.s32 $0x1C00, v0;
	_ =	sdelay $0x3  }
0x215: {  	[tilespmem:s20+$0x8700] =	vst v1  }
0x216: {  	v1 =	vld.idx.msk [tilespmem:v2+s8+$0x0], $0xffff  }
0x217: {  	v2 =	vadd.s32 $0x2000, v0;
	_ =	sdelay $0x1  }
0x218: {  	s24 =	sor.u32 s19, s19  }
0x219: {  	s21 =	sor.u32 $0x380, s24  }
0x21a: {  	[tilespmem:s21+$0x8400] =	vst v1  }
0x21b: {  	v1 =	vld.idx.msk [tilespmem:v2+s8+$0x0], $0xffff  }
0x21c: {  	v2 =	vadd.s32 $0x2400, v0;
	_ =	sdelay $0x3  }
0x21d: {  	[tilespmem:s20+$0xA400] =	vst v1  }
0x21e: {  	v1 =	vld.idx.msk [tilespmem:v2+s8+$0x0], $0xffff  }
0x21f: {  	v2 =	vadd.s32 $0x2800, v0;
	_ =	sdelay $0x3  }
0x220: {  	[tilespmem:s20+$0xA480] =	vst v1  }
0x221: {  	v1 =	vld.idx.msk [tilespmem:v2+s8+$0x0], $0xffff  }
0x222: {  	v2 =	vadd.s32 $0x2C00, v0;
	_ =	sdelay $0x3  }
0x223: {  	[tilespmem:s20+$0xA500] =	vst v1  }
0x224: {  	v1 =	vld.idx.msk [tilespmem:v2+s8+$0x0], $0xffff  }
0x225: {  	v2 =	vadd.s32 $0x3000, v0;
	_ =	sdelay $0x3  }
0x226: {  	[tilespmem:s20+$0xA580] =	vst v1  }
0x227: {  	v1 =	vld.idx.msk [tilespmem:v2+s8+$0x0], $0xffff  }
0x228: {  	v2 =	vadd.s32 $0x3400, v0;
	_ =	sdelay $0x3  }
0x229: {  	[tilespmem:s20+$0xA600] =	vst v1  }
0x22a: {  	v1 =	vld.idx.msk [tilespmem:v2+s8+$0x0], $0xffff  }
0x22b: {  	v2 =	vadd.s32 $0x3800, v0;
	_ =	sdelay $0x3  }
0x22c: {  	[tilespmem:s20+$0xA680] =	vst v1  }
0x22d: {  	v1 =	vld.idx.msk [tilespmem:v2+s8+$0x0], $0xffff  }
0x22e: {  	v0 =	vadd.s32 $0x3C00, v0;
	_ =	sdelay $0x3  }
0x22f: {  	[tilespmem:s20+$0xA700] =	vst v1  }
0x230: {  	s22 =	simm.s32 $0x0;
	s21 =	simm.s32 $0x10;
	v0 =	vld.idx.msk [tilespmem:v0+s8+$0x0], $0xffff  }
.LBB2_10:
0x231: {  	_ =	sdelay $0x3  }
0x232: {  	p0 =	sne.s32 s21, $0x3F0;
	s19 =	sadd.s32 $0x80, s19;
	s22 =	sadd.s32 $0x10, s22;
	[tilespmem:s20+$0xA780] =	vst v0  }
0x233: {  	s23 =	smov.u32 s21;
	s21 =	sadd.s32 $0x10, s21;
	v0 =	vld [tilespmem:s22+$0x0];
	_ =	sdelay $0x7  }
0x234: {  	v1 =	vld.idx.msk [tilespmem:v0+s8+$0x0], $0xffff;
	_ =	sdelay $0x1  }
0x235: {  	v2 =	vadd.s32 $0x400, v0;
	_ =	sdelay $0x1  }
0x236: {  	s24 =	sand.u32 $0x1C00, s19;
	s20 =	sand.u32 $0x70, s23  }
0x237: {  	s20 =	sor.u32 s20, s24  }
0x238: {  	[tilespmem:s20+$0x8400] =	vst v1  }
0x239: {  	v1 =	vld.idx.msk [tilespmem:v2+s8+$0x0], $0xffff;
	_ =	sdelay $0x1  }
0x23a: {  	v2 =	vadd.s32 $0x800, v0;
	_ =	sdelay $0x3  }
0x23b: {  	[tilespmem:s20+$0x8480] =	vst v1  }
0x23c: {  	v1 =	vld.idx.msk [tilespmem:v2+s8+$0x0], $0xffff;
	_ =	sdelay $0x1  }
0x23d: {  	v2 =	vadd.s32 $0xC00, v0;
	_ =	sdelay $0x3  }
0x23e: {  	[tilespmem:s20+$0x8500] =	vst v1  }
0x23f: {  	v1 =	vld.idx.msk [tilespmem:v2+s8+$0x0], $0xffff;
	_ =	sdelay $0x1  }
0x240: {  	v2 =	vadd.s32 $0x1000, v0;
	_ =	sdelay $0x3  }
0x241: {  	[tilespmem:s20+$0x8580] =	vst v1  }
0x242: {  	v1 =	vld.idx.msk [tilespmem:v2+s8+$0x0], $0xffff;
	_ =	sdelay $0x1  }
0x243: {  	v2 =	vadd.s32 $0x1400, v0;
	_ =	sdelay $0x3  }
0x244: {  	[tilespmem:s20+$0x8600] =	vst v1  }
0x245: {  	v1 =	vld.idx.msk [tilespmem:v2+s8+$0x0], $0xffff;
	_ =	sdelay $0x1  }
0x246: {  	v2 =	vadd.s32 $0x1800, v0;
	_ =	sdelay $0x3  }
0x247: {  	[tilespmem:s20+$0x8680] =	vst v1  }
0x248: {  	v1 =	vld.idx.msk [tilespmem:v2+s8+$0x0], $0xffff;
	_ =	sdelay $0x1  }
0x249: {  	v2 =	vadd.s32 $0x1C00, v0;
	_ =	sdelay $0x3  }
0x24a: {  	[tilespmem:s20+$0x8700] =	vst v1  }
0x24b: {  	v1 =	vld.idx.msk [tilespmem:v2+s8+$0x0], $0xffff;
	_ =	sdelay $0x1  }
0x24c: {  	v2 =	vadd.s32 $0x2000, v0;
	_ =	sdelay $0x1  }
0x24d: {  	s23 =	sor.u32 s19, s23  }
0x24e: {  	s23 =	sor.u32 $0x380, s23  }
0x24f: {  	[tilespmem:s23+$0x8400] =	vst v1  }
0x250: {  	v1 =	vld.idx.msk [tilespmem:v2+s8+$0x0], $0xffff;
	_ =	sdelay $0x1  }
0x251: {  	v2 =	vadd.s32 $0x2400, v0;
	_ =	sdelay $0x3  }
0x252: {  	[tilespmem:s20+$0xA400] =	vst v1  }
0x253: {  	v1 =	vld.idx.msk [tilespmem:v2+s8+$0x0], $0xffff;
	_ =	sdelay $0x1  }
0x254: {  	v2 =	vadd.s32 $0x2800, v0;
	_ =	sdelay $0x3  }
0x255: {  	[tilespmem:s20+$0xA480] =	vst v1  }
0x256: {  	v1 =	vld.idx.msk [tilespmem:v2+s8+$0x0], $0xffff;
	_ =	sdelay $0x1  }
0x257: {  	v2 =	vadd.s32 $0x2C00, v0;
	_ =	sdelay $0x3  }
0x258: {  	[tilespmem:s20+$0xA500] =	vst v1  }
0x259: {  	v1 =	vld.idx.msk [tilespmem:v2+s8+$0x0], $0xffff;
	_ =	sdelay $0x1  }
0x25a: {  	v2 =	vadd.s32 $0x3000, v0;
	_ =	sdelay $0x3  }
0x25b: {  	[tilespmem:s20+$0xA580] =	vst v1  }
0x25c: {  	v1 =	vld.idx.msk [tilespmem:v2+s8+$0x0], $0xffff;
	_ =	sdelay $0x1  }
0x25d: {  	v2 =	vadd.s32 $0x3400, v0;
	_ =	sdelay $0x3  }
0x25e: {  	[tilespmem:s20+$0xA600] =	vst v1  }
0x25f: {  	v1 =	vld.idx.msk [tilespmem:v2+s8+$0x0], $0xffff;
	_ =	sdelay $0x1  }
0x260: {  	v2 =	vadd.s32 $0x3800, v0;
	_ =	sdelay $0x3  }
0x261: {  	[tilespmem:s20+$0xA680] =	vst v1  }
0x262: {  	v1 =	vld.idx.msk [tilespmem:v2+s8+$0x0], $0xffff;
	_ =	sdelay $0x1  }
0x263: {  	v0 =	vadd.s32 $0x3C00, v0  }
.Ltmp4:
0x264: {  	(pc) =	sbr.rel @p0 .LBB2_10-.Ltmp4, $3  }
0x265: {  	_ =	sdelay $0x1  }
0x266: {  	[tilespmem:s20+$0xA700] =	vst v1  }
0x267: {  	v0 =	vld.idx.msk [tilespmem:v0+s8+$0x0], $0xffff  }
0x268: {  	_ =	sdelay $0x3  }
0x269: {  	s19 =	rddreg [dreg:$0x18];
	[tilespmem:s20+$0xA780] =	vst v0  }
0x26a: {  	[hbm4b:s19+s11] =	stream.strided.scatter [tilespmem:s13], [sflag:$0x3], $0x4000, s12, s11, $0x38;
	[tilespmem:$0x10400] =	vst v63  }
0x26b: {  	s22 =	rddreg [dreg:$0xe];
	s19 =	simm.s32 $0x0  }
0x26c: {  	[tilespmem:s8], [sflag:$0x1] =	stream.linear.gather [hbm4b:s22+s19], $0x4000, $0x38;
	[tilespmem:$0x10400] =	vst v63  }
0x26d: {  	_ =	swait.ge [sflag:s14], $0x4000  }
0x26e: {  	[sflag:s14] =	ssyncset.done $0x0  }
0x26f: {  	[sflag:s14] =	ssyncadd.s32 $0xFFFFC000  }
0x270: {  	_ =	swait.ge [sflag:s17], $0x4000  }
0x271: {  	[sflag:s17] =	ssyncset.done $0x0  }
0x272: {  	[sflag:s17] =	ssyncadd.s32 $0xFFFFC000  }
0x273: {  	v0 =	vld [tilespmem:s19+$0x0];
	_ =	sdelay $0x7  }
0x274: {  	v1 =	vld.idx.msk [tilespmem:v0+s9+$0x0], $0xffff  }
0x275: {  	v2 =	vadd.s32 $0x400, v0;
	_ =	sdelay $0x1  }
0x276: {  	s23 =	sand.u32 $0x70, s19;
	s21 =	sand.u32 $0x1C00, s19  }
0x277: {  	s20 =	sor.u32 s23, s21  }
0x278: {  	[tilespmem:s20+$0xC400] =	vst v1  }
0x279: {  	v1 =	vld.idx.msk [tilespmem:v2+s9+$0x0], $0xffff  }
0x27a: {  	v2 =	vadd.s32 $0x800, v0;
	_ =	sdelay $0x3  }
0x27b: {  	[tilespmem:s20+$0xC480] =	vst v1  }
0x27c: {  	v1 =	vld.idx.msk [tilespmem:v2+s9+$0x0], $0xffff  }
0x27d: {  	v2 =	vadd.s32 $0xC00, v0;
	_ =	sdelay $0x3  }
0x27e: {  	[tilespmem:s20+$0xC500] =	vst v1  }
0x27f: {  	v1 =	vld.idx.msk [tilespmem:v2+s9+$0x0], $0xffff  }
0x280: {  	v2 =	vadd.s32 $0x1000, v0;
	_ =	sdelay $0x3  }
0x281: {  	[tilespmem:s20+$0xC580] =	vst v1  }
0x282: {  	v1 =	vld.idx.msk [tilespmem:v2+s9+$0x0], $0xffff  }
0x283: {  	v2 =	vadd.s32 $0x1400, v0;
	_ =	sdelay $0x3  }
0x284: {  	[tilespmem:s20+$0xC600] =	vst v1  }
0x285: {  	v1 =	vld.idx.msk [tilespmem:v2+s9+$0x0], $0xffff  }
0x286: {  	v2 =	vadd.s32 $0x1800, v0;
	_ =	sdelay $0x3  }
0x287: {  	[tilespmem:s20+$0xC680] =	vst v1  }
0x288: {  	v1 =	vld.idx.msk [tilespmem:v2+s9+$0x0], $0xffff  }
0x289: {  	v2 =	vadd.s32 $0x1C00, v0;
	_ =	sdelay $0x3  }
0x28a: {  	[tilespmem:s20+$0xC700] =	vst v1  }
0x28b: {  	v1 =	vld.idx.msk [tilespmem:v2+s9+$0x0], $0xffff  }
0x28c: {  	v2 =	vadd.s32 $0x2000, v0;
	_ =	sdelay $0x1  }
0x28d: {  	s24 =	sor.u32 s19, s19  }
0x28e: {  	s21 =	sor.u32 $0x380, s24  }
0x28f: {  	[tilespmem:s21+$0xC400] =	vst v1  }
0x290: {  	v1 =	vld.idx.msk [tilespmem:v2+s9+$0x0], $0xffff  }
0x291: {  	v2 =	vadd.s32 $0x2400, v0;
	_ =	sdelay $0x3  }
0x292: {  	[tilespmem:s20+$0xE400] =	vst v1  }
0x293: {  	v1 =	vld.idx.msk [tilespmem:v2+s9+$0x0], $0xffff  }
0x294: {  	v2 =	vadd.s32 $0x2800, v0;
	_ =	sdelay $0x3  }
0x295: {  	[tilespmem:s20+$0xE480] =	vst v1  }
0x296: {  	v1 =	vld.idx.msk [tilespmem:v2+s9+$0x0], $0xffff  }
0x297: {  	v2 =	vadd.s32 $0x2C00, v0;
	_ =	sdelay $0x3  }
0x298: {  	[tilespmem:s20+$0xE500] =	vst v1  }
0x299: {  	v1 =	vld.idx.msk [tilespmem:v2+s9+$0x0], $0xffff  }
0x29a: {  	v2 =	vadd.s32 $0x3000, v0;
	_ =	sdelay $0x3  }
0x29b: {  	[tilespmem:s20+$0xE580] =	vst v1  }
0x29c: {  	v1 =	vld.idx.msk [tilespmem:v2+s9+$0x0], $0xffff  }
0x29d: {  	v2 =	vadd.s32 $0x3400, v0;
	_ =	sdelay $0x3  }
0x29e: {  	[tilespmem:s20+$0xE600] =	vst v1  }
0x29f: {  	v1 =	vld.idx.msk [tilespmem:v2+s9+$0x0], $0xffff  }
0x2a0: {  	v2 =	vadd.s32 $0x3800, v0;
	_ =	sdelay $0x3  }
0x2a1: {  	[tilespmem:s20+$0xE680] =	vst v1  }
0x2a2: {  	v1 =	vld.idx.msk [tilespmem:v2+s9+$0x0], $0xffff  }
0x2a3: {  	v0 =	vadd.s32 $0x3C00, v0;
	_ =	sdelay $0x3  }
0x2a4: {  	[tilespmem:s20+$0xE700] =	vst v1  }
0x2a5: {  	s22 =	simm.s32 $0x0;
	s21 =	simm.s32 $0x10;
	v0 =	vld.idx.msk [tilespmem:v0+s9+$0x0], $0xffff  }
.LBB2_12:
0x2a6: {  	_ =	sdelay $0x3  }
0x2a7: {  	p0 =	sne.s32 s21, $0x3F0;
	s19 =	sadd.s32 $0x80, s19;
	s22 =	sadd.s32 $0x10, s22;
	[tilespmem:s20+$0xE780] =	vst v0  }
0x2a8: {  	s23 =	smov.u32 s21;
	s21 =	sadd.s32 $0x10, s21;
	v0 =	vld [tilespmem:s22+$0x0];
	_ =	sdelay $0x7  }
0x2a9: {  	v1 =	vld.idx.msk [tilespmem:v0+s9+$0x0], $0xffff;
	_ =	sdelay $0x1  }
0x2aa: {  	v2 =	vadd.s32 $0x400, v0;
	_ =	sdelay $0x1  }
0x2ab: {  	s24 =	sand.u32 $0x1C00, s19;
	s20 =	sand.u32 $0x70, s23  }
0x2ac: {  	s20 =	sor.u32 s20, s24  }
0x2ad: {  	[tilespmem:s20+$0xC400] =	vst v1  }
0x2ae: {  	v1 =	vld.idx.msk [tilespmem:v2+s9+$0x0], $0xffff;
	_ =	sdelay $0x1  }
0x2af: {  	v2 =	vadd.s32 $0x800, v0;
	_ =	sdelay $0x3  }
0x2b0: {  	[tilespmem:s20+$0xC480] =	vst v1  }
0x2b1: {  	v1 =	vld.idx.msk [tilespmem:v2+s9+$0x0], $0xffff;
	_ =	sdelay $0x1  }
0x2b2: {  	v2 =	vadd.s32 $0xC00, v0;
	_ =	sdelay $0x3  }
0x2b3: {  	[tilespmem:s20+$0xC500] =	vst v1  }
0x2b4: {  	v1 =	vld.idx.msk [tilespmem:v2+s9+$0x0], $0xffff;
	_ =	sdelay $0x1  }
0x2b5: {  	v2 =	vadd.s32 $0x1000, v0;
	_ =	sdelay $0x3  }
0x2b6: {  	[tilespmem:s20+$0xC580] =	vst v1  }
0x2b7: {  	v1 =	vld.idx.msk [tilespmem:v2+s9+$0x0], $0xffff;
	_ =	sdelay $0x1  }
0x2b8: {  	v2 =	vadd.s32 $0x1400, v0;
	_ =	sdelay $0x3  }
0x2b9: {  	[tilespmem:s20+$0xC600] =	vst v1  }
0x2ba: {  	v1 =	vld.idx.msk [tilespmem:v2+s9+$0x0], $0xffff;
	_ =	sdelay $0x1  }
0x2bb: {  	v2 =	vadd.s32 $0x1800, v0;
	_ =	sdelay $0x3  }
0x2bc: {  	[tilespmem:s20+$0xC680] =	vst v1  }
0x2bd: {  	v1 =	vld.idx.msk [tilespmem:v2+s9+$0x0], $0xffff;
	_ =	sdelay $0x1  }
0x2be: {  	v2 =	vadd.s32 $0x1C00, v0;
	_ =	sdelay $0x3  }
0x2bf: {  	[tilespmem:s20+$0xC700] =	vst v1  }
0x2c0: {  	v1 =	vld.idx.msk [tilespmem:v2+s9+$0x0], $0xffff;
	_ =	sdelay $0x1  }
0x2c1: {  	v2 =	vadd.s32 $0x2000, v0;
	_ =	sdelay $0x1  }
0x2c2: {  	s23 =	sor.u32 s19, s23  }
0x2c3: {  	s23 =	sor.u32 $0x380, s23  }
0x2c4: {  	[tilespmem:s23+$0xC400] =	vst v1  }
0x2c5: {  	v1 =	vld.idx.msk [tilespmem:v2+s9+$0x0], $0xffff;
	_ =	sdelay $0x1  }
0x2c6: {  	v2 =	vadd.s32 $0x2400, v0;
	_ =	sdelay $0x3  }
0x2c7: {  	[tilespmem:s20+$0xE400] =	vst v1  }
0x2c8: {  	v1 =	vld.idx.msk [tilespmem:v2+s9+$0x0], $0xffff;
	_ =	sdelay $0x1  }
0x2c9: {  	v2 =	vadd.s32 $0x2800, v0;
	_ =	sdelay $0x3  }
0x2ca: {  	[tilespmem:s20+$0xE480] =	vst v1  }
0x2cb: {  	v1 =	vld.idx.msk [tilespmem:v2+s9+$0x0], $0xffff;
	_ =	sdelay $0x1  }
0x2cc: {  	v2 =	vadd.s32 $0x2C00, v0;
	_ =	sdelay $0x3  }
0x2cd: {  	[tilespmem:s20+$0xE500] =	vst v1  }
0x2ce: {  	v1 =	vld.idx.msk [tilespmem:v2+s9+$0x0], $0xffff;
	_ =	sdelay $0x1  }
0x2cf: {  	v2 =	vadd.s32 $0x3000, v0;
	_ =	sdelay $0x3  }
0x2d0: {  	[tilespmem:s20+$0xE580] =	vst v1  }
0x2d1: {  	v1 =	vld.idx.msk [tilespmem:v2+s9+$0x0], $0xffff;
	_ =	sdelay $0x1  }
0x2d2: {  	v2 =	vadd.s32 $0x3400, v0;
	_ =	sdelay $0x3  }
0x2d3: {  	[tilespmem:s20+$0xE600] =	vst v1  }
0x2d4: {  	v1 =	vld.idx.msk [tilespmem:v2+s9+$0x0], $0xffff;
	_ =	sdelay $0x1  }
0x2d5: {  	v2 =	vadd.s32 $0x3800, v0;
	_ =	sdelay $0x3  }
0x2d6: {  	[tilespmem:s20+$0xE680] =	vst v1  }
0x2d7: {  	v1 =	vld.idx.msk [tilespmem:v2+s9+$0x0], $0xffff;
	_ =	sdelay $0x1  }
0x2d8: {  	v0 =	vadd.s32 $0x3C00, v0  }
.Ltmp5:
0x2d9: {  	(pc) =	sbr.rel @p0 .LBB2_12-.Ltmp5, $3  }
0x2da: {  	_ =	sdelay $0x1  }
0x2db: {  	[tilespmem:s20+$0xE700] =	vst v1  }
0x2dc: {  	v0 =	vld.idx.msk [tilespmem:v0+s9+$0x0], $0xffff  }
0x2dd: {  	_ =	sdelay $0x3  }
0x2de: {  	[tilespmem:s20+$0xE780] =	vst v0  }
0x2df: {  	[hbm4b:s25+s11] =	stream.strided.scatter [tilespmem:s15], [sflag:$0x4], $0x4000, s12, s11, $0x38;
	[tilespmem:$0x10400] =	vst v63  }
0x2e0: {  	s19 =	simm.s32 $0x0;
	s22 =	rddreg [dreg:$0xf]  }
0x2e1: {  	[tilespmem:s9], [sflag:$0x2] =	stream.linear.gather [hbm4b:s22+s19], $0x4000, $0x38;
	[tilespmem:$0x10400] =	vst v63  }
0x2e2: {  	_ =	swait.ge [sflag:s10], $0x4000  }
0x2e3: {  	[sflag:s10] =	ssyncset.done $0x0  }
0x2e4: {  	[sflag:s10] =	ssyncadd.s32 $0xFFFFC000  }
0x2e5: {  	_ =	swait.ge [sflag:s16], $0x4000  }
0x2e6: {  	[sflag:s16] =	ssyncset.done $0x0  }
0x2e7: {  	[sflag:s16] =	ssyncadd.s32 $0xFFFFC000  }
0x2e8: {  	v0 =	vld [tilespmem:s19+$0x0];
	_ =	sdelay $0x7  }
0x2e9: {  	v1 =	vld.idx.msk [tilespmem:v0+s8+$0x0], $0xffff  }
0x2ea: {  	v2 =	vadd.s32 $0x400, v0;
	_ =	sdelay $0x1  }
0x2eb: {  	s23 =	sand.u32 $0x70, s19;
	s21 =	sand.u32 $0x1C00, s19  }
0x2ec: {  	s20 =	sor.u32 s23, s21  }
0x2ed: {  	[tilespmem:s20+$0x8400] =	vst v1  }
0x2ee: {  	v1 =	vld.idx.msk [tilespmem:v2+s8+$0x0], $0xffff  }
0x2ef: {  	v2 =	vadd.s32 $0x800, v0;
	_ =	sdelay $0x3  }
0x2f0: {  	[tilespmem:s20+$0x8480] =	vst v1  }
0x2f1: {  	v1 =	vld.idx.msk [tilespmem:v2+s8+$0x0], $0xffff  }
0x2f2: {  	v2 =	vadd.s32 $0xC00, v0;
	_ =	sdelay $0x3  }
0x2f3: {  	[tilespmem:s20+$0x8500] =	vst v1  }
0x2f4: {  	v1 =	vld.idx.msk [tilespmem:v2+s8+$0x0], $0xffff  }
0x2f5: {  	v2 =	vadd.s32 $0x1000, v0;
	_ =	sdelay $0x3  }
0x2f6: {  	[tilespmem:s20+$0x8580] =	vst v1  }
0x2f7: {  	v1 =	vld.idx.msk [tilespmem:v2+s8+$0x0], $0xffff  }
0x2f8: {  	v2 =	vadd.s32 $0x1400, v0;
	_ =	sdelay $0x3  }
0x2f9: {  	[tilespmem:s20+$0x8600] =	vst v1  }
0x2fa: {  	v1 =	vld.idx.msk [tilespmem:v2+s8+$0x0], $0xffff  }
0x2fb: {  	v2 =	vadd.s32 $0x1800, v0;
	_ =	sdelay $0x3  }
0x2fc: {  	[tilespmem:s20+$0x8680] =	vst v1  }
0x2fd: {  	v1 =	vld.idx.msk [tilespmem:v2+s8+$0x0], $0xffff  }
0x2fe: {  	v2 =	vadd.s32 $0x1C00, v0;
	_ =	sdelay $0x3  }
0x2ff: {  	[tilespmem:s20+$0x8700] =	vst v1  }
0x300: {  	v1 =	vld.idx.msk [tilespmem:v2+s8+$0x0], $0xffff  }
0x301: {  	v2 =	vadd.s32 $0x2000, v0;
	_ =	sdelay $0x1  }
0x302: {  	s24 =	sor.u32 s19, s19  }
0x303: {  	s21 =	sor.u32 $0x380, s24  }
0x304: {  	[tilespmem:s21+$0x8400] =	vst v1  }
0x305: {  	v1 =	vld.idx.msk [tilespmem:v2+s8+$0x0], $0xffff  }
0x306: {  	v2 =	vadd.s32 $0x2400, v0;
	_ =	sdelay $0x3  }
0x307: {  	[tilespmem:s20+$0xA400] =	vst v1  }
0x308: {  	v1 =	vld.idx.msk [tilespmem:v2+s8+$0x0], $0xffff  }
0x309: {  	v2 =	vadd.s32 $0x2800, v0;
	_ =	sdelay $0x3  }
0x30a: {  	[tilespmem:s20+$0xA480] =	vst v1  }
0x30b: {  	v1 =	vld.idx.msk [tilespmem:v2+s8+$0x0], $0xffff  }
0x30c: {  	v2 =	vadd.s32 $0x2C00, v0;
	_ =	sdelay $0x3  }
0x30d: {  	[tilespmem:s20+$0xA500] =	vst v1  }
0x30e: {  	v1 =	vld.idx.msk [tilespmem:v2+s8+$0x0], $0xffff  }
0x30f: {  	v2 =	vadd.s32 $0x3000, v0;
	_ =	sdelay $0x3  }
0x310: {  	[tilespmem:s20+$0xA580] =	vst v1  }
0x311: {  	v1 =	vld.idx.msk [tilespmem:v2+s8+$0x0], $0xffff  }
0x312: {  	v2 =	vadd.s32 $0x3400, v0;
	_ =	sdelay $0x3  }
0x313: {  	[tilespmem:s20+$0xA600] =	vst v1  }
0x314: {  	v1 =	vld.idx.msk [tilespmem:v2+s8+$0x0], $0xffff  }
0x315: {  	v2 =	vadd.s32 $0x3800, v0;
	_ =	sdelay $0x3  }
0x316: {  	[tilespmem:s20+$0xA680] =	vst v1  }
0x317: {  	v1 =	vld.idx.msk [tilespmem:v2+s8+$0x0], $0xffff  }
0x318: {  	v0 =	vadd.s32 $0x3C00, v0;
	_ =	sdelay $0x3  }
0x319: {  	[tilespmem:s20+$0xA700] =	vst v1  }
0x31a: {  	s22 =	simm.s32 $0x0;
	s21 =	simm.s32 $0x10;
	v0 =	vld.idx.msk [tilespmem:v0+s8+$0x0], $0xffff  }
.LBB2_14:
0x31b: {  	_ =	sdelay $0x3  }
0x31c: {  	p0 =	sne.s32 s21, $0x3F0;
	s19 =	sadd.s32 $0x80, s19;
	s22 =	sadd.s32 $0x10, s22;
	[tilespmem:s20+$0xA780] =	vst v0  }
0x31d: {  	s23 =	smov.u32 s21;
	s21 =	sadd.s32 $0x10, s21;
	v0 =	vld [tilespmem:s22+$0x0];
	_ =	sdelay $0x7  }
0x31e: {  	v1 =	vld.idx.msk [tilespmem:v0+s8+$0x0], $0xffff;
	_ =	sdelay $0x1  }
0x31f: {  	v2 =	vadd.s32 $0x400, v0;
	_ =	sdelay $0x1  }
0x320: {  	s24 =	sand.u32 $0x1C00, s19;
	s20 =	sand.u32 $0x70, s23  }
0x321: {  	s20 =	sor.u32 s20, s24  }
0x322: {  	[tilespmem:s20+$0x8400] =	vst v1  }
0x323: {  	v1 =	vld.idx.msk [tilespmem:v2+s8+$0x0], $0xffff;
	_ =	sdelay $0x1  }
0x324: {  	v2 =	vadd.s32 $0x800, v0;
	_ =	sdelay $0x3  }
0x325: {  	[tilespmem:s20+$0x8480] =	vst v1  }
0x326: {  	v1 =	vld.idx.msk [tilespmem:v2+s8+$0x0], $0xffff;
	_ =	sdelay $0x1  }
0x327: {  	v2 =	vadd.s32 $0xC00, v0;
	_ =	sdelay $0x3  }
0x328: {  	[tilespmem:s20+$0x8500] =	vst v1  }
0x329: {  	v1 =	vld.idx.msk [tilespmem:v2+s8+$0x0], $0xffff;
	_ =	sdelay $0x1  }
0x32a: {  	v2 =	vadd.s32 $0x1000, v0;
	_ =	sdelay $0x3  }
0x32b: {  	[tilespmem:s20+$0x8580] =	vst v1  }
0x32c: {  	v1 =	vld.idx.msk [tilespmem:v2+s8+$0x0], $0xffff;
	_ =	sdelay $0x1  }
0x32d: {  	v2 =	vadd.s32 $0x1400, v0;
	_ =	sdelay $0x3  }
0x32e: {  	[tilespmem:s20+$0x8600] =	vst v1  }
0x32f: {  	v1 =	vld.idx.msk [tilespmem:v2+s8+$0x0], $0xffff;
	_ =	sdelay $0x1  }
0x330: {  	v2 =	vadd.s32 $0x1800, v0;
	_ =	sdelay $0x3  }
0x331: {  	[tilespmem:s20+$0x8680] =	vst v1  }
0x332: {  	v1 =	vld.idx.msk [tilespmem:v2+s8+$0x0], $0xffff;
	_ =	sdelay $0x1  }
0x333: {  	v2 =	vadd.s32 $0x1C00, v0;
	_ =	sdelay $0x3  }
0x334: {  	[tilespmem:s20+$0x8700] =	vst v1  }
0x335: {  	v1 =	vld.idx.msk [tilespmem:v2+s8+$0x0], $0xffff;
	_ =	sdelay $0x1  }
0x336: {  	v2 =	vadd.s32 $0x2000, v0;
	_ =	sdelay $0x1  }
0x337: {  	s23 =	sor.u32 s19, s23  }
0x338: {  	s23 =	sor.u32 $0x380, s23  }
0x339: {  	[tilespmem:s23+$0x8400] =	vst v1  }
0x33a: {  	v1 =	vld.idx.msk [tilespmem:v2+s8+$0x0], $0xffff;
	_ =	sdelay $0x1  }
0x33b: {  	v2 =	vadd.s32 $0x2400, v0;
	_ =	sdelay $0x3  }
0x33c: {  	[tilespmem:s20+$0xA400] =	vst v1  }
0x33d: {  	v1 =	vld.idx.msk [tilespmem:v2+s8+$0x0], $0xffff;
	_ =	sdelay $0x1  }
0x33e: {  	v2 =	vadd.s32 $0x2800, v0;
	_ =	sdelay $0x3  }
0x33f: {  	[tilespmem:s20+$0xA480] =	vst v1  }
0x340: {  	v1 =	vld.idx.msk [tilespmem:v2+s8+$0x0], $0xffff;
	_ =	sdelay $0x1  }
0x341: {  	v2 =	vadd.s32 $0x2C00, v0;
	_ =	sdelay $0x3  }
0x342: {  	[tilespmem:s20+$0xA500] =	vst v1  }
0x343: {  	v1 =	vld.idx.msk [tilespmem:v2+s8+$0x0], $0xffff;
	_ =	sdelay $0x1  }
0x344: {  	v2 =	vadd.s32 $0x3000, v0;
	_ =	sdelay $0x3  }
0x345: {  	[tilespmem:s20+$0xA580] =	vst v1  }
0x346: {  	v1 =	vld.idx.msk [tilespmem:v2+s8+$0x0], $0xffff;
	_ =	sdelay $0x1  }
0x347: {  	v2 =	vadd.s32 $0x3400, v0;
	_ =	sdelay $0x3  }
0x348: {  	[tilespmem:s20+$0xA600] =	vst v1  }
0x349: {  	v1 =	vld.idx.msk [tilespmem:v2+s8+$0x0], $0xffff;
	_ =	sdelay $0x1  }
0x34a: {  	v2 =	vadd.s32 $0x3800, v0;
	_ =	sdelay $0x3  }
0x34b: {  	[tilespmem:s20+$0xA680] =	vst v1  }
0x34c: {  	v1 =	vld.idx.msk [tilespmem:v2+s8+$0x0], $0xffff;
	_ =	sdelay $0x1  }
0x34d: {  	v0 =	vadd.s32 $0x3C00, v0  }
.Ltmp6:
0x34e: {  	(pc) =	sbr.rel @p0 .LBB2_14-.Ltmp6, $3  }
0x34f: {  	_ =	sdelay $0x1  }
0x350: {  	[tilespmem:s20+$0xA700] =	vst v1  }
0x351: {  	v0 =	vld.idx.msk [tilespmem:v0+s8+$0x0], $0xffff  }
0x352: {  	_ =	sdelay $0x3  }
0x353: {  	[tilespmem:s20+$0xA780] =	vst v0  }
0x354: {  	[hbm4b:s26+s11] =	stream.strided.scatter [tilespmem:s13], [sflag:$0x3], $0x4000, s12, s11, $0x38;
	[tilespmem:$0x10400] =	vst v63  }
0x355: {  	s19 =	simm.s32 $0x0;
	s22 =	rddreg [dreg:$0x10]  }
0x356: {  	[tilespmem:s8], [sflag:$0x1] =	stream.linear.gather [hbm4b:s22+s19], $0x4000, $0x38;
	[tilespmem:$0x10400] =	vst v63  }
0x357: {  	_ =	swait.ge [sflag:s14], $0x4000  }
0x358: {  	[sflag:s14] =	ssyncset.done $0x0  }
0x359: {  	[sflag:s14] =	ssyncadd.s32 $0xFFFFC000  }
0x35a: {  	_ =	swait.ge [sflag:s17], $0x4000  }
0x35b: {  	[sflag:s17] =	ssyncset.done $0x0  }
0x35c: {  	[sflag:s17] =	ssyncadd.s32 $0xFFFFC000  }
0x35d: {  	v0 =	vld [tilespmem:s19+$0x0];
	_ =	sdelay $0x7  }
0x35e: {  	v1 =	vld.idx.msk [tilespmem:v0+s9+$0x0], $0xffff  }
0x35f: {  	v2 =	vadd.s32 $0x400, v0;
	_ =	sdelay $0x1  }
0x360: {  	s23 =	sand.u32 $0x70, s19;
	s21 =	sand.u32 $0x1C00, s19  }
0x361: {  	s20 =	sor.u32 s23, s21  }
0x362: {  	[tilespmem:s20+$0xC400] =	vst v1  }
0x363: {  	v1 =	vld.idx.msk [tilespmem:v2+s9+$0x0], $0xffff  }
0x364: {  	v2 =	vadd.s32 $0x800, v0;
	_ =	sdelay $0x3  }
0x365: {  	[tilespmem:s20+$0xC480] =	vst v1  }
0x366: {  	v1 =	vld.idx.msk [tilespmem:v2+s9+$0x0], $0xffff  }
0x367: {  	v2 =	vadd.s32 $0xC00, v0;
	_ =	sdelay $0x3  }
0x368: {  	[tilespmem:s20+$0xC500] =	vst v1  }
0x369: {  	v1 =	vld.idx.msk [tilespmem:v2+s9+$0x0], $0xffff  }
0x36a: {  	v2 =	vadd.s32 $0x1000, v0;
	_ =	sdelay $0x3  }
0x36b: {  	[tilespmem:s20+$0xC580] =	vst v1  }
0x36c: {  	v1 =	vld.idx.msk [tilespmem:v2+s9+$0x0], $0xffff  }
0x36d: {  	v2 =	vadd.s32 $0x1400, v0;
	_ =	sdelay $0x3  }
0x36e: {  	[tilespmem:s20+$0xC600] =	vst v1  }
0x36f: {  	v1 =	vld.idx.msk [tilespmem:v2+s9+$0x0], $0xffff  }
0x370: {  	v2 =	vadd.s32 $0x1800, v0;
	_ =	sdelay $0x3  }
0x371: {  	[tilespmem:s20+$0xC680] =	vst v1  }
0x372: {  	v1 =	vld.idx.msk [tilespmem:v2+s9+$0x0], $0xffff  }
0x373: {  	v2 =	vadd.s32 $0x1C00, v0;
	_ =	sdelay $0x3  }
0x374: {  	[tilespmem:s20+$0xC700] =	vst v1  }
0x375: {  	v1 =	vld.idx.msk [tilespmem:v2+s9+$0x0], $0xffff  }
0x376: {  	v2 =	vadd.s32 $0x2000, v0;
	_ =	sdelay $0x1  }
0x377: {  	s24 =	sor.u32 s19, s19  }
0x378: {  	s21 =	sor.u32 $0x380, s24  }
0x379: {  	[tilespmem:s21+$0xC400] =	vst v1  }
0x37a: {  	v1 =	vld.idx.msk [tilespmem:v2+s9+$0x0], $0xffff  }
0x37b: {  	v2 =	vadd.s32 $0x2400, v0;
	_ =	sdelay $0x3  }
0x37c: {  	[tilespmem:s20+$0xE400] =	vst v1  }
0x37d: {  	v1 =	vld.idx.msk [tilespmem:v2+s9+$0x0], $0xffff  }
0x37e: {  	v2 =	vadd.s32 $0x2800, v0;
	_ =	sdelay $0x3  }
0x37f: {  	[tilespmem:s20+$0xE480] =	vst v1  }
0x380: {  	v1 =	vld.idx.msk [tilespmem:v2+s9+$0x0], $0xffff  }
0x381: {  	v2 =	vadd.s32 $0x2C00, v0;
	_ =	sdelay $0x3  }
0x382: {  	[tilespmem:s20+$0xE500] =	vst v1  }
0x383: {  	v1 =	vld.idx.msk [tilespmem:v2+s9+$0x0], $0xffff  }
0x384: {  	v2 =	vadd.s32 $0x3000, v0;
	_ =	sdelay $0x3  }
0x385: {  	[tilespmem:s20+$0xE580] =	vst v1  }
0x386: {  	v1 =	vld.idx.msk [tilespmem:v2+s9+$0x0], $0xffff  }
0x387: {  	v2 =	vadd.s32 $0x3400, v0;
	_ =	sdelay $0x3  }
0x388: {  	[tilespmem:s20+$0xE600] =	vst v1  }
0x389: {  	v1 =	vld.idx.msk [tilespmem:v2+s9+$0x0], $0xffff  }
0x38a: {  	v2 =	vadd.s32 $0x3800, v0;
	_ =	sdelay $0x3  }
0x38b: {  	[tilespmem:s20+$0xE680] =	vst v1  }
0x38c: {  	v1 =	vld.idx.msk [tilespmem:v2+s9+$0x0], $0xffff  }
0x38d: {  	v0 =	vadd.s32 $0x3C00, v0;
	_ =	sdelay $0x3  }
0x38e: {  	[tilespmem:s20+$0xE700] =	vst v1  }
0x38f: {  	s22 =	simm.s32 $0x0;
	s21 =	simm.s32 $0x10;
	v0 =	vld.idx.msk [tilespmem:v0+s9+$0x0], $0xffff  }
.LBB2_16:
0x390: {  	_ =	sdelay $0x3  }
0x391: {  	p0 =	sne.s32 s21, $0x3F0;
	s19 =	sadd.s32 $0x80, s19;
	s22 =	sadd.s32 $0x10, s22;
	[tilespmem:s20+$0xE780] =	vst v0  }
0x392: {  	s23 =	smov.u32 s21;
	s21 =	sadd.s32 $0x10, s21;
	v0 =	vld [tilespmem:s22+$0x0];
	_ =	sdelay $0x7  }
0x393: {  	v1 =	vld.idx.msk [tilespmem:v0+s9+$0x0], $0xffff;
	_ =	sdelay $0x1  }
0x394: {  	v2 =	vadd.s32 $0x400, v0;
	_ =	sdelay $0x1  }
0x395: {  	s24 =	sand.u32 $0x1C00, s19;
	s20 =	sand.u32 $0x70, s23  }
0x396: {  	s20 =	sor.u32 s20, s24  }
0x397: {  	[tilespmem:s20+$0xC400] =	vst v1  }
0x398: {  	v1 =	vld.idx.msk [tilespmem:v2+s9+$0x0], $0xffff;
	_ =	sdelay $0x1  }
0x399: {  	v2 =	vadd.s32 $0x800, v0;
	_ =	sdelay $0x3  }
0x39a: {  	[tilespmem:s20+$0xC480] =	vst v1  }
0x39b: {  	v1 =	vld.idx.msk [tilespmem:v2+s9+$0x0], $0xffff;
	_ =	sdelay $0x1  }
0x39c: {  	v2 =	vadd.s32 $0xC00, v0;
	_ =	sdelay $0x3  }
0x39d: {  	[tilespmem:s20+$0xC500] =	vst v1  }
0x39e: {  	v1 =	vld.idx.msk [tilespmem:v2+s9+$0x0], $0xffff;
	_ =	sdelay $0x1  }
0x39f: {  	v2 =	vadd.s32 $0x1000, v0;
	_ =	sdelay $0x3  }
0x3a0: {  	[tilespmem:s20+$0xC580] =	vst v1  }
0x3a1: {  	v1 =	vld.idx.msk [tilespmem:v2+s9+$0x0], $0xffff;
	_ =	sdelay $0x1  }
0x3a2: {  	v2 =	vadd.s32 $0x1400, v0;
	_ =	sdelay $0x3  }
0x3a3: {  	[tilespmem:s20+$0xC600] =	vst v1  }
0x3a4: {  	v1 =	vld.idx.msk [tilespmem:v2+s9+$0x0], $0xffff;
	_ =	sdelay $0x1  }
0x3a5: {  	v2 =	vadd.s32 $0x1800, v0;
	_ =	sdelay $0x3  }
0x3a6: {  	[tilespmem:s20+$0xC680] =	vst v1  }
0x3a7: {  	v1 =	vld.idx.msk [tilespmem:v2+s9+$0x0], $0xffff;
	_ =	sdelay $0x1  }
0x3a8: {  	v2 =	vadd.s32 $0x1C00, v0;
	_ =	sdelay $0x3  }
0x3a9: {  	[tilespmem:s20+$0xC700] =	vst v1  }
0x3aa: {  	v1 =	vld.idx.msk [tilespmem:v2+s9+$0x0], $0xffff;
	_ =	sdelay $0x1  }
0x3ab: {  	v2 =	vadd.s32 $0x2000, v0;
	_ =	sdelay $0x1  }
0x3ac: {  	s23 =	sor.u32 s19, s23  }
0x3ad: {  	s23 =	sor.u32 $0x380, s23  }
0x3ae: {  	[tilespmem:s23+$0xC400] =	vst v1  }
0x3af: {  	v1 =	vld.idx.msk [tilespmem:v2+s9+$0x0], $0xffff;
	_ =	sdelay $0x1  }
0x3b0: {  	v2 =	vadd.s32 $0x2400, v0;
	_ =	sdelay $0x3  }
0x3b1: {  	[tilespmem:s20+$0xE400] =	vst v1  }
0x3b2: {  	v1 =	vld.idx.msk [tilespmem:v2+s9+$0x0], $0xffff;
	_ =	sdelay $0x1  }
0x3b3: {  	v2 =	vadd.s32 $0x2800, v0;
	_ =	sdelay $0x3  }
0x3b4: {  	[tilespmem:s20+$0xE480] =	vst v1  }
0x3b5: {  	v1 =	vld.idx.msk [tilespmem:v2+s9+$0x0], $0xffff;
	_ =	sdelay $0x1  }
0x3b6: {  	v2 =	vadd.s32 $0x2C00, v0;
	_ =	sdelay $0x3  }
0x3b7: {  	[tilespmem:s20+$0xE500] =	vst v1  }
0x3b8: {  	v1 =	vld.idx.msk [tilespmem:v2+s9+$0x0], $0xffff;
	_ =	sdelay $0x1  }
0x3b9: {  	v2 =	vadd.s32 $0x3000, v0;
	_ =	sdelay $0x3  }
0x3ba: {  	[tilespmem:s20+$0xE580] =	vst v1  }
0x3bb: {  	v1 =	vld.idx.msk [tilespmem:v2+s9+$0x0], $0xffff;
	_ =	sdelay $0x1  }
0x3bc: {  	v2 =	vadd.s32 $0x3400, v0;
	_ =	sdelay $0x3  }
0x3bd: {  	[tilespmem:s20+$0xE600] =	vst v1  }
0x3be: {  	v1 =	vld.idx.msk [tilespmem:v2+s9+$0x0], $0xffff;
	_ =	sdelay $0x1  }
0x3bf: {  	v2 =	vadd.s32 $0x3800, v0;
	_ =	sdelay $0x3  }
0x3c0: {  	[tilespmem:s20+$0xE680] =	vst v1  }
0x3c1: {  	v1 =	vld.idx.msk [tilespmem:v2+s9+$0x0], $0xffff;
	_ =	sdelay $0x1  }
0x3c2: {  	v0 =	vadd.s32 $0x3C00, v0  }
.Ltmp7:
0x3c3: {  	(pc) =	sbr.rel @p0 .LBB2_16-.Ltmp7, $3  }
0x3c4: {  	_ =	sdelay $0x1  }
0x3c5: {  	[tilespmem:s20+$0xE700] =	vst v1  }
0x3c6: {  	v0 =	vld.idx.msk [tilespmem:v0+s9+$0x0], $0xffff  }
0x3c7: {  	_ =	sdelay $0x3  }
0x3c8: {  	[tilespmem:s20+$0xE780] =	vst v0  }
0x3c9: {  	[hbm4b:s28+s11] =	stream.strided.scatter [tilespmem:s15], [sflag:$0x4], $0x4000, s12, s11, $0x38;
	[tilespmem:$0x10400] =	vst v63  }
0x3ca: {  	s19 =	simm.s32 $0x0;
	s22 =	rddreg [dreg:$0x11]  }
0x3cb: {  	[tilespmem:s9], [sflag:$0x2] =	stream.linear.gather [hbm4b:s22+s19], $0x4000, $0x38;
	[tilespmem:$0x10400] =	vst v63  }
0x3cc: {  	_ =	swait.ge [sflag:s10], $0x4000  }
0x3cd: {  	[sflag:s10] =	ssyncset.done $0x0  }
0x3ce: {  	[sflag:s10] =	ssyncadd.s32 $0xFFFFC000  }
0x3cf: {  	_ =	swait.ge [sflag:s16], $0x4000  }
0x3d0: {  	[sflag:s16] =	ssyncset.done $0x0  }
0x3d1: {  	[sflag:s16] =	ssyncadd.s32 $0xFFFFC000  }
0x3d2: {  	v0 =	vld [tilespmem:s19+$0x0];
	_ =	sdelay $0x7  }
0x3d3: {  	v1 =	vld.idx.msk [tilespmem:v0+s8+$0x0], $0xffff  }
0x3d4: {  	v2 =	vadd.s32 $0x400, v0;
	_ =	sdelay $0x1  }
0x3d5: {  	s23 =	sand.u32 $0x70, s19;
	s21 =	sand.u32 $0x1C00, s19  }
0x3d6: {  	s20 =	sor.u32 s23, s21  }
0x3d7: {  	[tilespmem:s20+$0x8400] =	vst v1  }
0x3d8: {  	v1 =	vld.idx.msk [tilespmem:v2+s8+$0x0], $0xffff  }
0x3d9: {  	v2 =	vadd.s32 $0x800, v0;
	_ =	sdelay $0x3  }
0x3da: {  	[tilespmem:s20+$0x8480] =	vst v1  }
0x3db: {  	v1 =	vld.idx.msk [tilespmem:v2+s8+$0x0], $0xffff  }
0x3dc: {  	v2 =	vadd.s32 $0xC00, v0;
	_ =	sdelay $0x3  }
0x3dd: {  	[tilespmem:s20+$0x8500] =	vst v1  }
0x3de: {  	v1 =	vld.idx.msk [tilespmem:v2+s8+$0x0], $0xffff  }
0x3df: {  	v2 =	vadd.s32 $0x1000, v0;
	_ =	sdelay $0x3  }
0x3e0: {  	[tilespmem:s20+$0x8580] =	vst v1  }
0x3e1: {  	v1 =	vld.idx.msk [tilespmem:v2+s8+$0x0], $0xffff  }
0x3e2: {  	v2 =	vadd.s32 $0x1400, v0;
	_ =	sdelay $0x3  }
0x3e3: {  	[tilespmem:s20+$0x8600] =	vst v1  }
0x3e4: {  	v1 =	vld.idx.msk [tilespmem:v2+s8+$0x0], $0xffff  }
0x3e5: {  	v2 =	vadd.s32 $0x1800, v0;
	_ =	sdelay $0x3  }
0x3e6: {  	[tilespmem:s20+$0x8680] =	vst v1  }
0x3e7: {  	v1 =	vld.idx.msk [tilespmem:v2+s8+$0x0], $0xffff  }
0x3e8: {  	v2 =	vadd.s32 $0x1C00, v0;
	_ =	sdelay $0x3  }
0x3e9: {  	[tilespmem:s20+$0x8700] =	vst v1  }
0x3ea: {  	v1 =	vld.idx.msk [tilespmem:v2+s8+$0x0], $0xffff  }
0x3eb: {  	v2 =	vadd.s32 $0x2000, v0;
	_ =	sdelay $0x1  }
0x3ec: {  	s24 =	sor.u32 s19, s19  }
0x3ed: {  	s21 =	sor.u32 $0x380, s24  }
0x3ee: {  	[tilespmem:s21+$0x8400] =	vst v1  }
0x3ef: {  	v1 =	vld.idx.msk [tilespmem:v2+s8+$0x0], $0xffff  }
0x3f0: {  	v2 =	vadd.s32 $0x2400, v0;
	_ =	sdelay $0x3  }
0x3f1: {  	[tilespmem:s20+$0xA400] =	vst v1  }
0x3f2: {  	v1 =	vld.idx.msk [tilespmem:v2+s8+$0x0], $0xffff  }
0x3f3: {  	v2 =	vadd.s32 $0x2800, v0;
	_ =	sdelay $0x3  }
0x3f4: {  	[tilespmem:s20+$0xA480] =	vst v1  }
0x3f5: {  	v1 =	vld.idx.msk [tilespmem:v2+s8+$0x0], $0xffff  }
0x3f6: {  	v2 =	vadd.s32 $0x2C00, v0;
	_ =	sdelay $0x3  }
0x3f7: {  	[tilespmem:s20+$0xA500] =	vst v1  }
0x3f8: {  	v1 =	vld.idx.msk [tilespmem:v2+s8+$0x0], $0xffff  }
0x3f9: {  	v2 =	vadd.s32 $0x3000, v0;
	_ =	sdelay $0x3  }
0x3fa: {  	[tilespmem:s20+$0xA580] =	vst v1  }
0x3fb: {  	v1 =	vld.idx.msk [tilespmem:v2+s8+$0x0], $0xffff  }
0x3fc: {  	v2 =	vadd.s32 $0x3400, v0;
	_ =	sdelay $0x3  }
0x3fd: {  	[tilespmem:s20+$0xA600] =	vst v1  }
0x3fe: {  	v1 =	vld.idx.msk [tilespmem:v2+s8+$0x0], $0xffff  }
0x3ff: {  	v2 =	vadd.s32 $0x3800, v0;
	_ =	sdelay $0x3  }
0x400: {  	[tilespmem:s20+$0xA680] =	vst v1  }
0x401: {  	v1 =	vld.idx.msk [tilespmem:v2+s8+$0x0], $0xffff  }
0x402: {  	v0 =	vadd.s32 $0x3C00, v0;
	_ =	sdelay $0x3  }
0x403: {  	[tilespmem:s20+$0xA700] =	vst v1  }
0x404: {  	s22 =	simm.s32 $0x0;
	s21 =	simm.s32 $0x10;
	v0 =	vld.idx.msk [tilespmem:v0+s8+$0x0], $0xffff  }
.LBB2_18:
0x405: {  	_ =	sdelay $0x3  }
0x406: {  	p0 =	sne.s32 s21, $0x3F0;
	s19 =	sadd.s32 $0x80, s19;
	s22 =	sadd.s32 $0x10, s22;
	[tilespmem:s20+$0xA780] =	vst v0  }
0x407: {  	s23 =	smov.u32 s21;
	s21 =	sadd.s32 $0x10, s21;
	v0 =	vld [tilespmem:s22+$0x0];
	_ =	sdelay $0x7  }
0x408: {  	v1 =	vld.idx.msk [tilespmem:v0+s8+$0x0], $0xffff;
	_ =	sdelay $0x1  }
0x409: {  	v2 =	vadd.s32 $0x400, v0;
	_ =	sdelay $0x1  }
0x40a: {  	s24 =	sand.u32 $0x1C00, s19;
	s20 =	sand.u32 $0x70, s23  }
0x40b: {  	s20 =	sor.u32 s20, s24  }
0x40c: {  	[tilespmem:s20+$0x8400] =	vst v1  }
0x40d: {  	v1 =	vld.idx.msk [tilespmem:v2+s8+$0x0], $0xffff;
	_ =	sdelay $0x1  }
0x40e: {  	v2 =	vadd.s32 $0x800, v0;
	_ =	sdelay $0x3  }
0x40f: {  	[tilespmem:s20+$0x8480] =	vst v1  }
0x410: {  	v1 =	vld.idx.msk [tilespmem:v2+s8+$0x0], $0xffff;
	_ =	sdelay $0x1  }
0x411: {  	v2 =	vadd.s32 $0xC00, v0;
	_ =	sdelay $0x3  }
0x412: {  	[tilespmem:s20+$0x8500] =	vst v1  }
0x413: {  	v1 =	vld.idx.msk [tilespmem:v2+s8+$0x0], $0xffff;
	_ =	sdelay $0x1  }
0x414: {  	v2 =	vadd.s32 $0x1000, v0;
	_ =	sdelay $0x3  }
0x415: {  	[tilespmem:s20+$0x8580] =	vst v1  }
0x416: {  	v1 =	vld.idx.msk [tilespmem:v2+s8+$0x0], $0xffff;
	_ =	sdelay $0x1  }
0x417: {  	v2 =	vadd.s32 $0x1400, v0;
	_ =	sdelay $0x3  }
0x418: {  	[tilespmem:s20+$0x8600] =	vst v1  }
0x419: {  	v1 =	vld.idx.msk [tilespmem:v2+s8+$0x0], $0xffff;
	_ =	sdelay $0x1  }
0x41a: {  	v2 =	vadd.s32 $0x1800, v0;
	_ =	sdelay $0x3  }
0x41b: {  	[tilespmem:s20+$0x8680] =	vst v1  }
0x41c: {  	v1 =	vld.idx.msk [tilespmem:v2+s8+$0x0], $0xffff;
	_ =	sdelay $0x1  }
0x41d: {  	v2 =	vadd.s32 $0x1C00, v0;
	_ =	sdelay $0x3  }
0x41e: {  	[tilespmem:s20+$0x8700] =	vst v1  }
0x41f: {  	v1 =	vld.idx.msk [tilespmem:v2+s8+$0x0], $0xffff;
	_ =	sdelay $0x1  }
0x420: {  	v2 =	vadd.s32 $0x2000, v0;
	_ =	sdelay $0x1  }
0x421: {  	s23 =	sor.u32 s19, s23  }
0x422: {  	s23 =	sor.u32 $0x380, s23  }
0x423: {  	[tilespmem:s23+$0x8400] =	vst v1  }
0x424: {  	v1 =	vld.idx.msk [tilespmem:v2+s8+$0x0], $0xffff;
	_ =	sdelay $0x1  }
0x425: {  	v2 =	vadd.s32 $0x2400, v0;
	_ =	sdelay $0x3  }
0x426: {  	[tilespmem:s20+$0xA400] =	vst v1  }
0x427: {  	v1 =	vld.idx.msk [tilespmem:v2+s8+$0x0], $0xffff;
	_ =	sdelay $0x1  }
0x428: {  	v2 =	vadd.s32 $0x2800, v0;
	_ =	sdelay $0x3  }
0x429: {  	[tilespmem:s20+$0xA480] =	vst v1  }
0x42a: {  	v1 =	vld.idx.msk [tilespmem:v2+s8+$0x0], $0xffff;
	_ =	sdelay $0x1  }
0x42b: {  	v2 =	vadd.s32 $0x2C00, v0;
	_ =	sdelay $0x3  }
0x42c: {  	[tilespmem:s20+$0xA500] =	vst v1  }
0x42d: {  	v1 =	vld.idx.msk [tilespmem:v2+s8+$0x0], $0xffff;
	_ =	sdelay $0x1  }
0x42e: {  	v2 =	vadd.s32 $0x3000, v0;
	_ =	sdelay $0x3  }
0x42f: {  	[tilespmem:s20+$0xA580] =	vst v1  }
0x430: {  	v1 =	vld.idx.msk [tilespmem:v2+s8+$0x0], $0xffff;
	_ =	sdelay $0x1  }
0x431: {  	v2 =	vadd.s32 $0x3400, v0;
	_ =	sdelay $0x3  }
0x432: {  	[tilespmem:s20+$0xA600] =	vst v1  }
0x433: {  	v1 =	vld.idx.msk [tilespmem:v2+s8+$0x0], $0xffff;
	_ =	sdelay $0x1  }
0x434: {  	v2 =	vadd.s32 $0x3800, v0;
	_ =	sdelay $0x3  }
0x435: {  	[tilespmem:s20+$0xA680] =	vst v1  }
0x436: {  	v1 =	vld.idx.msk [tilespmem:v2+s8+$0x0], $0xffff;
	_ =	sdelay $0x1  }
0x437: {  	v0 =	vadd.s32 $0x3C00, v0  }
.Ltmp8:
0x438: {  	(pc) =	sbr.rel @p0 .LBB2_18-.Ltmp8, $3  }
0x439: {  	_ =	sdelay $0x1  }
0x43a: {  	[tilespmem:s20+$0xA700] =	vst v1  }
0x43b: {  	v0 =	vld.idx.msk [tilespmem:v0+s8+$0x0], $0xffff  }
0x43c: {  	_ =	sdelay $0x3  }
0x43d: {  	[tilespmem:s20+$0xA780] =	vst v0  }
0x43e: {  	[hbm4b:s29+s11] =	stream.strided.scatter [tilespmem:s13], [sflag:$0x3], $0x4000, s12, s11, $0x38;
	[tilespmem:$0x10400] =	vst v63  }
0x43f: {  	s19 =	simm.s32 $0x0;
	s22 =	rddreg [dreg:$0x12]  }
0x440: {  	[tilespmem:s8], [sflag:$0x1] =	stream.linear.gather [hbm4b:s22+s19], $0x4000, $0x38;
	[tilespmem:$0x10400] =	vst v63  }
0x441: {  	_ =	swait.ge [sflag:s14], $0x4000  }
0x442: {  	[sflag:s14] =	ssyncset.done $0x0  }
0x443: {  	[sflag:s14] =	ssyncadd.s32 $0xFFFFC000  }
0x444: {  	_ =	swait.ge [sflag:s17], $0x4000  }
0x445: {  	[sflag:s17] =	ssyncset.done $0x0  }
0x446: {  	[sflag:s17] =	ssyncadd.s32 $0xFFFFC000  }
0x447: {  	v0 =	vld [tilespmem:s19+$0x0];
	_ =	sdelay $0x7  }
0x448: {  	v1 =	vld.idx.msk [tilespmem:v0+s9+$0x0], $0xffff  }
0x449: {  	v2 =	vadd.s32 $0x400, v0;
	_ =	sdelay $0x1  }
0x44a: {  	s23 =	sand.u32 $0x70, s19;
	s21 =	sand.u32 $0x1C00, s19  }
0x44b: {  	s20 =	sor.u32 s23, s21  }
0x44c: {  	[tilespmem:s20+$0xC400] =	vst v1  }
0x44d: {  	v1 =	vld.idx.msk [tilespmem:v2+s9+$0x0], $0xffff  }
0x44e: {  	v2 =	vadd.s32 $0x800, v0;
	_ =	sdelay $0x3  }
0x44f: {  	[tilespmem:s20+$0xC480] =	vst v1  }
0x450: {  	v1 =	vld.idx.msk [tilespmem:v2+s9+$0x0], $0xffff  }
0x451: {  	v2 =	vadd.s32 $0xC00, v0;
	_ =	sdelay $0x3  }
0x452: {  	[tilespmem:s20+$0xC500] =	vst v1  }
0x453: {  	v1 =	vld.idx.msk [tilespmem:v2+s9+$0x0], $0xffff  }
0x454: {  	v2 =	vadd.s32 $0x1000, v0;
	_ =	sdelay $0x3  }
0x455: {  	[tilespmem:s20+$0xC580] =	vst v1  }
0x456: {  	v1 =	vld.idx.msk [tilespmem:v2+s9+$0x0], $0xffff  }
0x457: {  	v2 =	vadd.s32 $0x1400, v0;
	_ =	sdelay $0x3  }
0x458: {  	[tilespmem:s20+$0xC600] =	vst v1  }
0x459: {  	v1 =	vld.idx.msk [tilespmem:v2+s9+$0x0], $0xffff  }
0x45a: {  	v2 =	vadd.s32 $0x1800, v0;
	_ =	sdelay $0x3  }
0x45b: {  	[tilespmem:s20+$0xC680] =	vst v1  }
0x45c: {  	v1 =	vld.idx.msk [tilespmem:v2+s9+$0x0], $0xffff  }
0x45d: {  	v2 =	vadd.s32 $0x1C00, v0;
	_ =	sdelay $0x3  }
0x45e: {  	[tilespmem:s20+$0xC700] =	vst v1  }
0x45f: {  	v1 =	vld.idx.msk [tilespmem:v2+s9+$0x0], $0xffff  }
0x460: {  	v2 =	vadd.s32 $0x2000, v0;
	_ =	sdelay $0x1  }
0x461: {  	s24 =	sor.u32 s19, s19  }
0x462: {  	s21 =	sor.u32 $0x380, s24  }
0x463: {  	[tilespmem:s21+$0xC400] =	vst v1  }
0x464: {  	v1 =	vld.idx.msk [tilespmem:v2+s9+$0x0], $0xffff  }
0x465: {  	v2 =	vadd.s32 $0x2400, v0;
	_ =	sdelay $0x3  }
0x466: {  	[tilespmem:s20+$0xE400] =	vst v1  }
0x467: {  	v1 =	vld.idx.msk [tilespmem:v2+s9+$0x0], $0xffff  }
0x468: {  	v2 =	vadd.s32 $0x2800, v0;
	_ =	sdelay $0x3  }
0x469: {  	[tilespmem:s20+$0xE480] =	vst v1  }
0x46a: {  	v1 =	vld.idx.msk [tilespmem:v2+s9+$0x0], $0xffff  }
0x46b: {  	v2 =	vadd.s32 $0x2C00, v0;
	_ =	sdelay $0x3  }
0x46c: {  	[tilespmem:s20+$0xE500] =	vst v1  }
0x46d: {  	v1 =	vld.idx.msk [tilespmem:v2+s9+$0x0], $0xffff  }
0x46e: {  	v2 =	vadd.s32 $0x3000, v0;
	_ =	sdelay $0x3  }
0x46f: {  	[tilespmem:s20+$0xE580] =	vst v1  }
0x470: {  	v1 =	vld.idx.msk [tilespmem:v2+s9+$0x0], $0xffff  }
0x471: {  	v2 =	vadd.s32 $0x3400, v0;
	_ =	sdelay $0x3  }
0x472: {  	[tilespmem:s20+$0xE600] =	vst v1  }
0x473: {  	v1 =	vld.idx.msk [tilespmem:v2+s9+$0x0], $0xffff  }
0x474: {  	v2 =	vadd.s32 $0x3800, v0;
	_ =	sdelay $0x3  }
0x475: {  	[tilespmem:s20+$0xE680] =	vst v1  }
0x476: {  	v1 =	vld.idx.msk [tilespmem:v2+s9+$0x0], $0xffff  }
0x477: {  	v0 =	vadd.s32 $0x3C00, v0;
	_ =	sdelay $0x3  }
0x478: {  	[tilespmem:s20+$0xE700] =	vst v1  }
0x479: {  	s22 =	simm.s32 $0x0;
	s21 =	simm.s32 $0x10;
	v0 =	vld.idx.msk [tilespmem:v0+s9+$0x0], $0xffff  }
.LBB2_20:
0x47a: {  	_ =	sdelay $0x3  }
0x47b: {  	p0 =	sne.s32 s21, $0x3F0;
	s19 =	sadd.s32 $0x80, s19;
	s22 =	sadd.s32 $0x10, s22;
	[tilespmem:s20+$0xE780] =	vst v0  }
0x47c: {  	s23 =	smov.u32 s21;
	s21 =	sadd.s32 $0x10, s21;
	v0 =	vld [tilespmem:s22+$0x0];
	_ =	sdelay $0x7  }
0x47d: {  	v1 =	vld.idx.msk [tilespmem:v0+s9+$0x0], $0xffff;
	_ =	sdelay $0x1  }
0x47e: {  	v2 =	vadd.s32 $0x400, v0;
	_ =	sdelay $0x1  }
0x47f: {  	s24 =	sand.u32 $0x1C00, s19;
	s20 =	sand.u32 $0x70, s23  }
0x480: {  	s20 =	sor.u32 s20, s24  }
0x481: {  	[tilespmem:s20+$0xC400] =	vst v1  }
0x482: {  	v1 =	vld.idx.msk [tilespmem:v2+s9+$0x0], $0xffff;
	_ =	sdelay $0x1  }
0x483: {  	v2 =	vadd.s32 $0x800, v0;
	_ =	sdelay $0x3  }
0x484: {  	[tilespmem:s20+$0xC480] =	vst v1  }
0x485: {  	v1 =	vld.idx.msk [tilespmem:v2+s9+$0x0], $0xffff;
	_ =	sdelay $0x1  }
0x486: {  	v2 =	vadd.s32 $0xC00, v0;
	_ =	sdelay $0x3  }
0x487: {  	[tilespmem:s20+$0xC500] =	vst v1  }
0x488: {  	v1 =	vld.idx.msk [tilespmem:v2+s9+$0x0], $0xffff;
	_ =	sdelay $0x1  }
0x489: {  	v2 =	vadd.s32 $0x1000, v0;
	_ =	sdelay $0x3  }
0x48a: {  	[tilespmem:s20+$0xC580] =	vst v1  }
0x48b: {  	v1 =	vld.idx.msk [tilespmem:v2+s9+$0x0], $0xffff;
	_ =	sdelay $0x1  }
0x48c: {  	v2 =	vadd.s32 $0x1400, v0;
	_ =	sdelay $0x3  }
0x48d: {  	[tilespmem:s20+$0xC600] =	vst v1  }
0x48e: {  	v1 =	vld.idx.msk [tilespmem:v2+s9+$0x0], $0xffff;
	_ =	sdelay $0x1  }
0x48f: {  	v2 =	vadd.s32 $0x1800, v0;
	_ =	sdelay $0x3  }
0x490: {  	[tilespmem:s20+$0xC680] =	vst v1  }
0x491: {  	v1 =	vld.idx.msk [tilespmem:v2+s9+$0x0], $0xffff;
	_ =	sdelay $0x1  }
0x492: {  	v2 =	vadd.s32 $0x1C00, v0;
	_ =	sdelay $0x3  }
0x493: {  	[tilespmem:s20+$0xC700] =	vst v1  }
0x494: {  	v1 =	vld.idx.msk [tilespmem:v2+s9+$0x0], $0xffff;
	_ =	sdelay $0x1  }
0x495: {  	v2 =	vadd.s32 $0x2000, v0;
	_ =	sdelay $0x1  }
0x496: {  	s23 =	sor.u32 s19, s23  }
0x497: {  	s23 =	sor.u32 $0x380, s23  }
0x498: {  	[tilespmem:s23+$0xC400] =	vst v1  }
0x499: {  	v1 =	vld.idx.msk [tilespmem:v2+s9+$0x0], $0xffff;
	_ =	sdelay $0x1  }
0x49a: {  	v2 =	vadd.s32 $0x2400, v0;
	_ =	sdelay $0x3  }
0x49b: {  	[tilespmem:s20+$0xE400] =	vst v1  }
0x49c: {  	v1 =	vld.idx.msk [tilespmem:v2+s9+$0x0], $0xffff;
	_ =	sdelay $0x1  }
0x49d: {  	v2 =	vadd.s32 $0x2800, v0;
	_ =	sdelay $0x3  }
0x49e: {  	[tilespmem:s20+$0xE480] =	vst v1  }
0x49f: {  	v1 =	vld.idx.msk [tilespmem:v2+s9+$0x0], $0xffff;
	_ =	sdelay $0x1  }
0x4a0: {  	v2 =	vadd.s32 $0x2C00, v0;
	_ =	sdelay $0x3  }
0x4a1: {  	[tilespmem:s20+$0xE500] =	vst v1  }
0x4a2: {  	v1 =	vld.idx.msk [tilespmem:v2+s9+$0x0], $0xffff;
	_ =	sdelay $0x1  }
0x4a3: {  	v2 =	vadd.s32 $0x3000, v0;
	_ =	sdelay $0x3  }
0x4a4: {  	[tilespmem:s20+$0xE580] =	vst v1  }
0x4a5: {  	v1 =	vld.idx.msk [tilespmem:v2+s9+$0x0], $0xffff;
	_ =	sdelay $0x1  }
0x4a6: {  	v2 =	vadd.s32 $0x3400, v0;
	_ =	sdelay $0x3  }
0x4a7: {  	[tilespmem:s20+$0xE600] =	vst v1  }
0x4a8: {  	v1 =	vld.idx.msk [tilespmem:v2+s9+$0x0], $0xffff;
	_ =	sdelay $0x1  }
0x4a9: {  	v2 =	vadd.s32 $0x3800, v0;
	_ =	sdelay $0x3  }
0x4aa: {  	[tilespmem:s20+$0xE680] =	vst v1  }
0x4ab: {  	v1 =	vld.idx.msk [tilespmem:v2+s9+$0x0], $0xffff;
	_ =	sdelay $0x1  }
0x4ac: {  	v0 =	vadd.s32 $0x3C00, v0  }
.Ltmp9:
0x4ad: {  	(pc) =	sbr.rel @p0 .LBB2_20-.Ltmp9, $3  }
0x4ae: {  	_ =	sdelay $0x1  }
0x4af: {  	[tilespmem:s20+$0xE700] =	vst v1  }
0x4b0: {  	v0 =	vld.idx.msk [tilespmem:v0+s9+$0x0], $0xffff  }
0x4b1: {  	_ =	sdelay $0x3  }
0x4b2: {  	[tilespmem:s20+$0xE780] =	vst v0  }
0x4b3: {  	[hbm4b:s30+s11] =	stream.strided.scatter [tilespmem:s15], [sflag:$0x4], $0x4000, s12, s11, $0x38;
	[tilespmem:$0x10400] =	vst v63  }
0x4b4: {  	s19 =	simm.s32 $0x0;
	s22 =	rddreg [dreg:$0x13]  }
0x4b5: {  	[tilespmem:s9], [sflag:$0x2] =	stream.linear.gather [hbm4b:s22+s19], $0x4000, $0x38;
	[tilespmem:$0x10400] =	vst v63  }
0x4b6: {  	_ =	swait.ge [sflag:s10], $0x4000  }
0x4b7: {  	[sflag:s10] =	ssyncset.done $0x0  }
0x4b8: {  	[sflag:s10] =	ssyncadd.s32 $0xFFFFC000  }
0x4b9: {  	_ =	swait.ge [sflag:s16], $0x4000  }
0x4ba: {  	[sflag:s16] =	ssyncset.done $0x0  }
0x4bb: {  	[sflag:s16] =	ssyncadd.s32 $0xFFFFC000  }
0x4bc: {  	v0 =	vld [tilespmem:s19+$0x0];
	_ =	sdelay $0x7  }
0x4bd: {  	v1 =	vld.idx.msk [tilespmem:v0+s8+$0x0], $0xffff  }
0x4be: {  	v2 =	vadd.s32 $0x400, v0;
	_ =	sdelay $0x1  }
0x4bf: {  	s23 =	sand.u32 $0x70, s19;
	s21 =	sand.u32 $0x1C00, s19  }
0x4c0: {  	s20 =	sor.u32 s23, s21  }
0x4c1: {  	[tilespmem:s20+$0x8400] =	vst v1  }
0x4c2: {  	v1 =	vld.idx.msk [tilespmem:v2+s8+$0x0], $0xffff  }
0x4c3: {  	v2 =	vadd.s32 $0x800, v0;
	_ =	sdelay $0x3  }
0x4c4: {  	[tilespmem:s20+$0x8480] =	vst v1  }
0x4c5: {  	v1 =	vld.idx.msk [tilespmem:v2+s8+$0x0], $0xffff  }
0x4c6: {  	v2 =	vadd.s32 $0xC00, v0;
	_ =	sdelay $0x3  }
0x4c7: {  	[tilespmem:s20+$0x8500] =	vst v1  }
0x4c8: {  	v1 =	vld.idx.msk [tilespmem:v2+s8+$0x0], $0xffff  }
0x4c9: {  	v2 =	vadd.s32 $0x1000, v0;
	_ =	sdelay $0x3  }
0x4ca: {  	[tilespmem:s20+$0x8580] =	vst v1  }
0x4cb: {  	v1 =	vld.idx.msk [tilespmem:v2+s8+$0x0], $0xffff  }
0x4cc: {  	v2 =	vadd.s32 $0x1400, v0;
	_ =	sdelay $0x3  }
0x4cd: {  	[tilespmem:s20+$0x8600] =	vst v1  }
0x4ce: {  	v1 =	vld.idx.msk [tilespmem:v2+s8+$0x0], $0xffff  }
0x4cf: {  	v2 =	vadd.s32 $0x1800, v0;
	_ =	sdelay $0x3  }
0x4d0: {  	[tilespmem:s20+$0x8680] =	vst v1  }
0x4d1: {  	v1 =	vld.idx.msk [tilespmem:v2+s8+$0x0], $0xffff  }
0x4d2: {  	v2 =	vadd.s32 $0x1C00, v0;
	_ =	sdelay $0x3  }
0x4d3: {  	[tilespmem:s20+$0x8700] =	vst v1  }
0x4d4: {  	v1 =	vld.idx.msk [tilespmem:v2+s8+$0x0], $0xffff  }
0x4d5: {  	v2 =	vadd.s32 $0x2000, v0;
	_ =	sdelay $0x1  }
0x4d6: {  	s24 =	sor.u32 s19, s19  }
0x4d7: {  	s21 =	sor.u32 $0x380, s24  }
0x4d8: {  	[tilespmem:s21+$0x8400] =	vst v1  }
0x4d9: {  	v1 =	vld.idx.msk [tilespmem:v2+s8+$0x0], $0xffff  }
0x4da: {  	v2 =	vadd.s32 $0x2400, v0;
	_ =	sdelay $0x3  }
0x4db: {  	[tilespmem:s20+$0xA400] =	vst v1  }
0x4dc: {  	v1 =	vld.idx.msk [tilespmem:v2+s8+$0x0], $0xffff  }
0x4dd: {  	v2 =	vadd.s32 $0x2800, v0;
	_ =	sdelay $0x3  }
0x4de: {  	[tilespmem:s20+$0xA480] =	vst v1  }
0x4df: {  	v1 =	vld.idx.msk [tilespmem:v2+s8+$0x0], $0xffff  }
0x4e0: {  	v2 =	vadd.s32 $0x2C00, v0;
	_ =	sdelay $0x3  }
0x4e1: {  	[tilespmem:s20+$0xA500] =	vst v1  }
0x4e2: {  	v1 =	vld.idx.msk [tilespmem:v2+s8+$0x0], $0xffff  }
0x4e3: {  	v2 =	vadd.s32 $0x3000, v0;
	_ =	sdelay $0x3  }
0x4e4: {  	[tilespmem:s20+$0xA580] =	vst v1  }
0x4e5: {  	v1 =	vld.idx.msk [tilespmem:v2+s8+$0x0], $0xffff  }
0x4e6: {  	v2 =	vadd.s32 $0x3400, v0;
	_ =	sdelay $0x3  }
0x4e7: {  	[tilespmem:s20+$0xA600] =	vst v1  }
0x4e8: {  	v1 =	vld.idx.msk [tilespmem:v2+s8+$0x0], $0xffff  }
0x4e9: {  	v2 =	vadd.s32 $0x3800, v0;
	_ =	sdelay $0x3  }
0x4ea: {  	[tilespmem:s20+$0xA680] =	vst v1  }
0x4eb: {  	v1 =	vld.idx.msk [tilespmem:v2+s8+$0x0], $0xffff  }
0x4ec: {  	v0 =	vadd.s32 $0x3C00, v0;
	_ =	sdelay $0x3  }
0x4ed: {  	[tilespmem:s20+$0xA700] =	vst v1  }
0x4ee: {  	s22 =	simm.s32 $0x0;
	s21 =	simm.s32 $0x10;
	v0 =	vld.idx.msk [tilespmem:v0+s8+$0x0], $0xffff  }
.LBB2_22:
0x4ef: {  	_ =	sdelay $0x3  }
0x4f0: {  	p0 =	sne.s32 s21, $0x3F0;
	s19 =	sadd.s32 $0x80, s19;
	s22 =	sadd.s32 $0x10, s22;
	[tilespmem:s20+$0xA780] =	vst v0  }
0x4f1: {  	s23 =	smov.u32 s21;
	s21 =	sadd.s32 $0x10, s21;
	v0 =	vld [tilespmem:s22+$0x0];
	_ =	sdelay $0x7  }
0x4f2: {  	v1 =	vld.idx.msk [tilespmem:v0+s8+$0x0], $0xffff;
	_ =	sdelay $0x1  }
0x4f3: {  	v2 =	vadd.s32 $0x400, v0;
	_ =	sdelay $0x1  }
0x4f4: {  	s24 =	sand.u32 $0x1C00, s19;
	s20 =	sand.u32 $0x70, s23  }
0x4f5: {  	s20 =	sor.u32 s20, s24  }
0x4f6: {  	[tilespmem:s20+$0x8400] =	vst v1  }
0x4f7: {  	v1 =	vld.idx.msk [tilespmem:v2+s8+$0x0], $0xffff;
	_ =	sdelay $0x1  }
0x4f8: {  	v2 =	vadd.s32 $0x800, v0;
	_ =	sdelay $0x3  }
0x4f9: {  	[tilespmem:s20+$0x8480] =	vst v1  }
0x4fa: {  	v1 =	vld.idx.msk [tilespmem:v2+s8+$0x0], $0xffff;
	_ =	sdelay $0x1  }
0x4fb: {  	v2 =	vadd.s32 $0xC00, v0;
	_ =	sdelay $0x3  }
0x4fc: {  	[tilespmem:s20+$0x8500] =	vst v1  }
0x4fd: {  	v1 =	vld.idx.msk [tilespmem:v2+s8+$0x0], $0xffff;
	_ =	sdelay $0x1  }
0x4fe: {  	v2 =	vadd.s32 $0x1000, v0;
	_ =	sdelay $0x3  }
0x4ff: {  	[tilespmem:s20+$0x8580] =	vst v1  }
0x500: {  	v1 =	vld.idx.msk [tilespmem:v2+s8+$0x0], $0xffff;
	_ =	sdelay $0x1  }
0x501: {  	v2 =	vadd.s32 $0x1400, v0;
	_ =	sdelay $0x3  }
0x502: {  	[tilespmem:s20+$0x8600] =	vst v1  }
0x503: {  	v1 =	vld.idx.msk [tilespmem:v2+s8+$0x0], $0xffff;
	_ =	sdelay $0x1  }
0x504: {  	v2 =	vadd.s32 $0x1800, v0;
	_ =	sdelay $0x3  }
0x505: {  	[tilespmem:s20+$0x8680] =	vst v1  }
0x506: {  	v1 =	vld.idx.msk [tilespmem:v2+s8+$0x0], $0xffff;
	_ =	sdelay $0x1  }
0x507: {  	v2 =	vadd.s32 $0x1C00, v0;
	_ =	sdelay $0x3  }
0x508: {  	[tilespmem:s20+$0x8700] =	vst v1  }
0x509: {  	v1 =	vld.idx.msk [tilespmem:v2+s8+$0x0], $0xffff;
	_ =	sdelay $0x1  }
0x50a: {  	v2 =	vadd.s32 $0x2000, v0;
	_ =	sdelay $0x1  }
0x50b: {  	s23 =	sor.u32 s19, s23  }
0x50c: {  	s23 =	sor.u32 $0x380, s23  }
0x50d: {  	[tilespmem:s23+$0x8400] =	vst v1  }
0x50e: {  	v1 =	vld.idx.msk [tilespmem:v2+s8+$0x0], $0xffff;
	_ =	sdelay $0x1  }
0x50f: {  	v2 =	vadd.s32 $0x2400, v0;
	_ =	sdelay $0x3  }
0x510: {  	[tilespmem:s20+$0xA400] =	vst v1  }
0x511: {  	v1 =	vld.idx.msk [tilespmem:v2+s8+$0x0], $0xffff;
	_ =	sdelay $0x1  }
0x512: {  	v2 =	vadd.s32 $0x2800, v0;
	_ =	sdelay $0x3  }
0x513: {  	[tilespmem:s20+$0xA480] =	vst v1  }
0x514: {  	v1 =	vld.idx.msk [tilespmem:v2+s8+$0x0], $0xffff;
	_ =	sdelay $0x1  }
0x515: {  	v2 =	vadd.s32 $0x2C00, v0;
	_ =	sdelay $0x3  }
0x516: {  	[tilespmem:s20+$0xA500] =	vst v1  }
0x517: {  	v1 =	vld.idx.msk [tilespmem:v2+s8+$0x0], $0xffff;
	_ =	sdelay $0x1  }
0x518: {  	v2 =	vadd.s32 $0x3000, v0;
	_ =	sdelay $0x3  }
0x519: {  	[tilespmem:s20+$0xA580] =	vst v1  }
0x51a: {  	v1 =	vld.idx.msk [tilespmem:v2+s8+$0x0], $0xffff;
	_ =	sdelay $0x1  }
0x51b: {  	v2 =	vadd.s32 $0x3400, v0;
	_ =	sdelay $0x3  }
0x51c: {  	[tilespmem:s20+$0xA600] =	vst v1  }
0x51d: {  	v1 =	vld.idx.msk [tilespmem:v2+s8+$0x0], $0xffff;
	_ =	sdelay $0x1  }
0x51e: {  	v2 =	vadd.s32 $0x3800, v0;
	_ =	sdelay $0x3  }
0x51f: {  	[tilespmem:s20+$0xA680] =	vst v1  }
0x520: {  	v1 =	vld.idx.msk [tilespmem:v2+s8+$0x0], $0xffff;
	_ =	sdelay $0x1  }
0x521: {  	v0 =	vadd.s32 $0x3C00, v0  }
.Ltmp10:
0x522: {  	(pc) =	sbr.rel @p0 .LBB2_22-.Ltmp10, $3  }
0x523: {  	_ =	sdelay $0x1  }
0x524: {  	[tilespmem:s20+$0xA700] =	vst v1  }
0x525: {  	v0 =	vld.idx.msk [tilespmem:v0+s8+$0x0], $0xffff  }
0x526: {  	_ =	sdelay $0x3  }
0x527: {  	[tilespmem:s20+$0xA780] =	vst v0  }
0x528: {  	[hbm4b:s31+s11] =	stream.strided.scatter [tilespmem:s13], [sflag:$0x3], $0x4000, s12, s11, $0x38;
	[tilespmem:$0x10400] =	vst v63  }
0x529: {  	s19 =	simm.s32 $0x0;
	s22 =	rddreg [dreg:$0x14]  }
0x52a: {  	[tilespmem:s8], [sflag:$0x1] =	stream.linear.gather [hbm4b:s22+s19], $0x4000, $0x38;
	[tilespmem:$0x10400] =	vst v63  }
0x52b: {  	_ =	swait.ge [sflag:s14], $0x4000  }
0x52c: {  	[sflag:s14] =	ssyncset.done $0x0  }
0x52d: {  	[sflag:s14] =	ssyncadd.s32 $0xFFFFC000  }
0x52e: {  	_ =	swait.ge [sflag:s17], $0x4000  }
0x52f: {  	[sflag:s17] =	ssyncset.done $0x0  }
0x530: {  	[sflag:s17] =	ssyncadd.s32 $0xFFFFC000  }
0x531: {  	v0 =	vld [tilespmem:s19+$0x0];
	_ =	sdelay $0x7  }
0x532: {  	v1 =	vld.idx.msk [tilespmem:v0+s9+$0x0], $0xffff  }
0x533: {  	v2 =	vadd.s32 $0x400, v0;
	_ =	sdelay $0x1  }
0x534: {  	s23 =	sand.u32 $0x70, s19;
	s21 =	sand.u32 $0x1C00, s19  }
0x535: {  	s20 =	sor.u32 s23, s21  }
0x536: {  	[tilespmem:s20+$0xC400] =	vst v1  }
0x537: {  	v1 =	vld.idx.msk [tilespmem:v2+s9+$0x0], $0xffff  }
0x538: {  	v2 =	vadd.s32 $0x800, v0;
	_ =	sdelay $0x3  }
0x539: {  	[tilespmem:s20+$0xC480] =	vst v1  }
0x53a: {  	v1 =	vld.idx.msk [tilespmem:v2+s9+$0x0], $0xffff  }
0x53b: {  	v2 =	vadd.s32 $0xC00, v0;
	_ =	sdelay $0x3  }
0x53c: {  	[tilespmem:s20+$0xC500] =	vst v1  }
0x53d: {  	v1 =	vld.idx.msk [tilespmem:v2+s9+$0x0], $0xffff  }
0x53e: {  	v2 =	vadd.s32 $0x1000, v0;
	_ =	sdelay $0x3  }
0x53f: {  	[tilespmem:s20+$0xC580] =	vst v1  }
0x540: {  	v1 =	vld.idx.msk [tilespmem:v2+s9+$0x0], $0xffff  }
0x541: {  	v2 =	vadd.s32 $0x1400, v0;
	_ =	sdelay $0x3  }
0x542: {  	[tilespmem:s20+$0xC600] =	vst v1  }
0x543: {  	v1 =	vld.idx.msk [tilespmem:v2+s9+$0x0], $0xffff  }
0x544: {  	v2 =	vadd.s32 $0x1800, v0;
	_ =	sdelay $0x3  }
0x545: {  	[tilespmem:s20+$0xC680] =	vst v1  }
0x546: {  	v1 =	vld.idx.msk [tilespmem:v2+s9+$0x0], $0xffff  }
0x547: {  	v2 =	vadd.s32 $0x1C00, v0;
	_ =	sdelay $0x3  }
0x548: {  	[tilespmem:s20+$0xC700] =	vst v1  }
0x549: {  	v1 =	vld.idx.msk [tilespmem:v2+s9+$0x0], $0xffff  }
0x54a: {  	v2 =	vadd.s32 $0x2000, v0;
	_ =	sdelay $0x1  }
0x54b: {  	s24 =	sor.u32 s19, s19  }
0x54c: {  	s21 =	sor.u32 $0x380, s24  }
0x54d: {  	[tilespmem:s21+$0xC400] =	vst v1  }
0x54e: {  	v1 =	vld.idx.msk [tilespmem:v2+s9+$0x0], $0xffff  }
0x54f: {  	v2 =	vadd.s32 $0x2400, v0;
	_ =	sdelay $0x3  }
0x550: {  	[tilespmem:s20+$0xE400] =	vst v1  }
0x551: {  	v1 =	vld.idx.msk [tilespmem:v2+s9+$0x0], $0xffff  }
0x552: {  	v2 =	vadd.s32 $0x2800, v0;
	_ =	sdelay $0x3  }
0x553: {  	[tilespmem:s20+$0xE480] =	vst v1  }
0x554: {  	v1 =	vld.idx.msk [tilespmem:v2+s9+$0x0], $0xffff  }
0x555: {  	v2 =	vadd.s32 $0x2C00, v0;
	_ =	sdelay $0x3  }
0x556: {  	[tilespmem:s20+$0xE500] =	vst v1  }
0x557: {  	v1 =	vld.idx.msk [tilespmem:v2+s9+$0x0], $0xffff  }
0x558: {  	v2 =	vadd.s32 $0x3000, v0;
	_ =	sdelay $0x3  }
0x559: {  	[tilespmem:s20+$0xE580] =	vst v1  }
0x55a: {  	v1 =	vld.idx.msk [tilespmem:v2+s9+$0x0], $0xffff  }
0x55b: {  	v2 =	vadd.s32 $0x3400, v0;
	_ =	sdelay $0x3  }
0x55c: {  	[tilespmem:s20+$0xE600] =	vst v1  }
0x55d: {  	v1 =	vld.idx.msk [tilespmem:v2+s9+$0x0], $0xffff  }
0x55e: {  	v2 =	vadd.s32 $0x3800, v0;
	_ =	sdelay $0x3  }
0x55f: {  	[tilespmem:s20+$0xE680] =	vst v1  }
0x560: {  	v1 =	vld.idx.msk [tilespmem:v2+s9+$0x0], $0xffff  }
0x561: {  	v0 =	vadd.s32 $0x3C00, v0;
	_ =	sdelay $0x3  }
0x562: {  	[tilespmem:s20+$0xE700] =	vst v1  }
0x563: {  	s22 =	simm.s32 $0x0;
	s21 =	simm.s32 $0x10;
	v0 =	vld.idx.msk [tilespmem:v0+s9+$0x0], $0xffff  }
.LBB2_24:
0x564: {  	_ =	sdelay $0x3  }
0x565: {  	p0 =	sne.s32 s21, $0x3F0;
	s19 =	sadd.s32 $0x80, s19;
	s22 =	sadd.s32 $0x10, s22;
	[tilespmem:s20+$0xE780] =	vst v0  }
0x566: {  	s23 =	smov.u32 s21;
	s21 =	sadd.s32 $0x10, s21;
	v0 =	vld [tilespmem:s22+$0x0];
	_ =	sdelay $0x7  }
0x567: {  	v1 =	vld.idx.msk [tilespmem:v0+s9+$0x0], $0xffff;
	_ =	sdelay $0x1  }
0x568: {  	v2 =	vadd.s32 $0x400, v0;
	_ =	sdelay $0x1  }
0x569: {  	s24 =	sand.u32 $0x1C00, s19;
	s20 =	sand.u32 $0x70, s23  }
0x56a: {  	s20 =	sor.u32 s20, s24  }
0x56b: {  	[tilespmem:s20+$0xC400] =	vst v1  }
0x56c: {  	v1 =	vld.idx.msk [tilespmem:v2+s9+$0x0], $0xffff;
	_ =	sdelay $0x1  }
0x56d: {  	v2 =	vadd.s32 $0x800, v0;
	_ =	sdelay $0x3  }
0x56e: {  	[tilespmem:s20+$0xC480] =	vst v1  }
0x56f: {  	v1 =	vld.idx.msk [tilespmem:v2+s9+$0x0], $0xffff;
	_ =	sdelay $0x1  }
0x570: {  	v2 =	vadd.s32 $0xC00, v0;
	_ =	sdelay $0x3  }
0x571: {  	[tilespmem:s20+$0xC500] =	vst v1  }
0x572: {  	v1 =	vld.idx.msk [tilespmem:v2+s9+$0x0], $0xffff;
	_ =	sdelay $0x1  }
0x573: {  	v2 =	vadd.s32 $0x1000, v0;
	_ =	sdelay $0x3  }
0x574: {  	[tilespmem:s20+$0xC580] =	vst v1  }
0x575: {  	v1 =	vld.idx.msk [tilespmem:v2+s9+$0x0], $0xffff;
	_ =	sdelay $0x1  }
0x576: {  	v2 =	vadd.s32 $0x1400, v0;
	_ =	sdelay $0x3  }
0x577: {  	[tilespmem:s20+$0xC600] =	vst v1  }
0x578: {  	v1 =	vld.idx.msk [tilespmem:v2+s9+$0x0], $0xffff;
	_ =	sdelay $0x1  }
0x579: {  	v2 =	vadd.s32 $0x1800, v0;
	_ =	sdelay $0x3  }
0x57a: {  	[tilespmem:s20+$0xC680] =	vst v1  }
0x57b: {  	v1 =	vld.idx.msk [tilespmem:v2+s9+$0x0], $0xffff;
	_ =	sdelay $0x1  }
0x57c: {  	v2 =	vadd.s32 $0x1C00, v0;
	_ =	sdelay $0x3  }
0x57d: {  	[tilespmem:s20+$0xC700] =	vst v1  }
0x57e: {  	v1 =	vld.idx.msk [tilespmem:v2+s9+$0x0], $0xffff;
	_ =	sdelay $0x1  }
0x57f: {  	v2 =	vadd.s32 $0x2000, v0;
	_ =	sdelay $0x1  }
0x580: {  	s23 =	sor.u32 s19, s23  }
0x581: {  	s23 =	sor.u32 $0x380, s23  }
0x582: {  	[tilespmem:s23+$0xC400] =	vst v1  }
0x583: {  	v1 =	vld.idx.msk [tilespmem:v2+s9+$0x0], $0xffff;
	_ =	sdelay $0x1  }
0x584: {  	v2 =	vadd.s32 $0x2400, v0;
	_ =	sdelay $0x3  }
0x585: {  	[tilespmem:s20+$0xE400] =	vst v1  }
0x586: {  	v1 =	vld.idx.msk [tilespmem:v2+s9+$0x0], $0xffff;
	_ =	sdelay $0x1  }
0x587: {  	v2 =	vadd.s32 $0x2800, v0;
	_ =	sdelay $0x3  }
0x588: {  	[tilespmem:s20+$0xE480] =	vst v1  }
0x589: {  	v1 =	vld.idx.msk [tilespmem:v2+s9+$0x0], $0xffff;
	_ =	sdelay $0x1  }
0x58a: {  	v2 =	vadd.s32 $0x2C00, v0;
	_ =	sdelay $0x3  }
0x58b: {  	[tilespmem:s20+$0xE500] =	vst v1  }
0x58c: {  	v1 =	vld.idx.msk [tilespmem:v2+s9+$0x0], $0xffff;
	_ =	sdelay $0x1  }
0x58d: {  	v2 =	vadd.s32 $0x3000, v0;
	_ =	sdelay $0x3  }
0x58e: {  	[tilespmem:s20+$0xE580] =	vst v1  }
0x58f: {  	v1 =	vld.idx.msk [tilespmem:v2+s9+$0x0], $0xffff;
	_ =	sdelay $0x1  }
0x590: {  	v2 =	vadd.s32 $0x3400, v0;
	_ =	sdelay $0x3  }
0x591: {  	[tilespmem:s20+$0xE600] =	vst v1  }
0x592: {  	v1 =	vld.idx.msk [tilespmem:v2+s9+$0x0], $0xffff;
	_ =	sdelay $0x1  }
0x593: {  	v2 =	vadd.s32 $0x3800, v0;
	_ =	sdelay $0x3  }
0x594: {  	[tilespmem:s20+$0xE680] =	vst v1  }
0x595: {  	v1 =	vld.idx.msk [tilespmem:v2+s9+$0x0], $0xffff;
	_ =	sdelay $0x1  }
0x596: {  	v0 =	vadd.s32 $0x3C00, v0  }
.Ltmp11:
0x597: {  	(pc) =	sbr.rel @p0 .LBB2_24-.Ltmp11, $3  }
0x598: {  	_ =	sdelay $0x1  }
0x599: {  	[tilespmem:s20+$0xE700] =	vst v1  }
0x59a: {  	v0 =	vld.idx.msk [tilespmem:v0+s9+$0x0], $0xffff  }
0x59b: {  	_ =	sdelay $0x3  }
0x59c: {  	[tilespmem:s20+$0xE780] =	vst v0  }
0x59d: {  	[hbm4b:s0+s11] =	stream.strided.scatter [tilespmem:s15], [sflag:$0x4], $0x4000, s12, s11, $0x38;
	[tilespmem:$0x10400] =	vst v63  }
0x59e: {  	s19 =	simm.s32 $0x0;
	s22 =	rddreg [dreg:$0x15]  }
0x59f: {  	[tilespmem:s9], [sflag:$0x2] =	stream.linear.gather [hbm4b:s22+s19], $0x4000, $0x38;
	[tilespmem:$0x10400] =	vst v63  }
0x5a0: {  	_ =	swait.ge [sflag:s10], $0x4000  }
0x5a1: {  	[sflag:s10] =	ssyncset.done $0x0  }
0x5a2: {  	[sflag:s10] =	ssyncadd.s32 $0xFFFFC000  }
0x5a3: {  	_ =	swait.ge [sflag:s16], $0x4000  }
0x5a4: {  	[sflag:s16] =	ssyncset.done $0x0  }
0x5a5: {  	[sflag:s16] =	ssyncadd.s32 $0xFFFFC000  }
0x5a6: {  	v0 =	vld [tilespmem:s19+$0x0];
	_ =	sdelay $0x7  }
0x5a7: {  	v1 =	vld.idx.msk [tilespmem:v0+s8+$0x0], $0xffff  }
0x5a8: {  	v2 =	vadd.s32 $0x400, v0;
	_ =	sdelay $0x1  }
0x5a9: {  	s23 =	sand.u32 $0x70, s19;
	s21 =	sand.u32 $0x1C00, s19  }
0x5aa: {  	s20 =	sor.u32 s23, s21  }
0x5ab: {  	[tilespmem:s20+$0x8400] =	vst v1  }
0x5ac: {  	v1 =	vld.idx.msk [tilespmem:v2+s8+$0x0], $0xffff  }
0x5ad: {  	v2 =	vadd.s32 $0x800, v0;
	_ =	sdelay $0x3  }
0x5ae: {  	[tilespmem:s20+$0x8480] =	vst v1  }
0x5af: {  	v1 =	vld.idx.msk [tilespmem:v2+s8+$0x0], $0xffff  }
0x5b0: {  	v2 =	vadd.s32 $0xC00, v0;
	_ =	sdelay $0x3  }
0x5b1: {  	[tilespmem:s20+$0x8500] =	vst v1  }
0x5b2: {  	v1 =	vld.idx.msk [tilespmem:v2+s8+$0x0], $0xffff  }
0x5b3: {  	v2 =	vadd.s32 $0x1000, v0;
	_ =	sdelay $0x3  }
0x5b4: {  	[tilespmem:s20+$0x8580] =	vst v1  }
0x5b5: {  	v1 =	vld.idx.msk [tilespmem:v2+s8+$0x0], $0xffff  }
0x5b6: {  	v2 =	vadd.s32 $0x1400, v0;
	_ =	sdelay $0x3  }
0x5b7: {  	[tilespmem:s20+$0x8600] =	vst v1  }
0x5b8: {  	v1 =	vld.idx.msk [tilespmem:v2+s8+$0x0], $0xffff  }
0x5b9: {  	v2 =	vadd.s32 $0x1800, v0;
	_ =	sdelay $0x3  }
0x5ba: {  	[tilespmem:s20+$0x8680] =	vst v1  }
0x5bb: {  	v1 =	vld.idx.msk [tilespmem:v2+s8+$0x0], $0xffff  }
0x5bc: {  	v2 =	vadd.s32 $0x1C00, v0;
	_ =	sdelay $0x3  }
0x5bd: {  	[tilespmem:s20+$0x8700] =	vst v1  }
0x5be: {  	v1 =	vld.idx.msk [tilespmem:v2+s8+$0x0], $0xffff  }
0x5bf: {  	v2 =	vadd.s32 $0x2000, v0;
	_ =	sdelay $0x1  }
0x5c0: {  	s24 =	sor.u32 s19, s19  }
0x5c1: {  	s21 =	sor.u32 $0x380, s24  }
0x5c2: {  	[tilespmem:s21+$0x8400] =	vst v1  }
0x5c3: {  	v1 =	vld.idx.msk [tilespmem:v2+s8+$0x0], $0xffff  }
0x5c4: {  	v2 =	vadd.s32 $0x2400, v0;
	_ =	sdelay $0x3  }
0x5c5: {  	[tilespmem:s20+$0xA400] =	vst v1  }
0x5c6: {  	v1 =	vld.idx.msk [tilespmem:v2+s8+$0x0], $0xffff  }
0x5c7: {  	v2 =	vadd.s32 $0x2800, v0;
	_ =	sdelay $0x3  }
0x5c8: {  	[tilespmem:s20+$0xA480] =	vst v1  }
0x5c9: {  	v1 =	vld.idx.msk [tilespmem:v2+s8+$0x0], $0xffff  }
0x5ca: {  	v2 =	vadd.s32 $0x2C00, v0;
	_ =	sdelay $0x3  }
0x5cb: {  	[tilespmem:s20+$0xA500] =	vst v1  }
0x5cc: {  	v1 =	vld.idx.msk [tilespmem:v2+s8+$0x0], $0xffff  }
0x5cd: {  	v2 =	vadd.s32 $0x3000, v0;
	_ =	sdelay $0x3  }
0x5ce: {  	[tilespmem:s20+$0xA580] =	vst v1  }
0x5cf: {  	v1 =	vld.idx.msk [tilespmem:v2+s8+$0x0], $0xffff  }
0x5d0: {  	v2 =	vadd.s32 $0x3400, v0;
	_ =	sdelay $0x3  }
0x5d1: {  	[tilespmem:s20+$0xA600] =	vst v1  }
0x5d2: {  	v1 =	vld.idx.msk [tilespmem:v2+s8+$0x0], $0xffff  }
0x5d3: {  	v2 =	vadd.s32 $0x3800, v0;
	_ =	sdelay $0x3  }
0x5d4: {  	[tilespmem:s20+$0xA680] =	vst v1  }
0x5d5: {  	v1 =	vld.idx.msk [tilespmem:v2+s8+$0x0], $0xffff  }
0x5d6: {  	v0 =	vadd.s32 $0x3C00, v0;
	_ =	sdelay $0x3  }
0x5d7: {  	[tilespmem:s20+$0xA700] =	vst v1  }
0x5d8: {  	s22 =	simm.s32 $0x0;
	s21 =	simm.s32 $0x10;
	v0 =	vld.idx.msk [tilespmem:v0+s8+$0x0], $0xffff  }
.LBB2_26:
0x5d9: {  	_ =	sdelay $0x3  }
0x5da: {  	p0 =	sne.s32 s21, $0x3F0;
	s19 =	sadd.s32 $0x80, s19;
	s22 =	sadd.s32 $0x10, s22;
	[tilespmem:s20+$0xA780] =	vst v0  }
0x5db: {  	s23 =	smov.u32 s21;
	s21 =	sadd.s32 $0x10, s21;
	v0 =	vld [tilespmem:s22+$0x0];
	_ =	sdelay $0x7  }
0x5dc: {  	v1 =	vld.idx.msk [tilespmem:v0+s8+$0x0], $0xffff;
	_ =	sdelay $0x1  }
0x5dd: {  	v2 =	vadd.s32 $0x400, v0;
	_ =	sdelay $0x1  }
0x5de: {  	s24 =	sand.u32 $0x1C00, s19;
	s20 =	sand.u32 $0x70, s23  }
0x5df: {  	s20 =	sor.u32 s20, s24  }
0x5e0: {  	[tilespmem:s20+$0x8400] =	vst v1  }
0x5e1: {  	v1 =	vld.idx.msk [tilespmem:v2+s8+$0x0], $0xffff;
	_ =	sdelay $0x1  }
0x5e2: {  	v2 =	vadd.s32 $0x800, v0;
	_ =	sdelay $0x3  }
0x5e3: {  	[tilespmem:s20+$0x8480] =	vst v1  }
0x5e4: {  	v1 =	vld.idx.msk [tilespmem:v2+s8+$0x0], $0xffff;
	_ =	sdelay $0x1  }
0x5e5: {  	v2 =	vadd.s32 $0xC00, v0;
	_ =	sdelay $0x3  }
0x5e6: {  	[tilespmem:s20+$0x8500] =	vst v1  }
0x5e7: {  	v1 =	vld.idx.msk [tilespmem:v2+s8+$0x0], $0xffff;
	_ =	sdelay $0x1  }
0x5e8: {  	v2 =	vadd.s32 $0x1000, v0;
	_ =	sdelay $0x3  }
0x5e9: {  	[tilespmem:s20+$0x8580] =	vst v1  }
0x5ea: {  	v1 =	vld.idx.msk [tilespmem:v2+s8+$0x0], $0xffff;
	_ =	sdelay $0x1  }
0x5eb: {  	v2 =	vadd.s32 $0x1400, v0;
	_ =	sdelay $0x3  }
0x5ec: {  	[tilespmem:s20+$0x8600] =	vst v1  }
0x5ed: {  	v1 =	vld.idx.msk [tilespmem:v2+s8+$0x0], $0xffff;
	_ =	sdelay $0x1  }
0x5ee: {  	v2 =	vadd.s32 $0x1800, v0;
	_ =	sdelay $0x3  }
0x5ef: {  	[tilespmem:s20+$0x8680] =	vst v1  }
0x5f0: {  	v1 =	vld.idx.msk [tilespmem:v2+s8+$0x0], $0xffff;
	_ =	sdelay $0x1  }
0x5f1: {  	v2 =	vadd.s32 $0x1C00, v0;
	_ =	sdelay $0x3  }
0x5f2: {  	[tilespmem:s20+$0x8700] =	vst v1  }
0x5f3: {  	v1 =	vld.idx.msk [tilespmem:v2+s8+$0x0], $0xffff;
	_ =	sdelay $0x1  }
0x5f4: {  	v2 =	vadd.s32 $0x2000, v0;
	_ =	sdelay $0x1  }
0x5f5: {  	s23 =	sor.u32 s19, s23  }
0x5f6: {  	s23 =	sor.u32 $0x380, s23  }
0x5f7: {  	[tilespmem:s23+$0x8400] =	vst v1  }
0x5f8: {  	v1 =	vld.idx.msk [tilespmem:v2+s8+$0x0], $0xffff;
	_ =	sdelay $0x1  }
0x5f9: {  	v2 =	vadd.s32 $0x2400, v0;
	_ =	sdelay $0x3  }
0x5fa: {  	[tilespmem:s20+$0xA400] =	vst v1  }
0x5fb: {  	v1 =	vld.idx.msk [tilespmem:v2+s8+$0x0], $0xffff;
	_ =	sdelay $0x1  }
0x5fc: {  	v2 =	vadd.s32 $0x2800, v0;
	_ =	sdelay $0x3  }
0x5fd: {  	[tilespmem:s20+$0xA480] =	vst v1  }
0x5fe: {  	v1 =	vld.idx.msk [tilespmem:v2+s8+$0x0], $0xffff;
	_ =	sdelay $0x1  }
0x5ff: {  	v2 =	vadd.s32 $0x2C00, v0;
	_ =	sdelay $0x3  }
0x600: {  	[tilespmem:s20+$0xA500] =	vst v1  }
0x601: {  	v1 =	vld.idx.msk [tilespmem:v2+s8+$0x0], $0xffff;
	_ =	sdelay $0x1  }
0x602: {  	v2 =	vadd.s32 $0x3000, v0;
	_ =	sdelay $0x3  }
0x603: {  	[tilespmem:s20+$0xA580] =	vst v1  }
0x604: {  	v1 =	vld.idx.msk [tilespmem:v2+s8+$0x0], $0xffff;
	_ =	sdelay $0x1  }
0x605: {  	v2 =	vadd.s32 $0x3400, v0;
	_ =	sdelay $0x3  }
0x606: {  	[tilespmem:s20+$0xA600] =	vst v1  }
0x607: {  	v1 =	vld.idx.msk [tilespmem:v2+s8+$0x0], $0xffff;
	_ =	sdelay $0x1  }
0x608: {  	v2 =	vadd.s32 $0x3800, v0;
	_ =	sdelay $0x3  }
0x609: {  	[tilespmem:s20+$0xA680] =	vst v1  }
0x60a: {  	v1 =	vld.idx.msk [tilespmem:v2+s8+$0x0], $0xffff;
	_ =	sdelay $0x1  }
0x60b: {  	v0 =	vadd.s32 $0x3C00, v0  }
.Ltmp12:
0x60c: {  	(pc) =	sbr.rel @p0 .LBB2_26-.Ltmp12, $3  }
0x60d: {  	_ =	sdelay $0x1  }
0x60e: {  	[tilespmem:s20+$0xA700] =	vst v1  }
0x60f: {  	v0 =	vld.idx.msk [tilespmem:v0+s8+$0x0], $0xffff  }
0x610: {  	_ =	sdelay $0x3  }
0x611: {  	[tilespmem:s20+$0xA780] =	vst v0  }
0x612: {  	[hbm4b:s1+s11] =	stream.strided.scatter [tilespmem:s13], [sflag:$0x3], $0x4000, s12, s11, $0x38;
	[tilespmem:$0x10400] =	vst v63  }
0x613: {  	s19 =	simm.s32 $0x0;
	s22 =	rddreg [dreg:$0x16]  }
0x614: {  	[tilespmem:s8], [sflag:$0x1] =	stream.linear.gather [hbm4b:s22+s19], $0x4000, $0x38;
	[tilespmem:$0x10400] =	vst v63  }
0x615: {  	_ =	swait.ge [sflag:s14], $0x4000  }
0x616: {  	[sflag:s14] =	ssyncset.done $0x0  }
0x617: {  	[sflag:s14] =	ssyncadd.s32 $0xFFFFC000  }
0x618: {  	_ =	swait.ge [sflag:s17], $0x4000  }
0x619: {  	[sflag:s17] =	ssyncset.done $0x0  }
0x61a: {  	[sflag:s17] =	ssyncadd.s32 $0xFFFFC000  }
0x61b: {  	v0 =	vld [tilespmem:s19+$0x0];
	_ =	sdelay $0x7  }
0x61c: {  	v1 =	vld.idx.msk [tilespmem:v0+s9+$0x0], $0xffff  }
0x61d: {  	v2 =	vadd.s32 $0x400, v0;
	_ =	sdelay $0x1  }
0x61e: {  	s23 =	sand.u32 $0x70, s19;
	s21 =	sand.u32 $0x1C00, s19  }
0x61f: {  	s20 =	sor.u32 s23, s21  }
0x620: {  	[tilespmem:s20+$0xC400] =	vst v1  }
0x621: {  	v1 =	vld.idx.msk [tilespmem:v2+s9+$0x0], $0xffff  }
0x622: {  	v2 =	vadd.s32 $0x800, v0;
	_ =	sdelay $0x3  }
0x623: {  	[tilespmem:s20+$0xC480] =	vst v1  }
0x624: {  	v1 =	vld.idx.msk [tilespmem:v2+s9+$0x0], $0xffff  }
0x625: {  	v2 =	vadd.s32 $0xC00, v0;
	_ =	sdelay $0x3  }
0x626: {  	[tilespmem:s20+$0xC500] =	vst v1  }
0x627: {  	v1 =	vld.idx.msk [tilespmem:v2+s9+$0x0], $0xffff  }
0x628: {  	v2 =	vadd.s32 $0x1000, v0;
	_ =	sdelay $0x3  }
0x629: {  	[tilespmem:s20+$0xC580] =	vst v1  }
0x62a: {  	v1 =	vld.idx.msk [tilespmem:v2+s9+$0x0], $0xffff  }
0x62b: {  	v2 =	vadd.s32 $0x1400, v0;
	_ =	sdelay $0x3  }
0x62c: {  	[tilespmem:s20+$0xC600] =	vst v1  }
0x62d: {  	v1 =	vld.idx.msk [tilespmem:v2+s9+$0x0], $0xffff  }
0x62e: {  	v2 =	vadd.s32 $0x1800, v0;
	_ =	sdelay $0x3  }
0x62f: {  	[tilespmem:s20+$0xC680] =	vst v1  }
0x630: {  	v1 =	vld.idx.msk [tilespmem:v2+s9+$0x0], $0xffff  }
0x631: {  	v2 =	vadd.s32 $0x1C00, v0;
	_ =	sdelay $0x3  }
0x632: {  	[tilespmem:s20+$0xC700] =	vst v1  }
0x633: {  	v1 =	vld.idx.msk [tilespmem:v2+s9+$0x0], $0xffff  }
0x634: {  	v2 =	vadd.s32 $0x2000, v0;
	_ =	sdelay $0x1  }
0x635: {  	s24 =	sor.u32 s19, s19  }
0x636: {  	s21 =	sor.u32 $0x380, s24  }
0x637: {  	[tilespmem:s21+$0xC400] =	vst v1  }
0x638: {  	v1 =	vld.idx.msk [tilespmem:v2+s9+$0x0], $0xffff  }
0x639: {  	v2 =	vadd.s32 $0x2400, v0;
	_ =	sdelay $0x3  }
0x63a: {  	[tilespmem:s20+$0xE400] =	vst v1  }
0x63b: {  	v1 =	vld.idx.msk [tilespmem:v2+s9+$0x0], $0xffff  }
0x63c: {  	v2 =	vadd.s32 $0x2800, v0;
	_ =	sdelay $0x3  }
0x63d: {  	[tilespmem:s20+$0xE480] =	vst v1  }
0x63e: {  	v1 =	vld.idx.msk [tilespmem:v2+s9+$0x0], $0xffff  }
0x63f: {  	v2 =	vadd.s32 $0x2C00, v0;
	_ =	sdelay $0x3  }
0x640: {  	[tilespmem:s20+$0xE500] =	vst v1  }
0x641: {  	v1 =	vld.idx.msk [tilespmem:v2+s9+$0x0], $0xffff  }
0x642: {  	v2 =	vadd.s32 $0x3000, v0;
	_ =	sdelay $0x3  }
0x643: {  	[tilespmem:s20+$0xE580] =	vst v1  }
0x644: {  	v1 =	vld.idx.msk [tilespmem:v2+s9+$0x0], $0xffff  }
0x645: {  	v2 =	vadd.s32 $0x3400, v0;
	_ =	sdelay $0x3  }
0x646: {  	[tilespmem:s20+$0xE600] =	vst v1  }
0x647: {  	v1 =	vld.idx.msk [tilespmem:v2+s9+$0x0], $0xffff  }
0x648: {  	v2 =	vadd.s32 $0x3800, v0;
	_ =	sdelay $0x3  }
0x649: {  	[tilespmem:s20+$0xE680] =	vst v1  }
0x64a: {  	v1 =	vld.idx.msk [tilespmem:v2+s9+$0x0], $0xffff  }
0x64b: {  	v0 =	vadd.s32 $0x3C00, v0;
	_ =	sdelay $0x3  }
0x64c: {  	[tilespmem:s20+$0xE700] =	vst v1  }
0x64d: {  	s22 =	simm.s32 $0x0;
	s21 =	simm.s32 $0x10;
	v0 =	vld.idx.msk [tilespmem:v0+s9+$0x0], $0xffff  }
.LBB2_28:
0x64e: {  	_ =	sdelay $0x3  }
0x64f: {  	p0 =	sne.s32 s21, $0x3F0;
	s19 =	sadd.s32 $0x80, s19;
	s22 =	sadd.s32 $0x10, s22;
	[tilespmem:s20+$0xE780] =	vst v0  }
0x650: {  	s23 =	smov.u32 s21;
	s21 =	sadd.s32 $0x10, s21;
	v0 =	vld [tilespmem:s22+$0x0];
	_ =	sdelay $0x7  }
0x651: {  	v1 =	vld.idx.msk [tilespmem:v0+s9+$0x0], $0xffff;
	_ =	sdelay $0x1  }
0x652: {  	v2 =	vadd.s32 $0x400, v0;
	_ =	sdelay $0x1  }
0x653: {  	s24 =	sand.u32 $0x1C00, s19;
	s20 =	sand.u32 $0x70, s23  }
0x654: {  	s20 =	sor.u32 s20, s24  }
0x655: {  	[tilespmem:s20+$0xC400] =	vst v1  }
0x656: {  	v1 =	vld.idx.msk [tilespmem:v2+s9+$0x0], $0xffff;
	_ =	sdelay $0x1  }
0x657: {  	v2 =	vadd.s32 $0x800, v0;
	_ =	sdelay $0x3  }
0x658: {  	[tilespmem:s20+$0xC480] =	vst v1  }
0x659: {  	v1 =	vld.idx.msk [tilespmem:v2+s9+$0x0], $0xffff;
	_ =	sdelay $0x1  }
0x65a: {  	v2 =	vadd.s32 $0xC00, v0;
	_ =	sdelay $0x3  }
0x65b: {  	[tilespmem:s20+$0xC500] =	vst v1  }
0x65c: {  	v1 =	vld.idx.msk [tilespmem:v2+s9+$0x0], $0xffff;
	_ =	sdelay $0x1  }
0x65d: {  	v2 =	vadd.s32 $0x1000, v0;
	_ =	sdelay $0x3  }
0x65e: {  	[tilespmem:s20+$0xC580] =	vst v1  }
0x65f: {  	v1 =	vld.idx.msk [tilespmem:v2+s9+$0x0], $0xffff;
	_ =	sdelay $0x1  }
0x660: {  	v2 =	vadd.s32 $0x1400, v0;
	_ =	sdelay $0x3  }
0x661: {  	[tilespmem:s20+$0xC600] =	vst v1  }
0x662: {  	v1 =	vld.idx.msk [tilespmem:v2+s9+$0x0], $0xffff;
	_ =	sdelay $0x1  }
0x663: {  	v2 =	vadd.s32 $0x1800, v0;
	_ =	sdelay $0x3  }
0x664: {  	[tilespmem:s20+$0xC680] =	vst v1  }
0x665: {  	v1 =	vld.idx.msk [tilespmem:v2+s9+$0x0], $0xffff;
	_ =	sdelay $0x1  }
0x666: {  	v2 =	vadd.s32 $0x1C00, v0;
	_ =	sdelay $0x3  }
0x667: {  	[tilespmem:s20+$0xC700] =	vst v1  }
0x668: {  	v1 =	vld.idx.msk [tilespmem:v2+s9+$0x0], $0xffff;
	_ =	sdelay $0x1  }
0x669: {  	v2 =	vadd.s32 $0x2000, v0;
	_ =	sdelay $0x1  }
0x66a: {  	s23 =	sor.u32 s19, s23  }
0x66b: {  	s23 =	sor.u32 $0x380, s23  }
0x66c: {  	[tilespmem:s23+$0xC400] =	vst v1  }
0x66d: {  	v1 =	vld.idx.msk [tilespmem:v2+s9+$0x0], $0xffff;
	_ =	sdelay $0x1  }
0x66e: {  	v2 =	vadd.s32 $0x2400, v0;
	_ =	sdelay $0x3  }
0x66f: {  	[tilespmem:s20+$0xE400] =	vst v1  }
0x670: {  	v1 =	vld.idx.msk [tilespmem:v2+s9+$0x0], $0xffff;
	_ =	sdelay $0x1  }
0x671: {  	v2 =	vadd.s32 $0x2800, v0;
	_ =	sdelay $0x3  }
0x672: {  	[tilespmem:s20+$0xE480] =	vst v1  }
0x673: {  	v1 =	vld.idx.msk [tilespmem:v2+s9+$0x0], $0xffff;
	_ =	sdelay $0x1  }
0x674: {  	v2 =	vadd.s32 $0x2C00, v0;
	_ =	sdelay $0x3  }
0x675: {  	[tilespmem:s20+$0xE500] =	vst v1  }
0x676: {  	v1 =	vld.idx.msk [tilespmem:v2+s9+$0x0], $0xffff;
	_ =	sdelay $0x1  }
0x677: {  	v2 =	vadd.s32 $0x3000, v0;
	_ =	sdelay $0x3  }
0x678: {  	[tilespmem:s20+$0xE580] =	vst v1  }
0x679: {  	v1 =	vld.idx.msk [tilespmem:v2+s9+$0x0], $0xffff;
	_ =	sdelay $0x1  }
0x67a: {  	v2 =	vadd.s32 $0x3400, v0;
	_ =	sdelay $0x3  }
0x67b: {  	[tilespmem:s20+$0xE600] =	vst v1  }
0x67c: {  	v1 =	vld.idx.msk [tilespmem:v2+s9+$0x0], $0xffff;
	_ =	sdelay $0x1  }
0x67d: {  	v2 =	vadd.s32 $0x3800, v0;
	_ =	sdelay $0x3  }
0x67e: {  	[tilespmem:s20+$0xE680] =	vst v1  }
0x67f: {  	v1 =	vld.idx.msk [tilespmem:v2+s9+$0x0], $0xffff;
	_ =	sdelay $0x1  }
0x680: {  	v0 =	vadd.s32 $0x3C00, v0  }
.Ltmp13:
0x681: {  	(pc) =	sbr.rel @p0 .LBB2_28-.Ltmp13, $3  }
0x682: {  	_ =	sdelay $0x1  }
0x683: {  	[tilespmem:s20+$0xE700] =	vst v1  }
0x684: {  	v0 =	vld.idx.msk [tilespmem:v0+s9+$0x0], $0xffff  }
0x685: {  	_ =	sdelay $0x3  }
0x686: {  	[tilespmem:s20+$0xE780] =	vst v0  }
0x687: {  	[hbm4b:s3+s11] =	stream.strided.scatter [tilespmem:s15], [sflag:$0x4], $0x4000, s12, s11, $0x38;
	[tilespmem:$0x10400] =	vst v63  }
0x688: {  	s19 =	simm.s32 $0x0;
	s22 =	rddreg [dreg:$0x17]  }
0x689: {  	[tilespmem:s9], [sflag:$0x2] =	stream.linear.gather [hbm4b:s22+s19], $0x4000, $0x38;
	[tilespmem:$0x10400] =	vst v63  }
0x68a: {  	_ =	swait.ge [sflag:s10], $0x4000  }
0x68b: {  	[sflag:s10] =	ssyncset.done $0x0  }
0x68c: {  	[sflag:s10] =	ssyncadd.s32 $0xFFFFC000  }
0x68d: {  	_ =	swait.ge [sflag:s16], $0x4000  }
0x68e: {  	[sflag:s16] =	ssyncset.done $0x0  }
0x68f: {  	[sflag:s16] =	ssyncadd.s32 $0xFFFFC000  }
0x690: {  	v0 =	vld [tilespmem:s19+$0x0];
	_ =	sdelay $0x7  }
0x691: {  	v1 =	vld.idx.msk [tilespmem:v0+s8+$0x0], $0xffff  }
0x692: {  	v2 =	vadd.s32 $0x400, v0;
	_ =	sdelay $0x1  }
0x693: {  	s23 =	sand.u32 $0x70, s19;
	s21 =	sand.u32 $0x1C00, s19  }
0x694: {  	s20 =	sor.u32 s23, s21  }
0x695: {  	[tilespmem:s20+$0x8400] =	vst v1  }
0x696: {  	v1 =	vld.idx.msk [tilespmem:v2+s8+$0x0], $0xffff  }
0x697: {  	v2 =	vadd.s32 $0x800, v0;
	_ =	sdelay $0x3  }
0x698: {  	[tilespmem:s20+$0x8480] =	vst v1  }
0x699: {  	v1 =	vld.idx.msk [tilespmem:v2+s8+$0x0], $0xffff  }
0x69a: {  	v2 =	vadd.s32 $0xC00, v0;
	_ =	sdelay $0x3  }
0x69b: {  	[tilespmem:s20+$0x8500] =	vst v1  }
0x69c: {  	v1 =	vld.idx.msk [tilespmem:v2+s8+$0x0], $0xffff  }
0x69d: {  	v2 =	vadd.s32 $0x1000, v0;
	_ =	sdelay $0x3  }
0x69e: {  	[tilespmem:s20+$0x8580] =	vst v1  }
0x69f: {  	v1 =	vld.idx.msk [tilespmem:v2+s8+$0x0], $0xffff  }
0x6a0: {  	v2 =	vadd.s32 $0x1400, v0;
	_ =	sdelay $0x3  }
0x6a1: {  	[tilespmem:s20+$0x8600] =	vst v1  }
0x6a2: {  	v1 =	vld.idx.msk [tilespmem:v2+s8+$0x0], $0xffff  }
0x6a3: {  	v2 =	vadd.s32 $0x1800, v0;
	_ =	sdelay $0x3  }
0x6a4: {  	[tilespmem:s20+$0x8680] =	vst v1  }
0x6a5: {  	v1 =	vld.idx.msk [tilespmem:v2+s8+$0x0], $0xffff  }
0x6a6: {  	v2 =	vadd.s32 $0x1C00, v0;
	_ =	sdelay $0x3  }
0x6a7: {  	[tilespmem:s20+$0x8700] =	vst v1  }
0x6a8: {  	v1 =	vld.idx.msk [tilespmem:v2+s8+$0x0], $0xffff  }
0x6a9: {  	v2 =	vadd.s32 $0x2000, v0;
	_ =	sdelay $0x1  }
0x6aa: {  	s24 =	sor.u32 s19, s19  }
0x6ab: {  	s21 =	sor.u32 $0x380, s24  }
0x6ac: {  	[tilespmem:s21+$0x8400] =	vst v1  }
0x6ad: {  	v1 =	vld.idx.msk [tilespmem:v2+s8+$0x0], $0xffff  }
0x6ae: {  	v2 =	vadd.s32 $0x2400, v0;
	_ =	sdelay $0x3  }
0x6af: {  	[tilespmem:s20+$0xA400] =	vst v1  }
0x6b0: {  	v1 =	vld.idx.msk [tilespmem:v2+s8+$0x0], $0xffff  }
0x6b1: {  	v2 =	vadd.s32 $0x2800, v0;
	_ =	sdelay $0x3  }
0x6b2: {  	[tilespmem:s20+$0xA480] =	vst v1  }
0x6b3: {  	v1 =	vld.idx.msk [tilespmem:v2+s8+$0x0], $0xffff  }
0x6b4: {  	v2 =	vadd.s32 $0x2C00, v0;
	_ =	sdelay $0x3  }
0x6b5: {  	[tilespmem:s20+$0xA500] =	vst v1  }
0x6b6: {  	v1 =	vld.idx.msk [tilespmem:v2+s8+$0x0], $0xffff  }
0x6b7: {  	v2 =	vadd.s32 $0x3000, v0;
	_ =	sdelay $0x3  }
0x6b8: {  	[tilespmem:s20+$0xA580] =	vst v1  }
0x6b9: {  	v1 =	vld.idx.msk [tilespmem:v2+s8+$0x0], $0xffff  }
0x6ba: {  	v2 =	vadd.s32 $0x3400, v0;
	_ =	sdelay $0x3  }
0x6bb: {  	[tilespmem:s20+$0xA600] =	vst v1  }
0x6bc: {  	v1 =	vld.idx.msk [tilespmem:v2+s8+$0x0], $0xffff  }
0x6bd: {  	v2 =	vadd.s32 $0x3800, v0;
	_ =	sdelay $0x3  }
0x6be: {  	[tilespmem:s20+$0xA680] =	vst v1  }
0x6bf: {  	v1 =	vld.idx.msk [tilespmem:v2+s8+$0x0], $0xffff  }
0x6c0: {  	v0 =	vadd.s32 $0x3C00, v0;
	_ =	sdelay $0x3  }
0x6c1: {  	[tilespmem:s20+$0xA700] =	vst v1  }
0x6c2: {  	s22 =	simm.s32 $0x0;
	s21 =	simm.s32 $0x10;
	v0 =	vld.idx.msk [tilespmem:v0+s8+$0x0], $0xffff  }
.LBB2_30:
0x6c3: {  	_ =	sdelay $0x3  }
0x6c4: {  	p0 =	sne.s32 s21, $0x3F0;
	s19 =	sadd.s32 $0x80, s19;
	s22 =	sadd.s32 $0x10, s22;
	[tilespmem:s20+$0xA780] =	vst v0  }
0x6c5: {  	s23 =	smov.u32 s21;
	s21 =	sadd.s32 $0x10, s21;
	v0 =	vld [tilespmem:s22+$0x0];
	_ =	sdelay $0x7  }
0x6c6: {  	v1 =	vld.idx.msk [tilespmem:v0+s8+$0x0], $0xffff;
	_ =	sdelay $0x1  }
0x6c7: {  	v2 =	vadd.s32 $0x400, v0;
	_ =	sdelay $0x1  }
0x6c8: {  	s24 =	sand.u32 $0x1C00, s19;
	s20 =	sand.u32 $0x70, s23  }
0x6c9: {  	s20 =	sor.u32 s20, s24  }
0x6ca: {  	[tilespmem:s20+$0x8400] =	vst v1  }
0x6cb: {  	v1 =	vld.idx.msk [tilespmem:v2+s8+$0x0], $0xffff;
	_ =	sdelay $0x1  }
0x6cc: {  	v2 =	vadd.s32 $0x800, v0;
	_ =	sdelay $0x3  }
0x6cd: {  	[tilespmem:s20+$0x8480] =	vst v1  }
0x6ce: {  	v1 =	vld.idx.msk [tilespmem:v2+s8+$0x0], $0xffff;
	_ =	sdelay $0x1  }
0x6cf: {  	v2 =	vadd.s32 $0xC00, v0;
	_ =	sdelay $0x3  }
0x6d0: {  	[tilespmem:s20+$0x8500] =	vst v1  }
0x6d1: {  	v1 =	vld.idx.msk [tilespmem:v2+s8+$0x0], $0xffff;
	_ =	sdelay $0x1  }
0x6d2: {  	v2 =	vadd.s32 $0x1000, v0;
	_ =	sdelay $0x3  }
0x6d3: {  	[tilespmem:s20+$0x8580] =	vst v1  }
0x6d4: {  	v1 =	vld.idx.msk [tilespmem:v2+s8+$0x0], $0xffff;
	_ =	sdelay $0x1  }
0x6d5: {  	v2 =	vadd.s32 $0x1400, v0;
	_ =	sdelay $0x3  }
0x6d6: {  	[tilespmem:s20+$0x8600] =	vst v1  }
0x6d7: {  	v1 =	vld.idx.msk [tilespmem:v2+s8+$0x0], $0xffff;
	_ =	sdelay $0x1  }
0x6d8: {  	v2 =	vadd.s32 $0x1800, v0;
	_ =	sdelay $0x3  }
0x6d9: {  	[tilespmem:s20+$0x8680] =	vst v1  }
0x6da: {  	v1 =	vld.idx.msk [tilespmem:v2+s8+$0x0], $0xffff;
	_ =	sdelay $0x1  }
0x6db: {  	v2 =	vadd.s32 $0x1C00, v0;
	_ =	sdelay $0x3  }
0x6dc: {  	[tilespmem:s20+$0x8700] =	vst v1  }
0x6dd: {  	v1 =	vld.idx.msk [tilespmem:v2+s8+$0x0], $0xffff;
	_ =	sdelay $0x1  }
0x6de: {  	v2 =	vadd.s32 $0x2000, v0;
	_ =	sdelay $0x1  }
0x6df: {  	s23 =	sor.u32 s19, s23  }
0x6e0: {  	s23 =	sor.u32 $0x380, s23  }
0x6e1: {  	[tilespmem:s23+$0x8400] =	vst v1  }
0x6e2: {  	v1 =	vld.idx.msk [tilespmem:v2+s8+$0x0], $0xffff;
	_ =	sdelay $0x1  }
0x6e3: {  	v2 =	vadd.s32 $0x2400, v0;
	_ =	sdelay $0x3  }
0x6e4: {  	[tilespmem:s20+$0xA400] =	vst v1  }
0x6e5: {  	v1 =	vld.idx.msk [tilespmem:v2+s8+$0x0], $0xffff;
	_ =	sdelay $0x1  }
0x6e6: {  	v2 =	vadd.s32 $0x2800, v0;
	_ =	sdelay $0x3  }
0x6e7: {  	[tilespmem:s20+$0xA480] =	vst v1  }
0x6e8: {  	v1 =	vld.idx.msk [tilespmem:v2+s8+$0x0], $0xffff;
	_ =	sdelay $0x1  }
0x6e9: {  	v2 =	vadd.s32 $0x2C00, v0;
	_ =	sdelay $0x3  }
0x6ea: {  	[tilespmem:s20+$0xA500] =	vst v1  }
0x6eb: {  	v1 =	vld.idx.msk [tilespmem:v2+s8+$0x0], $0xffff;
	_ =	sdelay $0x1  }
0x6ec: {  	v2 =	vadd.s32 $0x3000, v0;
	_ =	sdelay $0x3  }
0x6ed: {  	[tilespmem:s20+$0xA580] =	vst v1  }
0x6ee: {  	v1 =	vld.idx.msk [tilespmem:v2+s8+$0x0], $0xffff;
	_ =	sdelay $0x1  }
0x6ef: {  	v2 =	vadd.s32 $0x3400, v0;
	_ =	sdelay $0x3  }
0x6f0: {  	[tilespmem:s20+$0xA600] =	vst v1  }
0x6f1: {  	v1 =	vld.idx.msk [tilespmem:v2+s8+$0x0], $0xffff;
	_ =	sdelay $0x1  }
0x6f2: {  	v2 =	vadd.s32 $0x3800, v0;
	_ =	sdelay $0x3  }
0x6f3: {  	[tilespmem:s20+$0xA680] =	vst v1  }
0x6f4: {  	v1 =	vld.idx.msk [tilespmem:v2+s8+$0x0], $0xffff;
	_ =	sdelay $0x1  }
0x6f5: {  	v0 =	vadd.s32 $0x3C00, v0  }
.Ltmp14:
0x6f6: {  	(pc) =	sbr.rel @p0 .LBB2_30-.Ltmp14, $3  }
0x6f7: {  	_ =	sdelay $0x1  }
0x6f8: {  	[tilespmem:s20+$0xA700] =	vst v1  }
0x6f9: {  	v0 =	vld.idx.msk [tilespmem:v0+s8+$0x0], $0xffff  }
0x6fa: {  	_ =	sdelay $0x3  }
0x6fb: {  	[tilespmem:s20+$0xA780] =	vst v0  }
0x6fc: {  	[hbm4b:s4+s11] =	stream.strided.scatter [tilespmem:s13], [sflag:$0x3], $0x4000, s12, s11, $0x38;
	[tilespmem:$0x10400] =	vst v63  }
0x6fd: {  	_ =	swait.ge [sflag:s14], $0x4000  }
0x6fe: {  	[sflag:s14] =	ssyncset.done $0x0  }
0x6ff: {  	[sflag:s14] =	ssyncadd.s32 $0xFFFFC000  }
0x700: {  	_ =	swait.ge [sflag:s17], $0x4000  }
0x701: {  	[sflag:s17] =	ssyncset.done $0x0  }
0x702: {  	s19 =	simm.s32 $0x0;
	[sflag:s17] =	ssyncadd.s32 $0xFFFFC000  }
0x703: {  	v0 =	vld [tilespmem:s19+$0x0];
	_ =	sdelay $0x7  }
0x704: {  	v1 =	vld.idx.msk [tilespmem:v0+s9+$0x0], $0xffff  }
0x705: {  	v2 =	vadd.s32 $0x400, v0;
	_ =	sdelay $0x1  }
0x706: {  	s23 =	sand.u32 $0x70, s19;
	s21 =	sand.u32 $0x1C00, s19  }
0x707: {  	s20 =	sor.u32 s23, s21  }
0x708: {  	[tilespmem:s20+$0xC400] =	vst v1  }
0x709: {  	v1 =	vld.idx.msk [tilespmem:v2+s9+$0x0], $0xffff  }
0x70a: {  	v2 =	vadd.s32 $0x800, v0;
	_ =	sdelay $0x3  }
0x70b: {  	[tilespmem:s20+$0xC480] =	vst v1  }
0x70c: {  	v1 =	vld.idx.msk [tilespmem:v2+s9+$0x0], $0xffff  }
0x70d: {  	v2 =	vadd.s32 $0xC00, v0;
	_ =	sdelay $0x3  }
0x70e: {  	[tilespmem:s20+$0xC500] =	vst v1  }
0x70f: {  	v1 =	vld.idx.msk [tilespmem:v2+s9+$0x0], $0xffff  }
0x710: {  	v2 =	vadd.s32 $0x1000, v0;
	_ =	sdelay $0x3  }
0x711: {  	[tilespmem:s20+$0xC580] =	vst v1  }
0x712: {  	v1 =	vld.idx.msk [tilespmem:v2+s9+$0x0], $0xffff  }
0x713: {  	v2 =	vadd.s32 $0x1400, v0;
	_ =	sdelay $0x3  }
0x714: {  	[tilespmem:s20+$0xC600] =	vst v1  }
0x715: {  	v1 =	vld.idx.msk [tilespmem:v2+s9+$0x0], $0xffff  }
0x716: {  	v2 =	vadd.s32 $0x1800, v0;
	_ =	sdelay $0x3  }
0x717: {  	[tilespmem:s20+$0xC680] =	vst v1  }
0x718: {  	v1 =	vld.idx.msk [tilespmem:v2+s9+$0x0], $0xffff  }
0x719: {  	v2 =	vadd.s32 $0x1C00, v0;
	_ =	sdelay $0x3  }
0x71a: {  	[tilespmem:s20+$0xC700] =	vst v1  }
0x71b: {  	v1 =	vld.idx.msk [tilespmem:v2+s9+$0x0], $0xffff  }
0x71c: {  	v2 =	vadd.s32 $0x2000, v0;
	_ =	sdelay $0x1  }
0x71d: {  	s24 =	sor.u32 s19, s19  }
0x71e: {  	s21 =	sor.u32 $0x380, s24  }
0x71f: {  	[tilespmem:s21+$0xC400] =	vst v1  }
0x720: {  	v1 =	vld.idx.msk [tilespmem:v2+s9+$0x0], $0xffff  }
0x721: {  	v2 =	vadd.s32 $0x2400, v0;
	_ =	sdelay $0x3  }
0x722: {  	[tilespmem:s20+$0xE400] =	vst v1  }
0x723: {  	v1 =	vld.idx.msk [tilespmem:v2+s9+$0x0], $0xffff  }
0x724: {  	v2 =	vadd.s32 $0x2800, v0;
	_ =	sdelay $0x3  }
0x725: {  	[tilespmem:s20+$0xE480] =	vst v1  }
0x726: {  	v1 =	vld.idx.msk [tilespmem:v2+s9+$0x0], $0xffff  }
0x727: {  	v2 =	vadd.s32 $0x2C00, v0;
	_ =	sdelay $0x3  }
0x728: {  	[tilespmem:s20+$0xE500] =	vst v1  }
0x729: {  	v1 =	vld.idx.msk [tilespmem:v2+s9+$0x0], $0xffff  }
0x72a: {  	v2 =	vadd.s32 $0x3000, v0;
	_ =	sdelay $0x3  }
0x72b: {  	[tilespmem:s20+$0xE580] =	vst v1  }
0x72c: {  	v1 =	vld.idx.msk [tilespmem:v2+s9+$0x0], $0xffff  }
0x72d: {  	v2 =	vadd.s32 $0x3400, v0;
	_ =	sdelay $0x3  }
0x72e: {  	[tilespmem:s20+$0xE600] =	vst v1  }
0x72f: {  	v1 =	vld.idx.msk [tilespmem:v2+s9+$0x0], $0xffff  }
0x730: {  	v2 =	vadd.s32 $0x3800, v0;
	_ =	sdelay $0x3  }
0x731: {  	[tilespmem:s20+$0xE680] =	vst v1  }
0x732: {  	v1 =	vld.idx.msk [tilespmem:v2+s9+$0x0], $0xffff  }
0x733: {  	v0 =	vadd.s32 $0x3C00, v0;
	_ =	sdelay $0x3  }
0x734: {  	[tilespmem:s20+$0xE700] =	vst v1  }
0x735: {  	s22 =	simm.s32 $0x0;
	s21 =	simm.s32 $0x10;
	v0 =	vld.idx.msk [tilespmem:v0+s9+$0x0], $0xffff  }
.LBB2_32:
0x736: {  	_ =	sdelay $0x3  }
0x737: {  	p0 =	sne.s32 s21, $0x3F0;
	s19 =	sadd.s32 $0x80, s19;
	s22 =	sadd.s32 $0x10, s22;
	[tilespmem:s20+$0xE780] =	vst v0  }
0x738: {  	s23 =	smov.u32 s21;
	s21 =	sadd.s32 $0x10, s21;
	v0 =	vld [tilespmem:s22+$0x0];
	_ =	sdelay $0x7  }
0x739: {  	v1 =	vld.idx.msk [tilespmem:v0+s9+$0x0], $0xffff;
	_ =	sdelay $0x1  }
0x73a: {  	v2 =	vadd.s32 $0x400, v0;
	_ =	sdelay $0x1  }
0x73b: {  	s24 =	sand.u32 $0x1C00, s19;
	s20 =	sand.u32 $0x70, s23  }
0x73c: {  	s20 =	sor.u32 s20, s24  }
0x73d: {  	[tilespmem:s20+$0xC400] =	vst v1  }
0x73e: {  	v1 =	vld.idx.msk [tilespmem:v2+s9+$0x0], $0xffff;
	_ =	sdelay $0x1  }
0x73f: {  	v2 =	vadd.s32 $0x800, v0;
	_ =	sdelay $0x3  }
0x740: {  	[tilespmem:s20+$0xC480] =	vst v1  }
0x741: {  	v1 =	vld.idx.msk [tilespmem:v2+s9+$0x0], $0xffff;
	_ =	sdelay $0x1  }
0x742: {  	v2 =	vadd.s32 $0xC00, v0;
	_ =	sdelay $0x3  }
0x743: {  	[tilespmem:s20+$0xC500] =	vst v1  }
0x744: {  	v1 =	vld.idx.msk [tilespmem:v2+s9+$0x0], $0xffff;
	_ =	sdelay $0x1  }
0x745: {  	v2 =	vadd.s32 $0x1000, v0;
	_ =	sdelay $0x3  }
0x746: {  	[tilespmem:s20+$0xC580] =	vst v1  }
0x747: {  	v1 =	vld.idx.msk [tilespmem:v2+s9+$0x0], $0xffff;
	_ =	sdelay $0x1  }
0x748: {  	v2 =	vadd.s32 $0x1400, v0;
	_ =	sdelay $0x3  }
0x749: {  	[tilespmem:s20+$0xC600] =	vst v1  }
0x74a: {  	v1 =	vld.idx.msk [tilespmem:v2+s9+$0x0], $0xffff;
	_ =	sdelay $0x1  }
0x74b: {  	v2 =	vadd.s32 $0x1800, v0;
	_ =	sdelay $0x3  }
0x74c: {  	[tilespmem:s20+$0xC680] =	vst v1  }
0x74d: {  	v1 =	vld.idx.msk [tilespmem:v2+s9+$0x0], $0xffff;
	_ =	sdelay $0x1  }
0x74e: {  	v2 =	vadd.s32 $0x1C00, v0;
	_ =	sdelay $0x3  }
0x74f: {  	[tilespmem:s20+$0xC700] =	vst v1  }
0x750: {  	v1 =	vld.idx.msk [tilespmem:v2+s9+$0x0], $0xffff;
	_ =	sdelay $0x1  }
0x751: {  	v2 =	vadd.s32 $0x2000, v0;
	_ =	sdelay $0x1  }
0x752: {  	s23 =	sor.u32 s19, s23  }
0x753: {  	s23 =	sor.u32 $0x380, s23  }
0x754: {  	[tilespmem:s23+$0xC400] =	vst v1  }
0x755: {  	v1 =	vld.idx.msk [tilespmem:v2+s9+$0x0], $0xffff;
	_ =	sdelay $0x1  }
0x756: {  	v2 =	vadd.s32 $0x2400, v0;
	_ =	sdelay $0x3  }
0x757: {  	[tilespmem:s20+$0xE400] =	vst v1  }
0x758: {  	v1 =	vld.idx.msk [tilespmem:v2+s9+$0x0], $0xffff;
	_ =	sdelay $0x1  }
0x759: {  	v2 =	vadd.s32 $0x2800, v0;
	_ =	sdelay $0x3  }
0x75a: {  	[tilespmem:s20+$0xE480] =	vst v1  }
0x75b: {  	v1 =	vld.idx.msk [tilespmem:v2+s9+$0x0], $0xffff;
	_ =	sdelay $0x1  }
0x75c: {  	v2 =	vadd.s32 $0x2C00, v0;
	_ =	sdelay $0x3  }
0x75d: {  	[tilespmem:s20+$0xE500] =	vst v1  }
0x75e: {  	v1 =	vld.idx.msk [tilespmem:v2+s9+$0x0], $0xffff;
	_ =	sdelay $0x1  }
0x75f: {  	v2 =	vadd.s32 $0x3000, v0;
	_ =	sdelay $0x3  }
0x760: {  	[tilespmem:s20+$0xE580] =	vst v1  }
0x761: {  	v1 =	vld.idx.msk [tilespmem:v2+s9+$0x0], $0xffff;
	_ =	sdelay $0x1  }
0x762: {  	v2 =	vadd.s32 $0x3400, v0;
	_ =	sdelay $0x3  }
0x763: {  	[tilespmem:s20+$0xE600] =	vst v1  }
0x764: {  	v1 =	vld.idx.msk [tilespmem:v2+s9+$0x0], $0xffff;
	_ =	sdelay $0x1  }
0x765: {  	v2 =	vadd.s32 $0x3800, v0;
	_ =	sdelay $0x3  }
0x766: {  	[tilespmem:s20+$0xE680] =	vst v1  }
0x767: {  	v1 =	vld.idx.msk [tilespmem:v2+s9+$0x0], $0xffff;
	_ =	sdelay $0x1  }
0x768: {  	v0 =	vadd.s32 $0x3C00, v0  }
.Ltmp15:
0x769: {  	(pc) =	sbr.rel @p0 .LBB2_32-.Ltmp15, $3  }
0x76a: {  	_ =	sdelay $0x1  }
0x76b: {  	[tilespmem:s20+$0xE700] =	vst v1  }
0x76c: {  	v0 =	vld.idx.msk [tilespmem:v0+s9+$0x0], $0xffff  }
0x76d: {  	_ =	sdelay $0x3  }
0x76e: {  	s18 =	sadd.s32 $0x1, s18;
	[tilespmem:s20+$0xE780] =	vst v0  }
0x76f: {  	[hbm4b:s5+s11] =	stream.strided.scatter [tilespmem:s15], [sflag:$0x4], $0x4000, s12, s11, $0x38;
	[tilespmem:$0x10400] =	vst v63  }
0x770: {  	p0 =	sne.s32 s18, s6;
	_ =	swait.ge [sflag:s16], $0x4000  }
.Ltmp16:
0x771: {  	[sflag:s16] =	ssyncset.done $0x0;
	(pc) =	sbr.rel @p0 .LBB2_1-.Ltmp16, $4  }
0x772: {  	[sflag:s16] =	ssyncadd.s32 $0xFFFFC000  }
0x773: {  	_ =	swait.ge [sflag:s17], $0x4000  }
0x774: {  	[sflag:s17] =	ssyncset.done $0x0  }
0x775: {  	[sflag:s17] =	ssyncadd.s32 $0xFFFFC000  }
0x776: {  	_ =	sfence.sel $0x180000  }
0x777: {  	[bflag:$0x0] =	sbarrier.arrive $0xFFFF  }
0x778: {  	_ =	strace $0x90000047  }
0x779: {  	s0 =	stileid.u32;
	[bflag:$0x2] =	sbarrier.arrive $0xFFFF  }
0x77a: {  	p0 =	sne.s32 s0, $0x0;
	s0 =	rddreg [dreg:$0x2]  }
0x77b: {  	s0 =	sadd.s32 @!p0 $0x100000, s0  }
0x77c: {  	[sflag:s0] =	ssyncadd.tile.s32 @!p0 $0x1;
	_ =	shalt  }
.Lfunc_end2:
_tile_overlayer_lowered:
.L_overlay_start_2:
0x77d: {  	(tag) =	ssettag $0x2  }
0x77e: {  	s0 =	rddreg [dreg:$0x0];
	s2 =	stileid.u32  }
0x77f: {  	s1 =	rddreg [dreg:$0x1];
	p0 =	sne.s32 s2, $0x0  }
0x780: {  	s3 =	rddreg [dreg:$0x2];
	[bflag:$0x3] =	sbarrier.arrive $0xFFFF;
	s2 =	simm.s32 @!p0 $0x1C05  }
0x781: {  	[timem:s3], [sflag:s2] =	dma.local @!p0 [hbm:s0], s1  }
0x782: {  	s0 =	simm.s32 @!p0 $0x5  }
0x783: {  	_ =	swait.ge @!p0 [sflag:s0], s1  }
0x784: {  	s1 =	ssub.s32 @!p0 $0x0, s1;
	[sflag:s0] =	ssyncset.done @!p0 $0x0  }
0x785: {  	[sflag:s0] =	ssyncadd.s32 @!p0 s1  }
0x786: {  	[bflag:$0x3] =	sbarrier.arrive $0xFFFF  }
0x787: {  	_ =	shalt  }

</sc_bundles>
